<compile_context>
chip_gen: v7x
topology: tpu7x:2x2x1
jax: 0.10.2.dev20260603
libtpu: 0.0.44.dev20260713+nightly
codegen_flags: <defaults>
</compile_context>

<pallas_src>
import functools

import jax
import jax.numpy as jnp
from jax import lax
from jax.experimental import pallas as pl
from jax.experimental.pallas import tpu as pltpu
from jax.experimental.pallas import tpu_sc as plsc

TAU = 0.13
ALPHA = 0.7

NC = 2
NS = 16
NW = NC * NS
L = 16

S_SC = 1536
LOG2E = 1.4426950408889634


def _take16(v, idx):
    return lax.gather(
        v, idx[:, None],
        dimension_numbers=lax.GatherDimensionNumbers(
            offset_dims=(), collapsed_slice_dims=(0,), start_index_map=(0,)),
        slice_sizes=(1,),
        mode=lax.GatherScatterMode.PROMISE_IN_BOUNDS)


def _lanesum(v):
    iot = lax.iota(jnp.int32, L)
    for s in (8, 4, 2, 1):
        v = v + _take16(v, jnp.bitwise_xor(iot, s))
    return v


def _make_sc_kernel(S, V):
    RPW = S // NW
    U = 5
    NU = V // (L * U)

    mesh = plsc.VectorSubcoreMesh(core_axis_name="c", subcore_axis_name="s")

    @functools.partial(
        pl.kernel,
        mesh=mesh,
        out_type=jax.ShapeDtypeStruct((NW, L), jnp.float32),
        scratch_types=[
            pltpu.VMEM((RPW + L,), jnp.int32),
            pltpu.VMEM((RPW + L,), jnp.float32),
            pltpu.VMEM((4, V), jnp.float32),
            pltpu.VMEM((4, V), jnp.float32),
            pltpu.VMEM((L,), jnp.float32),
            pltpu.SemaphoreType.DMA,
            pltpu.SemaphoreType.DMA,
            pltpu.SemaphoreType.DMA,
            pltpu.SemaphoreType.DMA,
            pltpu.SemaphoreType.DMA,
            pltpu.SemaphoreType.DMA,
            pltpu.SemaphoreType.DMA,
            pltpu.SemaphoreType.DMA,
        ],
    )
    def sc_kernel(inp_hbm, tgt_hbm, mask_hbm, sim_hbm, out_hbm,
                  tgt_v, mask_v, sim_buf, inp_buf, res_v,
                  sem_s0, sem_s1, sem_s2, sem_s3, sem_i0, sem_i1,
                  sem_i2, sem_i3):
        wid = lax.axis_index("s") * NC + lax.axis_index("c")
        base = wid * RPW
        iotav = lax.iota(jnp.int32, L)

        pltpu.sync_copy(tgt_hbm.at[pl.ds(base, RPW)], tgt_v.at[pl.ds(0, RPW)])
        pltpu.sync_copy(mask_hbm.at[pl.ds(base, RPW)],
                        mask_v.at[pl.ds(0, RPW)])

        def scalar_at(ref, i):
            return ref[pl.ds(i, L)][0]

        sem_s = (sem_s0, sem_s1, sem_s2, sem_s3)
        sem_i = (sem_i0, sem_i1, sem_i2, sem_i3)

        def sim_copy(r, b):
            return pltpu.make_async_copy(sim_hbm.at[scalar_at(tgt_v, r)],
                                         sim_buf.at[b], sem_s[b])

        def inp_copy(r, b):
            return pltpu.make_async_copy(inp_hbm.at[base + r],
                                         inp_buf.at[b], sem_i[b])

        for b in range(4):
            sim_copy(b, b).start()
            inp_copy(b, b).start()

        def g_body(g, carry):
            acc_out, acc_ml, acc_m = carry
            for b in range(4):
                r = g * 4 + b
                sim_copy(r, b).wait()
                inp_copy(r, b).wait()

                def chunk_body(c, acc):
                    accs = list(acc)
                    off0 = c * (L * U)
                    for u in range(U):
                        off = off0 + u * L
                        s = jnp.exp(sim_buf[b, pl.ds(off, L)] * (1.0 / TAU))
                        accs[2 * u] = accs[2 * u] + s
                        accs[2 * u + 1] = (accs[2 * u + 1]
                                           + s * inp_buf[b, pl.ds(off, L)])
                    return tuple(accs)

                z = jnp.zeros((L,), jnp.float32)
                accs = lax.fori_loop(0, NU, chunk_body, (z,) * (2 * U))
                d_acc = accs[0]
                x_acc = accs[1]
                for u in range(1, U):
                    d_acc = d_acc + accs[2 * u]
                    x_acc = x_acc + accs[2 * u + 1]
                c_vec = _lanesum(x_acc) / _lanesum(d_acc)

                tgt_s = scalar_at(tgt_v, r)
                toff = (tgt_s // L) * L
                logit_vec = _lanesum(
                    jnp.where(iotav == tgt_s - toff,
                              inp_buf[b, pl.ds(toff, L)], 0.0))

                m_vec = jnp.full((L,), scalar_at(mask_v, r), jnp.float32)
                acc_out = acc_out + m_vec * c_vec
                acc_ml = acc_ml + m_vec * logit_vec
                acc_m = acc_m + m_vec

                @pl.when(r + 4 < RPW)
                def _():
                    sim_copy(r + 4, b).start()
                    inp_copy(r + 4, b).start()
            return (acc_out, acc_ml, acc_m)

        zero = jnp.zeros((L,), jnp.float32)
        acc_out, acc_ml, acc_m = lax.fori_loop(0, RPW // 4, g_body,
                                               (zero, zero, zero))

        res = jnp.where(iotav == 0, -acc_ml,
                        jnp.where(iotav == 1, -acc_out,
                                  jnp.where(iotav == 2, acc_m, 0.0)))
        res_v[...] = res
        pltpu.sync_copy(res_v, out_hbm.at[wid])

    return sc_kernel


def _make_tc_kernel(BT, V, S):
    NT = BT - S
    RB = 16
    NG = NT // RB

    NSLOT = 4

    def tc_body(tgt_ref, mask_ref, sim_hbm, inp_ref, out_ref, simscr,
                sem0, sem1, sem2, sem3):
        g = pl.program_id(0)
        sems = (sem0, sem1, sem2, sem3)

        def start_rows(gg, slot):
            for j in range(RB):
                row = tgt_ref[S + gg * RB + j]
                pltpu.make_async_copy(sim_hbm.at[row],
                                      simscr.at[slot, j],
                                      sems[slot]).start()

        def wait_rows(slot):
            pltpu.make_async_copy(sim_hbm.at[pl.ds(0, RB)],
                                  simscr.at[slot],
                                  sems[slot]).wait()

        @pl.when(g == 0)
        def _():
            out_ref[...] = jnp.zeros_like(out_ref)
            for gg in range(NSLOT - 1):
                start_rows(gg, gg)

        for p in range(NSLOT):
            @pl.when((g + NSLOT - 1 < NG) & (g % NSLOT == p))
            def _(p=p):
                start_rows(g + NSLOT - 1, (p + NSLOT - 1) % NSLOT)

        for p in range(NSLOT):
            @pl.when(g % NSLOT == p)
            def _(p=p):
                wait_rows(p)

        par = g % NSLOT
        sim_block = simscr[pl.ds(par, 1)][0]
        inp_block = inp_ref[...]
        s = jnp.exp2(sim_block * (LOG2E / TAU))
        denom = jnp.sum(s, axis=1)
        dot = jnp.sum(inp_block * s, axis=1)
        m = jnp.stack([mask_ref[S + g * RB + j] for j in range(RB)])
        tgt_col = jnp.stack([tgt_ref[S + g * RB + j]
                             for j in range(RB)])[:, None]
        lanes = lax.broadcasted_iota(jnp.int32, (RB, V), 1)
        logit = jnp.sum(jnp.where(lanes == tgt_col, inp_block, 0.0),
                        axis=1)

        ml_c = -jnp.sum(m * logit)
        out_c = -jnp.sum(m * dot / denom)
        m_c = jnp.sum(m)

        lane = lax.broadcasted_iota(jnp.int32, (8, 128), 1)
        sub = lax.broadcasted_iota(jnp.int32, (8, 128), 0)
        contrib = jnp.where(
            (sub == 0) & (lane == 0), ml_c,
            jnp.where((sub == 0) & (lane == 1), out_c,
                      jnp.where((sub == 0) & (lane == 2), m_c, 0.0)))
        out_ref[...] += contrib

    grid_spec = pltpu.PrefetchScalarGridSpec(
        num_scalar_prefetch=2,
        grid=(NG,),
        in_specs=[
            pl.BlockSpec(memory_space=pltpu.MemorySpace.HBM),
            pl.BlockSpec((RB, V), lambda g, tgt, msk: (S // RB + g, 0)),
        ],
        out_specs=pl.BlockSpec((8, 128), lambda g, tgt, msk: (0, 0)),
        scratch_shapes=[
            pltpu.VMEM((4, RB, V), jnp.float32),
            pltpu.SemaphoreType.DMA,
            pltpu.SemaphoreType.DMA,
            pltpu.SemaphoreType.DMA,
            pltpu.SemaphoreType.DMA,
        ],
    )
    return pl.pallas_call(
        tc_body,
        grid_spec=grid_spec,
        out_shape=jax.ShapeDtypeStruct((8, 128), jnp.float32),
        compiler_params=pltpu.CompilerParams(
            dimension_semantics=("arbitrary",)),
    )


@jax.jit
def kernel(input, target, mask, sim_matrix):
    B, T, V = input.shape
    BT = B * T
    inp2 = input.reshape(BT, V)
    tgt = target.reshape(BT).astype(jnp.int32)
    mask1 = mask.reshape(BT)

    sc_partials = _make_sc_kernel(S_SC, V)(inp2, tgt, mask1, sim_matrix)
    tc_partials = _make_tc_kernel(BT, V, S_SC)(tgt, mask1, sim_matrix, inp2)

    ml_sum = jnp.sum(sc_partials[:, 0]) + tc_partials[0, 0]
    out_sum = jnp.sum(sc_partials[:, 1]) + tc_partials[0, 1]
    msum = jnp.sum(sc_partials[:, 2]) + tc_partials[0, 2]
    ml_output = ml_sum / msum
    output = ALPHA * (out_sum / msum) + (1.0 - ALPHA) * ml_output
    return (ml_output, output)

# --- scband reference (transcript-rebuilt; emitter-appended) ---
"""Pipeline reference for scband-word-smooth-criterion2-5755256177163 (READ-ONLY COPY).

The authoritative reference and input builder live on the scoring server;
editing this copy changes nothing except your own understanding.
"""

import jax, jax.numpy as jnp
import numpy as np

B, T, V = 160, 16, 10000
TAU = 0.13
ALPHA = 0.7

def setup_inputs(seed: int = 0):
    key = jax.random.key(seed)
    k1, k2, k3 = jax.random.split(key, 3)
    inp = jax.random.normal(k1, (B, T, V), dtype=jnp.float32)
    target = jax.random.randint(k2, (B, T), 0, V)
    mask = jnp.ones((B, T), dtype=jnp.float32)
    # similarity matrix M loaded from pickle in the original; values in [-1, 0] after M-1
    sim_matrix = -jax.random.uniform(k3, (V, V), dtype=jnp.float32)
    return {"input": inp, "target": target, "mask": mask, "sim_matrix": sim_matrix}

def reference(input, target, mask, sim_matrix):
    inp2 = input.reshape(-1, V)            # [B*T, V]
    tgt = target.reshape(-1)               # [B*T]
    m = mask.reshape(-1, 1)                # [B*T, 1]
    # ML loss: -log p(target)
    ml = -jnp.take_along_axis(inp2, tgt[:, None], axis=1) * m
    msum = jnp.sum(m)
    ml_output = jnp.sum(ml) / msum
    # smoothed word-level targets: gather similarity rows per target token
    sim = jnp.take(sim_matrix, tgt, axis=0)          # [B*T, V] gather (memory-bound)
    smooth_target = jnp.exp(sim * (1.0 / TAU))
    smooth_target = smooth_target / jnp.sum(smooth_target, axis=1, keepdims=True)
    output = -inp2 * m * smooth_target               # broadcast mask over vocab
    output = jnp.sum(output) / msum                  # normalize_batch=True
    output = ALPHA * output + (1.0 - ALPHA) * ml_output
    return (ml_output, output)

if __name__ == "__main__":
    import jax
    _d = setup_inputs()
    print(jax.jit(kernel)(*tuple(_d.values())))

</pallas_src>

<mosaic_0001>
#map = affine_map<(d0, d1) -> (0, 0)>
#map1 = affine_map<(d0, d1) -> (0)>
module attributes {stable_mosaic.version = 14 : i64} {
  func.func @sc_kernel(%arg0: i32, %arg1: i32, %arg2: memref<2560x10000xf32, #tpu.memory_space<hbm>>, %arg3: memref<2560xi32, #tpu.memory_space<hbm>>, %arg4: memref<2560xf32, #tpu.memory_space<hbm>>, %arg5: memref<10000x10000xf32, #tpu.memory_space<hbm>>, %arg6: memref<32x16xf32, #tpu.memory_space<hbm>>, %arg7: memref<64xi32, #tpu.memory_space<vmem>>, %arg8: memref<64xf32, #tpu.memory_space<vmem>>, %arg9: memref<4x10000xf32, #tpu.memory_space<vmem>>, %arg10: memref<4x10000xf32, #tpu.memory_space<vmem>>, %arg11: memref<16xf32, #tpu.memory_space<vmem>>, %arg12: memref<!tpu.dma_semaphore, #tpu.memory_space<semaphore_mem>>, %arg13: memref<!tpu.dma_semaphore, #tpu.memory_space<semaphore_mem>>, %arg14: memref<!tpu.dma_semaphore, #tpu.memory_space<semaphore_mem>>, %arg15: memref<!tpu.dma_semaphore, #tpu.memory_space<semaphore_mem>>, %arg16: memref<!tpu.dma_semaphore, #tpu.memory_space<semaphore_mem>>, %arg17: memref<!tpu.dma_semaphore, #tpu.memory_space<semaphore_mem>>, %arg18: memref<!tpu.dma_semaphore, #tpu.memory_space<semaphore_mem>>, %arg19: memref<!tpu.dma_semaphore, #tpu.memory_space<semaphore_mem>>) attributes {dimension_semantics = [#tpu.dimension_semantics<core_parallel>, #tpu.dimension_semantics<subcore_parallel>], iteration_bounds = array<i64: 2, 16>, scalar_prefetch = 0 : i64, scratch_operands = 13 : i64, tpu.core_type = #tpu.core_type<sc_vector_subcore>, window_params = [{transform_indices = #map}, {transform_indices = #map1}, {transform_indices = #map1}, {transform_indices = #map}, {transform_indices = #map}]} {
    %mul3A = arith.constant 2 : i32
    %mul3A_0 = arith.muli %arg1, %mul3A : i32
    %add3A = arith.addi %mul3A_0, %arg0 : i32
    %mul3A_1 = arith.constant 48 : i32
    %mul3A_2 = arith.muli %add3A, %mul3A_1 : i32
    %iota3A = tpu.iota {dimensions = array<i32: 0>} : vector<16xi32>
    "tpu.region"() ({
      %run_scoped3A = tpu.sem_alloc : memref<!tpu.dma_semaphore, #tpu.memory_space<semaphore_mem>>
      %dma_start3A_156 = arith.constant 0 : i32
      %dma_start3A_157 = tpu.memref_slice %arg7[%dma_start3A_156] : memref<64xi32, #tpu.memory_space<vmem>> -> memref<48xi32, #tpu.memory_space<vmem>>
      %dma_start3A_158 = tpu.memref_slice %arg3[%mul3A_2] : memref<2560xi32, #tpu.memory_space<hbm>> -> memref<48xi32, #tpu.memory_space<hbm>>
      %dma_start3A_159 = arith.constant 0 : i32
      %dma_start3A_160 = tpu.memref_slice %arg7[%dma_start3A_159] : memref<64xi32, #tpu.memory_space<vmem>> -> memref<48xi32, #tpu.memory_space<vmem>>
      %dma_start3A_161 = tpu.memref_slice %arg3[%mul3A_2] : memref<2560xi32, #tpu.memory_space<hbm>> -> memref<48xi32, #tpu.memory_space<hbm>>
      tpu.enqueue_dma source(%dma_start3A_161 : memref<48xi32, #tpu.memory_space<hbm>>) target(%dma_start3A_160 : memref<48xi32, #tpu.memory_space<vmem>>) target_semaphore(%run_scoped3A : memref<!tpu.dma_semaphore, #tpu.memory_space<semaphore_mem>>)
      %dma_wait3A = arith.constant 0 : i32
      %dma_wait3A_162 = tpu.memref_slice %arg7[%dma_wait3A] : memref<64xi32, #tpu.memory_space<vmem>> -> memref<48xi32, #tpu.memory_space<vmem>>
      %dma_wait3A_163 = tpu.memref_slice %arg3[%mul3A_2] : memref<2560xi32, #tpu.memory_space<hbm>> -> memref<48xi32, #tpu.memory_space<hbm>>
      %dma_wait3A_164 = arith.constant 0 : i32
      %dma_wait3A_165 = tpu.memref_slice %arg7[%dma_wait3A_164] : memref<64xi32, #tpu.memory_space<vmem>> -> memref<48xi32, #tpu.memory_space<vmem>>
      %dma_wait3A_166 = tpu.memref_slice %arg3[%mul3A_2] : memref<2560xi32, #tpu.memory_space<hbm>> -> memref<48xi32, #tpu.memory_space<hbm>>
      tpu.wait_dma2 semaphore(%run_scoped3A : memref<!tpu.dma_semaphore, #tpu.memory_space<semaphore_mem>>) src(%dma_wait3A_166 : memref<48xi32, #tpu.memory_space<hbm>>) dst(%dma_wait3A_165 : memref<48xi32, #tpu.memory_space<vmem>>)
      tpu.yield
    }) : () -> ()
    "tpu.region"() ({
      %run_scoped3A = tpu.sem_alloc : memref<!tpu.dma_semaphore, #tpu.memory_space<semaphore_mem>>
      %dma_start3A_156 = arith.constant 0 : i32
      %dma_start3A_157 = tpu.memref_slice %arg8[%dma_start3A_156] : memref<64xf32, #tpu.memory_space<vmem>> -> memref<48xf32, #tpu.memory_space<vmem>>
      %dma_start3A_158 = tpu.memref_slice %arg4[%mul3A_2] : memref<2560xf32, #tpu.memory_space<hbm>> -> memref<48xf32, #tpu.memory_space<hbm>>
      %dma_start3A_159 = arith.constant 0 : i32
      %dma_start3A_160 = tpu.memref_slice %arg8[%dma_start3A_159] : memref<64xf32, #tpu.memory_space<vmem>> -> memref<48xf32, #tpu.memory_space<vmem>>
      %dma_start3A_161 = tpu.memref_slice %arg4[%mul3A_2] : memref<2560xf32, #tpu.memory_space<hbm>> -> memref<48xf32, #tpu.memory_space<hbm>>
      tpu.enqueue_dma source(%dma_start3A_161 : memref<48xf32, #tpu.memory_space<hbm>>) target(%dma_start3A_160 : memref<48xf32, #tpu.memory_space<vmem>>) target_semaphore(%run_scoped3A : memref<!tpu.dma_semaphore, #tpu.memory_space<semaphore_mem>>)
      %dma_wait3A = arith.constant 0 : i32
      %dma_wait3A_162 = tpu.memref_slice %arg8[%dma_wait3A] : memref<64xf32, #tpu.memory_space<vmem>> -> memref<48xf32, #tpu.memory_space<vmem>>
      %dma_wait3A_163 = tpu.memref_slice %arg4[%mul3A_2] : memref<2560xf32, #tpu.memory_space<hbm>> -> memref<48xf32, #tpu.memory_space<hbm>>
      %dma_wait3A_164 = arith.constant 0 : i32
      %dma_wait3A_165 = tpu.memref_slice %arg8[%dma_wait3A_164] : memref<64xf32, #tpu.memory_space<vmem>> -> memref<48xf32, #tpu.memory_space<vmem>>
      %dma_wait3A_166 = tpu.memref_slice %arg4[%mul3A_2] : memref<2560xf32, #tpu.memory_space<hbm>> -> memref<48xf32, #tpu.memory_space<hbm>>
      tpu.wait_dma2 semaphore(%run_scoped3A : memref<!tpu.dma_semaphore, #tpu.memory_space<semaphore_mem>>) src(%dma_wait3A_166 : memref<48xf32, #tpu.memory_space<hbm>>) dst(%dma_wait3A_165 : memref<48xf32, #tpu.memory_space<vmem>>)
      tpu.yield
    }) : () -> ()
    %get3A = arith.constant 0 : index
    %get3A_3 = tpu.vector_load %arg7[%get3A] {strides = array<i32>} : memref<64xi32, #tpu.memory_space<vmem>>, vector<16xi32>,
    %get3A_4 = vector.shape_cast %get3A_3 : vector<16xi32> to vector<16xi32>
    %slice3A = vector.extract_strided_slice %get3A_4 {offsets = [0], sizes = [1], strides = [1]} : vector<16xi32> to vector<1xi32>
    %squeeze3A = vector.extract %slice3A[0] : i32 from vector<1xi32>
    %dma_start3A = arith.constant 0 : i32
    %dma_start3A_5 = arith.constant 0 : i32
    %dma_start3A_6 = tpu.memref_slice %arg9[%dma_start3A, %dma_start3A_5] : memref<4x10000xf32, #tpu.memory_space<vmem>> -> memref<1x10000xf32, #tpu.memory_space<vmem>>
    %dma_start3A_7 = tpu.memref_squeeze %dma_start3A_6 : memref<1x10000xf32, #tpu.memory_space<vmem>> -> memref<10000xf32, #tpu.memory_space<vmem>>
    %dma_start3A_8 = arith.constant 0 : i32
    %dma_start3A_9 = tpu.memref_slice %arg5[%squeeze3A, %dma_start3A_8] : memref<10000x10000xf32, #tpu.memory_space<hbm>> -> memref<1x10000xf32, #tpu.memory_space<hbm>>
    %dma_start3A_10 = tpu.memref_squeeze %dma_start3A_9 : memref<1x10000xf32, #tpu.memory_space<hbm>> -> memref<10000xf32, #tpu.memory_space<hbm>>
    %dma_start3A_11 = arith.constant 0 : i32
    %dma_start3A_12 = tpu.memref_slice %arg9[%dma_start3A, %dma_start3A_11] : memref<4x10000xf32, #tpu.memory_space<vmem>> -> memref<1x10000xf32, #tpu.memory_space<vmem>>
    %dma_start3A_13 = tpu.memref_squeeze %dma_start3A_12 : memref<1x10000xf32, #tpu.memory_space<vmem>> -> memref<10000xf32, #tpu.memory_space<vmem>>
    %dma_start3A_14 = arith.constant 0 : i32
    %dma_start3A_15 = tpu.memref_slice %arg5[%squeeze3A, %dma_start3A_14] : memref<10000x10000xf32, #tpu.memory_space<hbm>> -> memref<1x10000xf32, #tpu.memory_space<hbm>>
    %dma_start3A_16 = tpu.memref_squeeze %dma_start3A_15 : memref<1x10000xf32, #tpu.memory_space<hbm>> -> memref<10000xf32, #tpu.memory_space<hbm>>
    tpu.enqueue_dma source(%dma_start3A_16 : memref<10000xf32, #tpu.memory_space<hbm>>) target(%dma_start3A_13 : memref<10000xf32, #tpu.memory_space<vmem>>) target_semaphore(%arg12 : memref<!tpu.dma_semaphore, #tpu.memory_space<semaphore_mem>>)
    %add3A_17 = arith.constant 0 : i32
    %add3A_18 = arith.addi %mul3A_2, %add3A_17 : i32
    %dma_start3A_19 = arith.constant 0 : i32
    %dma_start3A_20 = arith.constant 0 : i32
    %dma_start3A_21 = tpu.memref_slice %arg10[%dma_start3A_19, %dma_start3A_20] : memref<4x10000xf32, #tpu.memory_space<vmem>> -> memref<1x10000xf32, #tpu.memory_space<vmem>>
    %dma_start3A_22 = tpu.memref_squeeze %dma_start3A_21 : memref<1x10000xf32, #tpu.memory_space<vmem>> -> memref<10000xf32, #tpu.memory_space<vmem>>
    %dma_start3A_23 = arith.constant 0 : i32
    %dma_start3A_24 = tpu.memref_slice %arg2[%add3A_18, %dma_start3A_23] : memref<2560x10000xf32, #tpu.memory_space<hbm>> -> memref<1x10000xf32, #tpu.memory_space<hbm>>
    %dma_start3A_25 = tpu.memref_squeeze %dma_start3A_24 : memref<1x10000xf32, #tpu.memory_space<hbm>> -> memref<10000xf32, #tpu.memory_space<hbm>>
    %dma_start3A_26 = arith.constant 0 : i32
    %dma_start3A_27 = tpu.memref_slice %arg10[%dma_start3A_19, %dma_start3A_26] : memref<4x10000xf32, #tpu.memory_space<vmem>> -> memref<1x10000xf32, #tpu.memory_space<vmem>>
    %dma_start3A_28 = tpu.memref_squeeze %dma_start3A_27 : memref<1x10000xf32, #tpu.memory_space<vmem>> -> memref<10000xf32, #tpu.memory_space<vmem>>
    %dma_start3A_29 = arith.constant 0 : i32
    %dma_start3A_30 = tpu.memref_slice %arg2[%add3A_18, %dma_start3A_29] : memref<2560x10000xf32, #tpu.memory_space<hbm>> -> memref<1x10000xf32, #tpu.memory_space<hbm>>
    %dma_start3A_31 = tpu.memref_squeeze %dma_start3A_30 : memref<1x10000xf32, #tpu.memory_space<hbm>> -> memref<10000xf32, #tpu.memory_space<hbm>>
    tpu.enqueue_dma source(%dma_start3A_31 : memref<10000xf32, #tpu.memory_space<hbm>>) target(%dma_start3A_28 : memref<10000xf32, #tpu.memory_space<vmem>>) target_semaphore(%arg16 : memref<!tpu.dma_semaphore, #tpu.memory_space<semaphore_mem>>)
    %get3A_32 = arith.constant 1 : index
    %get3A_33 = tpu.vector_load %arg7[%get3A_32] {strides = array<i32>} : memref<64xi32, #tpu.memory_space<vmem>>, vector<16xi32>,
    %get3A_34 = vector.shape_cast %get3A_33 : vector<16xi32> to vector<16xi32>
    %slice3A_35 = vector.extract_strided_slice %get3A_34 {offsets = [0], sizes = [1], strides = [1]} : vector<16xi32> to vector<1xi32>
    %squeeze3A_36 = vector.extract %slice3A_35[0] : i32 from vector<1xi32>
    %dma_start3A_37 = arith.constant 1 : i32
    %dma_start3A_38 = arith.constant 0 : i32
    %dma_start3A_39 = tpu.memref_slice %arg9[%dma_start3A_37, %dma_start3A_38] : memref<4x10000xf32, #tpu.memory_space<vmem>> -> memref<1x10000xf32, #tpu.memory_space<vmem>>
    %dma_start3A_40 = tpu.memref_squeeze %dma_start3A_39 : memref<1x10000xf32, #tpu.memory_space<vmem>> -> memref<10000xf32, #tpu.memory_space<vmem>>
    %dma_start3A_41 = arith.constant 0 : i32
    %dma_start3A_42 = tpu.memref_slice %arg5[%squeeze3A_36, %dma_start3A_41] : memref<10000x10000xf32, #tpu.memory_space<hbm>> -> memref<1x10000xf32, #tpu.memory_space<hbm>>
    %dma_start3A_43 = tpu.memref_squeeze %dma_start3A_42 : memref<1x10000xf32, #tpu.memory_space<hbm>> -> memref<10000xf32, #tpu.memory_space<hbm>>
    %dma_start3A_44 = arith.constant 0 : i32
    %dma_start3A_45 = tpu.memref_slice %arg9[%dma_start3A_37, %dma_start3A_44] : memref<4x10000xf32, #tpu.memory_space<vmem>> -> memref<1x10000xf32, #tpu.memory_space<vmem>>
    %dma_start3A_46 = tpu.memref_squeeze %dma_start3A_45 : memref<1x10000xf32, #tpu.memory_space<vmem>> -> memref<10000xf32, #tpu.memory_space<vmem>>
    %dma_start3A_47 = arith.constant 0 : i32
    %dma_start3A_48 = tpu.memref_slice %arg5[%squeeze3A_36, %dma_start3A_47] : memref<10000x10000xf32, #tpu.memory_space<hbm>> -> memref<1x10000xf32, #tpu.memory_space<hbm>>
    %dma_start3A_49 = tpu.memref_squeeze %dma_start3A_48 : memref<1x10000xf32, #tpu.memory_space<hbm>> -> memref<10000xf32, #tpu.memory_space<hbm>>
    tpu.enqueue_dma source(%dma_start3A_49 : memref<10000xf32, #tpu.memory_space<hbm>>) target(%dma_start3A_46 : memref<10000xf32, #tpu.memory_space<vmem>>) target_semaphore(%arg13 : memref<!tpu.dma_semaphore, #tpu.memory_space<semaphore_mem>>)
    %add3A_50 = arith.constant 1 : i32
    %add3A_51 = arith.addi %mul3A_2, %add3A_50 : i32
    %dma_start3A_52 = arith.constant 1 : i32
    %dma_start3A_53 = arith.constant 0 : i32
    %dma_start3A_54 = tpu.memref_slice %arg10[%dma_start3A_52, %dma_start3A_53] : memref<4x10000xf32, #tpu.memory_space<vmem>> -> memref<1x10000xf32, #tpu.memory_space<vmem>>
    %dma_start3A_55 = tpu.memref_squeeze %dma_start3A_54 : memref<1x10000xf32, #tpu.memory_space<vmem>> -> memref<10000xf32, #tpu.memory_space<vmem>>
    %dma_start3A_56 = arith.constant 0 : i32
    %dma_start3A_57 = tpu.memref_slice %arg2[%add3A_51, %dma_start3A_56] : memref<2560x10000xf32, #tpu.memory_space<hbm>> -> memref<1x10000xf32, #tpu.memory_space<hbm>>
    %dma_start3A_58 = tpu.memref_squeeze %dma_start3A_57 : memref<1x10000xf32, #tpu.memory_space<hbm>> -> memref<10000xf32, #tpu.memory_space<hbm>>
    %dma_start3A_59 = arith.constant 0 : i32
    %dma_start3A_60 = tpu.memref_slice %arg10[%dma_start3A_52, %dma_start3A_59] : memref<4x10000xf32, #tpu.memory_space<vmem>> -> memref<1x10000xf32, #tpu.memory_space<vmem>>
    %dma_start3A_61 = tpu.memref_squeeze %dma_start3A_60 : memref<1x10000xf32, #tpu.memory_space<vmem>> -> memref<10000xf32, #tpu.memory_space<vmem>>
    %dma_start3A_62 = arith.constant 0 : i32
    %dma_start3A_63 = tpu.memref_slice %arg2[%add3A_51, %dma_start3A_62] : memref<2560x10000xf32, #tpu.memory_space<hbm>> -> memref<1x10000xf32, #tpu.memory_space<hbm>>
    %dma_start3A_64 = tpu.memref_squeeze %dma_start3A_63 : memref<1x10000xf32, #tpu.memory_space<hbm>> -> memref<10000xf32, #tpu.memory_space<hbm>>
    tpu.enqueue_dma source(%dma_start3A_64 : memref<10000xf32, #tpu.memory_space<hbm>>) target(%dma_start3A_61 : memref<10000xf32, #tpu.memory_space<vmem>>) target_semaphore(%arg17 : memref<!tpu.dma_semaphore, #tpu.memory_space<semaphore_mem>>)
    %get3A_65 = arith.constant 2 : index
    %get3A_66 = tpu.vector_load %arg7[%get3A_65] {strides = array<i32>} : memref<64xi32, #tpu.memory_space<vmem>>, vector<16xi32>,
    %get3A_67 = vector.shape_cast %get3A_66 : vector<16xi32> to vector<16xi32>
    %slice3A_68 = vector.extract_strided_slice %get3A_67 {offsets = [0], sizes = [1], strides = [1]} : vector<16xi32> to vector<1xi32>
    %squeeze3A_69 = vector.extract %slice3A_68[0] : i32 from vector<1xi32>
    %dma_start3A_70 = arith.constant 2 : i32
    %dma_start3A_71 = arith.constant 0 : i32
    %dma_start3A_72 = tpu.memref_slice %arg9[%dma_start3A_70, %dma_start3A_71] : memref<4x10000xf32, #tpu.memory_space<vmem>> -> memref<1x10000xf32, #tpu.memory_space<vmem>>
    %dma_start3A_73 = tpu.memref_squeeze %dma_start3A_72 : memref<1x10000xf32, #tpu.memory_space<vmem>> -> memref<10000xf32, #tpu.memory_space<vmem>>
    %dma_start3A_74 = arith.constant 0 : i32
    %dma_start3A_75 = tpu.memref_slice %arg5[%squeeze3A_69, %dma_start3A_74] : memref<10000x10000xf32, #tpu.memory_space<hbm>> -> memref<1x10000xf32, #tpu.memory_space<hbm>>
    %dma_start3A_76 = tpu.memref_squeeze %dma_start3A_75 : memref<1x10000xf32, #tpu.memory_space<hbm>> -> memref<10000xf32, #tpu.memory_space<hbm>>
    %dma_start3A_77 = arith.constant 0 : i32
    %dma_start3A_78 = tpu.memref_slice %arg9[%dma_start3A_70, %dma_start3A_77] : memref<4x10000xf32, #tpu.memory_space<vmem>> -> memref<1x10000xf32, #tpu.memory_space<vmem>>
    %dma_start3A_79 = tpu.memref_squeeze %dma_start3A_78 : memref<1x10000xf32, #tpu.memory_space<vmem>> -> memref<10000xf32, #tpu.memory_space<vmem>>
    %dma_start3A_80 = arith.constant 0 : i32
    %dma_start3A_81 = tpu.memref_slice %arg5[%squeeze3A_69, %dma_start3A_80] : memref<10000x10000xf32, #tpu.memory_space<hbm>> -> memref<1x10000xf32, #tpu.memory_space<hbm>>
    %dma_start3A_82 = tpu.memref_squeeze %dma_start3A_81 : memref<1x10000xf32, #tpu.memory_space<hbm>> -> memref<10000xf32, #tpu.memory_space<hbm>>
    tpu.enqueue_dma source(%dma_start3A_82 : memref<10000xf32, #tpu.memory_space<hbm>>) target(%dma_start3A_79 : memref<10000xf32, #tpu.memory_space<vmem>>) target_semaphore(%arg14 : memref<!tpu.dma_semaphore, #tpu.memory_space<semaphore_mem>>)
    %add3A_83 = arith.constant 2 : i32
    %add3A_84 = arith.addi %mul3A_2, %add3A_83 : i32
    %dma_start3A_85 = arith.constant 2 : i32
    %dma_start3A_86 = arith.constant 0 : i32
    %dma_start3A_87 = tpu.memref_slice %arg10[%dma_start3A_85, %dma_start3A_86] : memref<4x10000xf32, #tpu.memory_space<vmem>> -> memref<1x10000xf32, #tpu.memory_space<vmem>>
    %dma_start3A_88 = tpu.memref_squeeze %dma_start3A_87 : memref<1x10000xf32, #tpu.memory_space<vmem>> -> memref<10000xf32, #tpu.memory_space<vmem>>
    %dma_start3A_89 = arith.constant 0 : i32
    %dma_start3A_90 = tpu.memref_slice %arg2[%add3A_84, %dma_start3A_89] : memref<2560x10000xf32, #tpu.memory_space<hbm>> -> memref<1x10000xf32, #tpu.memory_space<hbm>>
    %dma_start3A_91 = tpu.memref_squeeze %dma_start3A_90 : memref<1x10000xf32, #tpu.memory_space<hbm>> -> memref<10000xf32, #tpu.memory_space<hbm>>
    %dma_start3A_92 = arith.constant 0 : i32
    %dma_start3A_93 = tpu.memref_slice %arg10[%dma_start3A_85, %dma_start3A_92] : memref<4x10000xf32, #tpu.memory_space<vmem>> -> memref<1x10000xf32, #tpu.memory_space<vmem>>
    %dma_start3A_94 = tpu.memref_squeeze %dma_start3A_93 : memref<1x10000xf32, #tpu.memory_space<vmem>> -> memref<10000xf32, #tpu.memory_space<vmem>>
    %dma_start3A_95 = arith.constant 0 : i32
    %dma_start3A_96 = tpu.memref_slice %arg2[%add3A_84, %dma_start3A_95] : memref<2560x10000xf32, #tpu.memory_space<hbm>> -> memref<1x10000xf32, #tpu.memory_space<hbm>>
    %dma_start3A_97 = tpu.memref_squeeze %dma_start3A_96 : memref<1x10000xf32, #tpu.memory_space<hbm>> -> memref<10000xf32, #tpu.memory_space<hbm>>
    tpu.enqueue_dma source(%dma_start3A_97 : memref<10000xf32, #tpu.memory_space<hbm>>) target(%dma_start3A_94 : memref<10000xf32, #tpu.memory_space<vmem>>) target_semaphore(%arg18 : memref<!tpu.dma_semaphore, #tpu.memory_space<semaphore_mem>>)
    %get3A_98 = arith.constant 3 : index
    %get3A_99 = tpu.vector_load %arg7[%get3A_98] {strides = array<i32>} : memref<64xi32, #tpu.memory_space<vmem>>, vector<16xi32>,
    %get3A_100 = vector.shape_cast %get3A_99 : vector<16xi32> to vector<16xi32>
    %slice3A_101 = vector.extract_strided_slice %get3A_100 {offsets = [0], sizes = [1], strides = [1]} : vector<16xi32> to vector<1xi32>
    %squeeze3A_102 = vector.extract %slice3A_101[0] : i32 from vector<1xi32>
    %dma_start3A_103 = arith.constant 3 : i32
    %dma_start3A_104 = arith.constant 0 : i32
    %dma_start3A_105 = tpu.memref_slice %arg9[%dma_start3A_103, %dma_start3A_104] : memref<4x10000xf32, #tpu.memory_space<vmem>> -> memref<1x10000xf32, #tpu.memory_space<vmem>>
    %dma_start3A_106 = tpu.memref_squeeze %dma_start3A_105 : memref<1x10000xf32, #tpu.memory_space<vmem>> -> memref<10000xf32, #tpu.memory_space<vmem>>
    %dma_start3A_107 = arith.constant 0 : i32
    %dma_start3A_108 = tpu.memref_slice %arg5[%squeeze3A_102, %dma_start3A_107] : memref<10000x10000xf32, #tpu.memory_space<hbm>> -> memref<1x10000xf32, #tpu.memory_space<hbm>>
    %dma_start3A_109 = tpu.memref_squeeze %dma_start3A_108 : memref<1x10000xf32, #tpu.memory_space<hbm>> -> memref<10000xf32, #tpu.memory_space<hbm>>
    %dma_start3A_110 = arith.constant 0 : i32
    %dma_start3A_111 = tpu.memref_slice %arg9[%dma_start3A_103, %dma_start3A_110] : memref<4x10000xf32, #tpu.memory_space<vmem>> -> memref<1x10000xf32, #tpu.memory_space<vmem>>
    %dma_start3A_112 = tpu.memref_squeeze %dma_start3A_111 : memref<1x10000xf32, #tpu.memory_space<vmem>> -> memref<10000xf32, #tpu.memory_space<vmem>>
    %dma_start3A_113 = arith.constant 0 : i32
    %dma_start3A_114 = tpu.memref_slice %arg5[%squeeze3A_102, %dma_start3A_113] : memref<10000x10000xf32, #tpu.memory_space<hbm>> -> memref<1x10000xf32, #tpu.memory_space<hbm>>
    %dma_start3A_115 = tpu.memref_squeeze %dma_start3A_114 : memref<1x10000xf32, #tpu.memory_space<hbm>> -> memref<10000xf32, #tpu.memory_space<hbm>>
    tpu.enqueue_dma source(%dma_start3A_115 : memref<10000xf32, #tpu.memory_space<hbm>>) target(%dma_start3A_112 : memref<10000xf32, #tpu.memory_space<vmem>>) target_semaphore(%arg15 : memref<!tpu.dma_semaphore, #tpu.memory_space<semaphore_mem>>)
    %add3A_116 = arith.constant 3 : i32
    %add3A_117 = arith.addi %mul3A_2, %add3A_116 : i32
    %dma_start3A_118 = arith.constant 3 : i32
    %dma_start3A_119 = arith.constant 0 : i32
    %dma_start3A_120 = tpu.memref_slice %arg10[%dma_start3A_118, %dma_start3A_119] : memref<4x10000xf32, #tpu.memory_space<vmem>> -> memref<1x10000xf32, #tpu.memory_space<vmem>>
    %dma_start3A_121 = tpu.memref_squeeze %dma_start3A_120 : memref<1x10000xf32, #tpu.memory_space<vmem>> -> memref<10000xf32, #tpu.memory_space<vmem>>
    %dma_start3A_122 = arith.constant 0 : i32
    %dma_start3A_123 = tpu.memref_slice %arg2[%add3A_117, %dma_start3A_122] : memref<2560x10000xf32, #tpu.memory_space<hbm>> -> memref<1x10000xf32, #tpu.memory_space<hbm>>
    %dma_start3A_124 = tpu.memref_squeeze %dma_start3A_123 : memref<1x10000xf32, #tpu.memory_space<hbm>> -> memref<10000xf32, #tpu.memory_space<hbm>>
    %dma_start3A_125 = arith.constant 0 : i32
    %dma_start3A_126 = tpu.memref_slice %arg10[%dma_start3A_118, %dma_start3A_125] : memref<4x10000xf32, #tpu.memory_space<vmem>> -> memref<1x10000xf32, #tpu.memory_space<vmem>>
    %dma_start3A_127 = tpu.memref_squeeze %dma_start3A_126 : memref<1x10000xf32, #tpu.memory_space<vmem>> -> memref<10000xf32, #tpu.memory_space<vmem>>
    %dma_start3A_128 = arith.constant 0 : i32
    %dma_start3A_129 = tpu.memref_slice %arg2[%add3A_117, %dma_start3A_128] : memref<2560x10000xf32, #tpu.memory_space<hbm>> -> memref<1x10000xf32, #tpu.memory_space<hbm>>
    %dma_start3A_130 = tpu.memref_squeeze %dma_start3A_129 : memref<1x10000xf32, #tpu.memory_space<hbm>> -> memref<10000xf32, #tpu.memory_space<hbm>>
    tpu.enqueue_dma source(%dma_start3A_130 : memref<10000xf32, #tpu.memory_space<hbm>>) target(%dma_start3A_127 : memref<10000xf32, #tpu.memory_space<vmem>>) target_semaphore(%arg19 : memref<!tpu.dma_semaphore, #tpu.memory_space<semaphore_mem>>)
    %broadcast_in_dim3A = arith.constant 0.000000e+00 : f32
    %broadcast_in_dim3A_131 = vector.broadcast %broadcast_in_dim3A : f32 to vector<16xf32>
    %scan3A = arith.constant 0 : i32
    %scan3A_132 = arith.constant 12 : i32
    %scan3A_133 = arith.addi %scan3A, %scan3A_132 : i32
    %scan3A_134 = arith.constant 1 : i32
    %scan3A_135:3 = scf.for %scan3A_156 = %scan3A to %scan3A_133 step %scan3A_134 iter_args(%scan3A_157 = %broadcast_in_dim3A_131, %scan3A_158 = %broadcast_in_dim3A_131, %scan3A_159 = %broadcast_in_dim3A_131) -> (vector<16xf32>, vector<16xf32>, vector<16xf32>)  : i32 {
      %mul3A_160 = arith.constant 4 : i32
      %mul3A_161 = arith.muli %scan3A_156, %mul3A_160 : i32
      %add3A_162 = arith.constant 0 : i32
      %add3A_163 = arith.addi %mul3A_161, %add3A_162 : i32
      %get3A_164 = arith.index_cast %add3A_163 : i32 to index
      %get3A_165 = tpu.vector_load %arg7[%get3A_164] {strides = array<i32>} : memref<64xi32, #tpu.memory_space<vmem>>, vector<16xi32>,
      %get3A_166 = vector.shape_cast %get3A_165 : vector<16xi32> to vector<16xi32>
      %slice3A_167 = vector.extract_strided_slice %get3A_166 {offsets = [0], sizes = [1], strides = [1]} : vector<16xi32> to vector<1xi32>
      %squeeze3A_168 = vector.extract %slice3A_167[0] : i32 from vector<1xi32>
      %dma_wait3A = arith.constant 0 : i32
      %dma_wait3A_169 = arith.constant 0 : i32
      %dma_wait3A_170 = tpu.memref_slice %arg9[%dma_wait3A, %dma_wait3A_169] : memref<4x10000xf32, #tpu.memory_space<vmem>> -> memref<1x10000xf32, #tpu.memory_space<vmem>>
      %dma_wait3A_171 = tpu.memref_squeeze %dma_wait3A_170 : memref<1x10000xf32, #tpu.memory_space<vmem>> -> memref<10000xf32, #tpu.memory_space<vmem>>
      %dma_wait3A_172 = arith.constant 0 : i32
      %dma_wait3A_173 = tpu.memref_slice %arg5[%squeeze3A_168, %dma_wait3A_172] : memref<10000x10000xf32, #tpu.memory_space<hbm>> -> memref<1x10000xf32, #tpu.memory_space<hbm>>
      %dma_wait3A_174 = tpu.memref_squeeze %dma_wait3A_173 : memref<1x10000xf32, #tpu.memory_space<hbm>> -> memref<10000xf32, #tpu.memory_space<hbm>>
      %dma_wait3A_175 = arith.constant 0 : i32
      %dma_wait3A_176 = tpu.memref_slice %arg9[%dma_wait3A, %dma_wait3A_175] : memref<4x10000xf32, #tpu.memory_space<vmem>> -> memref<1x10000xf32, #tpu.memory_space<vmem>>
      %dma_wait3A_177 = tpu.memref_squeeze %dma_wait3A_176 : memref<1x10000xf32, #tpu.memory_space<vmem>> -> memref<10000xf32, #tpu.memory_space<vmem>>
      %dma_wait3A_178 = arith.constant 0 : i32
      %dma_wait3A_179 = tpu.memref_slice %arg5[%squeeze3A_168, %dma_wait3A_178] : memref<10000x10000xf32, #tpu.memory_space<hbm>> -> memref<1x10000xf32, #tpu.memory_space<hbm>>
      %dma_wait3A_180 = tpu.memref_squeeze %dma_wait3A_179 : memref<1x10000xf32, #tpu.memory_space<hbm>> -> memref<10000xf32, #tpu.memory_space<hbm>>
      tpu.wait_dma2 semaphore(%arg12 : memref<!tpu.dma_semaphore, #tpu.memory_space<semaphore_mem>>) src(%dma_wait3A_180 : memref<10000xf32, #tpu.memory_space<hbm>>) dst(%dma_wait3A_177 : memref<10000xf32, #tpu.memory_space<vmem>>)
      %add3A_181 = arith.addi %mul3A_2, %add3A_163 : i32
      %dma_wait3A_182 = arith.constant 0 : i32
      %dma_wait3A_183 = arith.constant 0 : i32
      %dma_wait3A_184 = tpu.memref_slice %arg10[%dma_wait3A_182, %dma_wait3A_183] : memref<4x10000xf32, #tpu.memory_space<vmem>> -> memref<1x10000xf32, #tpu.memory_space<vmem>>
      %dma_wait3A_185 = tpu.memref_squeeze %dma_wait3A_184 : memref<1x10000xf32, #tpu.memory_space<vmem>> -> memref<10000xf32, #tpu.memory_space<vmem>>
      %dma_wait3A_186 = arith.constant 0 : i32
      %dma_wait3A_187 = tpu.memref_slice %arg2[%add3A_181, %dma_wait3A_186] : memref<2560x10000xf32, #tpu.memory_space<hbm>> -> memref<1x10000xf32, #tpu.memory_space<hbm>>
      %dma_wait3A_188 = tpu.memref_squeeze %dma_wait3A_187 : memref<1x10000xf32, #tpu.memory_space<hbm>> -> memref<10000xf32, #tpu.memory_space<hbm>>
      %dma_wait3A_189 = arith.constant 0 : i32
      %dma_wait3A_190 = tpu.memref_slice %arg10[%dma_wait3A_182, %dma_wait3A_189] : memref<4x10000xf32, #tpu.memory_space<vmem>> -> memref<1x10000xf32, #tpu.memory_space<vmem>>
      %dma_wait3A_191 = tpu.memref_squeeze %dma_wait3A_190 : memref<1x10000xf32, #tpu.memory_space<vmem>> -> memref<10000xf32, #tpu.memory_space<vmem>>
      %dma_wait3A_192 = arith.constant 0 : i32
      %dma_wait3A_193 = tpu.memref_slice %arg2[%add3A_181, %dma_wait3A_192] : memref<2560x10000xf32, #tpu.memory_space<hbm>> -> memref<1x10000xf32, #tpu.memory_space<hbm>>
      %dma_wait3A_194 = tpu.memref_squeeze %dma_wait3A_193 : memref<1x10000xf32, #tpu.memory_space<hbm>> -> memref<10000xf32, #tpu.memory_space<hbm>>
      tpu.wait_dma2 semaphore(%arg16 : memref<!tpu.dma_semaphore, #tpu.memory_space<semaphore_mem>>) src(%dma_wait3A_194 : memref<10000xf32, #tpu.memory_space<hbm>>) dst(%dma_wait3A_191 : memref<10000xf32, #tpu.memory_space<vmem>>)
      %broadcast_in_dim3A_195 = arith.constant 0.000000e+00 : f32
      %broadcast_in_dim3A_196 = vector.broadcast %broadcast_in_dim3A_195 : f32 to vector<16xf32>
      %scan3A_197 = arith.constant 0 : i32
      %scan3A_198 = arith.constant 125 : i32
      %scan3A_199 = arith.addi %scan3A_197, %scan3A_198 : i32
      %scan3A_200 = arith.constant 1 : i32
      %scan3A_201:10 = scf.for %scan3A_948 = %scan3A_197 to %scan3A_199 step %scan3A_200 iter_args(%scan3A_949 = %broadcast_in_dim3A_196, %scan3A_950 = %broadcast_in_dim3A_196, %scan3A_951 = %broadcast_in_dim3A_196, %scan3A_952 = %broadcast_in_dim3A_196, %scan3A_953 = %broadcast_in_dim3A_196, %scan3A_954 = %broadcast_in_dim3A_196, %scan3A_955 = %broadcast_in_dim3A_196, %scan3A_956 = %broadcast_in_dim3A_196, %scan3A_957 = %broadcast_in_dim3A_196, %scan3A_958 = %broadcast_in_dim3A_196) -> (vector<16xf32>, vector<16xf32>, vector<16xf32>, vector<16xf32>, vector<16xf32>, vector<16xf32>, vector<16xf32>, vector<16xf32>, vector<16xf32>, vector<16xf32>)  : i32 {
        %mul3A_959 = arith.constant 80 : i32
        %mul3A_960 = arith.muli %scan3A_948, %mul3A_959 : i32
        %add3A_961 = arith.constant 0 : i32
        %add3A_962 = arith.addi %mul3A_960, %add3A_961 : i32
        %get3A_963 = arith.constant 0 : i32
        %get3A_964 = arith.index_cast %get3A_963 : i32 to index
        %get3A_965 = arith.index_cast %add3A_962 : i32 to index
        %get3A_966 = tpu.vector_load %arg9[%get3A_964, %get3A_965] {strides = array<i32>} : memref<4x10000xf32, #tpu.memory_space<vmem>>, vector<1x16xf32>,
        %get3A_967 = vector.shape_cast %get3A_966 : vector<1x16xf32> to vector<16xf32>
        %mul3A_968 = arith.constant 7.69230747 : f32
        %mul3A_969 = vector.broadcast %mul3A_968 : f32 to vector<16xf32>
        %mul3A_970 = arith.mulf %get3A_967, %mul3A_969 : vector<16xf32>
        %exp3A = math.exp %mul3A_970 : vector<16xf32>
        %add3A_971 = arith.addf %scan3A_949, %exp3A : vector<16xf32>
        %get3A_972 = arith.constant 0 : i32
        %get3A_973 = arith.index_cast %get3A_972 : i32 to index
        %get3A_974 = arith.index_cast %add3A_962 : i32 to index
        %get3A_975 = tpu.vector_load %arg10[%get3A_973, %get3A_974] {strides = array<i32>} : memref<4x10000xf32, #tpu.memory_space<vmem>>, vector<1x16xf32>,
        %get3A_976 = vector.shape_cast %get3A_975 : vector<1x16xf32> to vector<16xf32>
        %mul3A_977 = arith.mulf %exp3A, %get3A_976 : vector<16xf32>
        %add3A_978 = arith.addf %scan3A_950, %mul3A_977 : vector<16xf32>
        %add3A_979 = arith.constant 16 : i32
        %add3A_980 = arith.addi %mul3A_960, %add3A_979 : i32
        %get3A_981 = arith.constant 0 : i32
        %get3A_982 = arith.index_cast %get3A_981 : i32 to index
        %get3A_983 = arith.index_cast %add3A_980 : i32 to index
        %get3A_984 = tpu.vector_load %arg9[%get3A_982, %get3A_983] {strides = array<i32>} : memref<4x10000xf32, #tpu.memory_space<vmem>>, vector<1x16xf32>,
        %get3A_985 = vector.shape_cast %get3A_984 : vector<1x16xf32> to vector<16xf32>
        %mul3A_986 = arith.constant 7.69230747 : f32
        %mul3A_987 = vector.broadcast %mul3A_986 : f32 to vector<16xf32>
        %mul3A_988 = arith.mulf %get3A_985, %mul3A_987 : vector<16xf32>
        %exp3A_989 = math.exp %mul3A_988 : vector<16xf32>
        %add3A_990 = arith.addf %scan3A_951, %exp3A_989 : vector<16xf32>
        %get3A_991 = arith.constant 0 : i32
        %get3A_992 = arith.index_cast %get3A_991 : i32 to index
        %get3A_993 = arith.index_cast %add3A_980 : i32 to index
        %get3A_994 = tpu.vector_load %arg10[%get3A_992, %get3A_993] {strides = array<i32>} : memref<4x10000xf32, #tpu.memory_space<vmem>>, vector<1x16xf32>,
        %get3A_995 = vector.shape_cast %get3A_994 : vector<1x16xf32> to vector<16xf32>
        %mul3A_996 = arith.mulf %exp3A_989, %get3A_995 : vector<16xf32>
        %add3A_997 = arith.addf %scan3A_952, %mul3A_996 : vector<16xf32>
        %add3A_998 = arith.constant 32 : i32
        %add3A_999 = arith.addi %mul3A_960, %add3A_998 : i32
        %get3A_1000 = arith.constant 0 : i32
        %get3A_1001 = arith.index_cast %get3A_1000 : i32 to index
        %get3A_1002 = arith.index_cast %add3A_999 : i32 to index
        %get3A_1003 = tpu.vector_load %arg9[%get3A_1001, %get3A_1002] {strides = array<i32>} : memref<4x10000xf32, #tpu.memory_space<vmem>>, vector<1x16xf32>,
        %get3A_1004 = vector.shape_cast %get3A_1003 : vector<1x16xf32> to vector<16xf32>
        %mul3A_1005 = arith.constant 7.69230747 : f32
        %mul3A_1006 = vector.broadcast %mul3A_1005 : f32 to vector<16xf32>
        %mul3A_1007 = arith.mulf %get3A_1004, %mul3A_1006 : vector<16xf32>
        %exp3A_1008 = math.exp %mul3A_1007 : vector<16xf32>
        %add3A_1009 = arith.addf %scan3A_953, %exp3A_1008 : vector<16xf32>
        %get3A_1010 = arith.constant 0 : i32
        %get3A_1011 = arith.index_cast %get3A_1010 : i32 to index
        %get3A_1012 = arith.index_cast %add3A_999 : i32 to index
        %get3A_1013 = tpu.vector_load %arg10[%get3A_1011, %get3A_1012] {strides = array<i32>} : memref<4x10000xf32, #tpu.memory_space<vmem>>, vector<1x16xf32>,
        %get3A_1014 = vector.shape_cast %get3A_1013 : vector<1x16xf32> to vector<16xf32>
        %mul3A_1015 = arith.mulf %exp3A_1008, %get3A_1014 : vector<16xf32>
        %add3A_1016 = arith.addf %scan3A_954, %mul3A_1015 : vector<16xf32>
        %add3A_1017 = arith.constant 48 : i32
        %add3A_1018 = arith.addi %mul3A_960, %add3A_1017 : i32
        %get3A_1019 = arith.constant 0 : i32
        %get3A_1020 = arith.index_cast %get3A_1019 : i32 to index
        %get3A_1021 = arith.index_cast %add3A_1018 : i32 to index
        %get3A_1022 = tpu.vector_load %arg9[%get3A_1020, %get3A_1021] {strides = array<i32>} : memref<4x10000xf32, #tpu.memory_space<vmem>>, vector<1x16xf32>,
        %get3A_1023 = vector.shape_cast %get3A_1022 : vector<1x16xf32> to vector<16xf32>
        %mul3A_1024 = arith.constant 7.69230747 : f32
        %mul3A_1025 = vector.broadcast %mul3A_1024 : f32 to vector<16xf32>
        %mul3A_1026 = arith.mulf %get3A_1023, %mul3A_1025 : vector<16xf32>
        %exp3A_1027 = math.exp %mul3A_1026 : vector<16xf32>
        %add3A_1028 = arith.addf %scan3A_955, %exp3A_1027 : vector<16xf32>
        %get3A_1029 = arith.constant 0 : i32
        %get3A_1030 = arith.index_cast %get3A_1029 : i32 to index
        %get3A_1031 = arith.index_cast %add3A_1018 : i32 to index
        %get3A_1032 = tpu.vector_load %arg10[%get3A_1030, %get3A_1031] {strides = array<i32>} : memref<4x10000xf32, #tpu.memory_space<vmem>>, vector<1x16xf32>,
        %get3A_1033 = vector.shape_cast %get3A_1032 : vector<1x16xf32> to vector<16xf32>
        %mul3A_1034 = arith.mulf %exp3A_1027, %get3A_1033 : vector<16xf32>
        %add3A_1035 = arith.addf %scan3A_956, %mul3A_1034 : vector<16xf32>
        %add3A_1036 = arith.constant 64 : i32
        %add3A_1037 = arith.addi %mul3A_960, %add3A_1036 : i32
        %get3A_1038 = arith.constant 0 : i32
        %get3A_1039 = arith.index_cast %get3A_1038 : i32 to index
        %get3A_1040 = arith.index_cast %add3A_1037 : i32 to index
        %get3A_1041 = tpu.vector_load %arg9[%get3A_1039, %get3A_1040] {strides = array<i32>} : memref<4x10000xf32, #tpu.memory_space<vmem>>, vector<1x16xf32>,
        %get3A_1042 = vector.shape_cast %get3A_1041 : vector<1x16xf32> to vector<16xf32>
        %mul3A_1043 = arith.constant 7.69230747 : f32
        %mul3A_1044 = vector.broadcast %mul3A_1043 : f32 to vector<16xf32>
        %mul3A_1045 = arith.mulf %get3A_1042, %mul3A_1044 : vector<16xf32>
        %exp3A_1046 = math.exp %mul3A_1045 : vector<16xf32>
        %add3A_1047 = arith.addf %scan3A_957, %exp3A_1046 : vector<16xf32>
        %get3A_1048 = arith.constant 0 : i32
        %get3A_1049 = arith.index_cast %get3A_1048 : i32 to index
        %get3A_1050 = arith.index_cast %add3A_1037 : i32 to index
        %get3A_1051 = tpu.vector_load %arg10[%get3A_1049, %get3A_1050] {strides = array<i32>} : memref<4x10000xf32, #tpu.memory_space<vmem>>, vector<1x16xf32>,
        %get3A_1052 = vector.shape_cast %get3A_1051 : vector<1x16xf32> to vector<16xf32>
        %mul3A_1053 = arith.mulf %exp3A_1046, %get3A_1052 : vector<16xf32>
        %add3A_1054 = arith.addf %scan3A_958, %mul3A_1053 : vector<16xf32>
        scf.yield %add3A_971, %add3A_978, %add3A_990, %add3A_997, %add3A_1009, %add3A_1016, %add3A_1028, %add3A_1035, %add3A_1047, %add3A_1054 : vector<16xf32>, vector<16xf32>, vector<16xf32>, vector<16xf32>, vector<16xf32>, vector<16xf32>, vector<16xf32>, vector<16xf32>, vector<16xf32>, vector<16xf32>
      }
      %scan3A_202 = arith.constant 125 : i32
      %add3A_203 = arith.addf %scan3A_201#0, %scan3A_201#2 : vector<16xf32>
      %add3A_204 = arith.addf %scan3A_201#1, %scan3A_201#3 : vector<16xf32>
      %add3A_205 = arith.addf %add3A_203, %scan3A_201#4 : vector<16xf32>
      %add3A_206 = arith.addf %add3A_204, %scan3A_201#5 : vector<16xf32>
      %add3A_207 = arith.addf %add3A_205, %scan3A_201#6 : vector<16xf32>
      %add3A_208 = arith.addf %add3A_206, %scan3A_201#7 : vector<16xf32>
      %add3A_209 = arith.addf %add3A_207, %scan3A_201#8 : vector<16xf32>
      %add3A_210 = arith.addf %add3A_208, %scan3A_201#9 : vector<16xf32>
      %iota3A_211 = tpu.iota {dimensions = array<i32: 0>} : vector<16xi32>
      %xor3A = arith.constant 8 : i32
      %xor3A_212 = vector.broadcast %xor3A : i32 to vector<16xi32>
      %xor3A_213 = arith.xori %iota3A_211, %xor3A_212 : vector<16xi32>
      %broadcast_in_dim3A_214 = vector.shape_cast %xor3A_213 : vector<16xi32> to vector<16x1xi32>
      %gather3A = vector.shape_cast %broadcast_in_dim3A_214 : vector<16x1xi32> to vector<16xi32>
      %gather3A_215 = tpu.dynamic_gather %add3A_210[%gather3A] in [0] : vector<16xf32>, vector<16xi32> -> vector<16xf32>
      %add3A_216 = arith.addf %add3A_210, %gather3A_215 : vector<16xf32>
      %xor3A_217 = arith.constant 4 : i32
      %xor3A_218 = vector.broadcast %xor3A_217 : i32 to vector<16xi32>
      %xor3A_219 = arith.xori %iota3A_211, %xor3A_218 : vector<16xi32>
      %broadcast_in_dim3A_220 = vector.shape_cast %xor3A_219 : vector<16xi32> to vector<16x1xi32>
      %gather3A_221 = vector.shape_cast %broadcast_in_dim3A_220 : vector<16x1xi32> to vector<16xi32>
      %gather3A_222 = tpu.dynamic_gather %add3A_216[%gather3A_221] in [0] : vector<16xf32>, vector<16xi32> -> vector<16xf32>
      %add3A_223 = arith.addf %add3A_216, %gather3A_222 : vector<16xf32>
      %xor3A_224 = arith.constant 2 : i32
      %xor3A_225 = vector.broadcast %xor3A_224 : i32 to vector<16xi32>
      %xor3A_226 = arith.xori %iota3A_211, %xor3A_225 : vector<16xi32>
      %broadcast_in_dim3A_227 = vector.shape_cast %xor3A_226 : vector<16xi32> to vector<16x1xi32>
      %gather3A_228 = vector.shape_cast %broadcast_in_dim3A_227 : vector<16x1xi32> to vector<16xi32>
      %gather3A_229 = tpu.dynamic_gather %add3A_223[%gather3A_228] in [0] : vector<16xf32>, vector<16xi32> -> vector<16xf32>
      %add3A_230 = arith.addf %add3A_223, %gather3A_229 : vector<16xf32>
      %xor3A_231 = arith.constant 1 : i32
      %xor3A_232 = vector.broadcast %xor3A_231 : i32 to vector<16xi32>
      %xor3A_233 = arith.xori %iota3A_211, %xor3A_232 : vector<16xi32>
      %broadcast_in_dim3A_234 = vector.shape_cast %xor3A_233 : vector<16xi32> to vector<16x1xi32>
      %gather3A_235 = vector.shape_cast %broadcast_in_dim3A_234 : vector<16x1xi32> to vector<16xi32>
      %gather3A_236 = tpu.dynamic_gather %add3A_230[%gather3A_235] in [0] : vector<16xf32>, vector<16xi32> -> vector<16xf32>
      %add3A_237 = arith.addf %add3A_230, %gather3A_236 : vector<16xf32>
      %iota3A_238 = tpu.iota {dimensions = array<i32: 0>} : vector<16xi32>
      %xor3A_239 = arith.constant 8 : i32
      %xor3A_240 = vector.broadcast %xor3A_239 : i32 to vector<16xi32>
      %xor3A_241 = arith.xori %iota3A_238, %xor3A_240 : vector<16xi32>
      %broadcast_in_dim3A_242 = vector.shape_cast %xor3A_241 : vector<16xi32> to vector<16x1xi32>
      %gather3A_243 = vector.shape_cast %broadcast_in_dim3A_242 : vector<16x1xi32> to vector<16xi32>
      %gather3A_244 = tpu.dynamic_gather %add3A_209[%gather3A_243] in [0] : vector<16xf32>, vector<16xi32> -> vector<16xf32>
      %add3A_245 = arith.addf %add3A_209, %gather3A_244 : vector<16xf32>
      %xor3A_246 = arith.constant 4 : i32
      %xor3A_247 = vector.broadcast %xor3A_246 : i32 to vector<16xi32>
      %xor3A_248 = arith.xori %iota3A_238, %xor3A_247 : vector<16xi32>
      %broadcast_in_dim3A_249 = vector.shape_cast %xor3A_248 : vector<16xi32> to vector<16x1xi32>
      %gather3A_250 = vector.shape_cast %broadcast_in_dim3A_249 : vector<16x1xi32> to vector<16xi32>
      %gather3A_251 = tpu.dynamic_gather %add3A_245[%gather3A_250] in [0] : vector<16xf32>, vector<16xi32> -> vector<16xf32>
      %add3A_252 = arith.addf %add3A_245, %gather3A_251 : vector<16xf32>
      %xor3A_253 = arith.constant 2 : i32
      %xor3A_254 = vector.broadcast %xor3A_253 : i32 to vector<16xi32>
      %xor3A_255 = arith.xori %iota3A_238, %xor3A_254 : vector<16xi32>
      %broadcast_in_dim3A_256 = vector.shape_cast %xor3A_255 : vector<16xi32> to vector<16x1xi32>
      %gather3A_257 = vector.shape_cast %broadcast_in_dim3A_256 : vector<16x1xi32> to vector<16xi32>
      %gather3A_258 = tpu.dynamic_gather %add3A_252[%gather3A_257] in [0] : vector<16xf32>, vector<16xi32> -> vector<16xf32>
      %add3A_259 = arith.addf %add3A_252, %gather3A_258 : vector<16xf32>
      %xor3A_260 = arith.constant 1 : i32
      %xor3A_261 = vector.broadcast %xor3A_260 : i32 to vector<16xi32>
      %xor3A_262 = arith.xori %iota3A_238, %xor3A_261 : vector<16xi32>
      %broadcast_in_dim3A_263 = vector.shape_cast %xor3A_262 : vector<16xi32> to vector<16x1xi32>
      %gather3A_264 = vector.shape_cast %broadcast_in_dim3A_263 : vector<16x1xi32> to vector<16xi32>
      %gather3A_265 = tpu.dynamic_gather %add3A_259[%gather3A_264] in [0] : vector<16xf32>, vector<16xi32> -> vector<16xf32>
      %add3A_266 = arith.addf %add3A_259, %gather3A_265 : vector<16xf32>
      %div3A = arith.divf %add3A_237, %add3A_266 : vector<16xf32>
      %get3A_267 = arith.index_cast %add3A_163 : i32 to index
      %get3A_268 = tpu.vector_load %arg7[%get3A_267] {strides = array<i32>} : memref<64xi32, #tpu.memory_space<vmem>>, vector<16xi32>,
      %get3A_269 = vector.shape_cast %get3A_268 : vector<16xi32> to vector<16xi32>
      %slice3A_270 = vector.extract_strided_slice %get3A_269 {offsets = [0], sizes = [1], strides = [1]} : vector<16xi32> to vector<1xi32>
      %squeeze3A_271 = vector.extract %slice3A_270[0] : i32 from vector<1xi32>
      %jit3A_272 = arith.constant 16 : i32
      %div3A_273 = arith.divsi %squeeze3A_271, %jit3A_272 : i32
      %sign3A = arith.constant 0 : i32
      %sign3A_274 = arith.cmpi sgt, %squeeze3A_271, %sign3A : i32
      %sign3A_275 = arith.extui %sign3A_274 : i1 to i32
      %sign3A_276 = arith.constant 0 : i32
      %sign3A_277 = arith.cmpi slt, %squeeze3A_271, %sign3A_276 : i32
      %sign3A_278 = arith.extui %sign3A_277 : i1 to i32
      %sign3A_279 = arith.subi %sign3A_275, %sign3A_278 : i32
      %sign3A_280 = arith.constant 0 : i32
      %sign3A_281 = arith.cmpi sgt, %jit3A_272, %sign3A_280 : i32
      %sign3A_282 = arith.extui %sign3A_281 : i1 to i32
      %sign3A_283 = arith.constant 0 : i32
      %sign3A_284 = arith.cmpi slt, %jit3A_272, %sign3A_283 : i32
      %sign3A_285 = arith.extui %sign3A_284 : i1 to i32
      %sign3A_286 = arith.subi %sign3A_282, %sign3A_285 : i32
      %ne3A = arith.cmpi ne, %sign3A_279, %sign3A_286 : i32
      %rem3A = arith.remsi %squeeze3A_271, %jit3A_272 : i32
      %ne3A_287 = arith.constant 0 : i32
      %ne3A_288 = arith.cmpi ne, %rem3A, %ne3A_287 : i32
      %and3A = arith.andi %ne3A, %ne3A_288 : i1
      %sub3A = arith.constant 1 : i32
      %sub3A_289 = arith.subi %div3A_273, %sub3A : i32
      %select_n3A_290 = arith.select %and3A, %sub3A_289, %div3A_273 : i32
      %mul3A_291 = arith.constant 16 : i32
      %mul3A_292 = arith.muli %select_n3A_290, %mul3A_291 : i32
      %sub3A_293 = arith.subi %squeeze3A_271, %mul3A_292 : i32
      %eq3A_294 = vector.broadcast %sub3A_293 : i32 to vector<16xi32>
      %eq3A_295 = arith.cmpi eq, %iota3A, %eq3A_294 : vector<16xi32>
      %get3A_296 = arith.constant 0 : i32
      %get3A_297 = arith.index_cast %get3A_296 : i32 to index
      %get3A_298 = arith.index_cast %mul3A_292 : i32 to index
      %get3A_299 = tpu.vector_load %arg10[%get3A_297, %get3A_298] {strides = array<i32>} : memref<4x10000xf32, #tpu.memory_space<vmem>>, vector<1x16xf32>,
      %get3A_300 = vector.shape_cast %get3A_299 : vector<1x16xf32> to vector<16xf32>
      %jit3A_301 = arith.constant 0.000000e+00 : f32
      %broadcast_in_dim3A_302 = vector.broadcast %jit3A_301 : f32 to vector<16xf32>
      %select_n3A_303 = arith.select %eq3A_295, %get3A_300, %broadcast_in_dim3A_302 : vector<16xi1>, vector<16xf32>
      %iota3A_304 = tpu.iota {dimensions = array<i32: 0>} : vector<16xi32>
      %xor3A_305 = arith.constant 8 : i32
      %xor3A_306 = vector.broadcast %xor3A_305 : i32 to vector<16xi32>
      %xor3A_307 = arith.xori %iota3A_304, %xor3A_306 : vector<16xi32>
      %broadcast_in_dim3A_308 = vector.shape_cast %xor3A_307 : vector<16xi32> to vector<16x1xi32>
      %gather3A_309 = vector.shape_cast %broadcast_in_dim3A_308 : vector<16x1xi32> to vector<16xi32>
      %gather3A_310 = tpu.dynamic_gather %select_n3A_303[%gather3A_309] in [0] : vector<16xf32>, vector<16xi32> -> vector<16xf32>
      %add3A_311 = arith.addf %select_n3A_303, %gather3A_310 : vector<16xf32>
      %xor3A_312 = arith.constant 4 : i32
      %xor3A_313 = vector.broadcast %xor3A_312 : i32 to vector<16xi32>
      %xor3A_314 = arith.xori %iota3A_304, %xor3A_313 : vector<16xi32>
      %broadcast_in_dim3A_315 = vector.shape_cast %xor3A_314 : vector<16xi32> to vector<16x1xi32>
      %gather3A_316 = vector.shape_cast %broadcast_in_dim3A_315 : vector<16x1xi32> to vector<16xi32>
      %gather3A_317 = tpu.dynamic_gather %add3A_311[%gather3A_316] in [0] : vector<16xf32>, vector<16xi32> -> vector<16xf32>
      %add3A_318 = arith.addf %add3A_311, %gather3A_317 : vector<16xf32>
      %xor3A_319 = arith.constant 2 : i32
      %xor3A_320 = vector.broadcast %xor3A_319 : i32 to vector<16xi32>
      %xor3A_321 = arith.xori %iota3A_304, %xor3A_320 : vector<16xi32>
      %broadcast_in_dim3A_322 = vector.shape_cast %xor3A_321 : vector<16xi32> to vector<16x1xi32>
      %gather3A_323 = vector.shape_cast %broadcast_in_dim3A_322 : vector<16x1xi32> to vector<16xi32>
      %gather3A_324 = tpu.dynamic_gather %add3A_318[%gather3A_323] in [0] : vector<16xf32>, vector<16xi32> -> vector<16xf32>
      %add3A_325 = arith.addf %add3A_318, %gather3A_324 : vector<16xf32>
      %xor3A_326 = arith.constant 1 : i32
      %xor3A_327 = vector.broadcast %xor3A_326 : i32 to vector<16xi32>
      %xor3A_328 = arith.xori %iota3A_304, %xor3A_327 : vector<16xi32>
      %broadcast_in_dim3A_329 = vector.shape_cast %xor3A_328 : vector<16xi32> to vector<16x1xi32>
      %gather3A_330 = vector.shape_cast %broadcast_in_dim3A_329 : vector<16x1xi32> to vector<16xi32>
      %gather3A_331 = tpu.dynamic_gather %add3A_325[%gather3A_330] in [0] : vector<16xf32>, vector<16xi32> -> vector<16xf32>
      %add3A_332 = arith.addf %add3A_325, %gather3A_331 : vector<16xf32>
      %get3A_333 = arith.index_cast %add3A_163 : i32 to index
      %get3A_334 = tpu.vector_load %arg8[%get3A_333] {strides = array<i32>} : memref<64xf32, #tpu.memory_space<vmem>>, vector<16xf32>,
      %get3A_335 = vector.shape_cast %get3A_334 : vector<16xf32> to vector<16xf32>
      %slice3A_336 = vector.extract_strided_slice %get3A_335 {offsets = [0], sizes = [1], strides = [1]} : vector<16xf32> to vector<1xf32>
      %squeeze3A_337 = vector.extract %slice3A_336[0] : f32 from vector<1xf32>
      %broadcast_in_dim3A_338 = vector.broadcast %squeeze3A_337 : f32 to vector<16xf32>
      %mul3A_339 = arith.mulf %broadcast_in_dim3A_338, %div3A : vector<16xf32>
      %add3A_340 = arith.addf %scan3A_157, %mul3A_339 : vector<16xf32>
      %mul3A_341 = arith.mulf %broadcast_in_dim3A_338, %add3A_332 : vector<16xf32>
      %add3A_342 = arith.addf %scan3A_158, %mul3A_341 : vector<16xf32>
      %add3A_343 = arith.addf %scan3A_159, %broadcast_in_dim3A_338 : vector<16xf32>
      %add3A_344 = arith.constant 4 : i32
      %add3A_345 = arith.addi %add3A_163, %add3A_344 : i32
      %lt3A = arith.constant 48 : i32
      %lt3A_346 = arith.cmpi slt, %add3A_345, %lt3A : i32
      %convert_element_type3A = arith.extui %lt3A_346 : i1 to i32
      %cond3A = arith.constant 0 : i32
      %cond3A_347 = arith.cmpi ne, %convert_element_type3A, %cond3A : i32
      scf.if %cond3A_347 {
        %add3A_948 = arith.constant 4 : i32
        %add3A_949 = arith.addi %add3A_163, %add3A_948 : i32
        %get3A_950 = arith.index_cast %add3A_949 : i32 to index
        %get3A_951 = tpu.vector_load %arg7[%get3A_950] {strides = array<i32>} : memref<64xi32, #tpu.memory_space<vmem>>, vector<16xi32>,
        %get3A_952 = vector.shape_cast %get3A_951 : vector<16xi32> to vector<16xi32>
        %slice3A_953 = vector.extract_strided_slice %get3A_952 {offsets = [0], sizes = [1], strides = [1]} : vector<16xi32> to vector<1xi32>
        %squeeze3A_954 = vector.extract %slice3A_953[0] : i32 from vector<1xi32>
        %dma_start3A_955 = arith.constant 0 : i32
        %dma_start3A_956 = arith.constant 0 : i32
        %dma_start3A_957 = tpu.memref_slice %arg9[%dma_start3A_955, %dma_start3A_956] : memref<4x10000xf32, #tpu.memory_space<vmem>> -> memref<1x10000xf32, #tpu.memory_space<vmem>>
        %dma_start3A_958 = tpu.memref_squeeze %dma_start3A_957 : memref<1x10000xf32, #tpu.memory_space<vmem>> -> memref<10000xf32, #tpu.memory_space<vmem>>
        %dma_start3A_959 = arith.constant 0 : i32
        %dma_start3A_960 = tpu.memref_slice %arg5[%squeeze3A_954, %dma_start3A_959] : memref<10000x10000xf32, #tpu.memory_space<hbm>> -> memref<1x10000xf32, #tpu.memory_space<hbm>>
        %dma_start3A_961 = tpu.memref_squeeze %dma_start3A_960 : memref<1x10000xf32, #tpu.memory_space<hbm>> -> memref<10000xf32, #tpu.memory_space<hbm>>
        %dma_start3A_962 = arith.constant 0 : i32
        %dma_start3A_963 = tpu.memref_slice %arg9[%dma_start3A_955, %dma_start3A_962] : memref<4x10000xf32, #tpu.memory_space<vmem>> -> memref<1x10000xf32, #tpu.memory_space<vmem>>
        %dma_start3A_964 = tpu.memref_squeeze %dma_start3A_963 : memref<1x10000xf32, #tpu.memory_space<vmem>> -> memref<10000xf32, #tpu.memory_space<vmem>>
        %dma_start3A_965 = arith.constant 0 : i32
        %dma_start3A_966 = tpu.memref_slice %arg5[%squeeze3A_954, %dma_start3A_965] : memref<10000x10000xf32, #tpu.memory_space<hbm>> -> memref<1x10000xf32, #tpu.memory_space<hbm>>
        %dma_start3A_967 = tpu.memref_squeeze %dma_start3A_966 : memref<1x10000xf32, #tpu.memory_space<hbm>> -> memref<10000xf32, #tpu.memory_space<hbm>>
        tpu.enqueue_dma source(%dma_start3A_967 : memref<10000xf32, #tpu.memory_space<hbm>>) target(%dma_start3A_964 : memref<10000xf32, #tpu.memory_space<vmem>>) target_semaphore(%arg12 : memref<!tpu.dma_semaphore, #tpu.memory_space<semaphore_mem>>)
        %add3A_968 = arith.constant 4 : i32
        %add3A_969 = arith.addi %add3A_163, %add3A_968 : i32
        %add3A_970 = arith.addi %mul3A_2, %add3A_969 : i32
        %dma_start3A_971 = arith.constant 0 : i32
        %dma_start3A_972 = arith.constant 0 : i32
        %dma_start3A_973 = tpu.memref_slice %arg10[%dma_start3A_971, %dma_start3A_972] : memref<4x10000xf32, #tpu.memory_space<vmem>> -> memref<1x10000xf32, #tpu.memory_space<vmem>>
        %dma_start3A_974 = tpu.memref_squeeze %dma_start3A_973 : memref<1x10000xf32, #tpu.memory_space<vmem>> -> memref<10000xf32, #tpu.memory_space<vmem>>
        %dma_start3A_975 = arith.constant 0 : i32
        %dma_start3A_976 = tpu.memref_slice %arg2[%add3A_970, %dma_start3A_975] : memref<2560x10000xf32, #tpu.memory_space<hbm>> -> memref<1x10000xf32, #tpu.memory_space<hbm>>
        %dma_start3A_977 = tpu.memref_squeeze %dma_start3A_976 : memref<1x10000xf32, #tpu.memory_space<hbm>> -> memref<10000xf32, #tpu.memory_space<hbm>>
        %dma_start3A_978 = arith.constant 0 : i32
        %dma_start3A_979 = tpu.memref_slice %arg10[%dma_start3A_971, %dma_start3A_978] : memref<4x10000xf32, #tpu.memory_space<vmem>> -> memref<1x10000xf32, #tpu.memory_space<vmem>>
        %dma_start3A_980 = tpu.memref_squeeze %dma_start3A_979 : memref<1x10000xf32, #tpu.memory_space<vmem>> -> memref<10000xf32, #tpu.memory_space<vmem>>
        %dma_start3A_981 = arith.constant 0 : i32
        %dma_start3A_982 = tpu.memref_slice %arg2[%add3A_970, %dma_start3A_981] : memref<2560x10000xf32, #tpu.memory_space<hbm>> -> memref<1x10000xf32, #tpu.memory_space<hbm>>
        %dma_start3A_983 = tpu.memref_squeeze %dma_start3A_982 : memref<1x10000xf32, #tpu.memory_space<hbm>> -> memref<10000xf32, #tpu.memory_space<hbm>>
        tpu.enqueue_dma source(%dma_start3A_983 : memref<10000xf32, #tpu.memory_space<hbm>>) target(%dma_start3A_980 : memref<10000xf32, #tpu.memory_space<vmem>>) target_semaphore(%arg16 : memref<!tpu.dma_semaphore, #tpu.memory_space<semaphore_mem>>)
      } else {
      }
      %mul3A_348 = arith.constant 4 : i32
      %mul3A_349 = arith.muli %scan3A_156, %mul3A_348 : i32
      %add3A_350 = arith.constant 1 : i32
      %add3A_351 = arith.addi %mul3A_349, %add3A_350 : i32
      %get3A_352 = arith.index_cast %add3A_351 : i32 to index
      %get3A_353 = tpu.vector_load %arg7[%get3A_352] {strides = array<i32>} : memref<64xi32, #tpu.memory_space<vmem>>, vector<16xi32>,
      %get3A_354 = vector.shape_cast %get3A_353 : vector<16xi32> to vector<16xi32>
      %slice3A_355 = vector.extract_strided_slice %get3A_354 {offsets = [0], sizes = [1], strides = [1]} : vector<16xi32> to vector<1xi32>
      %squeeze3A_356 = vector.extract %slice3A_355[0] : i32 from vector<1xi32>
      %dma_wait3A_357 = arith.constant 1 : i32
      %dma_wait3A_358 = arith.constant 0 : i32
      %dma_wait3A_359 = tpu.memref_slice %arg9[%dma_wait3A_357, %dma_wait3A_358] : memref<4x10000xf32, #tpu.memory_space<vmem>> -> memref<1x10000xf32, #tpu.memory_space<vmem>>
      %dma_wait3A_360 = tpu.memref_squeeze %dma_wait3A_359 : memref<1x10000xf32, #tpu.memory_space<vmem>> -> memref<10000xf32, #tpu.memory_space<vmem>>
      %dma_wait3A_361 = arith.constant 0 : i32
      %dma_wait3A_362 = tpu.memref_slice %arg5[%squeeze3A_356, %dma_wait3A_361] : memref<10000x10000xf32, #tpu.memory_space<hbm>> -> memref<1x10000xf32, #tpu.memory_space<hbm>>
      %dma_wait3A_363 = tpu.memref_squeeze %dma_wait3A_362 : memref<1x10000xf32, #tpu.memory_space<hbm>> -> memref<10000xf32, #tpu.memory_space<hbm>>
      %dma_wait3A_364 = arith.constant 0 : i32
      %dma_wait3A_365 = tpu.memref_slice %arg9[%dma_wait3A_357, %dma_wait3A_364] : memref<4x10000xf32, #tpu.memory_space<vmem>> -> memref<1x10000xf32, #tpu.memory_space<vmem>>
      %dma_wait3A_366 = tpu.memref_squeeze %dma_wait3A_365 : memref<1x10000xf32, #tpu.memory_space<vmem>> -> memref<10000xf32, #tpu.memory_space<vmem>>
      %dma_wait3A_367 = arith.constant 0 : i32
      %dma_wait3A_368 = tpu.memref_slice %arg5[%squeeze3A_356, %dma_wait3A_367] : memref<10000x10000xf32, #tpu.memory_space<hbm>> -> memref<1x10000xf32, #tpu.memory_space<hbm>>
      %dma_wait3A_369 = tpu.memref_squeeze %dma_wait3A_368 : memref<1x10000xf32, #tpu.memory_space<hbm>> -> memref<10000xf32, #tpu.memory_space<hbm>>
      tpu.wait_dma2 semaphore(%arg13 : memref<!tpu.dma_semaphore, #tpu.memory_space<semaphore_mem>>) src(%dma_wait3A_369 : memref<10000xf32, #tpu.memory_space<hbm>>) dst(%dma_wait3A_366 : memref<10000xf32, #tpu.memory_space<vmem>>)
      %add3A_370 = arith.addi %mul3A_2, %add3A_351 : i32
      %dma_wait3A_371 = arith.constant 1 : i32
      %dma_wait3A_372 = arith.constant 0 : i32
      %dma_wait3A_373 = tpu.memref_slice %arg10[%dma_wait3A_371, %dma_wait3A_372] : memref<4x10000xf32, #tpu.memory_space<vmem>> -> memref<1x10000xf32, #tpu.memory_space<vmem>>
      %dma_wait3A_374 = tpu.memref_squeeze %dma_wait3A_373 : memref<1x10000xf32, #tpu.memory_space<vmem>> -> memref<10000xf32, #tpu.memory_space<vmem>>
      %dma_wait3A_375 = arith.constant 0 : i32
      %dma_wait3A_376 = tpu.memref_slice %arg2[%add3A_370, %dma_wait3A_375] : memref<2560x10000xf32, #tpu.memory_space<hbm>> -> memref<1x10000xf32, #tpu.memory_space<hbm>>
      %dma_wait3A_377 = tpu.memref_squeeze %dma_wait3A_376 : memref<1x10000xf32, #tpu.memory_space<hbm>> -> memref<10000xf32, #tpu.memory_space<hbm>>
      %dma_wait3A_378 = arith.constant 0 : i32
      %dma_wait3A_379 = tpu.memref_slice %arg10[%dma_wait3A_371, %dma_wait3A_378] : memref<4x10000xf32, #tpu.memory_space<vmem>> -> memref<1x10000xf32, #tpu.memory_space<vmem>>
      %dma_wait3A_380 = tpu.memref_squeeze %dma_wait3A_379 : memref<1x10000xf32, #tpu.memory_space<vmem>> -> memref<10000xf32, #tpu.memory_space<vmem>>
      %dma_wait3A_381 = arith.constant 0 : i32
      %dma_wait3A_382 = tpu.memref_slice %arg2[%add3A_370, %dma_wait3A_381] : memref<2560x10000xf32, #tpu.memory_space<hbm>> -> memref<1x10000xf32, #tpu.memory_space<hbm>>
      %dma_wait3A_383 = tpu.memref_squeeze %dma_wait3A_382 : memref<1x10000xf32, #tpu.memory_space<hbm>> -> memref<10000xf32, #tpu.memory_space<hbm>>
      tpu.wait_dma2 semaphore(%arg17 : memref<!tpu.dma_semaphore, #tpu.memory_space<semaphore_mem>>) src(%dma_wait3A_383 : memref<10000xf32, #tpu.memory_space<hbm>>) dst(%dma_wait3A_380 : memref<10000xf32, #tpu.memory_space<vmem>>)
      %broadcast_in_dim3A_384 = arith.constant 0.000000e+00 : f32
      %broadcast_in_dim3A_385 = vector.broadcast %broadcast_in_dim3A_384 : f32 to vector<16xf32>
      %scan3A_386 = arith.constant 0 : i32
      %scan3A_387 = arith.constant 125 : i32
      %scan3A_388 = arith.addi %scan3A_386, %scan3A_387 : i32
      %scan3A_389 = arith.constant 1 : i32
      %scan3A_390:10 = scf.for %scan3A_948 = %scan3A_386 to %scan3A_388 step %scan3A_389 iter_args(%scan3A_949 = %broadcast_in_dim3A_385, %scan3A_950 = %broadcast_in_dim3A_385, %scan3A_951 = %broadcast_in_dim3A_385, %scan3A_952 = %broadcast_in_dim3A_385, %scan3A_953 = %broadcast_in_dim3A_385, %scan3A_954 = %broadcast_in_dim3A_385, %scan3A_955 = %broadcast_in_dim3A_385, %scan3A_956 = %broadcast_in_dim3A_385, %scan3A_957 = %broadcast_in_dim3A_385, %scan3A_958 = %broadcast_in_dim3A_385) -> (vector<16xf32>, vector<16xf32>, vector<16xf32>, vector<16xf32>, vector<16xf32>, vector<16xf32>, vector<16xf32>, vector<16xf32>, vector<16xf32>, vector<16xf32>)  : i32 {
        %mul3A_959 = arith.constant 80 : i32
        %mul3A_960 = arith.muli %scan3A_948, %mul3A_959 : i32
        %add3A_961 = arith.constant 0 : i32
        %add3A_962 = arith.addi %mul3A_960, %add3A_961 : i32
        %get3A_963 = arith.constant 1 : i32
        %get3A_964 = arith.index_cast %get3A_963 : i32 to index
        %get3A_965 = arith.index_cast %add3A_962 : i32 to index
        %get3A_966 = tpu.vector_load %arg9[%get3A_964, %get3A_965] {strides = array<i32>} : memref<4x10000xf32, #tpu.memory_space<vmem>>, vector<1x16xf32>,
        %get3A_967 = vector.shape_cast %get3A_966 : vector<1x16xf32> to vector<16xf32>
        %mul3A_968 = arith.constant 7.69230747 : f32
        %mul3A_969 = vector.broadcast %mul3A_968 : f32 to vector<16xf32>
        %mul3A_970 = arith.mulf %get3A_967, %mul3A_969 : vector<16xf32>
        %exp3A = math.exp %mul3A_970 : vector<16xf32>
        %add3A_971 = arith.addf %scan3A_949, %exp3A : vector<16xf32>
        %get3A_972 = arith.constant 1 : i32
        %get3A_973 = arith.index_cast %get3A_972 : i32 to index
        %get3A_974 = arith.index_cast %add3A_962 : i32 to index
        %get3A_975 = tpu.vector_load %arg10[%get3A_973, %get3A_974] {strides = array<i32>} : memref<4x10000xf32, #tpu.memory_space<vmem>>, vector<1x16xf32>,
        %get3A_976 = vector.shape_cast %get3A_975 : vector<1x16xf32> to vector<16xf32>
        %mul3A_977 = arith.mulf %exp3A, %get3A_976 : vector<16xf32>
        %add3A_978 = arith.addf %scan3A_950, %mul3A_977 : vector<16xf32>
        %add3A_979 = arith.constant 16 : i32
        %add3A_980 = arith.addi %mul3A_960, %add3A_979 : i32
        %get3A_981 = arith.constant 1 : i32
        %get3A_982 = arith.index_cast %get3A_981 : i32 to index
        %get3A_983 = arith.index_cast %add3A_980 : i32 to index
        %get3A_984 = tpu.vector_load %arg9[%get3A_982, %get3A_983] {strides = array<i32>} : memref<4x10000xf32, #tpu.memory_space<vmem>>, vector<1x16xf32>,
        %get3A_985 = vector.shape_cast %get3A_984 : vector<1x16xf32> to vector<16xf32>
        %mul3A_986 = arith.constant 7.69230747 : f32
        %mul3A_987 = vector.broadcast %mul3A_986 : f32 to vector<16xf32>
        %mul3A_988 = arith.mulf %get3A_985, %mul3A_987 : vector<16xf32>
        %exp3A_989 = math.exp %mul3A_988 : vector<16xf32>
        %add3A_990 = arith.addf %scan3A_951, %exp3A_989 : vector<16xf32>
        %get3A_991 = arith.constant 1 : i32
        %get3A_992 = arith.index_cast %get3A_991 : i32 to index
        %get3A_993 = arith.index_cast %add3A_980 : i32 to index
        %get3A_994 = tpu.vector_load %arg10[%get3A_992, %get3A_993] {strides = array<i32>} : memref<4x10000xf32, #tpu.memory_space<vmem>>, vector<1x16xf32>,
        %get3A_995 = vector.shape_cast %get3A_994 : vector<1x16xf32> to vector<16xf32>
        %mul3A_996 = arith.mulf %exp3A_989, %get3A_995 : vector<16xf32>
        %add3A_997 = arith.addf %scan3A_952, %mul3A_996 : vector<16xf32>
        %add3A_998 = arith.constant 32 : i32
        %add3A_999 = arith.addi %mul3A_960, %add3A_998 : i32
        %get3A_1000 = arith.constant 1 : i32
        %get3A_1001 = arith.index_cast %get3A_1000 : i32 to index
        %get3A_1002 = arith.index_cast %add3A_999 : i32 to index
        %get3A_1003 = tpu.vector_load %arg9[%get3A_1001, %get3A_1002] {strides = array<i32>} : memref<4x10000xf32, #tpu.memory_space<vmem>>, vector<1x16xf32>,
        %get3A_1004 = vector.shape_cast %get3A_1003 : vector<1x16xf32> to vector<16xf32>
        %mul3A_1005 = arith.constant 7.69230747 : f32
        %mul3A_1006 = vector.broadcast %mul3A_1005 : f32 to vector<16xf32>
        %mul3A_1007 = arith.mulf %get3A_1004, %mul3A_1006 : vector<16xf32>
        %exp3A_1008 = math.exp %mul3A_1007 : vector<16xf32>
        %add3A_1009 = arith.addf %scan3A_953, %exp3A_1008 : vector<16xf32>
        %get3A_1010 = arith.constant 1 : i32
        %get3A_1011 = arith.index_cast %get3A_1010 : i32 to index
        %get3A_1012 = arith.index_cast %add3A_999 : i32 to index
        %get3A_1013 = tpu.vector_load %arg10[%get3A_1011, %get3A_1012] {strides = array<i32>} : memref<4x10000xf32, #tpu.memory_space<vmem>>, vector<1x16xf32>,
        %get3A_1014 = vector.shape_cast %get3A_1013 : vector<1x16xf32> to vector<16xf32>
        %mul3A_1015 = arith.mulf %exp3A_1008, %get3A_1014 : vector<16xf32>
        %add3A_1016 = arith.addf %scan3A_954, %mul3A_1015 : vector<16xf32>
        %add3A_1017 = arith.constant 48 : i32
        %add3A_1018 = arith.addi %mul3A_960, %add3A_1017 : i32
        %get3A_1019 = arith.constant 1 : i32
        %get3A_1020 = arith.index_cast %get3A_1019 : i32 to index
        %get3A_1021 = arith.index_cast %add3A_1018 : i32 to index
        %get3A_1022 = tpu.vector_load %arg9[%get3A_1020, %get3A_1021] {strides = array<i32>} : memref<4x10000xf32, #tpu.memory_space<vmem>>, vector<1x16xf32>,
        %get3A_1023 = vector.shape_cast %get3A_1022 : vector<1x16xf32> to vector<16xf32>
        %mul3A_1024 = arith.constant 7.69230747 : f32
        %mul3A_1025 = vector.broadcast %mul3A_1024 : f32 to vector<16xf32>
        %mul3A_1026 = arith.mulf %get3A_1023, %mul3A_1025 : vector<16xf32>
        %exp3A_1027 = math.exp %mul3A_1026 : vector<16xf32>
        %add3A_1028 = arith.addf %scan3A_955, %exp3A_1027 : vector<16xf32>
        %get3A_1029 = arith.constant 1 : i32
        %get3A_1030 = arith.index_cast %get3A_1029 : i32 to index
        %get3A_1031 = arith.index_cast %add3A_1018 : i32 to index
        %get3A_1032 = tpu.vector_load %arg10[%get3A_1030, %get3A_1031] {strides = array<i32>} : memref<4x10000xf32, #tpu.memory_space<vmem>>, vector<1x16xf32>,
        %get3A_1033 = vector.shape_cast %get3A_1032 : vector<1x16xf32> to vector<16xf32>
        %mul3A_1034 = arith.mulf %exp3A_1027, %get3A_1033 : vector<16xf32>
        %add3A_1035 = arith.addf %scan3A_956, %mul3A_1034 : vector<16xf32>
        %add3A_1036 = arith.constant 64 : i32
        %add3A_1037 = arith.addi %mul3A_960, %add3A_1036 : i32
        %get3A_1038 = arith.constant 1 : i32
        %get3A_1039 = arith.index_cast %get3A_1038 : i32 to index
        %get3A_1040 = arith.index_cast %add3A_1037 : i32 to index
        %get3A_1041 = tpu.vector_load %arg9[%get3A_1039, %get3A_1040] {strides = array<i32>} : memref<4x10000xf32, #tpu.memory_space<vmem>>, vector<1x16xf32>,
        %get3A_1042 = vector.shape_cast %get3A_1041 : vector<1x16xf32> to vector<16xf32>
        %mul3A_1043 = arith.constant 7.69230747 : f32
        %mul3A_1044 = vector.broadcast %mul3A_1043 : f32 to vector<16xf32>
        %mul3A_1045 = arith.mulf %get3A_1042, %mul3A_1044 : vector<16xf32>
        %exp3A_1046 = math.exp %mul3A_1045 : vector<16xf32>
        %add3A_1047 = arith.addf %scan3A_957, %exp3A_1046 : vector<16xf32>
        %get3A_1048 = arith.constant 1 : i32
        %get3A_1049 = arith.index_cast %get3A_1048 : i32 to index
        %get3A_1050 = arith.index_cast %add3A_1037 : i32 to index
        %get3A_1051 = tpu.vector_load %arg10[%get3A_1049, %get3A_1050] {strides = array<i32>} : memref<4x10000xf32, #tpu.memory_space<vmem>>, vector<1x16xf32>,
        %get3A_1052 = vector.shape_cast %get3A_1051 : vector<1x16xf32> to vector<16xf32>
        %mul3A_1053 = arith.mulf %exp3A_1046, %get3A_1052 : vector<16xf32>
        %add3A_1054 = arith.addf %scan3A_958, %mul3A_1053 : vector<16xf32>
        scf.yield %add3A_971, %add3A_978, %add3A_990, %add3A_997, %add3A_1009, %add3A_1016, %add3A_1028, %add3A_1035, %add3A_1047, %add3A_1054 : vector<16xf32>, vector<16xf32>, vector<16xf32>, vector<16xf32>, vector<16xf32>, vector<16xf32>, vector<16xf32>, vector<16xf32>, vector<16xf32>, vector<16xf32>
      }
      %scan3A_391 = arith.constant 125 : i32
      %add3A_392 = arith.addf %scan3A_390#0, %scan3A_390#2 : vector<16xf32>
      %add3A_393 = arith.addf %scan3A_390#1, %scan3A_390#3 : vector<16xf32>
      %add3A_394 = arith.addf %add3A_392, %scan3A_390#4 : vector<16xf32>
      %add3A_395 = arith.addf %add3A_393, %scan3A_390#5 : vector<16xf32>
      %add3A_396 = arith.addf %add3A_394, %scan3A_390#6 : vector<16xf32>
      %add3A_397 = arith.addf %add3A_395, %scan3A_390#7 : vector<16xf32>
      %add3A_398 = arith.addf %add3A_396, %scan3A_390#8 : vector<16xf32>
      %add3A_399 = arith.addf %add3A_397, %scan3A_390#9 : vector<16xf32>
      %iota3A_400 = tpu.iota {dimensions = array<i32: 0>} : vector<16xi32>
      %xor3A_401 = arith.constant 8 : i32
      %xor3A_402 = vector.broadcast %xor3A_401 : i32 to vector<16xi32>
      %xor3A_403 = arith.xori %iota3A_400, %xor3A_402 : vector<16xi32>
      %broadcast_in_dim3A_404 = vector.shape_cast %xor3A_403 : vector<16xi32> to vector<16x1xi32>
      %gather3A_405 = vector.shape_cast %broadcast_in_dim3A_404 : vector<16x1xi32> to vector<16xi32>
      %gather3A_406 = tpu.dynamic_gather %add3A_399[%gather3A_405] in [0] : vector<16xf32>, vector<16xi32> -> vector<16xf32>
      %add3A_407 = arith.addf %add3A_399, %gather3A_406 : vector<16xf32>
      %xor3A_408 = arith.constant 4 : i32
      %xor3A_409 = vector.broadcast %xor3A_408 : i32 to vector<16xi32>
      %xor3A_410 = arith.xori %iota3A_400, %xor3A_409 : vector<16xi32>
      %broadcast_in_dim3A_411 = vector.shape_cast %xor3A_410 : vector<16xi32> to vector<16x1xi32>
      %gather3A_412 = vector.shape_cast %broadcast_in_dim3A_411 : vector<16x1xi32> to vector<16xi32>
      %gather3A_413 = tpu.dynamic_gather %add3A_407[%gather3A_412] in [0] : vector<16xf32>, vector<16xi32> -> vector<16xf32>
      %add3A_414 = arith.addf %add3A_407, %gather3A_413 : vector<16xf32>
      %xor3A_415 = arith.constant 2 : i32
      %xor3A_416 = vector.broadcast %xor3A_415 : i32 to vector<16xi32>
      %xor3A_417 = arith.xori %iota3A_400, %xor3A_416 : vector<16xi32>
      %broadcast_in_dim3A_418 = vector.shape_cast %xor3A_417 : vector<16xi32> to vector<16x1xi32>
      %gather3A_419 = vector.shape_cast %broadcast_in_dim3A_418 : vector<16x1xi32> to vector<16xi32>
      %gather3A_420 = tpu.dynamic_gather %add3A_414[%gather3A_419] in [0] : vector<16xf32>, vector<16xi32> -> vector<16xf32>
      %add3A_421 = arith.addf %add3A_414, %gather3A_420 : vector<16xf32>
      %xor3A_422 = arith.constant 1 : i32
      %xor3A_423 = vector.broadcast %xor3A_422 : i32 to vector<16xi32>
      %xor3A_424 = arith.xori %iota3A_400, %xor3A_423 : vector<16xi32>
      %broadcast_in_dim3A_425 = vector.shape_cast %xor3A_424 : vector<16xi32> to vector<16x1xi32>
      %gather3A_426 = vector.shape_cast %broadcast_in_dim3A_425 : vector<16x1xi32> to vector<16xi32>
      %gather3A_427 = tpu.dynamic_gather %add3A_421[%gather3A_426] in [0] : vector<16xf32>, vector<16xi32> -> vector<16xf32>
      %add3A_428 = arith.addf %add3A_421, %gather3A_427 : vector<16xf32>
      %iota3A_429 = tpu.iota {dimensions = array<i32: 0>} : vector<16xi32>
      %xor3A_430 = arith.constant 8 : i32
      %xor3A_431 = vector.broadcast %xor3A_430 : i32 to vector<16xi32>
      %xor3A_432 = arith.xori %iota3A_429, %xor3A_431 : vector<16xi32>
      %broadcast_in_dim3A_433 = vector.shape_cast %xor3A_432 : vector<16xi32> to vector<16x1xi32>
      %gather3A_434 = vector.shape_cast %broadcast_in_dim3A_433 : vector<16x1xi32> to vector<16xi32>
      %gather3A_435 = tpu.dynamic_gather %add3A_398[%gather3A_434] in [0] : vector<16xf32>, vector<16xi32> -> vector<16xf32>
      %add3A_436 = arith.addf %add3A_398, %gather3A_435 : vector<16xf32>
      %xor3A_437 = arith.constant 4 : i32
      %xor3A_438 = vector.broadcast %xor3A_437 : i32 to vector<16xi32>
      %xor3A_439 = arith.xori %iota3A_429, %xor3A_438 : vector<16xi32>
      %broadcast_in_dim3A_440 = vector.shape_cast %xor3A_439 : vector<16xi32> to vector<16x1xi32>
      %gather3A_441 = vector.shape_cast %broadcast_in_dim3A_440 : vector<16x1xi32> to vector<16xi32>
      %gather3A_442 = tpu.dynamic_gather %add3A_436[%gather3A_441] in [0] : vector<16xf32>, vector<16xi32> -> vector<16xf32>
      %add3A_443 = arith.addf %add3A_436, %gather3A_442 : vector<16xf32>
      %xor3A_444 = arith.constant 2 : i32
      %xor3A_445 = vector.broadcast %xor3A_444 : i32 to vector<16xi32>
      %xor3A_446 = arith.xori %iota3A_429, %xor3A_445 : vector<16xi32>
      %broadcast_in_dim3A_447 = vector.shape_cast %xor3A_446 : vector<16xi32> to vector<16x1xi32>
      %gather3A_448 = vector.shape_cast %broadcast_in_dim3A_447 : vector<16x1xi32> to vector<16xi32>
      %gather3A_449 = tpu.dynamic_gather %add3A_443[%gather3A_448] in [0] : vector<16xf32>, vector<16xi32> -> vector<16xf32>
      %add3A_450 = arith.addf %add3A_443, %gather3A_449 : vector<16xf32>
      %xor3A_451 = arith.constant 1 : i32
      %xor3A_452 = vector.broadcast %xor3A_451 : i32 to vector<16xi32>
      %xor3A_453 = arith.xori %iota3A_429, %xor3A_452 : vector<16xi32>
      %broadcast_in_dim3A_454 = vector.shape_cast %xor3A_453 : vector<16xi32> to vector<16x1xi32>
      %gather3A_455 = vector.shape_cast %broadcast_in_dim3A_454 : vector<16x1xi32> to vector<16xi32>
      %gather3A_456 = tpu.dynamic_gather %add3A_450[%gather3A_455] in [0] : vector<16xf32>, vector<16xi32> -> vector<16xf32>
      %add3A_457 = arith.addf %add3A_450, %gather3A_456 : vector<16xf32>
      %div3A_458 = arith.divf %add3A_428, %add3A_457 : vector<16xf32>
      %get3A_459 = arith.index_cast %add3A_351 : i32 to index
      %get3A_460 = tpu.vector_load %arg7[%get3A_459] {strides = array<i32>} : memref<64xi32, #tpu.memory_space<vmem>>, vector<16xi32>,
      %get3A_461 = vector.shape_cast %get3A_460 : vector<16xi32> to vector<16xi32>
      %slice3A_462 = vector.extract_strided_slice %get3A_461 {offsets = [0], sizes = [1], strides = [1]} : vector<16xi32> to vector<1xi32>
      %squeeze3A_463 = vector.extract %slice3A_462[0] : i32 from vector<1xi32>
      %jit3A_464 = arith.constant 16 : i32
      %div3A_465 = arith.divsi %squeeze3A_463, %jit3A_464 : i32
      %sign3A_466 = arith.constant 0 : i32
      %sign3A_467 = arith.cmpi sgt, %squeeze3A_463, %sign3A_466 : i32
      %sign3A_468 = arith.extui %sign3A_467 : i1 to i32
      %sign3A_469 = arith.constant 0 : i32
      %sign3A_470 = arith.cmpi slt, %squeeze3A_463, %sign3A_469 : i32
      %sign3A_471 = arith.extui %sign3A_470 : i1 to i32
      %sign3A_472 = arith.subi %sign3A_468, %sign3A_471 : i32
      %sign3A_473 = arith.constant 0 : i32
      %sign3A_474 = arith.cmpi sgt, %jit3A_464, %sign3A_473 : i32
      %sign3A_475 = arith.extui %sign3A_474 : i1 to i32
      %sign3A_476 = arith.constant 0 : i32
      %sign3A_477 = arith.cmpi slt, %jit3A_464, %sign3A_476 : i32
      %sign3A_478 = arith.extui %sign3A_477 : i1 to i32
      %sign3A_479 = arith.subi %sign3A_475, %sign3A_478 : i32
      %ne3A_480 = arith.cmpi ne, %sign3A_472, %sign3A_479 : i32
      %rem3A_481 = arith.remsi %squeeze3A_463, %jit3A_464 : i32
      %ne3A_482 = arith.constant 0 : i32
      %ne3A_483 = arith.cmpi ne, %rem3A_481, %ne3A_482 : i32
      %and3A_484 = arith.andi %ne3A_480, %ne3A_483 : i1
      %sub3A_485 = arith.constant 1 : i32
      %sub3A_486 = arith.subi %div3A_465, %sub3A_485 : i32
      %select_n3A_487 = arith.select %and3A_484, %sub3A_486, %div3A_465 : i32
      %mul3A_488 = arith.constant 16 : i32
      %mul3A_489 = arith.muli %select_n3A_487, %mul3A_488 : i32
      %sub3A_490 = arith.subi %squeeze3A_463, %mul3A_489 : i32
      %eq3A_491 = vector.broadcast %sub3A_490 : i32 to vector<16xi32>
      %eq3A_492 = arith.cmpi eq, %iota3A, %eq3A_491 : vector<16xi32>
      %get3A_493 = arith.constant 1 : i32
      %get3A_494 = arith.index_cast %get3A_493 : i32 to index
      %get3A_495 = arith.index_cast %mul3A_489 : i32 to index
      %get3A_496 = tpu.vector_load %arg10[%get3A_494, %get3A_495] {strides = array<i32>} : memref<4x10000xf32, #tpu.memory_space<vmem>>, vector<1x16xf32>,
      %get3A_497 = vector.shape_cast %get3A_496 : vector<1x16xf32> to vector<16xf32>
      %jit3A_498 = arith.constant 0.000000e+00 : f32
      %broadcast_in_dim3A_499 = vector.broadcast %jit3A_498 : f32 to vector<16xf32>
      %select_n3A_500 = arith.select %eq3A_492, %get3A_497, %broadcast_in_dim3A_499 : vector<16xi1>, vector<16xf32>
      %iota3A_501 = tpu.iota {dimensions = array<i32: 0>} : vector<16xi32>
      %xor3A_502 = arith.constant 8 : i32
      %xor3A_503 = vector.broadcast %xor3A_502 : i32 to vector<16xi32>
      %xor3A_504 = arith.xori %iota3A_501, %xor3A_503 : vector<16xi32>
      %broadcast_in_dim3A_505 = vector.shape_cast %xor3A_504 : vector<16xi32> to vector<16x1xi32>
      %gather3A_506 = vector.shape_cast %broadcast_in_dim3A_505 : vector<16x1xi32> to vector<16xi32>
      %gather3A_507 = tpu.dynamic_gather %select_n3A_500[%gather3A_506] in [0] : vector<16xf32>, vector<16xi32> -> vector<16xf32>
      %add3A_508 = arith.addf %select_n3A_500, %gather3A_507 : vector<16xf32>
      %xor3A_509 = arith.constant 4 : i32
      %xor3A_510 = vector.broadcast %xor3A_509 : i32 to vector<16xi32>
      %xor3A_511 = arith.xori %iota3A_501, %xor3A_510 : vector<16xi32>
      %broadcast_in_dim3A_512 = vector.shape_cast %xor3A_511 : vector<16xi32> to vector<16x1xi32>
      %gather3A_513 = vector.shape_cast %broadcast_in_dim3A_512 : vector<16x1xi32> to vector<16xi32>
      %gather3A_514 = tpu.dynamic_gather %add3A_508[%gather3A_513] in [0] : vector<16xf32>, vector<16xi32> -> vector<16xf32>
      %add3A_515 = arith.addf %add3A_508, %gather3A_514 : vector<16xf32>
      %xor3A_516 = arith.constant 2 : i32
      %xor3A_517 = vector.broadcast %xor3A_516 : i32 to vector<16xi32>
      %xor3A_518 = arith.xori %iota3A_501, %xor3A_517 : vector<16xi32>
      %broadcast_in_dim3A_519 = vector.shape_cast %xor3A_518 : vector<16xi32> to vector<16x1xi32>
      %gather3A_520 = vector.shape_cast %broadcast_in_dim3A_519 : vector<16x1xi32> to vector<16xi32>
      %gather3A_521 = tpu.dynamic_gather %add3A_515[%gather3A_520] in [0] : vector<16xf32>, vector<16xi32> -> vector<16xf32>
      %add3A_522 = arith.addf %add3A_515, %gather3A_521 : vector<16xf32>
      %xor3A_523 = arith.constant 1 : i32
      %xor3A_524 = vector.broadcast %xor3A_523 : i32 to vector<16xi32>
      %xor3A_525 = arith.xori %iota3A_501, %xor3A_524 : vector<16xi32>
      %broadcast_in_dim3A_526 = vector.shape_cast %xor3A_525 : vector<16xi32> to vector<16x1xi32>
      %gather3A_527 = vector.shape_cast %broadcast_in_dim3A_526 : vector<16x1xi32> to vector<16xi32>
      %gather3A_528 = tpu.dynamic_gather %add3A_522[%gather3A_527] in [0] : vector<16xf32>, vector<16xi32> -> vector<16xf32>
      %add3A_529 = arith.addf %add3A_522, %gather3A_528 : vector<16xf32>
      %get3A_530 = arith.index_cast %add3A_351 : i32 to index
      %get3A_531 = tpu.vector_load %arg8[%get3A_530] {strides = array<i32>} : memref<64xf32, #tpu.memory_space<vmem>>, vector<16xf32>,
      %get3A_532 = vector.shape_cast %get3A_531 : vector<16xf32> to vector<16xf32>
      %slice3A_533 = vector.extract_strided_slice %get3A_532 {offsets = [0], sizes = [1], strides = [1]} : vector<16xf32> to vector<1xf32>
      %squeeze3A_534 = vector.extract %slice3A_533[0] : f32 from vector<1xf32>
      %broadcast_in_dim3A_535 = vector.broadcast %squeeze3A_534 : f32 to vector<16xf32>
      %mul3A_536 = arith.mulf %broadcast_in_dim3A_535, %div3A_458 : vector<16xf32>
      %add3A_537 = arith.addf %add3A_340, %mul3A_536 : vector<16xf32>
      %mul3A_538 = arith.mulf %broadcast_in_dim3A_535, %add3A_529 : vector<16xf32>
      %add3A_539 = arith.addf %add3A_342, %mul3A_538 : vector<16xf32>
      %add3A_540 = arith.addf %add3A_343, %broadcast_in_dim3A_535 : vector<16xf32>
      %add3A_541 = arith.constant 4 : i32
      %add3A_542 = arith.addi %add3A_351, %add3A_541 : i32
      %lt3A_543 = arith.constant 48 : i32
      %lt3A_544 = arith.cmpi slt, %add3A_542, %lt3A_543 : i32
      %convert_element_type3A_545 = arith.extui %lt3A_544 : i1 to i32
      %cond3A_546 = arith.constant 0 : i32
      %cond3A_547 = arith.cmpi ne, %convert_element_type3A_545, %cond3A_546 : i32
      scf.if %cond3A_547 {
        %add3A_948 = arith.constant 4 : i32
        %add3A_949 = arith.addi %add3A_351, %add3A_948 : i32
        %get3A_950 = arith.index_cast %add3A_949 : i32 to index
        %get3A_951 = tpu.vector_load %arg7[%get3A_950] {strides = array<i32>} : memref<64xi32, #tpu.memory_space<vmem>>, vector<16xi32>,
        %get3A_952 = vector.shape_cast %get3A_951 : vector<16xi32> to vector<16xi32>
        %slice3A_953 = vector.extract_strided_slice %get3A_952 {offsets = [0], sizes = [1], strides = [1]} : vector<16xi32> to vector<1xi32>
        %squeeze3A_954 = vector.extract %slice3A_953[0] : i32 from vector<1xi32>
        %dma_start3A_955 = arith.constant 1 : i32
        %dma_start3A_956 = arith.constant 0 : i32
        %dma_start3A_957 = tpu.memref_slice %arg9[%dma_start3A_955, %dma_start3A_956] : memref<4x10000xf32, #tpu.memory_space<vmem>> -> memref<1x10000xf32, #tpu.memory_space<vmem>>
        %dma_start3A_958 = tpu.memref_squeeze %dma_start3A_957 : memref<1x10000xf32, #tpu.memory_space<vmem>> -> memref<10000xf32, #tpu.memory_space<vmem>>
        %dma_start3A_959 = arith.constant 0 : i32
        %dma_start3A_960 = tpu.memref_slice %arg5[%squeeze3A_954, %dma_start3A_959] : memref<10000x10000xf32, #tpu.memory_space<hbm>> -> memref<1x10000xf32, #tpu.memory_space<hbm>>
        %dma_start3A_961 = tpu.memref_squeeze %dma_start3A_960 : memref<1x10000xf32, #tpu.memory_space<hbm>> -> memref<10000xf32, #tpu.memory_space<hbm>>
        %dma_start3A_962 = arith.constant 0 : i32
        %dma_start3A_963 = tpu.memref_slice %arg9[%dma_start3A_955, %dma_start3A_962] : memref<4x10000xf32, #tpu.memory_space<vmem>> -> memref<1x10000xf32, #tpu.memory_space<vmem>>
        %dma_start3A_964 = tpu.memref_squeeze %dma_start3A_963 : memref<1x10000xf32, #tpu.memory_space<vmem>> -> memref<10000xf32, #tpu.memory_space<vmem>>
        %dma_start3A_965 = arith.constant 0 : i32
        %dma_start3A_966 = tpu.memref_slice %arg5[%squeeze3A_954, %dma_start3A_965] : memref<10000x10000xf32, #tpu.memory_space<hbm>> -> memref<1x10000xf32, #tpu.memory_space<hbm>>
        %dma_start3A_967 = tpu.memref_squeeze %dma_start3A_966 : memref<1x10000xf32, #tpu.memory_space<hbm>> -> memref<10000xf32, #tpu.memory_space<hbm>>
        tpu.enqueue_dma source(%dma_start3A_967 : memref<10000xf32, #tpu.memory_space<hbm>>) target(%dma_start3A_964 : memref<10000xf32, #tpu.memory_space<vmem>>) target_semaphore(%arg13 : memref<!tpu.dma_semaphore, #tpu.memory_space<semaphore_mem>>)
        %add3A_968 = arith.constant 4 : i32
        %add3A_969 = arith.addi %add3A_351, %add3A_968 : i32
        %add3A_970 = arith.addi %mul3A_2, %add3A_969 : i32
        %dma_start3A_971 = arith.constant 1 : i32
        %dma_start3A_972 = arith.constant 0 : i32
        %dma_start3A_973 = tpu.memref_slice %arg10[%dma_start3A_971, %dma_start3A_972] : memref<4x10000xf32, #tpu.memory_space<vmem>> -> memref<1x10000xf32, #tpu.memory_space<vmem>>
        %dma_start3A_974 = tpu.memref_squeeze %dma_start3A_973 : memref<1x10000xf32, #tpu.memory_space<vmem>> -> memref<10000xf32, #tpu.memory_space<vmem>>
        %dma_start3A_975 = arith.constant 0 : i32
        %dma_start3A_976 = tpu.memref_slice %arg2[%add3A_970, %dma_start3A_975] : memref<2560x10000xf32, #tpu.memory_space<hbm>> -> memref<1x10000xf32, #tpu.memory_space<hbm>>
        %dma_start3A_977 = tpu.memref_squeeze %dma_start3A_976 : memref<1x10000xf32, #tpu.memory_space<hbm>> -> memref<10000xf32, #tpu.memory_space<hbm>>
        %dma_start3A_978 = arith.constant 0 : i32
        %dma_start3A_979 = tpu.memref_slice %arg10[%dma_start3A_971, %dma_start3A_978] : memref<4x10000xf32, #tpu.memory_space<vmem>> -> memref<1x10000xf32, #tpu.memory_space<vmem>>
        %dma_start3A_980 = tpu.memref_squeeze %dma_start3A_979 : memref<1x10000xf32, #tpu.memory_space<vmem>> -> memref<10000xf32, #tpu.memory_space<vmem>>
        %dma_start3A_981 = arith.constant 0 : i32
        %dma_start3A_982 = tpu.memref_slice %arg2[%add3A_970, %dma_start3A_981] : memref<2560x10000xf32, #tpu.memory_space<hbm>> -> memref<1x10000xf32, #tpu.memory_space<hbm>>
        %dma_start3A_983 = tpu.memref_squeeze %dma_start3A_982 : memref<1x10000xf32, #tpu.memory_space<hbm>> -> memref<10000xf32, #tpu.memory_space<hbm>>
        tpu.enqueue_dma source(%dma_start3A_983 : memref<10000xf32, #tpu.memory_space<hbm>>) target(%dma_start3A_980 : memref<10000xf32, #tpu.memory_space<vmem>>) target_semaphore(%arg17 : memref<!tpu.dma_semaphore, #tpu.memory_space<semaphore_mem>>)
      } else {
      }
      %mul3A_548 = arith.constant 4 : i32
      %mul3A_549 = arith.muli %scan3A_156, %mul3A_548 : i32
      %add3A_550 = arith.constant 2 : i32
      %add3A_551 = arith.addi %mul3A_549, %add3A_550 : i32
      %get3A_552 = arith.index_cast %add3A_551 : i32 to index
      %get3A_553 = tpu.vector_load %arg7[%get3A_552] {strides = array<i32>} : memref<64xi32, #tpu.memory_space<vmem>>, vector<16xi32>,
      %get3A_554 = vector.shape_cast %get3A_553 : vector<16xi32> to vector<16xi32>
      %slice3A_555 = vector.extract_strided_slice %get3A_554 {offsets = [0], sizes = [1], strides = [1]} : vector<16xi32> to vector<1xi32>
      %squeeze3A_556 = vector.extract %slice3A_555[0] : i32 from vector<1xi32>
      %dma_wait3A_557 = arith.constant 2 : i32
      %dma_wait3A_558 = arith.constant 0 : i32
      %dma_wait3A_559 = tpu.memref_slice %arg9[%dma_wait3A_557, %dma_wait3A_558] : memref<4x10000xf32, #tpu.memory_space<vmem>> -> memref<1x10000xf32, #tpu.memory_space<vmem>>
      %dma_wait3A_560 = tpu.memref_squeeze %dma_wait3A_559 : memref<1x10000xf32, #tpu.memory_space<vmem>> -> memref<10000xf32, #tpu.memory_space<vmem>>
      %dma_wait3A_561 = arith.constant 0 : i32
      %dma_wait3A_562 = tpu.memref_slice %arg5[%squeeze3A_556, %dma_wait3A_561] : memref<10000x10000xf32, #tpu.memory_space<hbm>> -> memref<1x10000xf32, #tpu.memory_space<hbm>>
      %dma_wait3A_563 = tpu.memref_squeeze %dma_wait3A_562 : memref<1x10000xf32, #tpu.memory_space<hbm>> -> memref<10000xf32, #tpu.memory_space<hbm>>
      %dma_wait3A_564 = arith.constant 0 : i32
      %dma_wait3A_565 = tpu.memref_slice %arg9[%dma_wait3A_557, %dma_wait3A_564] : memref<4x10000xf32, #tpu.memory_space<vmem>> -> memref<1x10000xf32, #tpu.memory_space<vmem>>
      %dma_wait3A_566 = tpu.memref_squeeze %dma_wait3A_565 : memref<1x10000xf32, #tpu.memory_space<vmem>> -> memref<10000xf32, #tpu.memory_space<vmem>>
      %dma_wait3A_567 = arith.constant 0 : i32
      %dma_wait3A_568 = tpu.memref_slice %arg5[%squeeze3A_556, %dma_wait3A_567] : memref<10000x10000xf32, #tpu.memory_space<hbm>> -> memref<1x10000xf32, #tpu.memory_space<hbm>>
      %dma_wait3A_569 = tpu.memref_squeeze %dma_wait3A_568 : memref<1x10000xf32, #tpu.memory_space<hbm>> -> memref<10000xf32, #tpu.memory_space<hbm>>
      tpu.wait_dma2 semaphore(%arg14 : memref<!tpu.dma_semaphore, #tpu.memory_space<semaphore_mem>>) src(%dma_wait3A_569 : memref<10000xf32, #tpu.memory_space<hbm>>) dst(%dma_wait3A_566 : memref<10000xf32, #tpu.memory_space<vmem>>)
      %add3A_570 = arith.addi %mul3A_2, %add3A_551 : i32
      %dma_wait3A_571 = arith.constant 2 : i32
      %dma_wait3A_572 = arith.constant 0 : i32
      %dma_wait3A_573 = tpu.memref_slice %arg10[%dma_wait3A_571, %dma_wait3A_572] : memref<4x10000xf32, #tpu.memory_space<vmem>> -> memref<1x10000xf32, #tpu.memory_space<vmem>>
      %dma_wait3A_574 = tpu.memref_squeeze %dma_wait3A_573 : memref<1x10000xf32, #tpu.memory_space<vmem>> -> memref<10000xf32, #tpu.memory_space<vmem>>
      %dma_wait3A_575 = arith.constant 0 : i32
      %dma_wait3A_576 = tpu.memref_slice %arg2[%add3A_570, %dma_wait3A_575] : memref<2560x10000xf32, #tpu.memory_space<hbm>> -> memref<1x10000xf32, #tpu.memory_space<hbm>>
      %dma_wait3A_577 = tpu.memref_squeeze %dma_wait3A_576 : memref<1x10000xf32, #tpu.memory_space<hbm>> -> memref<10000xf32, #tpu.memory_space<hbm>>
      %dma_wait3A_578 = arith.constant 0 : i32
      %dma_wait3A_579 = tpu.memref_slice %arg10[%dma_wait3A_571, %dma_wait3A_578] : memref<4x10000xf32, #tpu.memory_space<vmem>> -> memref<1x10000xf32, #tpu.memory_space<vmem>>
      %dma_wait3A_580 = tpu.memref_squeeze %dma_wait3A_579 : memref<1x10000xf32, #tpu.memory_space<vmem>> -> memref<10000xf32, #tpu.memory_space<vmem>>
      %dma_wait3A_581 = arith.constant 0 : i32
      %dma_wait3A_582 = tpu.memref_slice %arg2[%add3A_570, %dma_wait3A_581] : memref<2560x10000xf32, #tpu.memory_space<hbm>> -> memref<1x10000xf32, #tpu.memory_space<hbm>>
      %dma_wait3A_583 = tpu.memref_squeeze %dma_wait3A_582 : memref<1x10000xf32, #tpu.memory_space<hbm>> -> memref<10000xf32, #tpu.memory_space<hbm>>
      tpu.wait_dma2 semaphore(%arg18 : memref<!tpu.dma_semaphore, #tpu.memory_space<semaphore_mem>>) src(%dma_wait3A_583 : memref<10000xf32, #tpu.memory_space<hbm>>) dst(%dma_wait3A_580 : memref<10000xf32, #tpu.memory_space<vmem>>)
      %broadcast_in_dim3A_584 = arith.constant 0.000000e+00 : f32
      %broadcast_in_dim3A_585 = vector.broadcast %broadcast_in_dim3A_584 : f32 to vector<16xf32>
      %scan3A_586 = arith.constant 0 : i32
      %scan3A_587 = arith.constant 125 : i32
      %scan3A_588 = arith.addi %scan3A_586, %scan3A_587 : i32
      %scan3A_589 = arith.constant 1 : i32
      %scan3A_590:10 = scf.for %scan3A_948 = %scan3A_586 to %scan3A_588 step %scan3A_589 iter_args(%scan3A_949 = %broadcast_in_dim3A_585, %scan3A_950 = %broadcast_in_dim3A_585, %scan3A_951 = %broadcast_in_dim3A_585, %scan3A_952 = %broadcast_in_dim3A_585, %scan3A_953 = %broadcast_in_dim3A_585, %scan3A_954 = %broadcast_in_dim3A_585, %scan3A_955 = %broadcast_in_dim3A_585, %scan3A_956 = %broadcast_in_dim3A_585, %scan3A_957 = %broadcast_in_dim3A_585, %scan3A_958 = %broadcast_in_dim3A_585) -> (vector<16xf32>, vector<16xf32>, vector<16xf32>, vector<16xf32>, vector<16xf32>, vector<16xf32>, vector<16xf32>, vector<16xf32>, vector<16xf32>, vector<16xf32>)  : i32 {
        %mul3A_959 = arith.constant 80 : i32
        %mul3A_960 = arith.muli %scan3A_948, %mul3A_959 : i32
        %add3A_961 = arith.constant 0 : i32
        %add3A_962 = arith.addi %mul3A_960, %add3A_961 : i32
        %get3A_963 = arith.constant 2 : i32
        %get3A_964 = arith.index_cast %get3A_963 : i32 to index
        %get3A_965 = arith.index_cast %add3A_962 : i32 to index
        %get3A_966 = tpu.vector_load %arg9[%get3A_964, %get3A_965] {strides = array<i32>} : memref<4x10000xf32, #tpu.memory_space<vmem>>, vector<1x16xf32>,
        %get3A_967 = vector.shape_cast %get3A_966 : vector<1x16xf32> to vector<16xf32>
        %mul3A_968 = arith.constant 7.69230747 : f32
        %mul3A_969 = vector.broadcast %mul3A_968 : f32 to vector<16xf32>
        %mul3A_970 = arith.mulf %get3A_967, %mul3A_969 : vector<16xf32>
        %exp3A = math.exp %mul3A_970 : vector<16xf32>
        %add3A_971 = arith.addf %scan3A_949, %exp3A : vector<16xf32>
        %get3A_972 = arith.constant 2 : i32
        %get3A_973 = arith.index_cast %get3A_972 : i32 to index
        %get3A_974 = arith.index_cast %add3A_962 : i32 to index
        %get3A_975 = tpu.vector_load %arg10[%get3A_973, %get3A_974] {strides = array<i32>} : memref<4x10000xf32, #tpu.memory_space<vmem>>, vector<1x16xf32>,
        %get3A_976 = vector.shape_cast %get3A_975 : vector<1x16xf32> to vector<16xf32>
        %mul3A_977 = arith.mulf %exp3A, %get3A_976 : vector<16xf32>
        %add3A_978 = arith.addf %scan3A_950, %mul3A_977 : vector<16xf32>
        %add3A_979 = arith.constant 16 : i32
        %add3A_980 = arith.addi %mul3A_960, %add3A_979 : i32
        %get3A_981 = arith.constant 2 : i32
        %get3A_982 = arith.index_cast %get3A_981 : i32 to index
        %get3A_983 = arith.index_cast %add3A_980 : i32 to index
        %get3A_984 = tpu.vector_load %arg9[%get3A_982, %get3A_983] {strides = array<i32>} : memref<4x10000xf32, #tpu.memory_space<vmem>>, vector<1x16xf32>,
        %get3A_985 = vector.shape_cast %get3A_984 : vector<1x16xf32> to vector<16xf32>
        %mul3A_986 = arith.constant 7.69230747 : f32
        %mul3A_987 = vector.broadcast %mul3A_986 : f32 to vector<16xf32>
        %mul3A_988 = arith.mulf %get3A_985, %mul3A_987 : vector<16xf32>
        %exp3A_989 = math.exp %mul3A_988 : vector<16xf32>
        %add3A_990 = arith.addf %scan3A_951, %exp3A_989 : vector<16xf32>
        %get3A_991 = arith.constant 2 : i32
        %get3A_992 = arith.index_cast %get3A_991 : i32 to index
        %get3A_993 = arith.index_cast %add3A_980 : i32 to index
        %get3A_994 = tpu.vector_load %arg10[%get3A_992, %get3A_993] {strides = array<i32>} : memref<4x10000xf32, #tpu.memory_space<vmem>>, vector<1x16xf32>,
        %get3A_995 = vector.shape_cast %get3A_994 : vector<1x16xf32> to vector<16xf32>
        %mul3A_996 = arith.mulf %exp3A_989, %get3A_995 : vector<16xf32>
        %add3A_997 = arith.addf %scan3A_952, %mul3A_996 : vector<16xf32>
        %add3A_998 = arith.constant 32 : i32
        %add3A_999 = arith.addi %mul3A_960, %add3A_998 : i32
        %get3A_1000 = arith.constant 2 : i32
        %get3A_1001 = arith.index_cast %get3A_1000 : i32 to index
        %get3A_1002 = arith.index_cast %add3A_999 : i32 to index
        %get3A_1003 = tpu.vector_load %arg9[%get3A_1001, %get3A_1002] {strides = array<i32>} : memref<4x10000xf32, #tpu.memory_space<vmem>>, vector<1x16xf32>,
        %get3A_1004 = vector.shape_cast %get3A_1003 : vector<1x16xf32> to vector<16xf32>
        %mul3A_1005 = arith.constant 7.69230747 : f32
        %mul3A_1006 = vector.broadcast %mul3A_1005 : f32 to vector<16xf32>
        %mul3A_1007 = arith.mulf %get3A_1004, %mul3A_1006 : vector<16xf32>
        %exp3A_1008 = math.exp %mul3A_1007 : vector<16xf32>
        %add3A_1009 = arith.addf %scan3A_953, %exp3A_1008 : vector<16xf32>
        %get3A_1010 = arith.constant 2 : i32
        %get3A_1011 = arith.index_cast %get3A_1010 : i32 to index
        %get3A_1012 = arith.index_cast %add3A_999 : i32 to index
        %get3A_1013 = tpu.vector_load %arg10[%get3A_1011, %get3A_1012] {strides = array<i32>} : memref<4x10000xf32, #tpu.memory_space<vmem>>, vector<1x16xf32>,
        %get3A_1014 = vector.shape_cast %get3A_1013 : vector<1x16xf32> to vector<16xf32>
        %mul3A_1015 = arith.mulf %exp3A_1008, %get3A_1014 : vector<16xf32>
        %add3A_1016 = arith.addf %scan3A_954, %mul3A_1015 : vector<16xf32>
        %add3A_1017 = arith.constant 48 : i32
        %add3A_1018 = arith.addi %mul3A_960, %add3A_1017 : i32
        %get3A_1019 = arith.constant 2 : i32
        %get3A_1020 = arith.index_cast %get3A_1019 : i32 to index
        %get3A_1021 = arith.index_cast %add3A_1018 : i32 to index
        %get3A_1022 = tpu.vector_load %arg9[%get3A_1020, %get3A_1021] {strides = array<i32>} : memref<4x10000xf32, #tpu.memory_space<vmem>>, vector<1x16xf32>,
        %get3A_1023 = vector.shape_cast %get3A_1022 : vector<1x16xf32> to vector<16xf32>
        %mul3A_1024 = arith.constant 7.69230747 : f32
        %mul3A_1025 = vector.broadcast %mul3A_1024 : f32 to vector<16xf32>
        %mul3A_1026 = arith.mulf %get3A_1023, %mul3A_1025 : vector<16xf32>
        %exp3A_1027 = math.exp %mul3A_1026 : vector<16xf32>
        %add3A_1028 = arith.addf %scan3A_955, %exp3A_1027 : vector<16xf32>
        %get3A_1029 = arith.constant 2 : i32
        %get3A_1030 = arith.index_cast %get3A_1029 : i32 to index
        %get3A_1031 = arith.index_cast %add3A_1018 : i32 to index
        %get3A_1032 = tpu.vector_load %arg10[%get3A_1030, %get3A_1031] {strides = array<i32>} : memref<4x10000xf32, #tpu.memory_space<vmem>>, vector<1x16xf32>,
        %get3A_1033 = vector.shape_cast %get3A_1032 : vector<1x16xf32> to vector<16xf32>
        %mul3A_1034 = arith.mulf %exp3A_1027, %get3A_1033 : vector<16xf32>
        %add3A_1035 = arith.addf %scan3A_956, %mul3A_1034 : vector<16xf32>
        %add3A_1036 = arith.constant 64 : i32
        %add3A_1037 = arith.addi %mul3A_960, %add3A_1036 : i32
        %get3A_1038 = arith.constant 2 : i32
        %get3A_1039 = arith.index_cast %get3A_1038 : i32 to index
        %get3A_1040 = arith.index_cast %add3A_1037 : i32 to index
        %get3A_1041 = tpu.vector_load %arg9[%get3A_1039, %get3A_1040] {strides = array<i32>} : memref<4x10000xf32, #tpu.memory_space<vmem>>, vector<1x16xf32>,
        %get3A_1042 = vector.shape_cast %get3A_1041 : vector<1x16xf32> to vector<16xf32>
        %mul3A_1043 = arith.constant 7.69230747 : f32
        %mul3A_1044 = vector.broadcast %mul3A_1043 : f32 to vector<16xf32>
        %mul3A_1045 = arith.mulf %get3A_1042, %mul3A_1044 : vector<16xf32>
        %exp3A_1046 = math.exp %mul3A_1045 : vector<16xf32>
        %add3A_1047 = arith.addf %scan3A_957, %exp3A_1046 : vector<16xf32>
        %get3A_1048 = arith.constant 2 : i32
        %get3A_1049 = arith.index_cast %get3A_1048 : i32 to index
        %get3A_1050 = arith.index_cast %add3A_1037 : i32 to index
        %get3A_1051 = tpu.vector_load %arg10[%get3A_1049, %get3A_1050] {strides = array<i32>} : memref<4x10000xf32, #tpu.memory_space<vmem>>, vector<1x16xf32>,
        %get3A_1052 = vector.shape_cast %get3A_1051 : vector<1x16xf32> to vector<16xf32>
        %mul3A_1053 = arith.mulf %exp3A_1046, %get3A_1052 : vector<16xf32>
        %add3A_1054 = arith.addf %scan3A_958, %mul3A_1053 : vector<16xf32>
        scf.yield %add3A_971, %add3A_978, %add3A_990, %add3A_997, %add3A_1009, %add3A_1016, %add3A_1028, %add3A_1035, %add3A_1047, %add3A_1054 : vector<16xf32>, vector<16xf32>, vector<16xf32>, vector<16xf32>, vector<16xf32>, vector<16xf32>, vector<16xf32>, vector<16xf32>, vector<16xf32>, vector<16xf32>
      }
      %scan3A_591 = arith.constant 125 : i32
      %add3A_592 = arith.addf %scan3A_590#0, %scan3A_590#2 : vector<16xf32>
      %add3A_593 = arith.addf %scan3A_590#1, %scan3A_590#3 : vector<16xf32>
      %add3A_594 = arith.addf %add3A_592, %scan3A_590#4 : vector<16xf32>
      %add3A_595 = arith.addf %add3A_593, %scan3A_590#5 : vector<16xf32>
      %add3A_596 = arith.addf %add3A_594, %scan3A_590#6 : vector<16xf32>
      %add3A_597 = arith.addf %add3A_595, %scan3A_590#7 : vector<16xf32>
      %add3A_598 = arith.addf %add3A_596, %scan3A_590#8 : vector<16xf32>
      %add3A_599 = arith.addf %add3A_597, %scan3A_590#9 : vector<16xf32>
      %iota3A_600 = tpu.iota {dimensions = array<i32: 0>} : vector<16xi32>
      %xor3A_601 = arith.constant 8 : i32
      %xor3A_602 = vector.broadcast %xor3A_601 : i32 to vector<16xi32>
      %xor3A_603 = arith.xori %iota3A_600, %xor3A_602 : vector<16xi32>
      %broadcast_in_dim3A_604 = vector.shape_cast %xor3A_603 : vector<16xi32> to vector<16x1xi32>
      %gather3A_605 = vector.shape_cast %broadcast_in_dim3A_604 : vector<16x1xi32> to vector<16xi32>
      %gather3A_606 = tpu.dynamic_gather %add3A_599[%gather3A_605] in [0] : vector<16xf32>, vector<16xi32> -> vector<16xf32>
      %add3A_607 = arith.addf %add3A_599, %gather3A_606 : vector<16xf32>
      %xor3A_608 = arith.constant 4 : i32
      %xor3A_609 = vector.broadcast %xor3A_608 : i32 to vector<16xi32>
      %xor3A_610 = arith.xori %iota3A_600, %xor3A_609 : vector<16xi32>
      %broadcast_in_dim3A_611 = vector.shape_cast %xor3A_610 : vector<16xi32> to vector<16x1xi32>
      %gather3A_612 = vector.shape_cast %broadcast_in_dim3A_611 : vector<16x1xi32> to vector<16xi32>
      %gather3A_613 = tpu.dynamic_gather %add3A_607[%gather3A_612] in [0] : vector<16xf32>, vector<16xi32> -> vector<16xf32>
      %add3A_614 = arith.addf %add3A_607, %gather3A_613 : vector<16xf32>
      %xor3A_615 = arith.constant 2 : i32
      %xor3A_616 = vector.broadcast %xor3A_615 : i32 to vector<16xi32>
      %xor3A_617 = arith.xori %iota3A_600, %xor3A_616 : vector<16xi32>
      %broadcast_in_dim3A_618 = vector.shape_cast %xor3A_617 : vector<16xi32> to vector<16x1xi32>
      %gather3A_619 = vector.shape_cast %broadcast_in_dim3A_618 : vector<16x1xi32> to vector<16xi32>
      %gather3A_620 = tpu.dynamic_gather %add3A_614[%gather3A_619] in [0] : vector<16xf32>, vector<16xi32> -> vector<16xf32>
      %add3A_621 = arith.addf %add3A_614, %gather3A_620 : vector<16xf32>
      %xor3A_622 = arith.constant 1 : i32
      %xor3A_623 = vector.broadcast %xor3A_622 : i32 to vector<16xi32>
      %xor3A_624 = arith.xori %iota3A_600, %xor3A_623 : vector<16xi32>
      %broadcast_in_dim3A_625 = vector.shape_cast %xor3A_624 : vector<16xi32> to vector<16x1xi32>
      %gather3A_626 = vector.shape_cast %broadcast_in_dim3A_625 : vector<16x1xi32> to vector<16xi32>
      %gather3A_627 = tpu.dynamic_gather %add3A_621[%gather3A_626] in [0] : vector<16xf32>, vector<16xi32> -> vector<16xf32>
      %add3A_628 = arith.addf %add3A_621, %gather3A_627 : vector<16xf32>
      %iota3A_629 = tpu.iota {dimensions = array<i32: 0>} : vector<16xi32>
      %xor3A_630 = arith.constant 8 : i32
      %xor3A_631 = vector.broadcast %xor3A_630 : i32 to vector<16xi32>
      %xor3A_632 = arith.xori %iota3A_629, %xor3A_631 : vector<16xi32>
      %broadcast_in_dim3A_633 = vector.shape_cast %xor3A_632 : vector<16xi32> to vector<16x1xi32>
      %gather3A_634 = vector.shape_cast %broadcast_in_dim3A_633 : vector<16x1xi32> to vector<16xi32>
      %gather3A_635 = tpu.dynamic_gather %add3A_598[%gather3A_634] in [0] : vector<16xf32>, vector<16xi32> -> vector<16xf32>
      %add3A_636 = arith.addf %add3A_598, %gather3A_635 : vector<16xf32>
      %xor3A_637 = arith.constant 4 : i32
      %xor3A_638 = vector.broadcast %xor3A_637 : i32 to vector<16xi32>
      %xor3A_639 = arith.xori %iota3A_629, %xor3A_638 : vector<16xi32>
      %broadcast_in_dim3A_640 = vector.shape_cast %xor3A_639 : vector<16xi32> to vector<16x1xi32>
      %gather3A_641 = vector.shape_cast %broadcast_in_dim3A_640 : vector<16x1xi32> to vector<16xi32>
      %gather3A_642 = tpu.dynamic_gather %add3A_636[%gather3A_641] in [0] : vector<16xf32>, vector<16xi32> -> vector<16xf32>
      %add3A_643 = arith.addf %add3A_636, %gather3A_642 : vector<16xf32>
      %xor3A_644 = arith.constant 2 : i32
      %xor3A_645 = vector.broadcast %xor3A_644 : i32 to vector<16xi32>
      %xor3A_646 = arith.xori %iota3A_629, %xor3A_645 : vector<16xi32>
      %broadcast_in_dim3A_647 = vector.shape_cast %xor3A_646 : vector<16xi32> to vector<16x1xi32>
      %gather3A_648 = vector.shape_cast %broadcast_in_dim3A_647 : vector<16x1xi32> to vector<16xi32>
      %gather3A_649 = tpu.dynamic_gather %add3A_643[%gather3A_648] in [0] : vector<16xf32>, vector<16xi32> -> vector<16xf32>
      %add3A_650 = arith.addf %add3A_643, %gather3A_649 : vector<16xf32>
      %xor3A_651 = arith.constant 1 : i32
      %xor3A_652 = vector.broadcast %xor3A_651 : i32 to vector<16xi32>
      %xor3A_653 = arith.xori %iota3A_629, %xor3A_652 : vector<16xi32>
      %broadcast_in_dim3A_654 = vector.shape_cast %xor3A_653 : vector<16xi32> to vector<16x1xi32>
      %gather3A_655 = vector.shape_cast %broadcast_in_dim3A_654 : vector<16x1xi32> to vector<16xi32>
      %gather3A_656 = tpu.dynamic_gather %add3A_650[%gather3A_655] in [0] : vector<16xf32>, vector<16xi32> -> vector<16xf32>
      %add3A_657 = arith.addf %add3A_650, %gather3A_656 : vector<16xf32>
      %div3A_658 = arith.divf %add3A_628, %add3A_657 : vector<16xf32>
      %get3A_659 = arith.index_cast %add3A_551 : i32 to index
      %get3A_660 = tpu.vector_load %arg7[%get3A_659] {strides = array<i32>} : memref<64xi32, #tpu.memory_space<vmem>>, vector<16xi32>,
      %get3A_661 = vector.shape_cast %get3A_660 : vector<16xi32> to vector<16xi32>
      %slice3A_662 = vector.extract_strided_slice %get3A_661 {offsets = [0], sizes = [1], strides = [1]} : vector<16xi32> to vector<1xi32>
      %squeeze3A_663 = vector.extract %slice3A_662[0] : i32 from vector<1xi32>
      %jit3A_664 = arith.constant 16 : i32
      %div3A_665 = arith.divsi %squeeze3A_663, %jit3A_664 : i32
      %sign3A_666 = arith.constant 0 : i32
      %sign3A_667 = arith.cmpi sgt, %squeeze3A_663, %sign3A_666 : i32
      %sign3A_668 = arith.extui %sign3A_667 : i1 to i32
      %sign3A_669 = arith.constant 0 : i32
      %sign3A_670 = arith.cmpi slt, %squeeze3A_663, %sign3A_669 : i32
      %sign3A_671 = arith.extui %sign3A_670 : i1 to i32
      %sign3A_672 = arith.subi %sign3A_668, %sign3A_671 : i32
      %sign3A_673 = arith.constant 0 : i32
      %sign3A_674 = arith.cmpi sgt, %jit3A_664, %sign3A_673 : i32
      %sign3A_675 = arith.extui %sign3A_674 : i1 to i32
      %sign3A_676 = arith.constant 0 : i32
      %sign3A_677 = arith.cmpi slt, %jit3A_664, %sign3A_676 : i32
      %sign3A_678 = arith.extui %sign3A_677 : i1 to i32
      %sign3A_679 = arith.subi %sign3A_675, %sign3A_678 : i32
      %ne3A_680 = arith.cmpi ne, %sign3A_672, %sign3A_679 : i32
      %rem3A_681 = arith.remsi %squeeze3A_663, %jit3A_664 : i32
      %ne3A_682 = arith.constant 0 : i32
      %ne3A_683 = arith.cmpi ne, %rem3A_681, %ne3A_682 : i32
      %and3A_684 = arith.andi %ne3A_680, %ne3A_683 : i1
      %sub3A_685 = arith.constant 1 : i32
      %sub3A_686 = arith.subi %div3A_665, %sub3A_685 : i32
      %select_n3A_687 = arith.select %and3A_684, %sub3A_686, %div3A_665 : i32
      %mul3A_688 = arith.constant 16 : i32
      %mul3A_689 = arith.muli %select_n3A_687, %mul3A_688 : i32
      %sub3A_690 = arith.subi %squeeze3A_663, %mul3A_689 : i32
      %eq3A_691 = vector.broadcast %sub3A_690 : i32 to vector<16xi32>
      %eq3A_692 = arith.cmpi eq, %iota3A, %eq3A_691 : vector<16xi32>
      %get3A_693 = arith.constant 2 : i32
      %get3A_694 = arith.index_cast %get3A_693 : i32 to index
      %get3A_695 = arith.index_cast %mul3A_689 : i32 to index
      %get3A_696 = tpu.vector_load %arg10[%get3A_694, %get3A_695] {strides = array<i32>} : memref<4x10000xf32, #tpu.memory_space<vmem>>, vector<1x16xf32>,
      %get3A_697 = vector.shape_cast %get3A_696 : vector<1x16xf32> to vector<16xf32>
      %jit3A_698 = arith.constant 0.000000e+00 : f32
      %broadcast_in_dim3A_699 = vector.broadcast %jit3A_698 : f32 to vector<16xf32>
      %select_n3A_700 = arith.select %eq3A_692, %get3A_697, %broadcast_in_dim3A_699 : vector<16xi1>, vector<16xf32>
      %iota3A_701 = tpu.iota {dimensions = array<i32: 0>} : vector<16xi32>
      %xor3A_702 = arith.constant 8 : i32
      %xor3A_703 = vector.broadcast %xor3A_702 : i32 to vector<16xi32>
      %xor3A_704 = arith.xori %iota3A_701, %xor3A_703 : vector<16xi32>
      %broadcast_in_dim3A_705 = vector.shape_cast %xor3A_704 : vector<16xi32> to vector<16x1xi32>
      %gather3A_706 = vector.shape_cast %broadcast_in_dim3A_705 : vector<16x1xi32> to vector<16xi32>
      %gather3A_707 = tpu.dynamic_gather %select_n3A_700[%gather3A_706] in [0] : vector<16xf32>, vector<16xi32> -> vector<16xf32>
      %add3A_708 = arith.addf %select_n3A_700, %gather3A_707 : vector<16xf32>
      %xor3A_709 = arith.constant 4 : i32
      %xor3A_710 = vector.broadcast %xor3A_709 : i32 to vector<16xi32>
      %xor3A_711 = arith.xori %iota3A_701, %xor3A_710 : vector<16xi32>
      %broadcast_in_dim3A_712 = vector.shape_cast %xor3A_711 : vector<16xi32> to vector<16x1xi32>
      %gather3A_713 = vector.shape_cast %broadcast_in_dim3A_712 : vector<16x1xi32> to vector<16xi32>
      %gather3A_714 = tpu.dynamic_gather %add3A_708[%gather3A_713] in [0] : vector<16xf32>, vector<16xi32> -> vector<16xf32>
      %add3A_715 = arith.addf %add3A_708, %gather3A_714 : vector<16xf32>
      %xor3A_716 = arith.constant 2 : i32
      %xor3A_717 = vector.broadcast %xor3A_716 : i32 to vector<16xi32>
      %xor3A_718 = arith.xori %iota3A_701, %xor3A_717 : vector<16xi32>
      %broadcast_in_dim3A_719 = vector.shape_cast %xor3A_718 : vector<16xi32> to vector<16x1xi32>
      %gather3A_720 = vector.shape_cast %broadcast_in_dim3A_719 : vector<16x1xi32> to vector<16xi32>
      %gather3A_721 = tpu.dynamic_gather %add3A_715[%gather3A_720] in [0] : vector<16xf32>, vector<16xi32> -> vector<16xf32>
      %add3A_722 = arith.addf %add3A_715, %gather3A_721 : vector<16xf32>
      %xor3A_723 = arith.constant 1 : i32
      %xor3A_724 = vector.broadcast %xor3A_723 : i32 to vector<16xi32>
      %xor3A_725 = arith.xori %iota3A_701, %xor3A_724 : vector<16xi32>
      %broadcast_in_dim3A_726 = vector.shape_cast %xor3A_725 : vector<16xi32> to vector<16x1xi32>
      %gather3A_727 = vector.shape_cast %broadcast_in_dim3A_726 : vector<16x1xi32> to vector<16xi32>
      %gather3A_728 = tpu.dynamic_gather %add3A_722[%gather3A_727] in [0] : vector<16xf32>, vector<16xi32> -> vector<16xf32>
      %add3A_729 = arith.addf %add3A_722, %gather3A_728 : vector<16xf32>
      %get3A_730 = arith.index_cast %add3A_551 : i32 to index
      %get3A_731 = tpu.vector_load %arg8[%get3A_730] {strides = array<i32>} : memref<64xf32, #tpu.memory_space<vmem>>, vector<16xf32>,
      %get3A_732 = vector.shape_cast %get3A_731 : vector<16xf32> to vector<16xf32>
      %slice3A_733 = vector.extract_strided_slice %get3A_732 {offsets = [0], sizes = [1], strides = [1]} : vector<16xf32> to vector<1xf32>
      %squeeze3A_734 = vector.extract %slice3A_733[0] : f32 from vector<1xf32>
      %broadcast_in_dim3A_735 = vector.broadcast %squeeze3A_734 : f32 to vector<16xf32>
      %mul3A_736 = arith.mulf %broadcast_in_dim3A_735, %div3A_658 : vector<16xf32>
      %add3A_737 = arith.addf %add3A_537, %mul3A_736 : vector<16xf32>
      %mul3A_738 = arith.mulf %broadcast_in_dim3A_735, %add3A_729 : vector<16xf32>
      %add3A_739 = arith.addf %add3A_539, %mul3A_738 : vector<16xf32>
      %add3A_740 = arith.addf %add3A_540, %broadcast_in_dim3A_735 : vector<16xf32>
      %add3A_741 = arith.constant 4 : i32
      %add3A_742 = arith.addi %add3A_551, %add3A_741 : i32
      %lt3A_743 = arith.constant 48 : i32
      %lt3A_744 = arith.cmpi slt, %add3A_742, %lt3A_743 : i32
      %convert_element_type3A_745 = arith.extui %lt3A_744 : i1 to i32
      %cond3A_746 = arith.constant 0 : i32
      %cond3A_747 = arith.cmpi ne, %convert_element_type3A_745, %cond3A_746 : i32
      scf.if %cond3A_747 {
        %add3A_948 = arith.constant 4 : i32
        %add3A_949 = arith.addi %add3A_551, %add3A_948 : i32
        %get3A_950 = arith.index_cast %add3A_949 : i32 to index
        %get3A_951 = tpu.vector_load %arg7[%get3A_950] {strides = array<i32>} : memref<64xi32, #tpu.memory_space<vmem>>, vector<16xi32>,
        %get3A_952 = vector.shape_cast %get3A_951 : vector<16xi32> to vector<16xi32>
        %slice3A_953 = vector.extract_strided_slice %get3A_952 {offsets = [0], sizes = [1], strides = [1]} : vector<16xi32> to vector<1xi32>
        %squeeze3A_954 = vector.extract %slice3A_953[0] : i32 from vector<1xi32>
        %dma_start3A_955 = arith.constant 2 : i32
        %dma_start3A_956 = arith.constant 0 : i32
        %dma_start3A_957 = tpu.memref_slice %arg9[%dma_start3A_955, %dma_start3A_956] : memref<4x10000xf32, #tpu.memory_space<vmem>> -> memref<1x10000xf32, #tpu.memory_space<vmem>>
        %dma_start3A_958 = tpu.memref_squeeze %dma_start3A_957 : memref<1x10000xf32, #tpu.memory_space<vmem>> -> memref<10000xf32, #tpu.memory_space<vmem>>
        %dma_start3A_959 = arith.constant 0 : i32
        %dma_start3A_960 = tpu.memref_slice %arg5[%squeeze3A_954, %dma_start3A_959] : memref<10000x10000xf32, #tpu.memory_space<hbm>> -> memref<1x10000xf32, #tpu.memory_space<hbm>>
        %dma_start3A_961 = tpu.memref_squeeze %dma_start3A_960 : memref<1x10000xf32, #tpu.memory_space<hbm>> -> memref<10000xf32, #tpu.memory_space<hbm>>
        %dma_start3A_962 = arith.constant 0 : i32
        %dma_start3A_963 = tpu.memref_slice %arg9[%dma_start3A_955, %dma_start3A_962] : memref<4x10000xf32, #tpu.memory_space<vmem>> -> memref<1x10000xf32, #tpu.memory_space<vmem>>
        %dma_start3A_964 = tpu.memref_squeeze %dma_start3A_963 : memref<1x10000xf32, #tpu.memory_space<vmem>> -> memref<10000xf32, #tpu.memory_space<vmem>>
        %dma_start3A_965 = arith.constant 0 : i32
        %dma_start3A_966 = tpu.memref_slice %arg5[%squeeze3A_954, %dma_start3A_965] : memref<10000x10000xf32, #tpu.memory_space<hbm>> -> memref<1x10000xf32, #tpu.memory_space<hbm>>
        %dma_start3A_967 = tpu.memref_squeeze %dma_start3A_966 : memref<1x10000xf32, #tpu.memory_space<hbm>> -> memref<10000xf32, #tpu.memory_space<hbm>>
        tpu.enqueue_dma source(%dma_start3A_967 : memref<10000xf32, #tpu.memory_space<hbm>>) target(%dma_start3A_964 : memref<10000xf32, #tpu.memory_space<vmem>>) target_semaphore(%arg14 : memref<!tpu.dma_semaphore, #tpu.memory_space<semaphore_mem>>)
        %add3A_968 = arith.constant 4 : i32
        %add3A_969 = arith.addi %add3A_551, %add3A_968 : i32
        %add3A_970 = arith.addi %mul3A_2, %add3A_969 : i32
        %dma_start3A_971 = arith.constant 2 : i32
        %dma_start3A_972 = arith.constant 0 : i32
        %dma_start3A_973 = tpu.memref_slice %arg10[%dma_start3A_971, %dma_start3A_972] : memref<4x10000xf32, #tpu.memory_space<vmem>> -> memref<1x10000xf32, #tpu.memory_space<vmem>>
        %dma_start3A_974 = tpu.memref_squeeze %dma_start3A_973 : memref<1x10000xf32, #tpu.memory_space<vmem>> -> memref<10000xf32, #tpu.memory_space<vmem>>
        %dma_start3A_975 = arith.constant 0 : i32
        %dma_start3A_976 = tpu.memref_slice %arg2[%add3A_970, %dma_start3A_975] : memref<2560x10000xf32, #tpu.memory_space<hbm>> -> memref<1x10000xf32, #tpu.memory_space<hbm>>
        %dma_start3A_977 = tpu.memref_squeeze %dma_start3A_976 : memref<1x10000xf32, #tpu.memory_space<hbm>> -> memref<10000xf32, #tpu.memory_space<hbm>>
        %dma_start3A_978 = arith.constant 0 : i32
        %dma_start3A_979 = tpu.memref_slice %arg10[%dma_start3A_971, %dma_start3A_978] : memref<4x10000xf32, #tpu.memory_space<vmem>> -> memref<1x10000xf32, #tpu.memory_space<vmem>>
        %dma_start3A_980 = tpu.memref_squeeze %dma_start3A_979 : memref<1x10000xf32, #tpu.memory_space<vmem>> -> memref<10000xf32, #tpu.memory_space<vmem>>
        %dma_start3A_981 = arith.constant 0 : i32
        %dma_start3A_982 = tpu.memref_slice %arg2[%add3A_970, %dma_start3A_981] : memref<2560x10000xf32, #tpu.memory_space<hbm>> -> memref<1x10000xf32, #tpu.memory_space<hbm>>
        %dma_start3A_983 = tpu.memref_squeeze %dma_start3A_982 : memref<1x10000xf32, #tpu.memory_space<hbm>> -> memref<10000xf32, #tpu.memory_space<hbm>>
        tpu.enqueue_dma source(%dma_start3A_983 : memref<10000xf32, #tpu.memory_space<hbm>>) target(%dma_start3A_980 : memref<10000xf32, #tpu.memory_space<vmem>>) target_semaphore(%arg18 : memref<!tpu.dma_semaphore, #tpu.memory_space<semaphore_mem>>)
      } else {
      }
      %mul3A_748 = arith.constant 4 : i32
      %mul3A_749 = arith.muli %scan3A_156, %mul3A_748 : i32
      %add3A_750 = arith.constant 3 : i32
      %add3A_751 = arith.addi %mul3A_749, %add3A_750 : i32
      %get3A_752 = arith.index_cast %add3A_751 : i32 to index
      %get3A_753 = tpu.vector_load %arg7[%get3A_752] {strides = array<i32>} : memref<64xi32, #tpu.memory_space<vmem>>, vector<16xi32>,
      %get3A_754 = vector.shape_cast %get3A_753 : vector<16xi32> to vector<16xi32>
      %slice3A_755 = vector.extract_strided_slice %get3A_754 {offsets = [0], sizes = [1], strides = [1]} : vector<16xi32> to vector<1xi32>
      %squeeze3A_756 = vector.extract %slice3A_755[0] : i32 from vector<1xi32>
      %dma_wait3A_757 = arith.constant 3 : i32
      %dma_wait3A_758 = arith.constant 0 : i32
      %dma_wait3A_759 = tpu.memref_slice %arg9[%dma_wait3A_757, %dma_wait3A_758] : memref<4x10000xf32, #tpu.memory_space<vmem>> -> memref<1x10000xf32, #tpu.memory_space<vmem>>
      %dma_wait3A_760 = tpu.memref_squeeze %dma_wait3A_759 : memref<1x10000xf32, #tpu.memory_space<vmem>> -> memref<10000xf32, #tpu.memory_space<vmem>>
      %dma_wait3A_761 = arith.constant 0 : i32
      %dma_wait3A_762 = tpu.memref_slice %arg5[%squeeze3A_756, %dma_wait3A_761] : memref<10000x10000xf32, #tpu.memory_space<hbm>> -> memref<1x10000xf32, #tpu.memory_space<hbm>>
      %dma_wait3A_763 = tpu.memref_squeeze %dma_wait3A_762 : memref<1x10000xf32, #tpu.memory_space<hbm>> -> memref<10000xf32, #tpu.memory_space<hbm>>
      %dma_wait3A_764 = arith.constant 0 : i32
      %dma_wait3A_765 = tpu.memref_slice %arg9[%dma_wait3A_757, %dma_wait3A_764] : memref<4x10000xf32, #tpu.memory_space<vmem>> -> memref<1x10000xf32, #tpu.memory_space<vmem>>
      %dma_wait3A_766 = tpu.memref_squeeze %dma_wait3A_765 : memref<1x10000xf32, #tpu.memory_space<vmem>> -> memref<10000xf32, #tpu.memory_space<vmem>>
      %dma_wait3A_767 = arith.constant 0 : i32
      %dma_wait3A_768 = tpu.memref_slice %arg5[%squeeze3A_756, %dma_wait3A_767] : memref<10000x10000xf32, #tpu.memory_space<hbm>> -> memref<1x10000xf32, #tpu.memory_space<hbm>>
      %dma_wait3A_769 = tpu.memref_squeeze %dma_wait3A_768 : memref<1x10000xf32, #tpu.memory_space<hbm>> -> memref<10000xf32, #tpu.memory_space<hbm>>
      tpu.wait_dma2 semaphore(%arg15 : memref<!tpu.dma_semaphore, #tpu.memory_space<semaphore_mem>>) src(%dma_wait3A_769 : memref<10000xf32, #tpu.memory_space<hbm>>) dst(%dma_wait3A_766 : memref<10000xf32, #tpu.memory_space<vmem>>)
      %add3A_770 = arith.addi %mul3A_2, %add3A_751 : i32
      %dma_wait3A_771 = arith.constant 3 : i32
      %dma_wait3A_772 = arith.constant 0 : i32
      %dma_wait3A_773 = tpu.memref_slice %arg10[%dma_wait3A_771, %dma_wait3A_772] : memref<4x10000xf32, #tpu.memory_space<vmem>> -> memref<1x10000xf32, #tpu.memory_space<vmem>>
      %dma_wait3A_774 = tpu.memref_squeeze %dma_wait3A_773 : memref<1x10000xf32, #tpu.memory_space<vmem>> -> memref<10000xf32, #tpu.memory_space<vmem>>
      %dma_wait3A_775 = arith.constant 0 : i32
      %dma_wait3A_776 = tpu.memref_slice %arg2[%add3A_770, %dma_wait3A_775] : memref<2560x10000xf32, #tpu.memory_space<hbm>> -> memref<1x10000xf32, #tpu.memory_space<hbm>>
      %dma_wait3A_777 = tpu.memref_squeeze %dma_wait3A_776 : memref<1x10000xf32, #tpu.memory_space<hbm>> -> memref<10000xf32, #tpu.memory_space<hbm>>
      %dma_wait3A_778 = arith.constant 0 : i32
      %dma_wait3A_779 = tpu.memref_slice %arg10[%dma_wait3A_771, %dma_wait3A_778] : memref<4x10000xf32, #tpu.memory_space<vmem>> -> memref<1x10000xf32, #tpu.memory_space<vmem>>
      %dma_wait3A_780 = tpu.memref_squeeze %dma_wait3A_779 : memref<1x10000xf32, #tpu.memory_space<vmem>> -> memref<10000xf32, #tpu.memory_space<vmem>>
      %dma_wait3A_781 = arith.constant 0 : i32
      %dma_wait3A_782 = tpu.memref_slice %arg2[%add3A_770, %dma_wait3A_781] : memref<2560x10000xf32, #tpu.memory_space<hbm>> -> memref<1x10000xf32, #tpu.memory_space<hbm>>
      %dma_wait3A_783 = tpu.memref_squeeze %dma_wait3A_782 : memref<1x10000xf32, #tpu.memory_space<hbm>> -> memref<10000xf32, #tpu.memory_space<hbm>>
      tpu.wait_dma2 semaphore(%arg19 : memref<!tpu.dma_semaphore, #tpu.memory_space<semaphore_mem>>) src(%dma_wait3A_783 : memref<10000xf32, #tpu.memory_space<hbm>>) dst(%dma_wait3A_780 : memref<10000xf32, #tpu.memory_space<vmem>>)
      %broadcast_in_dim3A_784 = arith.constant 0.000000e+00 : f32
      %broadcast_in_dim3A_785 = vector.broadcast %broadcast_in_dim3A_784 : f32 to vector<16xf32>
      %scan3A_786 = arith.constant 0 : i32
      %scan3A_787 = arith.constant 125 : i32
      %scan3A_788 = arith.addi %scan3A_786, %scan3A_787 : i32
      %scan3A_789 = arith.constant 1 : i32
      %scan3A_790:10 = scf.for %scan3A_948 = %scan3A_786 to %scan3A_788 step %scan3A_789 iter_args(%scan3A_949 = %broadcast_in_dim3A_785, %scan3A_950 = %broadcast_in_dim3A_785, %scan3A_951 = %broadcast_in_dim3A_785, %scan3A_952 = %broadcast_in_dim3A_785, %scan3A_953 = %broadcast_in_dim3A_785, %scan3A_954 = %broadcast_in_dim3A_785, %scan3A_955 = %broadcast_in_dim3A_785, %scan3A_956 = %broadcast_in_dim3A_785, %scan3A_957 = %broadcast_in_dim3A_785, %scan3A_958 = %broadcast_in_dim3A_785) -> (vector<16xf32>, vector<16xf32>, vector<16xf32>, vector<16xf32>, vector<16xf32>, vector<16xf32>, vector<16xf32>, vector<16xf32>, vector<16xf32>, vector<16xf32>)  : i32 {
        %mul3A_959 = arith.constant 80 : i32
        %mul3A_960 = arith.muli %scan3A_948, %mul3A_959 : i32
        %add3A_961 = arith.constant 0 : i32
        %add3A_962 = arith.addi %mul3A_960, %add3A_961 : i32
        %get3A_963 = arith.constant 3 : i32
        %get3A_964 = arith.index_cast %get3A_963 : i32 to index
        %get3A_965 = arith.index_cast %add3A_962 : i32 to index
        %get3A_966 = tpu.vector_load %arg9[%get3A_964, %get3A_965] {strides = array<i32>} : memref<4x10000xf32, #tpu.memory_space<vmem>>, vector<1x16xf32>,
        %get3A_967 = vector.shape_cast %get3A_966 : vector<1x16xf32> to vector<16xf32>
        %mul3A_968 = arith.constant 7.69230747 : f32
        %mul3A_969 = vector.broadcast %mul3A_968 : f32 to vector<16xf32>
        %mul3A_970 = arith.mulf %get3A_967, %mul3A_969 : vector<16xf32>
        %exp3A = math.exp %mul3A_970 : vector<16xf32>
        %add3A_971 = arith.addf %scan3A_949, %exp3A : vector<16xf32>
        %get3A_972 = arith.constant 3 : i32
        %get3A_973 = arith.index_cast %get3A_972 : i32 to index
        %get3A_974 = arith.index_cast %add3A_962 : i32 to index
        %get3A_975 = tpu.vector_load %arg10[%get3A_973, %get3A_974] {strides = array<i32>} : memref<4x10000xf32, #tpu.memory_space<vmem>>, vector<1x16xf32>,
        %get3A_976 = vector.shape_cast %get3A_975 : vector<1x16xf32> to vector<16xf32>
        %mul3A_977 = arith.mulf %exp3A, %get3A_976 : vector<16xf32>
        %add3A_978 = arith.addf %scan3A_950, %mul3A_977 : vector<16xf32>
        %add3A_979 = arith.constant 16 : i32
        %add3A_980 = arith.addi %mul3A_960, %add3A_979 : i32
        %get3A_981 = arith.constant 3 : i32
        %get3A_982 = arith.index_cast %get3A_981 : i32 to index
        %get3A_983 = arith.index_cast %add3A_980 : i32 to index
        %get3A_984 = tpu.vector_load %arg9[%get3A_982, %get3A_983] {strides = array<i32>} : memref<4x10000xf32, #tpu.memory_space<vmem>>, vector<1x16xf32>,
        %get3A_985 = vector.shape_cast %get3A_984 : vector<1x16xf32> to vector<16xf32>
        %mul3A_986 = arith.constant 7.69230747 : f32
        %mul3A_987 = vector.broadcast %mul3A_986 : f32 to vector<16xf32>
        %mul3A_988 = arith.mulf %get3A_985, %mul3A_987 : vector<16xf32>
        %exp3A_989 = math.exp %mul3A_988 : vector<16xf32>
        %add3A_990 = arith.addf %scan3A_951, %exp3A_989 : vector<16xf32>
        %get3A_991 = arith.constant 3 : i32
        %get3A_992 = arith.index_cast %get3A_991 : i32 to index
        %get3A_993 = arith.index_cast %add3A_980 : i32 to index
        %get3A_994 = tpu.vector_load %arg10[%get3A_992, %get3A_993] {strides = array<i32>} : memref<4x10000xf32, #tpu.memory_space<vmem>>, vector<1x16xf32>,
        %get3A_995 = vector.shape_cast %get3A_994 : vector<1x16xf32> to vector<16xf32>
        %mul3A_996 = arith.mulf %exp3A_989, %get3A_995 : vector<16xf32>
        %add3A_997 = arith.addf %scan3A_952, %mul3A_996 : vector<16xf32>
        %add3A_998 = arith.constant 32 : i32
        %add3A_999 = arith.addi %mul3A_960, %add3A_998 : i32
        %get3A_1000 = arith.constant 3 : i32
        %get3A_1001 = arith.index_cast %get3A_1000 : i32 to index
        %get3A_1002 = arith.index_cast %add3A_999 : i32 to index
        %get3A_1003 = tpu.vector_load %arg9[%get3A_1001, %get3A_1002] {strides = array<i32>} : memref<4x10000xf32, #tpu.memory_space<vmem>>, vector<1x16xf32>,
        %get3A_1004 = vector.shape_cast %get3A_1003 : vector<1x16xf32> to vector<16xf32>
        %mul3A_1005 = arith.constant 7.69230747 : f32
        %mul3A_1006 = vector.broadcast %mul3A_1005 : f32 to vector<16xf32>
        %mul3A_1007 = arith.mulf %get3A_1004, %mul3A_1006 : vector<16xf32>
        %exp3A_1008 = math.exp %mul3A_1007 : vector<16xf32>
        %add3A_1009 = arith.addf %scan3A_953, %exp3A_1008 : vector<16xf32>
        %get3A_1010 = arith.constant 3 : i32
        %get3A_1011 = arith.index_cast %get3A_1010 : i32 to index
        %get3A_1012 = arith.index_cast %add3A_999 : i32 to index
        %get3A_1013 = tpu.vector_load %arg10[%get3A_1011, %get3A_1012] {strides = array<i32>} : memref<4x10000xf32, #tpu.memory_space<vmem>>, vector<1x16xf32>,
        %get3A_1014 = vector.shape_cast %get3A_1013 : vector<1x16xf32> to vector<16xf32>
        %mul3A_1015 = arith.mulf %exp3A_1008, %get3A_1014 : vector<16xf32>
        %add3A_1016 = arith.addf %scan3A_954, %mul3A_1015 : vector<16xf32>
        %add3A_1017 = arith.constant 48 : i32
        %add3A_1018 = arith.addi %mul3A_960, %add3A_1017 : i32
        %get3A_1019 = arith.constant 3 : i32
        %get3A_1020 = arith.index_cast %get3A_1019 : i32 to index
        %get3A_1021 = arith.index_cast %add3A_1018 : i32 to index
        %get3A_1022 = tpu.vector_load %arg9[%get3A_1020, %get3A_1021] {strides = array<i32>} : memref<4x10000xf32, #tpu.memory_space<vmem>>, vector<1x16xf32>,
        %get3A_1023 = vector.shape_cast %get3A_1022 : vector<1x16xf32> to vector<16xf32>
        %mul3A_1024 = arith.constant 7.69230747 : f32
        %mul3A_1025 = vector.broadcast %mul3A_1024 : f32 to vector<16xf32>
        %mul3A_1026 = arith.mulf %get3A_1023, %mul3A_1025 : vector<16xf32>
        %exp3A_1027 = math.exp %mul3A_1026 : vector<16xf32>
        %add3A_1028 = arith.addf %scan3A_955, %exp3A_1027 : vector<16xf32>
        %get3A_1029 = arith.constant 3 : i32
        %get3A_1030 = arith.index_cast %get3A_1029 : i32 to index
        %get3A_1031 = arith.index_cast %add3A_1018 : i32 to index
        %get3A_1032 = tpu.vector_load %arg10[%get3A_1030, %get3A_1031] {strides = array<i32>} : memref<4x10000xf32, #tpu.memory_space<vmem>>, vector<1x16xf32>,
        %get3A_1033 = vector.shape_cast %get3A_1032 : vector<1x16xf32> to vector<16xf32>
        %mul3A_1034 = arith.mulf %exp3A_1027, %get3A_1033 : vector<16xf32>
        %add3A_1035 = arith.addf %scan3A_956, %mul3A_1034 : vector<16xf32>
        %add3A_1036 = arith.constant 64 : i32
        %add3A_1037 = arith.addi %mul3A_960, %add3A_1036 : i32
        %get3A_1038 = arith.constant 3 : i32
        %get3A_1039 = arith.index_cast %get3A_1038 : i32 to index
        %get3A_1040 = arith.index_cast %add3A_1037 : i32 to index
        %get3A_1041 = tpu.vector_load %arg9[%get3A_1039, %get3A_1040] {strides = array<i32>} : memref<4x10000xf32, #tpu.memory_space<vmem>>, vector<1x16xf32>,
        %get3A_1042 = vector.shape_cast %get3A_1041 : vector<1x16xf32> to vector<16xf32>
        %mul3A_1043 = arith.constant 7.69230747 : f32
        %mul3A_1044 = vector.broadcast %mul3A_1043 : f32 to vector<16xf32>
        %mul3A_1045 = arith.mulf %get3A_1042, %mul3A_1044 : vector<16xf32>
        %exp3A_1046 = math.exp %mul3A_1045 : vector<16xf32>
        %add3A_1047 = arith.addf %scan3A_957, %exp3A_1046 : vector<16xf32>
        %get3A_1048 = arith.constant 3 : i32
        %get3A_1049 = arith.index_cast %get3A_1048 : i32 to index
        %get3A_1050 = arith.index_cast %add3A_1037 : i32 to index
        %get3A_1051 = tpu.vector_load %arg10[%get3A_1049, %get3A_1050] {strides = array<i32>} : memref<4x10000xf32, #tpu.memory_space<vmem>>, vector<1x16xf32>,
        %get3A_1052 = vector.shape_cast %get3A_1051 : vector<1x16xf32> to vector<16xf32>
        %mul3A_1053 = arith.mulf %exp3A_1046, %get3A_1052 : vector<16xf32>
        %add3A_1054 = arith.addf %scan3A_958, %mul3A_1053 : vector<16xf32>
        scf.yield %add3A_971, %add3A_978, %add3A_990, %add3A_997, %add3A_1009, %add3A_1016, %add3A_1028, %add3A_1035, %add3A_1047, %add3A_1054 : vector<16xf32>, vector<16xf32>, vector<16xf32>, vector<16xf32>, vector<16xf32>, vector<16xf32>, vector<16xf32>, vector<16xf32>, vector<16xf32>, vector<16xf32>
      }
      %scan3A_791 = arith.constant 125 : i32
      %add3A_792 = arith.addf %scan3A_790#0, %scan3A_790#2 : vector<16xf32>
      %add3A_793 = arith.addf %scan3A_790#1, %scan3A_790#3 : vector<16xf32>
      %add3A_794 = arith.addf %add3A_792, %scan3A_790#4 : vector<16xf32>
      %add3A_795 = arith.addf %add3A_793, %scan3A_790#5 : vector<16xf32>
      %add3A_796 = arith.addf %add3A_794, %scan3A_790#6 : vector<16xf32>
      %add3A_797 = arith.addf %add3A_795, %scan3A_790#7 : vector<16xf32>
      %add3A_798 = arith.addf %add3A_796, %scan3A_790#8 : vector<16xf32>
      %add3A_799 = arith.addf %add3A_797, %scan3A_790#9 : vector<16xf32>
      %iota3A_800 = tpu.iota {dimensions = array<i32: 0>} : vector<16xi32>
      %xor3A_801 = arith.constant 8 : i32
      %xor3A_802 = vector.broadcast %xor3A_801 : i32 to vector<16xi32>
      %xor3A_803 = arith.xori %iota3A_800, %xor3A_802 : vector<16xi32>
      %broadcast_in_dim3A_804 = vector.shape_cast %xor3A_803 : vector<16xi32> to vector<16x1xi32>
      %gather3A_805 = vector.shape_cast %broadcast_in_dim3A_804 : vector<16x1xi32> to vector<16xi32>
      %gather3A_806 = tpu.dynamic_gather %add3A_799[%gather3A_805] in [0] : vector<16xf32>, vector<16xi32> -> vector<16xf32>
      %add3A_807 = arith.addf %add3A_799, %gather3A_806 : vector<16xf32>
      %xor3A_808 = arith.constant 4 : i32
      %xor3A_809 = vector.broadcast %xor3A_808 : i32 to vector<16xi32>
      %xor3A_810 = arith.xori %iota3A_800, %xor3A_809 : vector<16xi32>
      %broadcast_in_dim3A_811 = vector.shape_cast %xor3A_810 : vector<16xi32> to vector<16x1xi32>
      %gather3A_812 = vector.shape_cast %broadcast_in_dim3A_811 : vector<16x1xi32> to vector<16xi32>
      %gather3A_813 = tpu.dynamic_gather %add3A_807[%gather3A_812] in [0] : vector<16xf32>, vector<16xi32> -> vector<16xf32>
      %add3A_814 = arith.addf %add3A_807, %gather3A_813 : vector<16xf32>
      %xor3A_815 = arith.constant 2 : i32
      %xor3A_816 = vector.broadcast %xor3A_815 : i32 to vector<16xi32>
      %xor3A_817 = arith.xori %iota3A_800, %xor3A_816 : vector<16xi32>
      %broadcast_in_dim3A_818 = vector.shape_cast %xor3A_817 : vector<16xi32> to vector<16x1xi32>
      %gather3A_819 = vector.shape_cast %broadcast_in_dim3A_818 : vector<16x1xi32> to vector<16xi32>
      %gather3A_820 = tpu.dynamic_gather %add3A_814[%gather3A_819] in [0] : vector<16xf32>, vector<16xi32> -> vector<16xf32>
      %add3A_821 = arith.addf %add3A_814, %gather3A_820 : vector<16xf32>
      %xor3A_822 = arith.constant 1 : i32
      %xor3A_823 = vector.broadcast %xor3A_822 : i32 to vector<16xi32>
      %xor3A_824 = arith.xori %iota3A_800, %xor3A_823 : vector<16xi32>
      %broadcast_in_dim3A_825 = vector.shape_cast %xor3A_824 : vector<16xi32> to vector<16x1xi32>
      %gather3A_826 = vector.shape_cast %broadcast_in_dim3A_825 : vector<16x1xi32> to vector<16xi32>
      %gather3A_827 = tpu.dynamic_gather %add3A_821[%gather3A_826] in [0] : vector<16xf32>, vector<16xi32> -> vector<16xf32>
      %add3A_828 = arith.addf %add3A_821, %gather3A_827 : vector<16xf32>
      %iota3A_829 = tpu.iota {dimensions = array<i32: 0>} : vector<16xi32>
      %xor3A_830 = arith.constant 8 : i32
      %xor3A_831 = vector.broadcast %xor3A_830 : i32 to vector<16xi32>
      %xor3A_832 = arith.xori %iota3A_829, %xor3A_831 : vector<16xi32>
      %broadcast_in_dim3A_833 = vector.shape_cast %xor3A_832 : vector<16xi32> to vector<16x1xi32>
      %gather3A_834 = vector.shape_cast %broadcast_in_dim3A_833 : vector<16x1xi32> to vector<16xi32>
      %gather3A_835 = tpu.dynamic_gather %add3A_798[%gather3A_834] in [0] : vector<16xf32>, vector<16xi32> -> vector<16xf32>
      %add3A_836 = arith.addf %add3A_798, %gather3A_835 : vector<16xf32>
      %xor3A_837 = arith.constant 4 : i32
      %xor3A_838 = vector.broadcast %xor3A_837 : i32 to vector<16xi32>
      %xor3A_839 = arith.xori %iota3A_829, %xor3A_838 : vector<16xi32>
      %broadcast_in_dim3A_840 = vector.shape_cast %xor3A_839 : vector<16xi32> to vector<16x1xi32>
      %gather3A_841 = vector.shape_cast %broadcast_in_dim3A_840 : vector<16x1xi32> to vector<16xi32>
      %gather3A_842 = tpu.dynamic_gather %add3A_836[%gather3A_841] in [0] : vector<16xf32>, vector<16xi32> -> vector<16xf32>
      %add3A_843 = arith.addf %add3A_836, %gather3A_842 : vector<16xf32>
      %xor3A_844 = arith.constant 2 : i32
      %xor3A_845 = vector.broadcast %xor3A_844 : i32 to vector<16xi32>
      %xor3A_846 = arith.xori %iota3A_829, %xor3A_845 : vector<16xi32>
      %broadcast_in_dim3A_847 = vector.shape_cast %xor3A_846 : vector<16xi32> to vector<16x1xi32>
      %gather3A_848 = vector.shape_cast %broadcast_in_dim3A_847 : vector<16x1xi32> to vector<16xi32>
      %gather3A_849 = tpu.dynamic_gather %add3A_843[%gather3A_848] in [0] : vector<16xf32>, vector<16xi32> -> vector<16xf32>
      %add3A_850 = arith.addf %add3A_843, %gather3A_849 : vector<16xf32>
      %xor3A_851 = arith.constant 1 : i32
      %xor3A_852 = vector.broadcast %xor3A_851 : i32 to vector<16xi32>
      %xor3A_853 = arith.xori %iota3A_829, %xor3A_852 : vector<16xi32>
      %broadcast_in_dim3A_854 = vector.shape_cast %xor3A_853 : vector<16xi32> to vector<16x1xi32>
      %gather3A_855 = vector.shape_cast %broadcast_in_dim3A_854 : vector<16x1xi32> to vector<16xi32>
      %gather3A_856 = tpu.dynamic_gather %add3A_850[%gather3A_855] in [0] : vector<16xf32>, vector<16xi32> -> vector<16xf32>
      %add3A_857 = arith.addf %add3A_850, %gather3A_856 : vector<16xf32>
      %div3A_858 = arith.divf %add3A_828, %add3A_857 : vector<16xf32>
      %get3A_859 = arith.index_cast %add3A_751 : i32 to index
      %get3A_860 = tpu.vector_load %arg7[%get3A_859] {strides = array<i32>} : memref<64xi32, #tpu.memory_space<vmem>>, vector<16xi32>,
      %get3A_861 = vector.shape_cast %get3A_860 : vector<16xi32> to vector<16xi32>
      %slice3A_862 = vector.extract_strided_slice %get3A_861 {offsets = [0], sizes = [1], strides = [1]} : vector<16xi32> to vector<1xi32>
      %squeeze3A_863 = vector.extract %slice3A_862[0] : i32 from vector<1xi32>
      %jit3A_864 = arith.constant 16 : i32
      %div3A_865 = arith.divsi %squeeze3A_863, %jit3A_864 : i32
      %sign3A_866 = arith.constant 0 : i32
      %sign3A_867 = arith.cmpi sgt, %squeeze3A_863, %sign3A_866 : i32
      %sign3A_868 = arith.extui %sign3A_867 : i1 to i32
      %sign3A_869 = arith.constant 0 : i32
      %sign3A_870 = arith.cmpi slt, %squeeze3A_863, %sign3A_869 : i32
      %sign3A_871 = arith.extui %sign3A_870 : i1 to i32
      %sign3A_872 = arith.subi %sign3A_868, %sign3A_871 : i32
      %sign3A_873 = arith.constant 0 : i32
      %sign3A_874 = arith.cmpi sgt, %jit3A_864, %sign3A_873 : i32
      %sign3A_875 = arith.extui %sign3A_874 : i1 to i32
      %sign3A_876 = arith.constant 0 : i32
      %sign3A_877 = arith.cmpi slt, %jit3A_864, %sign3A_876 : i32
      %sign3A_878 = arith.extui %sign3A_877 : i1 to i32
      %sign3A_879 = arith.subi %sign3A_875, %sign3A_878 : i32
      %ne3A_880 = arith.cmpi ne, %sign3A_872, %sign3A_879 : i32
      %rem3A_881 = arith.remsi %squeeze3A_863, %jit3A_864 : i32
      %ne3A_882 = arith.constant 0 : i32
      %ne3A_883 = arith.cmpi ne, %rem3A_881, %ne3A_882 : i32
      %and3A_884 = arith.andi %ne3A_880, %ne3A_883 : i1
      %sub3A_885 = arith.constant 1 : i32
      %sub3A_886 = arith.subi %div3A_865, %sub3A_885 : i32
      %select_n3A_887 = arith.select %and3A_884, %sub3A_886, %div3A_865 : i32
      %mul3A_888 = arith.constant 16 : i32
      %mul3A_889 = arith.muli %select_n3A_887, %mul3A_888 : i32
      %sub3A_890 = arith.subi %squeeze3A_863, %mul3A_889 : i32
      %eq3A_891 = vector.broadcast %sub3A_890 : i32 to vector<16xi32>
      %eq3A_892 = arith.cmpi eq, %iota3A, %eq3A_891 : vector<16xi32>
      %get3A_893 = arith.constant 3 : i32
      %get3A_894 = arith.index_cast %get3A_893 : i32 to index
      %get3A_895 = arith.index_cast %mul3A_889 : i32 to index
      %get3A_896 = tpu.vector_load %arg10[%get3A_894, %get3A_895] {strides = array<i32>} : memref<4x10000xf32, #tpu.memory_space<vmem>>, vector<1x16xf32>,
      %get3A_897 = vector.shape_cast %get3A_896 : vector<1x16xf32> to vector<16xf32>
      %jit3A_898 = arith.constant 0.000000e+00 : f32
      %broadcast_in_dim3A_899 = vector.broadcast %jit3A_898 : f32 to vector<16xf32>
      %select_n3A_900 = arith.select %eq3A_892, %get3A_897, %broadcast_in_dim3A_899 : vector<16xi1>, vector<16xf32>
      %iota3A_901 = tpu.iota {dimensions = array<i32: 0>} : vector<16xi32>
      %xor3A_902 = arith.constant 8 : i32
      %xor3A_903 = vector.broadcast %xor3A_902 : i32 to vector<16xi32>
      %xor3A_904 = arith.xori %iota3A_901, %xor3A_903 : vector<16xi32>
      %broadcast_in_dim3A_905 = vector.shape_cast %xor3A_904 : vector<16xi32> to vector<16x1xi32>
      %gather3A_906 = vector.shape_cast %broadcast_in_dim3A_905 : vector<16x1xi32> to vector<16xi32>
      %gather3A_907 = tpu.dynamic_gather %select_n3A_900[%gather3A_906] in [0] : vector<16xf32>, vector<16xi32> -> vector<16xf32>
      %add3A_908 = arith.addf %select_n3A_900, %gather3A_907 : vector<16xf32>
      %xor3A_909 = arith.constant 4 : i32
      %xor3A_910 = vector.broadcast %xor3A_909 : i32 to vector<16xi32>
      %xor3A_911 = arith.xori %iota3A_901, %xor3A_910 : vector<16xi32>
      %broadcast_in_dim3A_912 = vector.shape_cast %xor3A_911 : vector<16xi32> to vector<16x1xi32>
      %gather3A_913 = vector.shape_cast %broadcast_in_dim3A_912 : vector<16x1xi32> to vector<16xi32>
      %gather3A_914 = tpu.dynamic_gather %add3A_908[%gather3A_913] in [0] : vector<16xf32>, vector<16xi32> -> vector<16xf32>
      %add3A_915 = arith.addf %add3A_908, %gather3A_914 : vector<16xf32>
      %xor3A_916 = arith.constant 2 : i32
      %xor3A_917 = vector.broadcast %xor3A_916 : i32 to vector<16xi32>
      %xor3A_918 = arith.xori %iota3A_901, %xor3A_917 : vector<16xi32>
      %broadcast_in_dim3A_919 = vector.shape_cast %xor3A_918 : vector<16xi32> to vector<16x1xi32>
      %gather3A_920 = vector.shape_cast %broadcast_in_dim3A_919 : vector<16x1xi32> to vector<16xi32>
      %gather3A_921 = tpu.dynamic_gather %add3A_915[%gather3A_920] in [0] : vector<16xf32>, vector<16xi32> -> vector<16xf32>
      %add3A_922 = arith.addf %add3A_915, %gather3A_921 : vector<16xf32>
      %xor3A_923 = arith.constant 1 : i32
      %xor3A_924 = vector.broadcast %xor3A_923 : i32 to vector<16xi32>
      %xor3A_925 = arith.xori %iota3A_901, %xor3A_924 : vector<16xi32>
      %broadcast_in_dim3A_926 = vector.shape_cast %xor3A_925 : vector<16xi32> to vector<16x1xi32>
      %gather3A_927 = vector.shape_cast %broadcast_in_dim3A_926 : vector<16x1xi32> to vector<16xi32>
      %gather3A_928 = tpu.dynamic_gather %add3A_922[%gather3A_927] in [0] : vector<16xf32>, vector<16xi32> -> vector<16xf32>
      %add3A_929 = arith.addf %add3A_922, %gather3A_928 : vector<16xf32>
      %get3A_930 = arith.index_cast %add3A_751 : i32 to index
      %get3A_931 = tpu.vector_load %arg8[%get3A_930] {strides = array<i32>} : memref<64xf32, #tpu.memory_space<vmem>>, vector<16xf32>,
      %get3A_932 = vector.shape_cast %get3A_931 : vector<16xf32> to vector<16xf32>
      %slice3A_933 = vector.extract_strided_slice %get3A_932 {offsets = [0], sizes = [1], strides = [1]} : vector<16xf32> to vector<1xf32>
      %squeeze3A_934 = vector.extract %slice3A_933[0] : f32 from vector<1xf32>
      %broadcast_in_dim3A_935 = vector.broadcast %squeeze3A_934 : f32 to vector<16xf32>
      %mul3A_936 = arith.mulf %broadcast_in_dim3A_935, %div3A_858 : vector<16xf32>
      %add3A_937 = arith.addf %add3A_737, %mul3A_936 : vector<16xf32>
      %mul3A_938 = arith.mulf %broadcast_in_dim3A_935, %add3A_929 : vector<16xf32>
      %add3A_939 = arith.addf %add3A_739, %mul3A_938 : vector<16xf32>
      %add3A_940 = arith.addf %add3A_740, %broadcast_in_dim3A_935 : vector<16xf32>
      %add3A_941 = arith.constant 4 : i32
      %add3A_942 = arith.addi %add3A_751, %add3A_941 : i32
      %lt3A_943 = arith.constant 48 : i32
      %lt3A_944 = arith.cmpi slt, %add3A_942, %lt3A_943 : i32
      %convert_element_type3A_945 = arith.extui %lt3A_944 : i1 to i32
      %cond3A_946 = arith.constant 0 : i32
      %cond3A_947 = arith.cmpi ne, %convert_element_type3A_945, %cond3A_946 : i32
      scf.if %cond3A_947 {
        %add3A_948 = arith.constant 4 : i32
        %add3A_949 = arith.addi %add3A_751, %add3A_948 : i32
        %get3A_950 = arith.index_cast %add3A_949 : i32 to index
        %get3A_951 = tpu.vector_load %arg7[%get3A_950] {strides = array<i32>} : memref<64xi32, #tpu.memory_space<vmem>>, vector<16xi32>,
        %get3A_952 = vector.shape_cast %get3A_951 : vector<16xi32> to vector<16xi32>
        %slice3A_953 = vector.extract_strided_slice %get3A_952 {offsets = [0], sizes = [1], strides = [1]} : vector<16xi32> to vector<1xi32>
        %squeeze3A_954 = vector.extract %slice3A_953[0] : i32 from vector<1xi32>
        %dma_start3A_955 = arith.constant 3 : i32
        %dma_start3A_956 = arith.constant 0 : i32
        %dma_start3A_957 = tpu.memref_slice %arg9[%dma_start3A_955, %dma_start3A_956] : memref<4x10000xf32, #tpu.memory_space<vmem>> -> memref<1x10000xf32, #tpu.memory_space<vmem>>
        %dma_start3A_958 = tpu.memref_squeeze %dma_start3A_957 : memref<1x10000xf32, #tpu.memory_space<vmem>> -> memref<10000xf32, #tpu.memory_space<vmem>>
        %dma_start3A_959 = arith.constant 0 : i32
        %dma_start3A_960 = tpu.memref_slice %arg5[%squeeze3A_954, %dma_start3A_959] : memref<10000x10000xf32, #tpu.memory_space<hbm>> -> memref<1x10000xf32, #tpu.memory_space<hbm>>
        %dma_start3A_961 = tpu.memref_squeeze %dma_start3A_960 : memref<1x10000xf32, #tpu.memory_space<hbm>> -> memref<10000xf32, #tpu.memory_space<hbm>>
        %dma_start3A_962 = arith.constant 0 : i32
        %dma_start3A_963 = tpu.memref_slice %arg9[%dma_start3A_955, %dma_start3A_962] : memref<4x10000xf32, #tpu.memory_space<vmem>> -> memref<1x10000xf32, #tpu.memory_space<vmem>>
        %dma_start3A_964 = tpu.memref_squeeze %dma_start3A_963 : memref<1x10000xf32, #tpu.memory_space<vmem>> -> memref<10000xf32, #tpu.memory_space<vmem>>
        %dma_start3A_965 = arith.constant 0 : i32
        %dma_start3A_966 = tpu.memref_slice %arg5[%squeeze3A_954, %dma_start3A_965] : memref<10000x10000xf32, #tpu.memory_space<hbm>> -> memref<1x10000xf32, #tpu.memory_space<hbm>>
        %dma_start3A_967 = tpu.memref_squeeze %dma_start3A_966 : memref<1x10000xf32, #tpu.memory_space<hbm>> -> memref<10000xf32, #tpu.memory_space<hbm>>
        tpu.enqueue_dma source(%dma_start3A_967 : memref<10000xf32, #tpu.memory_space<hbm>>) target(%dma_start3A_964 : memref<10000xf32, #tpu.memory_space<vmem>>) target_semaphore(%arg15 : memref<!tpu.dma_semaphore, #tpu.memory_space<semaphore_mem>>)
        %add3A_968 = arith.constant 4 : i32
        %add3A_969 = arith.addi %add3A_751, %add3A_968 : i32
        %add3A_970 = arith.addi %mul3A_2, %add3A_969 : i32
        %dma_start3A_971 = arith.constant 3 : i32
        %dma_start3A_972 = arith.constant 0 : i32
        %dma_start3A_973 = tpu.memref_slice %arg10[%dma_start3A_971, %dma_start3A_972] : memref<4x10000xf32, #tpu.memory_space<vmem>> -> memref<1x10000xf32, #tpu.memory_space<vmem>>
        %dma_start3A_974 = tpu.memref_squeeze %dma_start3A_973 : memref<1x10000xf32, #tpu.memory_space<vmem>> -> memref<10000xf32, #tpu.memory_space<vmem>>
        %dma_start3A_975 = arith.constant 0 : i32
        %dma_start3A_976 = tpu.memref_slice %arg2[%add3A_970, %dma_start3A_975] : memref<2560x10000xf32, #tpu.memory_space<hbm>> -> memref<1x10000xf32, #tpu.memory_space<hbm>>
        %dma_start3A_977 = tpu.memref_squeeze %dma_start3A_976 : memref<1x10000xf32, #tpu.memory_space<hbm>> -> memref<10000xf32, #tpu.memory_space<hbm>>
        %dma_start3A_978 = arith.constant 0 : i32
        %dma_start3A_979 = tpu.memref_slice %arg10[%dma_start3A_971, %dma_start3A_978] : memref<4x10000xf32, #tpu.memory_space<vmem>> -> memref<1x10000xf32, #tpu.memory_space<vmem>>
        %dma_start3A_980 = tpu.memref_squeeze %dma_start3A_979 : memref<1x10000xf32, #tpu.memory_space<vmem>> -> memref<10000xf32, #tpu.memory_space<vmem>>
        %dma_start3A_981 = arith.constant 0 : i32
        %dma_start3A_982 = tpu.memref_slice %arg2[%add3A_970, %dma_start3A_981] : memref<2560x10000xf32, #tpu.memory_space<hbm>> -> memref<1x10000xf32, #tpu.memory_space<hbm>>
        %dma_start3A_983 = tpu.memref_squeeze %dma_start3A_982 : memref<1x10000xf32, #tpu.memory_space<hbm>> -> memref<10000xf32, #tpu.memory_space<hbm>>
        tpu.enqueue_dma source(%dma_start3A_983 : memref<10000xf32, #tpu.memory_space<hbm>>) target(%dma_start3A_980 : memref<10000xf32, #tpu.memory_space<vmem>>) target_semaphore(%arg19 : memref<!tpu.dma_semaphore, #tpu.memory_space<semaphore_mem>>)
      } else {
      }
      scf.yield %add3A_937, %add3A_939, %add3A_940 : vector<16xf32>, vector<16xf32>, vector<16xf32>
    }
    %scan3A_136 = arith.constant 12 : i32
    %eq3A = arith.constant 0 : i32
    %eq3A_137 = vector.broadcast %eq3A : i32 to vector<16xi32>
    %eq3A_138 = arith.cmpi eq, %iota3A, %eq3A_137 : vector<16xi32>
    %neg3A = arith.constant 0.000000e+00 : f32
    %neg3A_139 = vector.broadcast %neg3A : f32 to vector<16xf32>
    %neg3A_140 = arith.subf %neg3A_139, %scan3A_135#1 : vector<16xf32>
    %eq3A_141 = arith.constant 1 : i32
    %eq3A_142 = vector.broadcast %eq3A_141 : i32 to vector<16xi32>
    %eq3A_143 = arith.cmpi eq, %iota3A, %eq3A_142 : vector<16xi32>
    %neg3A_144 = arith.constant 0.000000e+00 : f32
    %neg3A_145 = vector.broadcast %neg3A_144 : f32 to vector<16xf32>
    %neg3A_146 = arith.subf %neg3A_145, %scan3A_135#0 : vector<16xf32>
    %eq3A_147 = arith.constant 2 : i32
    %eq3A_148 = vector.broadcast %eq3A_147 : i32 to vector<16xi32>
    %eq3A_149 = arith.cmpi eq, %iota3A, %eq3A_148 : vector<16xi32>
    %jit3A = arith.constant 0.000000e+00 : f32
    %broadcast_in_dim3A_150 = vector.broadcast %jit3A : f32 to vector<16xf32>
    %select_n3A = arith.select %eq3A_149, %scan3A_135#2, %broadcast_in_dim3A_150 : vector<16xi1>, vector<16xf32>
    %select_n3A_151 = arith.select %eq3A_143, %neg3A_146, %select_n3A : vector<16xi1>, vector<16xf32>
    %select_n3A_152 = arith.select %eq3A_138, %neg3A_140, %select_n3A_151 : vector<16xi1>, vector<16xf32>
    %swap3A = arith.constant 0 : index
    %swap3A_153 = tpu.vector_load %arg11[%swap3A] {strides = array<i32>} : memref<16xf32, #tpu.memory_space<vmem>>, vector<16xf32>,
    %swap3A_154 = vector.shape_cast %swap3A_153 : vector<16xf32> to vector<16xf32>
    %swap3A_155 = vector.shape_cast %select_n3A_152 : vector<16xf32> to vector<16xf32>
    tpu.vector_store %arg11[%swap3A], %swap3A_155 {strides = array<i32>} : memref<16xf32, #tpu.memory_space<vmem>>, vector<16xf32>,
    "tpu.region"() ({
      %run_scoped3A = tpu.sem_alloc : memref<!tpu.dma_semaphore, #tpu.memory_space<semaphore_mem>>
      %dma_start3A_156 = arith.constant 0 : i32
      %dma_start3A_157 = tpu.memref_slice %arg6[%add3A, %dma_start3A_156] : memref<32x16xf32, #tpu.memory_space<hbm>> -> memref<1x16xf32, #tpu.memory_space<hbm>>
      %dma_start3A_158 = tpu.memref_squeeze %dma_start3A_157 : memref<1x16xf32, #tpu.memory_space<hbm>> -> memref<16xf32, #tpu.memory_space<hbm>>
      %dma_start3A_159 = arith.constant 0 : i32
      %dma_start3A_160 = tpu.memref_slice %arg6[%add3A, %dma_start3A_159] : memref<32x16xf32, #tpu.memory_space<hbm>> -> memref<1x16xf32, #tpu.memory_space<hbm>>
      %dma_start3A_161 = tpu.memref_squeeze %dma_start3A_160 : memref<1x16xf32, #tpu.memory_space<hbm>> -> memref<16xf32, #tpu.memory_space<hbm>>
      tpu.enqueue_dma source(%arg11 : memref<16xf32, #tpu.memory_space<vmem>>) target(%dma_start3A_161 : memref<16xf32, #tpu.memory_space<hbm>>) target_semaphore(%run_scoped3A : memref<!tpu.dma_semaphore, #tpu.memory_space<semaphore_mem>>)
      %dma_wait3A = arith.constant 0 : i32
      %dma_wait3A_162 = tpu.memref_slice %arg6[%add3A, %dma_wait3A] : memref<32x16xf32, #tpu.memory_space<hbm>> -> memref<1x16xf32, #tpu.memory_space<hbm>>
      %dma_wait3A_163 = tpu.memref_squeeze %dma_wait3A_162 : memref<1x16xf32, #tpu.memory_space<hbm>> -> memref<16xf32, #tpu.memory_space<hbm>>
      %dma_wait3A_164 = arith.constant 0 : i32
      %dma_wait3A_165 = tpu.memref_slice %arg6[%add3A, %dma_wait3A_164] : memref<32x16xf32, #tpu.memory_space<hbm>> -> memref<1x16xf32, #tpu.memory_space<hbm>>
      %dma_wait3A_166 = tpu.memref_squeeze %dma_wait3A_165 : memref<1x16xf32, #tpu.memory_space<hbm>> -> memref<16xf32, #tpu.memory_space<hbm>>
      tpu.wait_dma2 semaphore(%run_scoped3A : memref<!tpu.dma_semaphore, #tpu.memory_space<semaphore_mem>>) src(%arg11 : memref<16xf32, #tpu.memory_space<vmem>>) dst(%dma_wait3A_166 : memref<16xf32, #tpu.memory_space<hbm>>)
      tpu.yield
    }) : () -> ()
    return
  }
}

module attributes {stable_mosaic.version = 14 : i64} {
  func.func @tc_body(%arg0: i32, %arg1: memref<2560xi32, #tpu.memory_space<smem>>, %arg2: memref<2560xf32, #tpu.memory_space<smem>>, %arg3: memref<10000x10000xf32, #tpu.memory_space<hbm>>, %arg4: memref<16x10000xf32, #tpu.memory_space<vmem>>, %arg5: memref<8x128xf32, #tpu.memory_space<vmem>>, %arg6: memref<4x16x10000xf32, #tpu.memory_space<vmem>>, %arg7: memref<!tpu.dma_semaphore, #tpu.memory_space<semaphore_mem>>, %arg8: memref<!tpu.dma_semaphore, #tpu.memory_space<semaphore_mem>>, %arg9: memref<!tpu.dma_semaphore, #tpu.memory_space<semaphore_mem>>, %arg10: memref<!tpu.dma_semaphore, #tpu.memory_space<semaphore_mem>>) attributes {dimension_semantics = [#tpu.dimension_semantics<arbitrary>], iteration_bounds = array<i64: 64>, scalar_prefetch = 2 : i64, scratch_operands = 5 : i64, tpu.core_type = #tpu.core_type<tc>, window_params = [{}, {transform_indices = @transform_1, window_bounds = array<i64: 16, 10000>}, {pipeline_mode = #tpu.pipeline_mode<synchronous>, transform_indices = @transform_2, window_bounds = array<i64: 8, 128>}]} {
    %eq3A = arith.constant 0 : i32
    %eq3A_0 = arith.cmpi eq, %arg0, %eq3A : i32
    %convert_element_type3A = arith.extui %eq3A_0 : i1 to i32
    %cond3A = arith.constant 0 : i32
    %cond3A_1 = arith.cmpi ne, %convert_element_type3A, %cond3A : i32
    scf.if %cond3A_1 {
      %broadcast_in_dim3A_571 = arith.constant 0.000000e+00 : f32
      %broadcast_in_dim3A_572 = vector.broadcast %broadcast_in_dim3A_571 : f32 to vector<8x128xf32>
      %swap3A_573 = arith.constant 0 : index
      %swap3A_574 = arith.constant 0 : index
      %swap3A_575 = vector.load %arg5[%swap3A_573, %swap3A_574] : memref<8x128xf32, #tpu.memory_space<vmem>>, vector<8x128xf32>
      tpu.vector_store %arg5[%swap3A_573, %swap3A_574], %broadcast_in_dim3A_572 {strides = array<i32>} : memref<8x128xf32, #tpu.memory_space<vmem>>, vector<8x128xf32>,
      %get3A_576 = arith.constant 1536 : index
      %get3A_577 = memref.load %arg1[%get3A_576] : memref<2560xi32, #tpu.memory_space<smem>>
      %dma_start3A = arith.constant 0 : i32
      %dma_start3A_578 = arith.constant 0 : i32
      %dma_start3A_579 = arith.constant 0 : i32
      %dma_start3A_580 = tpu.memref_slice %arg6[%dma_start3A, %dma_start3A_578, %dma_start3A_579] : memref<4x16x10000xf32, #tpu.memory_space<vmem>> -> memref<1x1x10000xf32, #tpu.memory_space<vmem>>
      %dma_start3A_581 = tpu.memref_squeeze %dma_start3A_580 : memref<1x1x10000xf32, #tpu.memory_space<vmem>> -> memref<10000xf32, #tpu.memory_space<vmem>>
      %dma_start3A_582 = arith.constant 0 : i32
      %dma_start3A_583 = tpu.memref_slice %arg3[%get3A_577, %dma_start3A_582] : memref<10000x10000xf32, #tpu.memory_space<hbm>> -> memref<1x10000xf32, #tpu.memory_space<hbm>>
      %dma_start3A_584 = tpu.memref_squeeze %dma_start3A_583 : memref<1x10000xf32, #tpu.memory_space<hbm>> -> memref<10000xf32, #tpu.memory_space<hbm>>
      tpu.enqueue_dma source(%dma_start3A_584 : memref<10000xf32, #tpu.memory_space<hbm>>) target(%dma_start3A_581 : memref<10000xf32, #tpu.memory_space<vmem>>) target_semaphore(%arg7 : memref<!tpu.dma_semaphore, #tpu.memory_space<semaphore_mem>>)
      %get3A_585 = arith.constant 1537 : index
      %get3A_586 = memref.load %arg1[%get3A_585] : memref<2560xi32, #tpu.memory_space<smem>>
      %dma_start3A_587 = arith.constant 0 : i32
      %dma_start3A_588 = arith.constant 1 : i32
      %dma_start3A_589 = arith.constant 0 : i32
      %dma_start3A_590 = tpu.memref_slice %arg6[%dma_start3A_587, %dma_start3A_588, %dma_start3A_589] : memref<4x16x10000xf32, #tpu.memory_space<vmem>> -> memref<1x1x10000xf32, #tpu.memory_space<vmem>>
      %dma_start3A_591 = tpu.memref_squeeze %dma_start3A_590 : memref<1x1x10000xf32, #tpu.memory_space<vmem>> -> memref<10000xf32, #tpu.memory_space<vmem>>
      %dma_start3A_592 = arith.constant 0 : i32
      %dma_start3A_593 = tpu.memref_slice %arg3[%get3A_586, %dma_start3A_592] : memref<10000x10000xf32, #tpu.memory_space<hbm>> -> memref<1x10000xf32, #tpu.memory_space<hbm>>
      %dma_start3A_594 = tpu.memref_squeeze %dma_start3A_593 : memref<1x10000xf32, #tpu.memory_space<hbm>> -> memref<10000xf32, #tpu.memory_space<hbm>>
      tpu.enqueue_dma source(%dma_start3A_594 : memref<10000xf32, #tpu.memory_space<hbm>>) target(%dma_start3A_591 : memref<10000xf32, #tpu.memory_space<vmem>>) target_semaphore(%arg7 : memref<!tpu.dma_semaphore, #tpu.memory_space<semaphore_mem>>)
      %get3A_595 = arith.constant 1538 : index
      %get3A_596 = memref.load %arg1[%get3A_595] : memref<2560xi32, #tpu.memory_space<smem>>
      %dma_start3A_597 = arith.constant 0 : i32
      %dma_start3A_598 = arith.constant 2 : i32
      %dma_start3A_599 = arith.constant 0 : i32
      %dma_start3A_600 = tpu.memref_slice %arg6[%dma_start3A_597, %dma_start3A_598, %dma_start3A_599] : memref<4x16x10000xf32, #tpu.memory_space<vmem>> -> memref<1x1x10000xf32, #tpu.memory_space<vmem>>
      %dma_start3A_601 = tpu.memref_squeeze %dma_start3A_600 : memref<1x1x10000xf32, #tpu.memory_space<vmem>> -> memref<10000xf32, #tpu.memory_space<vmem>>
      %dma_start3A_602 = arith.constant 0 : i32
      %dma_start3A_603 = tpu.memref_slice %arg3[%get3A_596, %dma_start3A_602] : memref<10000x10000xf32, #tpu.memory_space<hbm>> -> memref<1x10000xf32, #tpu.memory_space<hbm>>
      %dma_start3A_604 = tpu.memref_squeeze %dma_start3A_603 : memref<1x10000xf32, #tpu.memory_space<hbm>> -> memref<10000xf32, #tpu.memory_space<hbm>>
      tpu.enqueue_dma source(%dma_start3A_604 : memref<10000xf32, #tpu.memory_space<hbm>>) target(%dma_start3A_601 : memref<10000xf32, #tpu.memory_space<vmem>>) target_semaphore(%arg7 : memref<!tpu.dma_semaphore, #tpu.memory_space<semaphore_mem>>)
      %get3A_605 = arith.constant 1539 : index
      %get3A_606 = memref.load %arg1[%get3A_605] : memref<2560xi32, #tpu.memory_space<smem>>
      %dma_start3A_607 = arith.constant 0 : i32
      %dma_start3A_608 = arith.constant 3 : i32
      %dma_start3A_609 = arith.constant 0 : i32
      %dma_start3A_610 = tpu.memref_slice %arg6[%dma_start3A_607, %dma_start3A_608, %dma_start3A_609] : memref<4x16x10000xf32, #tpu.memory_space<vmem>> -> memref<1x1x10000xf32, #tpu.memory_space<vmem>>
      %dma_start3A_611 = tpu.memref_squeeze %dma_start3A_610 : memref<1x1x10000xf32, #tpu.memory_space<vmem>> -> memref<10000xf32, #tpu.memory_space<vmem>>
      %dma_start3A_612 = arith.constant 0 : i32
      %dma_start3A_613 = tpu.memref_slice %arg3[%get3A_606, %dma_start3A_612] : memref<10000x10000xf32, #tpu.memory_space<hbm>> -> memref<1x10000xf32, #tpu.memory_space<hbm>>
      %dma_start3A_614 = tpu.memref_squeeze %dma_start3A_613 : memref<1x10000xf32, #tpu.memory_space<hbm>> -> memref<10000xf32, #tpu.memory_space<hbm>>
      tpu.enqueue_dma source(%dma_start3A_614 : memref<10000xf32, #tpu.memory_space<hbm>>) target(%dma_start3A_611 : memref<10000xf32, #tpu.memory_space<vmem>>) target_semaphore(%arg7 : memref<!tpu.dma_semaphore, #tpu.memory_space<semaphore_mem>>)
      %get3A_615 = arith.constant 1540 : index
      %get3A_616 = memref.load %arg1[%get3A_615] : memref<2560xi32, #tpu.memory_space<smem>>
      %dma_start3A_617 = arith.constant 0 : i32
      %dma_start3A_618 = arith.constant 4 : i32
      %dma_start3A_619 = arith.constant 0 : i32
      %dma_start3A_620 = tpu.memref_slice %arg6[%dma_start3A_617, %dma_start3A_618, %dma_start3A_619] : memref<4x16x10000xf32, #tpu.memory_space<vmem>> -> memref<1x1x10000xf32, #tpu.memory_space<vmem>>
      %dma_start3A_621 = tpu.memref_squeeze %dma_start3A_620 : memref<1x1x10000xf32, #tpu.memory_space<vmem>> -> memref<10000xf32, #tpu.memory_space<vmem>>
      %dma_start3A_622 = arith.constant 0 : i32
      %dma_start3A_623 = tpu.memref_slice %arg3[%get3A_616, %dma_start3A_622] : memref<10000x10000xf32, #tpu.memory_space<hbm>> -> memref<1x10000xf32, #tpu.memory_space<hbm>>
      %dma_start3A_624 = tpu.memref_squeeze %dma_start3A_623 : memref<1x10000xf32, #tpu.memory_space<hbm>> -> memref<10000xf32, #tpu.memory_space<hbm>>
      tpu.enqueue_dma source(%dma_start3A_624 : memref<10000xf32, #tpu.memory_space<hbm>>) target(%dma_start3A_621 : memref<10000xf32, #tpu.memory_space<vmem>>) target_semaphore(%arg7 : memref<!tpu.dma_semaphore, #tpu.memory_space<semaphore_mem>>)
      %get3A_625 = arith.constant 1541 : index
      %get3A_626 = memref.load %arg1[%get3A_625] : memref<2560xi32, #tpu.memory_space<smem>>
      %dma_start3A_627 = arith.constant 0 : i32
      %dma_start3A_628 = arith.constant 5 : i32
      %dma_start3A_629 = arith.constant 0 : i32
      %dma_start3A_630 = tpu.memref_slice %arg6[%dma_start3A_627, %dma_start3A_628, %dma_start3A_629] : memref<4x16x10000xf32, #tpu.memory_space<vmem>> -> memref<1x1x10000xf32, #tpu.memory_space<vmem>>
      %dma_start3A_631 = tpu.memref_squeeze %dma_start3A_630 : memref<1x1x10000xf32, #tpu.memory_space<vmem>> -> memref<10000xf32, #tpu.memory_space<vmem>>
      %dma_start3A_632 = arith.constant 0 : i32
      %dma_start3A_633 = tpu.memref_slice %arg3[%get3A_626, %dma_start3A_632] : memref<10000x10000xf32, #tpu.memory_space<hbm>> -> memref<1x10000xf32, #tpu.memory_space<hbm>>
      %dma_start3A_634 = tpu.memref_squeeze %dma_start3A_633 : memref<1x10000xf32, #tpu.memory_space<hbm>> -> memref<10000xf32, #tpu.memory_space<hbm>>
      tpu.enqueue_dma source(%dma_start3A_634 : memref<10000xf32, #tpu.memory_space<hbm>>) target(%dma_start3A_631 : memref<10000xf32, #tpu.memory_space<vmem>>) target_semaphore(%arg7 : memref<!tpu.dma_semaphore, #tpu.memory_space<semaphore_mem>>)
      %get3A_635 = arith.constant 1542 : index
      %get3A_636 = memref.load %arg1[%get3A_635] : memref<2560xi32, #tpu.memory_space<smem>>
      %dma_start3A_637 = arith.constant 0 : i32
      %dma_start3A_638 = arith.constant 6 : i32
      %dma_start3A_639 = arith.constant 0 : i32
      %dma_start3A_640 = tpu.memref_slice %arg6[%dma_start3A_637, %dma_start3A_638, %dma_start3A_639] : memref<4x16x10000xf32, #tpu.memory_space<vmem>> -> memref<1x1x10000xf32, #tpu.memory_space<vmem>>
      %dma_start3A_641 = tpu.memref_squeeze %dma_start3A_640 : memref<1x1x10000xf32, #tpu.memory_space<vmem>> -> memref<10000xf32, #tpu.memory_space<vmem>>
      %dma_start3A_642 = arith.constant 0 : i32
      %dma_start3A_643 = tpu.memref_slice %arg3[%get3A_636, %dma_start3A_642] : memref<10000x10000xf32, #tpu.memory_space<hbm>> -> memref<1x10000xf32, #tpu.memory_space<hbm>>
      %dma_start3A_644 = tpu.memref_squeeze %dma_start3A_643 : memref<1x10000xf32, #tpu.memory_space<hbm>> -> memref<10000xf32, #tpu.memory_space<hbm>>
      tpu.enqueue_dma source(%dma_start3A_644 : memref<10000xf32, #tpu.memory_space<hbm>>) target(%dma_start3A_641 : memref<10000xf32, #tpu.memory_space<vmem>>) target_semaphore(%arg7 : memref<!tpu.dma_semaphore, #tpu.memory_space<semaphore_mem>>)
      %get3A_645 = arith.constant 1543 : index
      %get3A_646 = memref.load %arg1[%get3A_645] : memref<2560xi32, #tpu.memory_space<smem>>
      %dma_start3A_647 = arith.constant 0 : i32
      %dma_start3A_648 = arith.constant 7 : i32
      %dma_start3A_649 = arith.constant 0 : i32
      %dma_start3A_650 = tpu.memref_slice %arg6[%dma_start3A_647, %dma_start3A_648, %dma_start3A_649] : memref<4x16x10000xf32, #tpu.memory_space<vmem>> -> memref<1x1x10000xf32, #tpu.memory_space<vmem>>
      %dma_start3A_651 = tpu.memref_squeeze %dma_start3A_650 : memref<1x1x10000xf32, #tpu.memory_space<vmem>> -> memref<10000xf32, #tpu.memory_space<vmem>>
      %dma_start3A_652 = arith.constant 0 : i32
      %dma_start3A_653 = tpu.memref_slice %arg3[%get3A_646, %dma_start3A_652] : memref<10000x10000xf32, #tpu.memory_space<hbm>> -> memref<1x10000xf32, #tpu.memory_space<hbm>>
      %dma_start3A_654 = tpu.memref_squeeze %dma_start3A_653 : memref<1x10000xf32, #tpu.memory_space<hbm>> -> memref<10000xf32, #tpu.memory_space<hbm>>
      tpu.enqueue_dma source(%dma_start3A_654 : memref<10000xf32, #tpu.memory_space<hbm>>) target(%dma_start3A_651 : memref<10000xf32, #tpu.memory_space<vmem>>) target_semaphore(%arg7 : memref<!tpu.dma_semaphore, #tpu.memory_space<semaphore_mem>>)
      %get3A_655 = arith.constant 1544 : index
      %get3A_656 = memref.load %arg1[%get3A_655] : memref<2560xi32, #tpu.memory_space<smem>>
      %dma_start3A_657 = arith.constant 0 : i32
      %dma_start3A_658 = arith.constant 8 : i32
      %dma_start3A_659 = arith.constant 0 : i32
      %dma_start3A_660 = tpu.memref_slice %arg6[%dma_start3A_657, %dma_start3A_658, %dma_start3A_659] : memref<4x16x10000xf32, #tpu.memory_space<vmem>> -> memref<1x1x10000xf32, #tpu.memory_space<vmem>>
      %dma_start3A_661 = tpu.memref_squeeze %dma_start3A_660 : memref<1x1x10000xf32, #tpu.memory_space<vmem>> -> memref<10000xf32, #tpu.memory_space<vmem>>
      %dma_start3A_662 = arith.constant 0 : i32
      %dma_start3A_663 = tpu.memref_slice %arg3[%get3A_656, %dma_start3A_662] : memref<10000x10000xf32, #tpu.memory_space<hbm>> -> memref<1x10000xf32, #tpu.memory_space<hbm>>
      %dma_start3A_664 = tpu.memref_squeeze %dma_start3A_663 : memref<1x10000xf32, #tpu.memory_space<hbm>> -> memref<10000xf32, #tpu.memory_space<hbm>>
      tpu.enqueue_dma source(%dma_start3A_664 : memref<10000xf32, #tpu.memory_space<hbm>>) target(%dma_start3A_661 : memref<10000xf32, #tpu.memory_space<vmem>>) target_semaphore(%arg7 : memref<!tpu.dma_semaphore, #tpu.memory_space<semaphore_mem>>)
      %get3A_665 = arith.constant 1545 : index
      %get3A_666 = memref.load %arg1[%get3A_665] : memref<2560xi32, #tpu.memory_space<smem>>
      %dma_start3A_667 = arith.constant 0 : i32
      %dma_start3A_668 = arith.constant 9 : i32
      %dma_start3A_669 = arith.constant 0 : i32
      %dma_start3A_670 = tpu.memref_slice %arg6[%dma_start3A_667, %dma_start3A_668, %dma_start3A_669] : memref<4x16x10000xf32, #tpu.memory_space<vmem>> -> memref<1x1x10000xf32, #tpu.memory_space<vmem>>
      %dma_start3A_671 = tpu.memref_squeeze %dma_start3A_670 : memref<1x1x10000xf32, #tpu.memory_space<vmem>> -> memref<10000xf32, #tpu.memory_space<vmem>>
      %dma_start3A_672 = arith.constant 0 : i32
      %dma_start3A_673 = tpu.memref_slice %arg3[%get3A_666, %dma_start3A_672] : memref<10000x10000xf32, #tpu.memory_space<hbm>> -> memref<1x10000xf32, #tpu.memory_space<hbm>>
      %dma_start3A_674 = tpu.memref_squeeze %dma_start3A_673 : memref<1x10000xf32, #tpu.memory_space<hbm>> -> memref<10000xf32, #tpu.memory_space<hbm>>
      tpu.enqueue_dma source(%dma_start3A_674 : memref<10000xf32, #tpu.memory_space<hbm>>) target(%dma_start3A_671 : memref<10000xf32, #tpu.memory_space<vmem>>) target_semaphore(%arg7 : memref<!tpu.dma_semaphore, #tpu.memory_space<semaphore_mem>>)
      %get3A_675 = arith.constant 1546 : index
      %get3A_676 = memref.load %arg1[%get3A_675] : memref<2560xi32, #tpu.memory_space<smem>>
      %dma_start3A_677 = arith.constant 0 : i32
      %dma_start3A_678 = arith.constant 10 : i32
      %dma_start3A_679 = arith.constant 0 : i32
      %dma_start3A_680 = tpu.memref_slice %arg6[%dma_start3A_677, %dma_start3A_678, %dma_start3A_679] : memref<4x16x10000xf32, #tpu.memory_space<vmem>> -> memref<1x1x10000xf32, #tpu.memory_space<vmem>>
      %dma_start3A_681 = tpu.memref_squeeze %dma_start3A_680 : memref<1x1x10000xf32, #tpu.memory_space<vmem>> -> memref<10000xf32, #tpu.memory_space<vmem>>
      %dma_start3A_682 = arith.constant 0 : i32
      %dma_start3A_683 = tpu.memref_slice %arg3[%get3A_676, %dma_start3A_682] : memref<10000x10000xf32, #tpu.memory_space<hbm>> -> memref<1x10000xf32, #tpu.memory_space<hbm>>
      %dma_start3A_684 = tpu.memref_squeeze %dma_start3A_683 : memref<1x10000xf32, #tpu.memory_space<hbm>> -> memref<10000xf32, #tpu.memory_space<hbm>>
      tpu.enqueue_dma source(%dma_start3A_684 : memref<10000xf32, #tpu.memory_space<hbm>>) target(%dma_start3A_681 : memref<10000xf32, #tpu.memory_space<vmem>>) target_semaphore(%arg7 : memref<!tpu.dma_semaphore, #tpu.memory_space<semaphore_mem>>)
      %get3A_685 = arith.constant 1547 : index
      %get3A_686 = memref.load %arg1[%get3A_685] : memref<2560xi32, #tpu.memory_space<smem>>
      %dma_start3A_687 = arith.constant 0 : i32
      %dma_start3A_688 = arith.constant 11 : i32
      %dma_start3A_689 = arith.constant 0 : i32
      %dma_start3A_690 = tpu.memref_slice %arg6[%dma_start3A_687, %dma_start3A_688, %dma_start3A_689] : memref<4x16x10000xf32, #tpu.memory_space<vmem>> -> memref<1x1x10000xf32, #tpu.memory_space<vmem>>
      %dma_start3A_691 = tpu.memref_squeeze %dma_start3A_690 : memref<1x1x10000xf32, #tpu.memory_space<vmem>> -> memref<10000xf32, #tpu.memory_space<vmem>>
      %dma_start3A_692 = arith.constant 0 : i32
      %dma_start3A_693 = tpu.memref_slice %arg3[%get3A_686, %dma_start3A_692] : memref<10000x10000xf32, #tpu.memory_space<hbm>> -> memref<1x10000xf32, #tpu.memory_space<hbm>>
      %dma_start3A_694 = tpu.memref_squeeze %dma_start3A_693 : memref<1x10000xf32, #tpu.memory_space<hbm>> -> memref<10000xf32, #tpu.memory_space<hbm>>
      tpu.enqueue_dma source(%dma_start3A_694 : memref<10000xf32, #tpu.memory_space<hbm>>) target(%dma_start3A_691 : memref<10000xf32, #tpu.memory_space<vmem>>) target_semaphore(%arg7 : memref<!tpu.dma_semaphore, #tpu.memory_space<semaphore_mem>>)
      %get3A_695 = arith.constant 1548 : index
      %get3A_696 = memref.load %arg1[%get3A_695] : memref<2560xi32, #tpu.memory_space<smem>>
      %dma_start3A_697 = arith.constant 0 : i32
      %dma_start3A_698 = arith.constant 12 : i32
      %dma_start3A_699 = arith.constant 0 : i32
      %dma_start3A_700 = tpu.memref_slice %arg6[%dma_start3A_697, %dma_start3A_698, %dma_start3A_699] : memref<4x16x10000xf32, #tpu.memory_space<vmem>> -> memref<1x1x10000xf32, #tpu.memory_space<vmem>>
      %dma_start3A_701 = tpu.memref_squeeze %dma_start3A_700 : memref<1x1x10000xf32, #tpu.memory_space<vmem>> -> memref<10000xf32, #tpu.memory_space<vmem>>
      %dma_start3A_702 = arith.constant 0 : i32
      %dma_start3A_703 = tpu.memref_slice %arg3[%get3A_696, %dma_start3A_702] : memref<10000x10000xf32, #tpu.memory_space<hbm>> -> memref<1x10000xf32, #tpu.memory_space<hbm>>
      %dma_start3A_704 = tpu.memref_squeeze %dma_start3A_703 : memref<1x10000xf32, #tpu.memory_space<hbm>> -> memref<10000xf32, #tpu.memory_space<hbm>>
      tpu.enqueue_dma source(%dma_start3A_704 : memref<10000xf32, #tpu.memory_space<hbm>>) target(%dma_start3A_701 : memref<10000xf32, #tpu.memory_space<vmem>>) target_semaphore(%arg7 : memref<!tpu.dma_semaphore, #tpu.memory_space<semaphore_mem>>)
      %get3A_705 = arith.constant 1549 : index
      %get3A_706 = memref.load %arg1[%get3A_705] : memref<2560xi32, #tpu.memory_space<smem>>
      %dma_start3A_707 = arith.constant 0 : i32
      %dma_start3A_708 = arith.constant 13 : i32
      %dma_start3A_709 = arith.constant 0 : i32
      %dma_start3A_710 = tpu.memref_slice %arg6[%dma_start3A_707, %dma_start3A_708, %dma_start3A_709] : memref<4x16x10000xf32, #tpu.memory_space<vmem>> -> memref<1x1x10000xf32, #tpu.memory_space<vmem>>
      %dma_start3A_711 = tpu.memref_squeeze %dma_start3A_710 : memref<1x1x10000xf32, #tpu.memory_space<vmem>> -> memref<10000xf32, #tpu.memory_space<vmem>>
      %dma_start3A_712 = arith.constant 0 : i32
      %dma_start3A_713 = tpu.memref_slice %arg3[%get3A_706, %dma_start3A_712] : memref<10000x10000xf32, #tpu.memory_space<hbm>> -> memref<1x10000xf32, #tpu.memory_space<hbm>>
      %dma_start3A_714 = tpu.memref_squeeze %dma_start3A_713 : memref<1x10000xf32, #tpu.memory_space<hbm>> -> memref<10000xf32, #tpu.memory_space<hbm>>
      tpu.enqueue_dma source(%dma_start3A_714 : memref<10000xf32, #tpu.memory_space<hbm>>) target(%dma_start3A_711 : memref<10000xf32, #tpu.memory_space<vmem>>) target_semaphore(%arg7 : memref<!tpu.dma_semaphore, #tpu.memory_space<semaphore_mem>>)
      %get3A_715 = arith.constant 1550 : index
      %get3A_716 = memref.load %arg1[%get3A_715] : memref<2560xi32, #tpu.memory_space<smem>>
      %dma_start3A_717 = arith.constant 0 : i32
      %dma_start3A_718 = arith.constant 14 : i32
      %dma_start3A_719 = arith.constant 0 : i32
      %dma_start3A_720 = tpu.memref_slice %arg6[%dma_start3A_717, %dma_start3A_718, %dma_start3A_719] : memref<4x16x10000xf32, #tpu.memory_space<vmem>> -> memref<1x1x10000xf32, #tpu.memory_space<vmem>>
      %dma_start3A_721 = tpu.memref_squeeze %dma_start3A_720 : memref<1x1x10000xf32, #tpu.memory_space<vmem>> -> memref<10000xf32, #tpu.memory_space<vmem>>
      %dma_start3A_722 = arith.constant 0 : i32
      %dma_start3A_723 = tpu.memref_slice %arg3[%get3A_716, %dma_start3A_722] : memref<10000x10000xf32, #tpu.memory_space<hbm>> -> memref<1x10000xf32, #tpu.memory_space<hbm>>
      %dma_start3A_724 = tpu.memref_squeeze %dma_start3A_723 : memref<1x10000xf32, #tpu.memory_space<hbm>> -> memref<10000xf32, #tpu.memory_space<hbm>>
      tpu.enqueue_dma source(%dma_start3A_724 : memref<10000xf32, #tpu.memory_space<hbm>>) target(%dma_start3A_721 : memref<10000xf32, #tpu.memory_space<vmem>>) target_semaphore(%arg7 : memref<!tpu.dma_semaphore, #tpu.memory_space<semaphore_mem>>)
      %get3A_725 = arith.constant 1551 : index
      %get3A_726 = memref.load %arg1[%get3A_725] : memref<2560xi32, #tpu.memory_space<smem>>
      %dma_start3A_727 = arith.constant 0 : i32
      %dma_start3A_728 = arith.constant 15 : i32
      %dma_start3A_729 = arith.constant 0 : i32
      %dma_start3A_730 = tpu.memref_slice %arg6[%dma_start3A_727, %dma_start3A_728, %dma_start3A_729] : memref<4x16x10000xf32, #tpu.memory_space<vmem>> -> memref<1x1x10000xf32, #tpu.memory_space<vmem>>
      %dma_start3A_731 = tpu.memref_squeeze %dma_start3A_730 : memref<1x1x10000xf32, #tpu.memory_space<vmem>> -> memref<10000xf32, #tpu.memory_space<vmem>>
      %dma_start3A_732 = arith.constant 0 : i32
      %dma_start3A_733 = tpu.memref_slice %arg3[%get3A_726, %dma_start3A_732] : memref<10000x10000xf32, #tpu.memory_space<hbm>> -> memref<1x10000xf32, #tpu.memory_space<hbm>>
      %dma_start3A_734 = tpu.memref_squeeze %dma_start3A_733 : memref<1x10000xf32, #tpu.memory_space<hbm>> -> memref<10000xf32, #tpu.memory_space<hbm>>
      tpu.enqueue_dma source(%dma_start3A_734 : memref<10000xf32, #tpu.memory_space<hbm>>) target(%dma_start3A_731 : memref<10000xf32, #tpu.memory_space<vmem>>) target_semaphore(%arg7 : memref<!tpu.dma_semaphore, #tpu.memory_space<semaphore_mem>>)
      %get3A_735 = arith.constant 1552 : index
      %get3A_736 = memref.load %arg1[%get3A_735] : memref<2560xi32, #tpu.memory_space<smem>>
      %dma_start3A_737 = arith.constant 1 : i32
      %dma_start3A_738 = arith.constant 0 : i32
      %dma_start3A_739 = arith.constant 0 : i32
      %dma_start3A_740 = tpu.memref_slice %arg6[%dma_start3A_737, %dma_start3A_738, %dma_start3A_739] : memref<4x16x10000xf32, #tpu.memory_space<vmem>> -> memref<1x1x10000xf32, #tpu.memory_space<vmem>>
      %dma_start3A_741 = tpu.memref_squeeze %dma_start3A_740 : memref<1x1x10000xf32, #tpu.memory_space<vmem>> -> memref<10000xf32, #tpu.memory_space<vmem>>
      %dma_start3A_742 = arith.constant 0 : i32
      %dma_start3A_743 = tpu.memref_slice %arg3[%get3A_736, %dma_start3A_742] : memref<10000x10000xf32, #tpu.memory_space<hbm>> -> memref<1x10000xf32, #tpu.memory_space<hbm>>
      %dma_start3A_744 = tpu.memref_squeeze %dma_start3A_743 : memref<1x10000xf32, #tpu.memory_space<hbm>> -> memref<10000xf32, #tpu.memory_space<hbm>>
      tpu.enqueue_dma source(%dma_start3A_744 : memref<10000xf32, #tpu.memory_space<hbm>>) target(%dma_start3A_741 : memref<10000xf32, #tpu.memory_space<vmem>>) target_semaphore(%arg8 : memref<!tpu.dma_semaphore, #tpu.memory_space<semaphore_mem>>)
      %get3A_745 = arith.constant 1553 : index
      %get3A_746 = memref.load %arg1[%get3A_745] : memref<2560xi32, #tpu.memory_space<smem>>
      %dma_start3A_747 = arith.constant 1 : i32
      %dma_start3A_748 = arith.constant 1 : i32
      %dma_start3A_749 = arith.constant 0 : i32
      %dma_start3A_750 = tpu.memref_slice %arg6[%dma_start3A_747, %dma_start3A_748, %dma_start3A_749] : memref<4x16x10000xf32, #tpu.memory_space<vmem>> -> memref<1x1x10000xf32, #tpu.memory_space<vmem>>
      %dma_start3A_751 = tpu.memref_squeeze %dma_start3A_750 : memref<1x1x10000xf32, #tpu.memory_space<vmem>> -> memref<10000xf32, #tpu.memory_space<vmem>>
      %dma_start3A_752 = arith.constant 0 : i32
      %dma_start3A_753 = tpu.memref_slice %arg3[%get3A_746, %dma_start3A_752] : memref<10000x10000xf32, #tpu.memory_space<hbm>> -> memref<1x10000xf32, #tpu.memory_space<hbm>>
      %dma_start3A_754 = tpu.memref_squeeze %dma_start3A_753 : memref<1x10000xf32, #tpu.memory_space<hbm>> -> memref<10000xf32, #tpu.memory_space<hbm>>
      tpu.enqueue_dma source(%dma_start3A_754 : memref<10000xf32, #tpu.memory_space<hbm>>) target(%dma_start3A_751 : memref<10000xf32, #tpu.memory_space<vmem>>) target_semaphore(%arg8 : memref<!tpu.dma_semaphore, #tpu.memory_space<semaphore_mem>>)
      %get3A_755 = arith.constant 1554 : index
      %get3A_756 = memref.load %arg1[%get3A_755] : memref<2560xi32, #tpu.memory_space<smem>>
      %dma_start3A_757 = arith.constant 1 : i32
      %dma_start3A_758 = arith.constant 2 : i32
      %dma_start3A_759 = arith.constant 0 : i32
      %dma_start3A_760 = tpu.memref_slice %arg6[%dma_start3A_757, %dma_start3A_758, %dma_start3A_759] : memref<4x16x10000xf32, #tpu.memory_space<vmem>> -> memref<1x1x10000xf32, #tpu.memory_space<vmem>>
      %dma_start3A_761 = tpu.memref_squeeze %dma_start3A_760 : memref<1x1x10000xf32, #tpu.memory_space<vmem>> -> memref<10000xf32, #tpu.memory_space<vmem>>
      %dma_start3A_762 = arith.constant 0 : i32
      %dma_start3A_763 = tpu.memref_slice %arg3[%get3A_756, %dma_start3A_762] : memref<10000x10000xf32, #tpu.memory_space<hbm>> -> memref<1x10000xf32, #tpu.memory_space<hbm>>
      %dma_start3A_764 = tpu.memref_squeeze %dma_start3A_763 : memref<1x10000xf32, #tpu.memory_space<hbm>> -> memref<10000xf32, #tpu.memory_space<hbm>>
      tpu.enqueue_dma source(%dma_start3A_764 : memref<10000xf32, #tpu.memory_space<hbm>>) target(%dma_start3A_761 : memref<10000xf32, #tpu.memory_space<vmem>>) target_semaphore(%arg8 : memref<!tpu.dma_semaphore, #tpu.memory_space<semaphore_mem>>)
      %get3A_765 = arith.constant 1555 : index
      %get3A_766 = memref.load %arg1[%get3A_765] : memref<2560xi32, #tpu.memory_space<smem>>
      %dma_start3A_767 = arith.constant 1 : i32
      %dma_start3A_768 = arith.constant 3 : i32
      %dma_start3A_769 = arith.constant 0 : i32
      %dma_start3A_770 = tpu.memref_slice %arg6[%dma_start3A_767, %dma_start3A_768, %dma_start3A_769] : memref<4x16x10000xf32, #tpu.memory_space<vmem>> -> memref<1x1x10000xf32, #tpu.memory_space<vmem>>
      %dma_start3A_771 = tpu.memref_squeeze %dma_start3A_770 : memref<1x1x10000xf32, #tpu.memory_space<vmem>> -> memref<10000xf32, #tpu.memory_space<vmem>>
      %dma_start3A_772 = arith.constant 0 : i32
      %dma_start3A_773 = tpu.memref_slice %arg3[%get3A_766, %dma_start3A_772] : memref<10000x10000xf32, #tpu.memory_space<hbm>> -> memref<1x10000xf32, #tpu.memory_space<hbm>>
      %dma_start3A_774 = tpu.memref_squeeze %dma_start3A_773 : memref<1x10000xf32, #tpu.memory_space<hbm>> -> memref<10000xf32, #tpu.memory_space<hbm>>
      tpu.enqueue_dma source(%dma_start3A_774 : memref<10000xf32, #tpu.memory_space<hbm>>) target(%dma_start3A_771 : memref<10000xf32, #tpu.memory_space<vmem>>) target_semaphore(%arg8 : memref<!tpu.dma_semaphore, #tpu.memory_space<semaphore_mem>>)
      %get3A_775 = arith.constant 1556 : index
      %get3A_776 = memref.load %arg1[%get3A_775] : memref<2560xi32, #tpu.memory_space<smem>>
      %dma_start3A_777 = arith.constant 1 : i32
      %dma_start3A_778 = arith.constant 4 : i32
      %dma_start3A_779 = arith.constant 0 : i32
      %dma_start3A_780 = tpu.memref_slice %arg6[%dma_start3A_777, %dma_start3A_778, %dma_start3A_779] : memref<4x16x10000xf32, #tpu.memory_space<vmem>> -> memref<1x1x10000xf32, #tpu.memory_space<vmem>>
      %dma_start3A_781 = tpu.memref_squeeze %dma_start3A_780 : memref<1x1x10000xf32, #tpu.memory_space<vmem>> -> memref<10000xf32, #tpu.memory_space<vmem>>
      %dma_start3A_782 = arith.constant 0 : i32
      %dma_start3A_783 = tpu.memref_slice %arg3[%get3A_776, %dma_start3A_782] : memref<10000x10000xf32, #tpu.memory_space<hbm>> -> memref<1x10000xf32, #tpu.memory_space<hbm>>
      %dma_start3A_784 = tpu.memref_squeeze %dma_start3A_783 : memref<1x10000xf32, #tpu.memory_space<hbm>> -> memref<10000xf32, #tpu.memory_space<hbm>>
      tpu.enqueue_dma source(%dma_start3A_784 : memref<10000xf32, #tpu.memory_space<hbm>>) target(%dma_start3A_781 : memref<10000xf32, #tpu.memory_space<vmem>>) target_semaphore(%arg8 : memref<!tpu.dma_semaphore, #tpu.memory_space<semaphore_mem>>)
      %get3A_785 = arith.constant 1557 : index
      %get3A_786 = memref.load %arg1[%get3A_785] : memref<2560xi32, #tpu.memory_space<smem>>
      %dma_start3A_787 = arith.constant 1 : i32
      %dma_start3A_788 = arith.constant 5 : i32
      %dma_start3A_789 = arith.constant 0 : i32
      %dma_start3A_790 = tpu.memref_slice %arg6[%dma_start3A_787, %dma_start3A_788, %dma_start3A_789] : memref<4x16x10000xf32, #tpu.memory_space<vmem>> -> memref<1x1x10000xf32, #tpu.memory_space<vmem>>
      %dma_start3A_791 = tpu.memref_squeeze %dma_start3A_790 : memref<1x1x10000xf32, #tpu.memory_space<vmem>> -> memref<10000xf32, #tpu.memory_space<vmem>>
      %dma_start3A_792 = arith.constant 0 : i32
      %dma_start3A_793 = tpu.memref_slice %arg3[%get3A_786, %dma_start3A_792] : memref<10000x10000xf32, #tpu.memory_space<hbm>> -> memref<1x10000xf32, #tpu.memory_space<hbm>>
      %dma_start3A_794 = tpu.memref_squeeze %dma_start3A_793 : memref<1x10000xf32, #tpu.memory_space<hbm>> -> memref<10000xf32, #tpu.memory_space<hbm>>
      tpu.enqueue_dma source(%dma_start3A_794 : memref<10000xf32, #tpu.memory_space<hbm>>) target(%dma_start3A_791 : memref<10000xf32, #tpu.memory_space<vmem>>) target_semaphore(%arg8 : memref<!tpu.dma_semaphore, #tpu.memory_space<semaphore_mem>>)
      %get3A_795 = arith.constant 1558 : index
      %get3A_796 = memref.load %arg1[%get3A_795] : memref<2560xi32, #tpu.memory_space<smem>>
      %dma_start3A_797 = arith.constant 1 : i32
      %dma_start3A_798 = arith.constant 6 : i32
      %dma_start3A_799 = arith.constant 0 : i32
      %dma_start3A_800 = tpu.memref_slice %arg6[%dma_start3A_797, %dma_start3A_798, %dma_start3A_799] : memref<4x16x10000xf32, #tpu.memory_space<vmem>> -> memref<1x1x10000xf32, #tpu.memory_space<vmem>>
      %dma_start3A_801 = tpu.memref_squeeze %dma_start3A_800 : memref<1x1x10000xf32, #tpu.memory_space<vmem>> -> memref<10000xf32, #tpu.memory_space<vmem>>
      %dma_start3A_802 = arith.constant 0 : i32
      %dma_start3A_803 = tpu.memref_slice %arg3[%get3A_796, %dma_start3A_802] : memref<10000x10000xf32, #tpu.memory_space<hbm>> -> memref<1x10000xf32, #tpu.memory_space<hbm>>
      %dma_start3A_804 = tpu.memref_squeeze %dma_start3A_803 : memref<1x10000xf32, #tpu.memory_space<hbm>> -> memref<10000xf32, #tpu.memory_space<hbm>>
      tpu.enqueue_dma source(%dma_start3A_804 : memref<10000xf32, #tpu.memory_space<hbm>>) target(%dma_start3A_801 : memref<10000xf32, #tpu.memory_space<vmem>>) target_semaphore(%arg8 : memref<!tpu.dma_semaphore, #tpu.memory_space<semaphore_mem>>)
      %get3A_805 = arith.constant 1559 : index
      %get3A_806 = memref.load %arg1[%get3A_805] : memref<2560xi32, #tpu.memory_space<smem>>
      %dma_start3A_807 = arith.constant 1 : i32
      %dma_start3A_808 = arith.constant 7 : i32
      %dma_start3A_809 = arith.constant 0 : i32
      %dma_start3A_810 = tpu.memref_slice %arg6[%dma_start3A_807, %dma_start3A_808, %dma_start3A_809] : memref<4x16x10000xf32, #tpu.memory_space<vmem>> -> memref<1x1x10000xf32, #tpu.memory_space<vmem>>
      %dma_start3A_811 = tpu.memref_squeeze %dma_start3A_810 : memref<1x1x10000xf32, #tpu.memory_space<vmem>> -> memref<10000xf32, #tpu.memory_space<vmem>>
      %dma_start3A_812 = arith.constant 0 : i32
      %dma_start3A_813 = tpu.memref_slice %arg3[%get3A_806, %dma_start3A_812] : memref<10000x10000xf32, #tpu.memory_space<hbm>> -> memref<1x10000xf32, #tpu.memory_space<hbm>>
      %dma_start3A_814 = tpu.memref_squeeze %dma_start3A_813 : memref<1x10000xf32, #tpu.memory_space<hbm>> -> memref<10000xf32, #tpu.memory_space<hbm>>
      tpu.enqueue_dma source(%dma_start3A_814 : memref<10000xf32, #tpu.memory_space<hbm>>) target(%dma_start3A_811 : memref<10000xf32, #tpu.memory_space<vmem>>) target_semaphore(%arg8 : memref<!tpu.dma_semaphore, #tpu.memory_space<semaphore_mem>>)
      %get3A_815 = arith.constant 1560 : index
      %get3A_816 = memref.load %arg1[%get3A_815] : memref<2560xi32, #tpu.memory_space<smem>>
      %dma_start3A_817 = arith.constant 1 : i32
      %dma_start3A_818 = arith.constant 8 : i32
      %dma_start3A_819 = arith.constant 0 : i32
      %dma_start3A_820 = tpu.memref_slice %arg6[%dma_start3A_817, %dma_start3A_818, %dma_start3A_819] : memref<4x16x10000xf32, #tpu.memory_space<vmem>> -> memref<1x1x10000xf32, #tpu.memory_space<vmem>>
      %dma_start3A_821 = tpu.memref_squeeze %dma_start3A_820 : memref<1x1x10000xf32, #tpu.memory_space<vmem>> -> memref<10000xf32, #tpu.memory_space<vmem>>
      %dma_start3A_822 = arith.constant 0 : i32
      %dma_start3A_823 = tpu.memref_slice %arg3[%get3A_816, %dma_start3A_822] : memref<10000x10000xf32, #tpu.memory_space<hbm>> -> memref<1x10000xf32, #tpu.memory_space<hbm>>
      %dma_start3A_824 = tpu.memref_squeeze %dma_start3A_823 : memref<1x10000xf32, #tpu.memory_space<hbm>> -> memref<10000xf32, #tpu.memory_space<hbm>>
      tpu.enqueue_dma source(%dma_start3A_824 : memref<10000xf32, #tpu.memory_space<hbm>>) target(%dma_start3A_821 : memref<10000xf32, #tpu.memory_space<vmem>>) target_semaphore(%arg8 : memref<!tpu.dma_semaphore, #tpu.memory_space<semaphore_mem>>)
      %get3A_825 = arith.constant 1561 : index
      %get3A_826 = memref.load %arg1[%get3A_825] : memref<2560xi32, #tpu.memory_space<smem>>
      %dma_start3A_827 = arith.constant 1 : i32
      %dma_start3A_828 = arith.constant 9 : i32
      %dma_start3A_829 = arith.constant 0 : i32
      %dma_start3A_830 = tpu.memref_slice %arg6[%dma_start3A_827, %dma_start3A_828, %dma_start3A_829] : memref<4x16x10000xf32, #tpu.memory_space<vmem>> -> memref<1x1x10000xf32, #tpu.memory_space<vmem>>
      %dma_start3A_831 = tpu.memref_squeeze %dma_start3A_830 : memref<1x1x10000xf32, #tpu.memory_space<vmem>> -> memref<10000xf32, #tpu.memory_space<vmem>>
      %dma_start3A_832 = arith.constant 0 : i32
      %dma_start3A_833 = tpu.memref_slice %arg3[%get3A_826, %dma_start3A_832] : memref<10000x10000xf32, #tpu.memory_space<hbm>> -> memref<1x10000xf32, #tpu.memory_space<hbm>>
      %dma_start3A_834 = tpu.memref_squeeze %dma_start3A_833 : memref<1x10000xf32, #tpu.memory_space<hbm>> -> memref<10000xf32, #tpu.memory_space<hbm>>
      tpu.enqueue_dma source(%dma_start3A_834 : memref<10000xf32, #tpu.memory_space<hbm>>) target(%dma_start3A_831 : memref<10000xf32, #tpu.memory_space<vmem>>) target_semaphore(%arg8 : memref<!tpu.dma_semaphore, #tpu.memory_space<semaphore_mem>>)
      %get3A_835 = arith.constant 1562 : index
      %get3A_836 = memref.load %arg1[%get3A_835] : memref<2560xi32, #tpu.memory_space<smem>>
      %dma_start3A_837 = arith.constant 1 : i32
      %dma_start3A_838 = arith.constant 10 : i32
      %dma_start3A_839 = arith.constant 0 : i32
      %dma_start3A_840 = tpu.memref_slice %arg6[%dma_start3A_837, %dma_start3A_838, %dma_start3A_839] : memref<4x16x10000xf32, #tpu.memory_space<vmem>> -> memref<1x1x10000xf32, #tpu.memory_space<vmem>>
      %dma_start3A_841 = tpu.memref_squeeze %dma_start3A_840 : memref<1x1x10000xf32, #tpu.memory_space<vmem>> -> memref<10000xf32, #tpu.memory_space<vmem>>
      %dma_start3A_842 = arith.constant 0 : i32
      %dma_start3A_843 = tpu.memref_slice %arg3[%get3A_836, %dma_start3A_842] : memref<10000x10000xf32, #tpu.memory_space<hbm>> -> memref<1x10000xf32, #tpu.memory_space<hbm>>
      %dma_start3A_844 = tpu.memref_squeeze %dma_start3A_843 : memref<1x10000xf32, #tpu.memory_space<hbm>> -> memref<10000xf32, #tpu.memory_space<hbm>>
      tpu.enqueue_dma source(%dma_start3A_844 : memref<10000xf32, #tpu.memory_space<hbm>>) target(%dma_start3A_841 : memref<10000xf32, #tpu.memory_space<vmem>>) target_semaphore(%arg8 : memref<!tpu.dma_semaphore, #tpu.memory_space<semaphore_mem>>)
      %get3A_845 = arith.constant 1563 : index
      %get3A_846 = memref.load %arg1[%get3A_845] : memref<2560xi32, #tpu.memory_space<smem>>
      %dma_start3A_847 = arith.constant 1 : i32
      %dma_start3A_848 = arith.constant 11 : i32
      %dma_start3A_849 = arith.constant 0 : i32
      %dma_start3A_850 = tpu.memref_slice %arg6[%dma_start3A_847, %dma_start3A_848, %dma_start3A_849] : memref<4x16x10000xf32, #tpu.memory_space<vmem>> -> memref<1x1x10000xf32, #tpu.memory_space<vmem>>
      %dma_start3A_851 = tpu.memref_squeeze %dma_start3A_850 : memref<1x1x10000xf32, #tpu.memory_space<vmem>> -> memref<10000xf32, #tpu.memory_space<vmem>>
      %dma_start3A_852 = arith.constant 0 : i32
      %dma_start3A_853 = tpu.memref_slice %arg3[%get3A_846, %dma_start3A_852] : memref<10000x10000xf32, #tpu.memory_space<hbm>> -> memref<1x10000xf32, #tpu.memory_space<hbm>>
      %dma_start3A_854 = tpu.memref_squeeze %dma_start3A_853 : memref<1x10000xf32, #tpu.memory_space<hbm>> -> memref<10000xf32, #tpu.memory_space<hbm>>
      tpu.enqueue_dma source(%dma_start3A_854 : memref<10000xf32, #tpu.memory_space<hbm>>) target(%dma_start3A_851 : memref<10000xf32, #tpu.memory_space<vmem>>) target_semaphore(%arg8 : memref<!tpu.dma_semaphore, #tpu.memory_space<semaphore_mem>>)
      %get3A_855 = arith.constant 1564 : index
      %get3A_856 = memref.load %arg1[%get3A_855] : memref<2560xi32, #tpu.memory_space<smem>>
      %dma_start3A_857 = arith.constant 1 : i32
      %dma_start3A_858 = arith.constant 12 : i32
      %dma_start3A_859 = arith.constant 0 : i32
      %dma_start3A_860 = tpu.memref_slice %arg6[%dma_start3A_857, %dma_start3A_858, %dma_start3A_859] : memref<4x16x10000xf32, #tpu.memory_space<vmem>> -> memref<1x1x10000xf32, #tpu.memory_space<vmem>>
      %dma_start3A_861 = tpu.memref_squeeze %dma_start3A_860 : memref<1x1x10000xf32, #tpu.memory_space<vmem>> -> memref<10000xf32, #tpu.memory_space<vmem>>
      %dma_start3A_862 = arith.constant 0 : i32
      %dma_start3A_863 = tpu.memref_slice %arg3[%get3A_856, %dma_start3A_862] : memref<10000x10000xf32, #tpu.memory_space<hbm>> -> memref<1x10000xf32, #tpu.memory_space<hbm>>
      %dma_start3A_864 = tpu.memref_squeeze %dma_start3A_863 : memref<1x10000xf32, #tpu.memory_space<hbm>> -> memref<10000xf32, #tpu.memory_space<hbm>>
      tpu.enqueue_dma source(%dma_start3A_864 : memref<10000xf32, #tpu.memory_space<hbm>>) target(%dma_start3A_861 : memref<10000xf32, #tpu.memory_space<vmem>>) target_semaphore(%arg8 : memref<!tpu.dma_semaphore, #tpu.memory_space<semaphore_mem>>)
      %get3A_865 = arith.constant 1565 : index
      %get3A_866 = memref.load %arg1[%get3A_865] : memref<2560xi32, #tpu.memory_space<smem>>
      %dma_start3A_867 = arith.constant 1 : i32
      %dma_start3A_868 = arith.constant 13 : i32
      %dma_start3A_869 = arith.constant 0 : i32
      %dma_start3A_870 = tpu.memref_slice %arg6[%dma_start3A_867, %dma_start3A_868, %dma_start3A_869] : memref<4x16x10000xf32, #tpu.memory_space<vmem>> -> memref<1x1x10000xf32, #tpu.memory_space<vmem>>
      %dma_start3A_871 = tpu.memref_squeeze %dma_start3A_870 : memref<1x1x10000xf32, #tpu.memory_space<vmem>> -> memref<10000xf32, #tpu.memory_space<vmem>>
      %dma_start3A_872 = arith.constant 0 : i32
      %dma_start3A_873 = tpu.memref_slice %arg3[%get3A_866, %dma_start3A_872] : memref<10000x10000xf32, #tpu.memory_space<hbm>> -> memref<1x10000xf32, #tpu.memory_space<hbm>>
      %dma_start3A_874 = tpu.memref_squeeze %dma_start3A_873 : memref<1x10000xf32, #tpu.memory_space<hbm>> -> memref<10000xf32, #tpu.memory_space<hbm>>
      tpu.enqueue_dma source(%dma_start3A_874 : memref<10000xf32, #tpu.memory_space<hbm>>) target(%dma_start3A_871 : memref<10000xf32, #tpu.memory_space<vmem>>) target_semaphore(%arg8 : memref<!tpu.dma_semaphore, #tpu.memory_space<semaphore_mem>>)
      %get3A_875 = arith.constant 1566 : index
      %get3A_876 = memref.load %arg1[%get3A_875] : memref<2560xi32, #tpu.memory_space<smem>>
      %dma_start3A_877 = arith.constant 1 : i32
      %dma_start3A_878 = arith.constant 14 : i32
      %dma_start3A_879 = arith.constant 0 : i32
      %dma_start3A_880 = tpu.memref_slice %arg6[%dma_start3A_877, %dma_start3A_878, %dma_start3A_879] : memref<4x16x10000xf32, #tpu.memory_space<vmem>> -> memref<1x1x10000xf32, #tpu.memory_space<vmem>>
      %dma_start3A_881 = tpu.memref_squeeze %dma_start3A_880 : memref<1x1x10000xf32, #tpu.memory_space<vmem>> -> memref<10000xf32, #tpu.memory_space<vmem>>
      %dma_start3A_882 = arith.constant 0 : i32
      %dma_start3A_883 = tpu.memref_slice %arg3[%get3A_876, %dma_start3A_882] : memref<10000x10000xf32, #tpu.memory_space<hbm>> -> memref<1x10000xf32, #tpu.memory_space<hbm>>
      %dma_start3A_884 = tpu.memref_squeeze %dma_start3A_883 : memref<1x10000xf32, #tpu.memory_space<hbm>> -> memref<10000xf32, #tpu.memory_space<hbm>>
      tpu.enqueue_dma source(%dma_start3A_884 : memref<10000xf32, #tpu.memory_space<hbm>>) target(%dma_start3A_881 : memref<10000xf32, #tpu.memory_space<vmem>>) target_semaphore(%arg8 : memref<!tpu.dma_semaphore, #tpu.memory_space<semaphore_mem>>)
      %get3A_885 = arith.constant 1567 : index
      %get3A_886 = memref.load %arg1[%get3A_885] : memref<2560xi32, #tpu.memory_space<smem>>
      %dma_start3A_887 = arith.constant 1 : i32
      %dma_start3A_888 = arith.constant 15 : i32
      %dma_start3A_889 = arith.constant 0 : i32
      %dma_start3A_890 = tpu.memref_slice %arg6[%dma_start3A_887, %dma_start3A_888, %dma_start3A_889] : memref<4x16x10000xf32, #tpu.memory_space<vmem>> -> memref<1x1x10000xf32, #tpu.memory_space<vmem>>
      %dma_start3A_891 = tpu.memref_squeeze %dma_start3A_890 : memref<1x1x10000xf32, #tpu.memory_space<vmem>> -> memref<10000xf32, #tpu.memory_space<vmem>>
      %dma_start3A_892 = arith.constant 0 : i32
      %dma_start3A_893 = tpu.memref_slice %arg3[%get3A_886, %dma_start3A_892] : memref<10000x10000xf32, #tpu.memory_space<hbm>> -> memref<1x10000xf32, #tpu.memory_space<hbm>>
      %dma_start3A_894 = tpu.memref_squeeze %dma_start3A_893 : memref<1x10000xf32, #tpu.memory_space<hbm>> -> memref<10000xf32, #tpu.memory_space<hbm>>
      tpu.enqueue_dma source(%dma_start3A_894 : memref<10000xf32, #tpu.memory_space<hbm>>) target(%dma_start3A_891 : memref<10000xf32, #tpu.memory_space<vmem>>) target_semaphore(%arg8 : memref<!tpu.dma_semaphore, #tpu.memory_space<semaphore_mem>>)
      %get3A_895 = arith.constant 1568 : index
      %get3A_896 = memref.load %arg1[%get3A_895] : memref<2560xi32, #tpu.memory_space<smem>>
      %dma_start3A_897 = arith.constant 2 : i32
      %dma_start3A_898 = arith.constant 0 : i32
      %dma_start3A_899 = arith.constant 0 : i32
      %dma_start3A_900 = tpu.memref_slice %arg6[%dma_start3A_897, %dma_start3A_898, %dma_start3A_899] : memref<4x16x10000xf32, #tpu.memory_space<vmem>> -> memref<1x1x10000xf32, #tpu.memory_space<vmem>>
      %dma_start3A_901 = tpu.memref_squeeze %dma_start3A_900 : memref<1x1x10000xf32, #tpu.memory_space<vmem>> -> memref<10000xf32, #tpu.memory_space<vmem>>
      %dma_start3A_902 = arith.constant 0 : i32
      %dma_start3A_903 = tpu.memref_slice %arg3[%get3A_896, %dma_start3A_902] : memref<10000x10000xf32, #tpu.memory_space<hbm>> -> memref<1x10000xf32, #tpu.memory_space<hbm>>
      %dma_start3A_904 = tpu.memref_squeeze %dma_start3A_903 : memref<1x10000xf32, #tpu.memory_space<hbm>> -> memref<10000xf32, #tpu.memory_space<hbm>>
      tpu.enqueue_dma source(%dma_start3A_904 : memref<10000xf32, #tpu.memory_space<hbm>>) target(%dma_start3A_901 : memref<10000xf32, #tpu.memory_space<vmem>>) target_semaphore(%arg9 : memref<!tpu.dma_semaphore, #tpu.memory_space<semaphore_mem>>)
      %get3A_905 = arith.constant 1569 : index
      %get3A_906 = memref.load %arg1[%get3A_905] : memref<2560xi32, #tpu.memory_space<smem>>
      %dma_start3A_907 = arith.constant 2 : i32
      %dma_start3A_908 = arith.constant 1 : i32
      %dma_start3A_909 = arith.constant 0 : i32
      %dma_start3A_910 = tpu.memref_slice %arg6[%dma_start3A_907, %dma_start3A_908, %dma_start3A_909] : memref<4x16x10000xf32, #tpu.memory_space<vmem>> -> memref<1x1x10000xf32, #tpu.memory_space<vmem>>
      %dma_start3A_911 = tpu.memref_squeeze %dma_start3A_910 : memref<1x1x10000xf32, #tpu.memory_space<vmem>> -> memref<10000xf32, #tpu.memory_space<vmem>>
      %dma_start3A_912 = arith.constant 0 : i32
      %dma_start3A_913 = tpu.memref_slice %arg3[%get3A_906, %dma_start3A_912] : memref<10000x10000xf32, #tpu.memory_space<hbm>> -> memref<1x10000xf32, #tpu.memory_space<hbm>>
      %dma_start3A_914 = tpu.memref_squeeze %dma_start3A_913 : memref<1x10000xf32, #tpu.memory_space<hbm>> -> memref<10000xf32, #tpu.memory_space<hbm>>
      tpu.enqueue_dma source(%dma_start3A_914 : memref<10000xf32, #tpu.memory_space<hbm>>) target(%dma_start3A_911 : memref<10000xf32, #tpu.memory_space<vmem>>) target_semaphore(%arg9 : memref<!tpu.dma_semaphore, #tpu.memory_space<semaphore_mem>>)
      %get3A_915 = arith.constant 1570 : index
      %get3A_916 = memref.load %arg1[%get3A_915] : memref<2560xi32, #tpu.memory_space<smem>>
      %dma_start3A_917 = arith.constant 2 : i32
      %dma_start3A_918 = arith.constant 2 : i32
      %dma_start3A_919 = arith.constant 0 : i32
      %dma_start3A_920 = tpu.memref_slice %arg6[%dma_start3A_917, %dma_start3A_918, %dma_start3A_919] : memref<4x16x10000xf32, #tpu.memory_space<vmem>> -> memref<1x1x10000xf32, #tpu.memory_space<vmem>>
      %dma_start3A_921 = tpu.memref_squeeze %dma_start3A_920 : memref<1x1x10000xf32, #tpu.memory_space<vmem>> -> memref<10000xf32, #tpu.memory_space<vmem>>
      %dma_start3A_922 = arith.constant 0 : i32
      %dma_start3A_923 = tpu.memref_slice %arg3[%get3A_916, %dma_start3A_922] : memref<10000x10000xf32, #tpu.memory_space<hbm>> -> memref<1x10000xf32, #tpu.memory_space<hbm>>
      %dma_start3A_924 = tpu.memref_squeeze %dma_start3A_923 : memref<1x10000xf32, #tpu.memory_space<hbm>> -> memref<10000xf32, #tpu.memory_space<hbm>>
      tpu.enqueue_dma source(%dma_start3A_924 : memref<10000xf32, #tpu.memory_space<hbm>>) target(%dma_start3A_921 : memref<10000xf32, #tpu.memory_space<vmem>>) target_semaphore(%arg9 : memref<!tpu.dma_semaphore, #tpu.memory_space<semaphore_mem>>)
      %get3A_925 = arith.constant 1571 : index
      %get3A_926 = memref.load %arg1[%get3A_925] : memref<2560xi32, #tpu.memory_space<smem>>
      %dma_start3A_927 = arith.constant 2 : i32
      %dma_start3A_928 = arith.constant 3 : i32
      %dma_start3A_929 = arith.constant 0 : i32
      %dma_start3A_930 = tpu.memref_slice %arg6[%dma_start3A_927, %dma_start3A_928, %dma_start3A_929] : memref<4x16x10000xf32, #tpu.memory_space<vmem>> -> memref<1x1x10000xf32, #tpu.memory_space<vmem>>
      %dma_start3A_931 = tpu.memref_squeeze %dma_start3A_930 : memref<1x1x10000xf32, #tpu.memory_space<vmem>> -> memref<10000xf32, #tpu.memory_space<vmem>>
      %dma_start3A_932 = arith.constant 0 : i32
      %dma_start3A_933 = tpu.memref_slice %arg3[%get3A_926, %dma_start3A_932] : memref<10000x10000xf32, #tpu.memory_space<hbm>> -> memref<1x10000xf32, #tpu.memory_space<hbm>>
      %dma_start3A_934 = tpu.memref_squeeze %dma_start3A_933 : memref<1x10000xf32, #tpu.memory_space<hbm>> -> memref<10000xf32, #tpu.memory_space<hbm>>
      tpu.enqueue_dma source(%dma_start3A_934 : memref<10000xf32, #tpu.memory_space<hbm>>) target(%dma_start3A_931 : memref<10000xf32, #tpu.memory_space<vmem>>) target_semaphore(%arg9 : memref<!tpu.dma_semaphore, #tpu.memory_space<semaphore_mem>>)
      %get3A_935 = arith.constant 1572 : index
      %get3A_936 = memref.load %arg1[%get3A_935] : memref<2560xi32, #tpu.memory_space<smem>>
      %dma_start3A_937 = arith.constant 2 : i32
      %dma_start3A_938 = arith.constant 4 : i32
      %dma_start3A_939 = arith.constant 0 : i32
      %dma_start3A_940 = tpu.memref_slice %arg6[%dma_start3A_937, %dma_start3A_938, %dma_start3A_939] : memref<4x16x10000xf32, #tpu.memory_space<vmem>> -> memref<1x1x10000xf32, #tpu.memory_space<vmem>>
      %dma_start3A_941 = tpu.memref_squeeze %dma_start3A_940 : memref<1x1x10000xf32, #tpu.memory_space<vmem>> -> memref<10000xf32, #tpu.memory_space<vmem>>
      %dma_start3A_942 = arith.constant 0 : i32
      %dma_start3A_943 = tpu.memref_slice %arg3[%get3A_936, %dma_start3A_942] : memref<10000x10000xf32, #tpu.memory_space<hbm>> -> memref<1x10000xf32, #tpu.memory_space<hbm>>
      %dma_start3A_944 = tpu.memref_squeeze %dma_start3A_943 : memref<1x10000xf32, #tpu.memory_space<hbm>> -> memref<10000xf32, #tpu.memory_space<hbm>>
      tpu.enqueue_dma source(%dma_start3A_944 : memref<10000xf32, #tpu.memory_space<hbm>>) target(%dma_start3A_941 : memref<10000xf32, #tpu.memory_space<vmem>>) target_semaphore(%arg9 : memref<!tpu.dma_semaphore, #tpu.memory_space<semaphore_mem>>)
      %get3A_945 = arith.constant 1573 : index
      %get3A_946 = memref.load %arg1[%get3A_945] : memref<2560xi32, #tpu.memory_space<smem>>
      %dma_start3A_947 = arith.constant 2 : i32
      %dma_start3A_948 = arith.constant 5 : i32
      %dma_start3A_949 = arith.constant 0 : i32
      %dma_start3A_950 = tpu.memref_slice %arg6[%dma_start3A_947, %dma_start3A_948, %dma_start3A_949] : memref<4x16x10000xf32, #tpu.memory_space<vmem>> -> memref<1x1x10000xf32, #tpu.memory_space<vmem>>
      %dma_start3A_951 = tpu.memref_squeeze %dma_start3A_950 : memref<1x1x10000xf32, #tpu.memory_space<vmem>> -> memref<10000xf32, #tpu.memory_space<vmem>>
      %dma_start3A_952 = arith.constant 0 : i32
      %dma_start3A_953 = tpu.memref_slice %arg3[%get3A_946, %dma_start3A_952] : memref<10000x10000xf32, #tpu.memory_space<hbm>> -> memref<1x10000xf32, #tpu.memory_space<hbm>>
      %dma_start3A_954 = tpu.memref_squeeze %dma_start3A_953 : memref<1x10000xf32, #tpu.memory_space<hbm>> -> memref<10000xf32, #tpu.memory_space<hbm>>
      tpu.enqueue_dma source(%dma_start3A_954 : memref<10000xf32, #tpu.memory_space<hbm>>) target(%dma_start3A_951 : memref<10000xf32, #tpu.memory_space<vmem>>) target_semaphore(%arg9 : memref<!tpu.dma_semaphore, #tpu.memory_space<semaphore_mem>>)
      %get3A_955 = arith.constant 1574 : index
      %get3A_956 = memref.load %arg1[%get3A_955] : memref<2560xi32, #tpu.memory_space<smem>>
      %dma_start3A_957 = arith.constant 2 : i32
      %dma_start3A_958 = arith.constant 6 : i32
      %dma_start3A_959 = arith.constant 0 : i32
      %dma_start3A_960 = tpu.memref_slice %arg6[%dma_start3A_957, %dma_start3A_958, %dma_start3A_959] : memref<4x16x10000xf32, #tpu.memory_space<vmem>> -> memref<1x1x10000xf32, #tpu.memory_space<vmem>>
      %dma_start3A_961 = tpu.memref_squeeze %dma_start3A_960 : memref<1x1x10000xf32, #tpu.memory_space<vmem>> -> memref<10000xf32, #tpu.memory_space<vmem>>
      %dma_start3A_962 = arith.constant 0 : i32
      %dma_start3A_963 = tpu.memref_slice %arg3[%get3A_956, %dma_start3A_962] : memref<10000x10000xf32, #tpu.memory_space<hbm>> -> memref<1x10000xf32, #tpu.memory_space<hbm>>
      %dma_start3A_964 = tpu.memref_squeeze %dma_start3A_963 : memref<1x10000xf32, #tpu.memory_space<hbm>> -> memref<10000xf32, #tpu.memory_space<hbm>>
      tpu.enqueue_dma source(%dma_start3A_964 : memref<10000xf32, #tpu.memory_space<hbm>>) target(%dma_start3A_961 : memref<10000xf32, #tpu.memory_space<vmem>>) target_semaphore(%arg9 : memref<!tpu.dma_semaphore, #tpu.memory_space<semaphore_mem>>)
      %get3A_965 = arith.constant 1575 : index
      %get3A_966 = memref.load %arg1[%get3A_965] : memref<2560xi32, #tpu.memory_space<smem>>
      %dma_start3A_967 = arith.constant 2 : i32
      %dma_start3A_968 = arith.constant 7 : i32
      %dma_start3A_969 = arith.constant 0 : i32
      %dma_start3A_970 = tpu.memref_slice %arg6[%dma_start3A_967, %dma_start3A_968, %dma_start3A_969] : memref<4x16x10000xf32, #tpu.memory_space<vmem>> -> memref<1x1x10000xf32, #tpu.memory_space<vmem>>
      %dma_start3A_971 = tpu.memref_squeeze %dma_start3A_970 : memref<1x1x10000xf32, #tpu.memory_space<vmem>> -> memref<10000xf32, #tpu.memory_space<vmem>>
      %dma_start3A_972 = arith.constant 0 : i32
      %dma_start3A_973 = tpu.memref_slice %arg3[%get3A_966, %dma_start3A_972] : memref<10000x10000xf32, #tpu.memory_space<hbm>> -> memref<1x10000xf32, #tpu.memory_space<hbm>>
      %dma_start3A_974 = tpu.memref_squeeze %dma_start3A_973 : memref<1x10000xf32, #tpu.memory_space<hbm>> -> memref<10000xf32, #tpu.memory_space<hbm>>
      tpu.enqueue_dma source(%dma_start3A_974 : memref<10000xf32, #tpu.memory_space<hbm>>) target(%dma_start3A_971 : memref<10000xf32, #tpu.memory_space<vmem>>) target_semaphore(%arg9 : memref<!tpu.dma_semaphore, #tpu.memory_space<semaphore_mem>>)
      %get3A_975 = arith.constant 1576 : index
      %get3A_976 = memref.load %arg1[%get3A_975] : memref<2560xi32, #tpu.memory_space<smem>>
      %dma_start3A_977 = arith.constant 2 : i32
      %dma_start3A_978 = arith.constant 8 : i32
      %dma_start3A_979 = arith.constant 0 : i32
      %dma_start3A_980 = tpu.memref_slice %arg6[%dma_start3A_977, %dma_start3A_978, %dma_start3A_979] : memref<4x16x10000xf32, #tpu.memory_space<vmem>> -> memref<1x1x10000xf32, #tpu.memory_space<vmem>>
      %dma_start3A_981 = tpu.memref_squeeze %dma_start3A_980 : memref<1x1x10000xf32, #tpu.memory_space<vmem>> -> memref<10000xf32, #tpu.memory_space<vmem>>
      %dma_start3A_982 = arith.constant 0 : i32
      %dma_start3A_983 = tpu.memref_slice %arg3[%get3A_976, %dma_start3A_982] : memref<10000x10000xf32, #tpu.memory_space<hbm>> -> memref<1x10000xf32, #tpu.memory_space<hbm>>
      %dma_start3A_984 = tpu.memref_squeeze %dma_start3A_983 : memref<1x10000xf32, #tpu.memory_space<hbm>> -> memref<10000xf32, #tpu.memory_space<hbm>>
      tpu.enqueue_dma source(%dma_start3A_984 : memref<10000xf32, #tpu.memory_space<hbm>>) target(%dma_start3A_981 : memref<10000xf32, #tpu.memory_space<vmem>>) target_semaphore(%arg9 : memref<!tpu.dma_semaphore, #tpu.memory_space<semaphore_mem>>)
      %get3A_985 = arith.constant 1577 : index
      %get3A_986 = memref.load %arg1[%get3A_985] : memref<2560xi32, #tpu.memory_space<smem>>
      %dma_start3A_987 = arith.constant 2 : i32
      %dma_start3A_988 = arith.constant 9 : i32
      %dma_start3A_989 = arith.constant 0 : i32
      %dma_start3A_990 = tpu.memref_slice %arg6[%dma_start3A_987, %dma_start3A_988, %dma_start3A_989] : memref<4x16x10000xf32, #tpu.memory_space<vmem>> -> memref<1x1x10000xf32, #tpu.memory_space<vmem>>
      %dma_start3A_991 = tpu.memref_squeeze %dma_start3A_990 : memref<1x1x10000xf32, #tpu.memory_space<vmem>> -> memref<10000xf32, #tpu.memory_space<vmem>>
      %dma_start3A_992 = arith.constant 0 : i32
      %dma_start3A_993 = tpu.memref_slice %arg3[%get3A_986, %dma_start3A_992] : memref<10000x10000xf32, #tpu.memory_space<hbm>> -> memref<1x10000xf32, #tpu.memory_space<hbm>>
      %dma_start3A_994 = tpu.memref_squeeze %dma_start3A_993 : memref<1x10000xf32, #tpu.memory_space<hbm>> -> memref<10000xf32, #tpu.memory_space<hbm>>
      tpu.enqueue_dma source(%dma_start3A_994 : memref<10000xf32, #tpu.memory_space<hbm>>) target(%dma_start3A_991 : memref<10000xf32, #tpu.memory_space<vmem>>) target_semaphore(%arg9 : memref<!tpu.dma_semaphore, #tpu.memory_space<semaphore_mem>>)
      %get3A_995 = arith.constant 1578 : index
      %get3A_996 = memref.load %arg1[%get3A_995] : memref<2560xi32, #tpu.memory_space<smem>>
      %dma_start3A_997 = arith.constant 2 : i32
      %dma_start3A_998 = arith.constant 10 : i32
      %dma_start3A_999 = arith.constant 0 : i32
      %dma_start3A_1000 = tpu.memref_slice %arg6[%dma_start3A_997, %dma_start3A_998, %dma_start3A_999] : memref<4x16x10000xf32, #tpu.memory_space<vmem>> -> memref<1x1x10000xf32, #tpu.memory_space<vmem>>
      %dma_start3A_1001 = tpu.memref_squeeze %dma_start3A_1000 : memref<1x1x10000xf32, #tpu.memory_space<vmem>> -> memref<10000xf32, #tpu.memory_space<vmem>>
      %dma_start3A_1002 = arith.constant 0 : i32
      %dma_start3A_1003 = tpu.memref_slice %arg3[%get3A_996, %dma_start3A_1002] : memref<10000x10000xf32, #tpu.memory_space<hbm>> -> memref<1x10000xf32, #tpu.memory_space<hbm>>
      %dma_start3A_1004 = tpu.memref_squeeze %dma_start3A_1003 : memref<1x10000xf32, #tpu.memory_space<hbm>> -> memref<10000xf32, #tpu.memory_space<hbm>>
      tpu.enqueue_dma source(%dma_start3A_1004 : memref<10000xf32, #tpu.memory_space<hbm>>) target(%dma_start3A_1001 : memref<10000xf32, #tpu.memory_space<vmem>>) target_semaphore(%arg9 : memref<!tpu.dma_semaphore, #tpu.memory_space<semaphore_mem>>)
      %get3A_1005 = arith.constant 1579 : index
      %get3A_1006 = memref.load %arg1[%get3A_1005] : memref<2560xi32, #tpu.memory_space<smem>>
      %dma_start3A_1007 = arith.constant 2 : i32
      %dma_start3A_1008 = arith.constant 11 : i32
      %dma_start3A_1009 = arith.constant 0 : i32
      %dma_start3A_1010 = tpu.memref_slice %arg6[%dma_start3A_1007, %dma_start3A_1008, %dma_start3A_1009] : memref<4x16x10000xf32, #tpu.memory_space<vmem>> -> memref<1x1x10000xf32, #tpu.memory_space<vmem>>
      %dma_start3A_1011 = tpu.memref_squeeze %dma_start3A_1010 : memref<1x1x10000xf32, #tpu.memory_space<vmem>> -> memref<10000xf32, #tpu.memory_space<vmem>>
      %dma_start3A_1012 = arith.constant 0 : i32
      %dma_start3A_1013 = tpu.memref_slice %arg3[%get3A_1006, %dma_start3A_1012] : memref<10000x10000xf32, #tpu.memory_space<hbm>> -> memref<1x10000xf32, #tpu.memory_space<hbm>>
      %dma_start3A_1014 = tpu.memref_squeeze %dma_start3A_1013 : memref<1x10000xf32, #tpu.memory_space<hbm>> -> memref<10000xf32, #tpu.memory_space<hbm>>
      tpu.enqueue_dma source(%dma_start3A_1014 : memref<10000xf32, #tpu.memory_space<hbm>>) target(%dma_start3A_1011 : memref<10000xf32, #tpu.memory_space<vmem>>) target_semaphore(%arg9 : memref<!tpu.dma_semaphore, #tpu.memory_space<semaphore_mem>>)
      %get3A_1015 = arith.constant 1580 : index
      %get3A_1016 = memref.load %arg1[%get3A_1015] : memref<2560xi32, #tpu.memory_space<smem>>
      %dma_start3A_1017 = arith.constant 2 : i32
      %dma_start3A_1018 = arith.constant 12 : i32
      %dma_start3A_1019 = arith.constant 0 : i32
      %dma_start3A_1020 = tpu.memref_slice %arg6[%dma_start3A_1017, %dma_start3A_1018, %dma_start3A_1019] : memref<4x16x10000xf32, #tpu.memory_space<vmem>> -> memref<1x1x10000xf32, #tpu.memory_space<vmem>>
      %dma_start3A_1021 = tpu.memref_squeeze %dma_start3A_1020 : memref<1x1x10000xf32, #tpu.memory_space<vmem>> -> memref<10000xf32, #tpu.memory_space<vmem>>
      %dma_start3A_1022 = arith.constant 0 : i32
      %dma_start3A_1023 = tpu.memref_slice %arg3[%get3A_1016, %dma_start3A_1022] : memref<10000x10000xf32, #tpu.memory_space<hbm>> -> memref<1x10000xf32, #tpu.memory_space<hbm>>
      %dma_start3A_1024 = tpu.memref_squeeze %dma_start3A_1023 : memref<1x10000xf32, #tpu.memory_space<hbm>> -> memref<10000xf32, #tpu.memory_space<hbm>>
      tpu.enqueue_dma source(%dma_start3A_1024 : memref<10000xf32, #tpu.memory_space<hbm>>) target(%dma_start3A_1021 : memref<10000xf32, #tpu.memory_space<vmem>>) target_semaphore(%arg9 : memref<!tpu.dma_semaphore, #tpu.memory_space<semaphore_mem>>)
      %get3A_1025 = arith.constant 1581 : index
      %get3A_1026 = memref.load %arg1[%get3A_1025] : memref<2560xi32, #tpu.memory_space<smem>>
      %dma_start3A_1027 = arith.constant 2 : i32
      %dma_start3A_1028 = arith.constant 13 : i32
      %dma_start3A_1029 = arith.constant 0 : i32
      %dma_start3A_1030 = tpu.memref_slice %arg6[%dma_start3A_1027, %dma_start3A_1028, %dma_start3A_1029] : memref<4x16x10000xf32, #tpu.memory_space<vmem>> -> memref<1x1x10000xf32, #tpu.memory_space<vmem>>
      %dma_start3A_1031 = tpu.memref_squeeze %dma_start3A_1030 : memref<1x1x10000xf32, #tpu.memory_space<vmem>> -> memref<10000xf32, #tpu.memory_space<vmem>>
      %dma_start3A_1032 = arith.constant 0 : i32
      %dma_start3A_1033 = tpu.memref_slice %arg3[%get3A_1026, %dma_start3A_1032] : memref<10000x10000xf32, #tpu.memory_space<hbm>> -> memref<1x10000xf32, #tpu.memory_space<hbm>>
      %dma_start3A_1034 = tpu.memref_squeeze %dma_start3A_1033 : memref<1x10000xf32, #tpu.memory_space<hbm>> -> memref<10000xf32, #tpu.memory_space<hbm>>
      tpu.enqueue_dma source(%dma_start3A_1034 : memref<10000xf32, #tpu.memory_space<hbm>>) target(%dma_start3A_1031 : memref<10000xf32, #tpu.memory_space<vmem>>) target_semaphore(%arg9 : memref<!tpu.dma_semaphore, #tpu.memory_space<semaphore_mem>>)
      %get3A_1035 = arith.constant 1582 : index
      %get3A_1036 = memref.load %arg1[%get3A_1035] : memref<2560xi32, #tpu.memory_space<smem>>
      %dma_start3A_1037 = arith.constant 2 : i32
      %dma_start3A_1038 = arith.constant 14 : i32
      %dma_start3A_1039 = arith.constant 0 : i32
      %dma_start3A_1040 = tpu.memref_slice %arg6[%dma_start3A_1037, %dma_start3A_1038, %dma_start3A_1039] : memref<4x16x10000xf32, #tpu.memory_space<vmem>> -> memref<1x1x10000xf32, #tpu.memory_space<vmem>>
      %dma_start3A_1041 = tpu.memref_squeeze %dma_start3A_1040 : memref<1x1x10000xf32, #tpu.memory_space<vmem>> -> memref<10000xf32, #tpu.memory_space<vmem>>
      %dma_start3A_1042 = arith.constant 0 : i32
      %dma_start3A_1043 = tpu.memref_slice %arg3[%get3A_1036, %dma_start3A_1042] : memref<10000x10000xf32, #tpu.memory_space<hbm>> -> memref<1x10000xf32, #tpu.memory_space<hbm>>
      %dma_start3A_1044 = tpu.memref_squeeze %dma_start3A_1043 : memref<1x10000xf32, #tpu.memory_space<hbm>> -> memref<10000xf32, #tpu.memory_space<hbm>>
      tpu.enqueue_dma source(%dma_start3A_1044 : memref<10000xf32, #tpu.memory_space<hbm>>) target(%dma_start3A_1041 : memref<10000xf32, #tpu.memory_space<vmem>>) target_semaphore(%arg9 : memref<!tpu.dma_semaphore, #tpu.memory_space<semaphore_mem>>)
      %get3A_1045 = arith.constant 1583 : index
      %get3A_1046 = memref.load %arg1[%get3A_1045] : memref<2560xi32, #tpu.memory_space<smem>>
      %dma_start3A_1047 = arith.constant 2 : i32
      %dma_start3A_1048 = arith.constant 15 : i32
      %dma_start3A_1049 = arith.constant 0 : i32
      %dma_start3A_1050 = tpu.memref_slice %arg6[%dma_start3A_1047, %dma_start3A_1048, %dma_start3A_1049] : memref<4x16x10000xf32, #tpu.memory_space<vmem>> -> memref<1x1x10000xf32, #tpu.memory_space<vmem>>
      %dma_start3A_1051 = tpu.memref_squeeze %dma_start3A_1050 : memref<1x1x10000xf32, #tpu.memory_space<vmem>> -> memref<10000xf32, #tpu.memory_space<vmem>>
      %dma_start3A_1052 = arith.constant 0 : i32
      %dma_start3A_1053 = tpu.memref_slice %arg3[%get3A_1046, %dma_start3A_1052] : memref<10000x10000xf32, #tpu.memory_space<hbm>> -> memref<1x10000xf32, #tpu.memory_space<hbm>>
      %dma_start3A_1054 = tpu.memref_squeeze %dma_start3A_1053 : memref<1x10000xf32, #tpu.memory_space<hbm>> -> memref<10000xf32, #tpu.memory_space<hbm>>
      tpu.enqueue_dma source(%dma_start3A_1054 : memref<10000xf32, #tpu.memory_space<hbm>>) target(%dma_start3A_1051 : memref<10000xf32, #tpu.memory_space<vmem>>) target_semaphore(%arg9 : memref<!tpu.dma_semaphore, #tpu.memory_space<semaphore_mem>>)
    } else {
    }
    %add3A = arith.constant 4 : i32
    %add3A_2 = arith.addi %arg0, %add3A : i32
    %sub3A = arith.constant 1 : i32
    %sub3A_3 = arith.subi %add3A_2, %sub3A : i32
    %lt3A = arith.constant 64 : i32
    %lt3A_4 = arith.cmpi slt, %sub3A_3, %lt3A : i32
    %jit3A = arith.constant 4 : i32
    %eq3A_5 = arith.constant 0 : i32
    %eq3A_6 = arith.cmpi eq, %jit3A, %eq3A_5 : i32
    %jit3A_7 = arith.constant 1 : i32
    %select_n3A = arith.select %eq3A_6, %jit3A_7, %jit3A : i32
    %rem3A = arith.remsi %arg0, %select_n3A : i32
    %ne3A = arith.constant 0 : i32
    %ne3A_8 = arith.cmpi ne, %rem3A, %ne3A : i32
    %lt3A_9 = arith.constant 0 : i32
    %lt3A_10 = arith.cmpi slt, %rem3A, %lt3A_9 : i32
    %lt3A_11 = arith.constant 0 : i32
    %lt3A_12 = arith.cmpi slt, %select_n3A, %lt3A_11 : i32
    %ne3A_13 = arith.xori %lt3A_10, %lt3A_12 : i1
    %and3A = arith.andi %ne3A_13, %ne3A_8 : i1
    %add3A_14 = arith.addi %rem3A, %select_n3A : i32
    %select_n3A_15 = arith.select %and3A, %add3A_14, %rem3A : i32
    %eq3A_16 = arith.constant 0 : i32
    %eq3A_17 = arith.cmpi eq, %select_n3A_15, %eq3A_16 : i32
    %and3A_18 = arith.andi %lt3A_4, %eq3A_17 : i1
    %convert_element_type3A_19 = arith.extui %and3A_18 : i1 to i32
    %cond3A_20 = arith.constant 0 : i32
    %cond3A_21 = arith.cmpi ne, %convert_element_type3A_19, %cond3A_20 : i32
    scf.if %cond3A_21 {
      %add3A_571 = arith.constant 4 : i32
      %add3A_572 = arith.addi %arg0, %add3A_571 : i32
      %sub3A_573 = arith.constant 1 : i32
      %sub3A_574 = arith.subi %add3A_572, %sub3A_573 : i32
      %mul3A_575 = arith.constant 16 : i32
      %mul3A_576 = arith.muli %sub3A_574, %mul3A_575 : i32
      %add3A_577 = arith.constant 1536 : i32
      %add3A_578 = arith.addi %add3A_577, %mul3A_576 : i32
      %add3A_579 = arith.constant 0 : i32
      %add3A_580 = arith.addi %add3A_578, %add3A_579 : i32
      %get3A_581 = arith.index_cast %add3A_580 : i32 to index
      %get3A_582 = memref.load %arg1[%get3A_581] : memref<2560xi32, #tpu.memory_space<smem>>
      %dma_start3A = arith.constant 3 : i32
      %dma_start3A_583 = arith.constant 0 : i32
      %dma_start3A_584 = arith.constant 0 : i32
      %dma_start3A_585 = tpu.memref_slice %arg6[%dma_start3A, %dma_start3A_583, %dma_start3A_584] : memref<4x16x10000xf32, #tpu.memory_space<vmem>> -> memref<1x1x10000xf32, #tpu.memory_space<vmem>>
      %dma_start3A_586 = tpu.memref_squeeze %dma_start3A_585 : memref<1x1x10000xf32, #tpu.memory_space<vmem>> -> memref<10000xf32, #tpu.memory_space<vmem>>
      %dma_start3A_587 = arith.constant 0 : i32
      %dma_start3A_588 = tpu.memref_slice %arg3[%get3A_582, %dma_start3A_587] : memref<10000x10000xf32, #tpu.memory_space<hbm>> -> memref<1x10000xf32, #tpu.memory_space<hbm>>
      %dma_start3A_589 = tpu.memref_squeeze %dma_start3A_588 : memref<1x10000xf32, #tpu.memory_space<hbm>> -> memref<10000xf32, #tpu.memory_space<hbm>>
      tpu.enqueue_dma source(%dma_start3A_589 : memref<10000xf32, #tpu.memory_space<hbm>>) target(%dma_start3A_586 : memref<10000xf32, #tpu.memory_space<vmem>>) target_semaphore(%arg10 : memref<!tpu.dma_semaphore, #tpu.memory_space<semaphore_mem>>)
      %mul3A_590 = arith.constant 16 : i32
      %mul3A_591 = arith.muli %sub3A_574, %mul3A_590 : i32
      %add3A_592 = arith.constant 1536 : i32
      %add3A_593 = arith.addi %add3A_592, %mul3A_591 : i32
      %add3A_594 = arith.constant 1 : i32
      %add3A_595 = arith.addi %add3A_593, %add3A_594 : i32
      %get3A_596 = arith.index_cast %add3A_595 : i32 to index
      %get3A_597 = memref.load %arg1[%get3A_596] : memref<2560xi32, #tpu.memory_space<smem>>
      %dma_start3A_598 = arith.constant 3 : i32
      %dma_start3A_599 = arith.constant 1 : i32
      %dma_start3A_600 = arith.constant 0 : i32
      %dma_start3A_601 = tpu.memref_slice %arg6[%dma_start3A_598, %dma_start3A_599, %dma_start3A_600] : memref<4x16x10000xf32, #tpu.memory_space<vmem>> -> memref<1x1x10000xf32, #tpu.memory_space<vmem>>
      %dma_start3A_602 = tpu.memref_squeeze %dma_start3A_601 : memref<1x1x10000xf32, #tpu.memory_space<vmem>> -> memref<10000xf32, #tpu.memory_space<vmem>>
      %dma_start3A_603 = arith.constant 0 : i32
      %dma_start3A_604 = tpu.memref_slice %arg3[%get3A_597, %dma_start3A_603] : memref<10000x10000xf32, #tpu.memory_space<hbm>> -> memref<1x10000xf32, #tpu.memory_space<hbm>>
      %dma_start3A_605 = tpu.memref_squeeze %dma_start3A_604 : memref<1x10000xf32, #tpu.memory_space<hbm>> -> memref<10000xf32, #tpu.memory_space<hbm>>
      tpu.enqueue_dma source(%dma_start3A_605 : memref<10000xf32, #tpu.memory_space<hbm>>) target(%dma_start3A_602 : memref<10000xf32, #tpu.memory_space<vmem>>) target_semaphore(%arg10 : memref<!tpu.dma_semaphore, #tpu.memory_space<semaphore_mem>>)
      %mul3A_606 = arith.constant 16 : i32
      %mul3A_607 = arith.muli %sub3A_574, %mul3A_606 : i32
      %add3A_608 = arith.constant 1536 : i32
      %add3A_609 = arith.addi %add3A_608, %mul3A_607 : i32
      %add3A_610 = arith.constant 2 : i32
      %add3A_611 = arith.addi %add3A_609, %add3A_610 : i32
      %get3A_612 = arith.index_cast %add3A_611 : i32 to index
      %get3A_613 = memref.load %arg1[%get3A_612] : memref<2560xi32, #tpu.memory_space<smem>>
      %dma_start3A_614 = arith.constant 3 : i32
      %dma_start3A_615 = arith.constant 2 : i32
      %dma_start3A_616 = arith.constant 0 : i32
      %dma_start3A_617 = tpu.memref_slice %arg6[%dma_start3A_614, %dma_start3A_615, %dma_start3A_616] : memref<4x16x10000xf32, #tpu.memory_space<vmem>> -> memref<1x1x10000xf32, #tpu.memory_space<vmem>>
      %dma_start3A_618 = tpu.memref_squeeze %dma_start3A_617 : memref<1x1x10000xf32, #tpu.memory_space<vmem>> -> memref<10000xf32, #tpu.memory_space<vmem>>
      %dma_start3A_619 = arith.constant 0 : i32
      %dma_start3A_620 = tpu.memref_slice %arg3[%get3A_613, %dma_start3A_619] : memref<10000x10000xf32, #tpu.memory_space<hbm>> -> memref<1x10000xf32, #tpu.memory_space<hbm>>
      %dma_start3A_621 = tpu.memref_squeeze %dma_start3A_620 : memref<1x10000xf32, #tpu.memory_space<hbm>> -> memref<10000xf32, #tpu.memory_space<hbm>>
      tpu.enqueue_dma source(%dma_start3A_621 : memref<10000xf32, #tpu.memory_space<hbm>>) target(%dma_start3A_618 : memref<10000xf32, #tpu.memory_space<vmem>>) target_semaphore(%arg10 : memref<!tpu.dma_semaphore, #tpu.memory_space<semaphore_mem>>)
      %mul3A_622 = arith.constant 16 : i32
      %mul3A_623 = arith.muli %sub3A_574, %mul3A_622 : i32
      %add3A_624 = arith.constant 1536 : i32
      %add3A_625 = arith.addi %add3A_624, %mul3A_623 : i32
      %add3A_626 = arith.constant 3 : i32
      %add3A_627 = arith.addi %add3A_625, %add3A_626 : i32
      %get3A_628 = arith.index_cast %add3A_627 : i32 to index
      %get3A_629 = memref.load %arg1[%get3A_628] : memref<2560xi32, #tpu.memory_space<smem>>
      %dma_start3A_630 = arith.constant 3 : i32
      %dma_start3A_631 = arith.constant 3 : i32
      %dma_start3A_632 = arith.constant 0 : i32
      %dma_start3A_633 = tpu.memref_slice %arg6[%dma_start3A_630, %dma_start3A_631, %dma_start3A_632] : memref<4x16x10000xf32, #tpu.memory_space<vmem>> -> memref<1x1x10000xf32, #tpu.memory_space<vmem>>
      %dma_start3A_634 = tpu.memref_squeeze %dma_start3A_633 : memref<1x1x10000xf32, #tpu.memory_space<vmem>> -> memref<10000xf32, #tpu.memory_space<vmem>>
      %dma_start3A_635 = arith.constant 0 : i32
      %dma_start3A_636 = tpu.memref_slice %arg3[%get3A_629, %dma_start3A_635] : memref<10000x10000xf32, #tpu.memory_space<hbm>> -> memref<1x10000xf32, #tpu.memory_space<hbm>>
      %dma_start3A_637 = tpu.memref_squeeze %dma_start3A_636 : memref<1x10000xf32, #tpu.memory_space<hbm>> -> memref<10000xf32, #tpu.memory_space<hbm>>
      tpu.enqueue_dma source(%dma_start3A_637 : memref<10000xf32, #tpu.memory_space<hbm>>) target(%dma_start3A_634 : memref<10000xf32, #tpu.memory_space<vmem>>) target_semaphore(%arg10 : memref<!tpu.dma_semaphore, #tpu.memory_space<semaphore_mem>>)
      %mul3A_638 = arith.constant 16 : i32
      %mul3A_639 = arith.muli %sub3A_574, %mul3A_638 : i32
      %add3A_640 = arith.constant 1536 : i32
      %add3A_641 = arith.addi %add3A_640, %mul3A_639 : i32
      %add3A_642 = arith.constant 4 : i32
      %add3A_643 = arith.addi %add3A_641, %add3A_642 : i32
      %get3A_644 = arith.index_cast %add3A_643 : i32 to index
      %get3A_645 = memref.load %arg1[%get3A_644] : memref<2560xi32, #tpu.memory_space<smem>>
      %dma_start3A_646 = arith.constant 3 : i32
      %dma_start3A_647 = arith.constant 4 : i32
      %dma_start3A_648 = arith.constant 0 : i32
      %dma_start3A_649 = tpu.memref_slice %arg6[%dma_start3A_646, %dma_start3A_647, %dma_start3A_648] : memref<4x16x10000xf32, #tpu.memory_space<vmem>> -> memref<1x1x10000xf32, #tpu.memory_space<vmem>>
      %dma_start3A_650 = tpu.memref_squeeze %dma_start3A_649 : memref<1x1x10000xf32, #tpu.memory_space<vmem>> -> memref<10000xf32, #tpu.memory_space<vmem>>
      %dma_start3A_651 = arith.constant 0 : i32
      %dma_start3A_652 = tpu.memref_slice %arg3[%get3A_645, %dma_start3A_651] : memref<10000x10000xf32, #tpu.memory_space<hbm>> -> memref<1x10000xf32, #tpu.memory_space<hbm>>
      %dma_start3A_653 = tpu.memref_squeeze %dma_start3A_652 : memref<1x10000xf32, #tpu.memory_space<hbm>> -> memref<10000xf32, #tpu.memory_space<hbm>>
      tpu.enqueue_dma source(%dma_start3A_653 : memref<10000xf32, #tpu.memory_space<hbm>>) target(%dma_start3A_650 : memref<10000xf32, #tpu.memory_space<vmem>>) target_semaphore(%arg10 : memref<!tpu.dma_semaphore, #tpu.memory_space<semaphore_mem>>)
      %mul3A_654 = arith.constant 16 : i32
      %mul3A_655 = arith.muli %sub3A_574, %mul3A_654 : i32
      %add3A_656 = arith.constant 1536 : i32
      %add3A_657 = arith.addi %add3A_656, %mul3A_655 : i32
      %add3A_658 = arith.constant 5 : i32
      %add3A_659 = arith.addi %add3A_657, %add3A_658 : i32
      %get3A_660 = arith.index_cast %add3A_659 : i32 to index
      %get3A_661 = memref.load %arg1[%get3A_660] : memref<2560xi32, #tpu.memory_space<smem>>
      %dma_start3A_662 = arith.constant 3 : i32
      %dma_start3A_663 = arith.constant 5 : i32
      %dma_start3A_664 = arith.constant 0 : i32
      %dma_start3A_665 = tpu.memref_slice %arg6[%dma_start3A_662, %dma_start3A_663, %dma_start3A_664] : memref<4x16x10000xf32, #tpu.memory_space<vmem>> -> memref<1x1x10000xf32, #tpu.memory_space<vmem>>
      %dma_start3A_666 = tpu.memref_squeeze %dma_start3A_665 : memref<1x1x10000xf32, #tpu.memory_space<vmem>> -> memref<10000xf32, #tpu.memory_space<vmem>>
      %dma_start3A_667 = arith.constant 0 : i32
      %dma_start3A_668 = tpu.memref_slice %arg3[%get3A_661, %dma_start3A_667] : memref<10000x10000xf32, #tpu.memory_space<hbm>> -> memref<1x10000xf32, #tpu.memory_space<hbm>>
      %dma_start3A_669 = tpu.memref_squeeze %dma_start3A_668 : memref<1x10000xf32, #tpu.memory_space<hbm>> -> memref<10000xf32, #tpu.memory_space<hbm>>
      tpu.enqueue_dma source(%dma_start3A_669 : memref<10000xf32, #tpu.memory_space<hbm>>) target(%dma_start3A_666 : memref<10000xf32, #tpu.memory_space<vmem>>) target_semaphore(%arg10 : memref<!tpu.dma_semaphore, #tpu.memory_space<semaphore_mem>>)
      %mul3A_670 = arith.constant 16 : i32
      %mul3A_671 = arith.muli %sub3A_574, %mul3A_670 : i32
      %add3A_672 = arith.constant 1536 : i32
      %add3A_673 = arith.addi %add3A_672, %mul3A_671 : i32
      %add3A_674 = arith.constant 6 : i32
      %add3A_675 = arith.addi %add3A_673, %add3A_674 : i32
      %get3A_676 = arith.index_cast %add3A_675 : i32 to index
      %get3A_677 = memref.load %arg1[%get3A_676] : memref<2560xi32, #tpu.memory_space<smem>>
      %dma_start3A_678 = arith.constant 3 : i32
      %dma_start3A_679 = arith.constant 6 : i32
      %dma_start3A_680 = arith.constant 0 : i32
      %dma_start3A_681 = tpu.memref_slice %arg6[%dma_start3A_678, %dma_start3A_679, %dma_start3A_680] : memref<4x16x10000xf32, #tpu.memory_space<vmem>> -> memref<1x1x10000xf32, #tpu.memory_space<vmem>>
      %dma_start3A_682 = tpu.memref_squeeze %dma_start3A_681 : memref<1x1x10000xf32, #tpu.memory_space<vmem>> -> memref<10000xf32, #tpu.memory_space<vmem>>
      %dma_start3A_683 = arith.constant 0 : i32
      %dma_start3A_684 = tpu.memref_slice %arg3[%get3A_677, %dma_start3A_683] : memref<10000x10000xf32, #tpu.memory_space<hbm>> -> memref<1x10000xf32, #tpu.memory_space<hbm>>
      %dma_start3A_685 = tpu.memref_squeeze %dma_start3A_684 : memref<1x10000xf32, #tpu.memory_space<hbm>> -> memref<10000xf32, #tpu.memory_space<hbm>>
      tpu.enqueue_dma source(%dma_start3A_685 : memref<10000xf32, #tpu.memory_space<hbm>>) target(%dma_start3A_682 : memref<10000xf32, #tpu.memory_space<vmem>>) target_semaphore(%arg10 : memref<!tpu.dma_semaphore, #tpu.memory_space<semaphore_mem>>)
      %mul3A_686 = arith.constant 16 : i32
      %mul3A_687 = arith.muli %sub3A_574, %mul3A_686 : i32
      %add3A_688 = arith.constant 1536 : i32
      %add3A_689 = arith.addi %add3A_688, %mul3A_687 : i32
      %add3A_690 = arith.constant 7 : i32
      %add3A_691 = arith.addi %add3A_689, %add3A_690 : i32
      %get3A_692 = arith.index_cast %add3A_691 : i32 to index
      %get3A_693 = memref.load %arg1[%get3A_692] : memref<2560xi32, #tpu.memory_space<smem>>
      %dma_start3A_694 = arith.constant 3 : i32
      %dma_start3A_695 = arith.constant 7 : i32
      %dma_start3A_696 = arith.constant 0 : i32
      %dma_start3A_697 = tpu.memref_slice %arg6[%dma_start3A_694, %dma_start3A_695, %dma_start3A_696] : memref<4x16x10000xf32, #tpu.memory_space<vmem>> -> memref<1x1x10000xf32, #tpu.memory_space<vmem>>
      %dma_start3A_698 = tpu.memref_squeeze %dma_start3A_697 : memref<1x1x10000xf32, #tpu.memory_space<vmem>> -> memref<10000xf32, #tpu.memory_space<vmem>>
      %dma_start3A_699 = arith.constant 0 : i32
      %dma_start3A_700 = tpu.memref_slice %arg3[%get3A_693, %dma_start3A_699] : memref<10000x10000xf32, #tpu.memory_space<hbm>> -> memref<1x10000xf32, #tpu.memory_space<hbm>>
      %dma_start3A_701 = tpu.memref_squeeze %dma_start3A_700 : memref<1x10000xf32, #tpu.memory_space<hbm>> -> memref<10000xf32, #tpu.memory_space<hbm>>
      tpu.enqueue_dma source(%dma_start3A_701 : memref<10000xf32, #tpu.memory_space<hbm>>) target(%dma_start3A_698 : memref<10000xf32, #tpu.memory_space<vmem>>) target_semaphore(%arg10 : memref<!tpu.dma_semaphore, #tpu.memory_space<semaphore_mem>>)
      %mul3A_702 = arith.constant 16 : i32
      %mul3A_703 = arith.muli %sub3A_574, %mul3A_702 : i32
      %add3A_704 = arith.constant 1536 : i32
      %add3A_705 = arith.addi %add3A_704, %mul3A_703 : i32
      %add3A_706 = arith.constant 8 : i32
      %add3A_707 = arith.addi %add3A_705, %add3A_706 : i32
      %get3A_708 = arith.index_cast %add3A_707 : i32 to index
      %get3A_709 = memref.load %arg1[%get3A_708] : memref<2560xi32, #tpu.memory_space<smem>>
      %dma_start3A_710 = arith.constant 3 : i32
      %dma_start3A_711 = arith.constant 8 : i32
      %dma_start3A_712 = arith.constant 0 : i32
      %dma_start3A_713 = tpu.memref_slice %arg6[%dma_start3A_710, %dma_start3A_711, %dma_start3A_712] : memref<4x16x10000xf32, #tpu.memory_space<vmem>> -> memref<1x1x10000xf32, #tpu.memory_space<vmem>>
      %dma_start3A_714 = tpu.memref_squeeze %dma_start3A_713 : memref<1x1x10000xf32, #tpu.memory_space<vmem>> -> memref<10000xf32, #tpu.memory_space<vmem>>
      %dma_start3A_715 = arith.constant 0 : i32
      %dma_start3A_716 = tpu.memref_slice %arg3[%get3A_709, %dma_start3A_715] : memref<10000x10000xf32, #tpu.memory_space<hbm>> -> memref<1x10000xf32, #tpu.memory_space<hbm>>
      %dma_start3A_717 = tpu.memref_squeeze %dma_start3A_716 : memref<1x10000xf32, #tpu.memory_space<hbm>> -> memref<10000xf32, #tpu.memory_space<hbm>>
      tpu.enqueue_dma source(%dma_start3A_717 : memref<10000xf32, #tpu.memory_space<hbm>>) target(%dma_start3A_714 : memref<10000xf32, #tpu.memory_space<vmem>>) target_semaphore(%arg10 : memref<!tpu.dma_semaphore, #tpu.memory_space<semaphore_mem>>)
      %mul3A_718 = arith.constant 16 : i32
      %mul3A_719 = arith.muli %sub3A_574, %mul3A_718 : i32
      %add3A_720 = arith.constant 1536 : i32
      %add3A_721 = arith.addi %add3A_720, %mul3A_719 : i32
      %add3A_722 = arith.constant 9 : i32
      %add3A_723 = arith.addi %add3A_721, %add3A_722 : i32
      %get3A_724 = arith.index_cast %add3A_723 : i32 to index
      %get3A_725 = memref.load %arg1[%get3A_724] : memref<2560xi32, #tpu.memory_space<smem>>
      %dma_start3A_726 = arith.constant 3 : i32
      %dma_start3A_727 = arith.constant 9 : i32
      %dma_start3A_728 = arith.constant 0 : i32
      %dma_start3A_729 = tpu.memref_slice %arg6[%dma_start3A_726, %dma_start3A_727, %dma_start3A_728] : memref<4x16x10000xf32, #tpu.memory_space<vmem>> -> memref<1x1x10000xf32, #tpu.memory_space<vmem>>
      %dma_start3A_730 = tpu.memref_squeeze %dma_start3A_729 : memref<1x1x10000xf32, #tpu.memory_space<vmem>> -> memref<10000xf32, #tpu.memory_space<vmem>>
      %dma_start3A_731 = arith.constant 0 : i32
      %dma_start3A_732 = tpu.memref_slice %arg3[%get3A_725, %dma_start3A_731] : memref<10000x10000xf32, #tpu.memory_space<hbm>> -> memref<1x10000xf32, #tpu.memory_space<hbm>>
      %dma_start3A_733 = tpu.memref_squeeze %dma_start3A_732 : memref<1x10000xf32, #tpu.memory_space<hbm>> -> memref<10000xf32, #tpu.memory_space<hbm>>
      tpu.enqueue_dma source(%dma_start3A_733 : memref<10000xf32, #tpu.memory_space<hbm>>) target(%dma_start3A_730 : memref<10000xf32, #tpu.memory_space<vmem>>) target_semaphore(%arg10 : memref<!tpu.dma_semaphore, #tpu.memory_space<semaphore_mem>>)
      %mul3A_734 = arith.constant 16 : i32
      %mul3A_735 = arith.muli %sub3A_574, %mul3A_734 : i32
      %add3A_736 = arith.constant 1536 : i32
      %add3A_737 = arith.addi %add3A_736, %mul3A_735 : i32
      %add3A_738 = arith.constant 10 : i32
      %add3A_739 = arith.addi %add3A_737, %add3A_738 : i32
      %get3A_740 = arith.index_cast %add3A_739 : i32 to index
      %get3A_741 = memref.load %arg1[%get3A_740] : memref<2560xi32, #tpu.memory_space<smem>>
      %dma_start3A_742 = arith.constant 3 : i32
      %dma_start3A_743 = arith.constant 10 : i32
      %dma_start3A_744 = arith.constant 0 : i32
      %dma_start3A_745 = tpu.memref_slice %arg6[%dma_start3A_742, %dma_start3A_743, %dma_start3A_744] : memref<4x16x10000xf32, #tpu.memory_space<vmem>> -> memref<1x1x10000xf32, #tpu.memory_space<vmem>>
      %dma_start3A_746 = tpu.memref_squeeze %dma_start3A_745 : memref<1x1x10000xf32, #tpu.memory_space<vmem>> -> memref<10000xf32, #tpu.memory_space<vmem>>
      %dma_start3A_747 = arith.constant 0 : i32
      %dma_start3A_748 = tpu.memref_slice %arg3[%get3A_741, %dma_start3A_747] : memref<10000x10000xf32, #tpu.memory_space<hbm>> -> memref<1x10000xf32, #tpu.memory_space<hbm>>
      %dma_start3A_749 = tpu.memref_squeeze %dma_start3A_748 : memref<1x10000xf32, #tpu.memory_space<hbm>> -> memref<10000xf32, #tpu.memory_space<hbm>>
      tpu.enqueue_dma source(%dma_start3A_749 : memref<10000xf32, #tpu.memory_space<hbm>>) target(%dma_start3A_746 : memref<10000xf32, #tpu.memory_space<vmem>>) target_semaphore(%arg10 : memref<!tpu.dma_semaphore, #tpu.memory_space<semaphore_mem>>)
      %mul3A_750 = arith.constant 16 : i32
      %mul3A_751 = arith.muli %sub3A_574, %mul3A_750 : i32
      %add3A_752 = arith.constant 1536 : i32
      %add3A_753 = arith.addi %add3A_752, %mul3A_751 : i32
      %add3A_754 = arith.constant 11 : i32
      %add3A_755 = arith.addi %add3A_753, %add3A_754 : i32
      %get3A_756 = arith.index_cast %add3A_755 : i32 to index
      %get3A_757 = memref.load %arg1[%get3A_756] : memref<2560xi32, #tpu.memory_space<smem>>
      %dma_start3A_758 = arith.constant 3 : i32
      %dma_start3A_759 = arith.constant 11 : i32
      %dma_start3A_760 = arith.constant 0 : i32
      %dma_start3A_761 = tpu.memref_slice %arg6[%dma_start3A_758, %dma_start3A_759, %dma_start3A_760] : memref<4x16x10000xf32, #tpu.memory_space<vmem>> -> memref<1x1x10000xf32, #tpu.memory_space<vmem>>
      %dma_start3A_762 = tpu.memref_squeeze %dma_start3A_761 : memref<1x1x10000xf32, #tpu.memory_space<vmem>> -> memref<10000xf32, #tpu.memory_space<vmem>>
      %dma_start3A_763 = arith.constant 0 : i32
      %dma_start3A_764 = tpu.memref_slice %arg3[%get3A_757, %dma_start3A_763] : memref<10000x10000xf32, #tpu.memory_space<hbm>> -> memref<1x10000xf32, #tpu.memory_space<hbm>>
      %dma_start3A_765 = tpu.memref_squeeze %dma_start3A_764 : memref<1x10000xf32, #tpu.memory_space<hbm>> -> memref<10000xf32, #tpu.memory_space<hbm>>
      tpu.enqueue_dma source(%dma_start3A_765 : memref<10000xf32, #tpu.memory_space<hbm>>) target(%dma_start3A_762 : memref<10000xf32, #tpu.memory_space<vmem>>) target_semaphore(%arg10 : memref<!tpu.dma_semaphore, #tpu.memory_space<semaphore_mem>>)
      %mul3A_766 = arith.constant 16 : i32
      %mul3A_767 = arith.muli %sub3A_574, %mul3A_766 : i32
      %add3A_768 = arith.constant 1536 : i32
      %add3A_769 = arith.addi %add3A_768, %mul3A_767 : i32
      %add3A_770 = arith.constant 12 : i32
      %add3A_771 = arith.addi %add3A_769, %add3A_770 : i32
      %get3A_772 = arith.index_cast %add3A_771 : i32 to index
      %get3A_773 = memref.load %arg1[%get3A_772] : memref<2560xi32, #tpu.memory_space<smem>>
      %dma_start3A_774 = arith.constant 3 : i32
      %dma_start3A_775 = arith.constant 12 : i32
      %dma_start3A_776 = arith.constant 0 : i32
      %dma_start3A_777 = tpu.memref_slice %arg6[%dma_start3A_774, %dma_start3A_775, %dma_start3A_776] : memref<4x16x10000xf32, #tpu.memory_space<vmem>> -> memref<1x1x10000xf32, #tpu.memory_space<vmem>>
      %dma_start3A_778 = tpu.memref_squeeze %dma_start3A_777 : memref<1x1x10000xf32, #tpu.memory_space<vmem>> -> memref<10000xf32, #tpu.memory_space<vmem>>
      %dma_start3A_779 = arith.constant 0 : i32
      %dma_start3A_780 = tpu.memref_slice %arg3[%get3A_773, %dma_start3A_779] : memref<10000x10000xf32, #tpu.memory_space<hbm>> -> memref<1x10000xf32, #tpu.memory_space<hbm>>
      %dma_start3A_781 = tpu.memref_squeeze %dma_start3A_780 : memref<1x10000xf32, #tpu.memory_space<hbm>> -> memref<10000xf32, #tpu.memory_space<hbm>>
      tpu.enqueue_dma source(%dma_start3A_781 : memref<10000xf32, #tpu.memory_space<hbm>>) target(%dma_start3A_778 : memref<10000xf32, #tpu.memory_space<vmem>>) target_semaphore(%arg10 : memref<!tpu.dma_semaphore, #tpu.memory_space<semaphore_mem>>)
      %mul3A_782 = arith.constant 16 : i32
      %mul3A_783 = arith.muli %sub3A_574, %mul3A_782 : i32
      %add3A_784 = arith.constant 1536 : i32
      %add3A_785 = arith.addi %add3A_784, %mul3A_783 : i32
      %add3A_786 = arith.constant 13 : i32
      %add3A_787 = arith.addi %add3A_785, %add3A_786 : i32
      %get3A_788 = arith.index_cast %add3A_787 : i32 to index
      %get3A_789 = memref.load %arg1[%get3A_788] : memref<2560xi32, #tpu.memory_space<smem>>
      %dma_start3A_790 = arith.constant 3 : i32
      %dma_start3A_791 = arith.constant 13 : i32
      %dma_start3A_792 = arith.constant 0 : i32
      %dma_start3A_793 = tpu.memref_slice %arg6[%dma_start3A_790, %dma_start3A_791, %dma_start3A_792] : memref<4x16x10000xf32, #tpu.memory_space<vmem>> -> memref<1x1x10000xf32, #tpu.memory_space<vmem>>
      %dma_start3A_794 = tpu.memref_squeeze %dma_start3A_793 : memref<1x1x10000xf32, #tpu.memory_space<vmem>> -> memref<10000xf32, #tpu.memory_space<vmem>>
      %dma_start3A_795 = arith.constant 0 : i32
      %dma_start3A_796 = tpu.memref_slice %arg3[%get3A_789, %dma_start3A_795] : memref<10000x10000xf32, #tpu.memory_space<hbm>> -> memref<1x10000xf32, #tpu.memory_space<hbm>>
      %dma_start3A_797 = tpu.memref_squeeze %dma_start3A_796 : memref<1x10000xf32, #tpu.memory_space<hbm>> -> memref<10000xf32, #tpu.memory_space<hbm>>
      tpu.enqueue_dma source(%dma_start3A_797 : memref<10000xf32, #tpu.memory_space<hbm>>) target(%dma_start3A_794 : memref<10000xf32, #tpu.memory_space<vmem>>) target_semaphore(%arg10 : memref<!tpu.dma_semaphore, #tpu.memory_space<semaphore_mem>>)
      %mul3A_798 = arith.constant 16 : i32
      %mul3A_799 = arith.muli %sub3A_574, %mul3A_798 : i32
      %add3A_800 = arith.constant 1536 : i32
      %add3A_801 = arith.addi %add3A_800, %mul3A_799 : i32
      %add3A_802 = arith.constant 14 : i32
      %add3A_803 = arith.addi %add3A_801, %add3A_802 : i32
      %get3A_804 = arith.index_cast %add3A_803 : i32 to index
      %get3A_805 = memref.load %arg1[%get3A_804] : memref<2560xi32, #tpu.memory_space<smem>>
      %dma_start3A_806 = arith.constant 3 : i32
      %dma_start3A_807 = arith.constant 14 : i32
      %dma_start3A_808 = arith.constant 0 : i32
      %dma_start3A_809 = tpu.memref_slice %arg6[%dma_start3A_806, %dma_start3A_807, %dma_start3A_808] : memref<4x16x10000xf32, #tpu.memory_space<vmem>> -> memref<1x1x10000xf32, #tpu.memory_space<vmem>>
      %dma_start3A_810 = tpu.memref_squeeze %dma_start3A_809 : memref<1x1x10000xf32, #tpu.memory_space<vmem>> -> memref<10000xf32, #tpu.memory_space<vmem>>
      %dma_start3A_811 = arith.constant 0 : i32
      %dma_start3A_812 = tpu.memref_slice %arg3[%get3A_805, %dma_start3A_811] : memref<10000x10000xf32, #tpu.memory_space<hbm>> -> memref<1x10000xf32, #tpu.memory_space<hbm>>
      %dma_start3A_813 = tpu.memref_squeeze %dma_start3A_812 : memref<1x10000xf32, #tpu.memory_space<hbm>> -> memref<10000xf32, #tpu.memory_space<hbm>>
      tpu.enqueue_dma source(%dma_start3A_813 : memref<10000xf32, #tpu.memory_space<hbm>>) target(%dma_start3A_810 : memref<10000xf32, #tpu.memory_space<vmem>>) target_semaphore(%arg10 : memref<!tpu.dma_semaphore, #tpu.memory_space<semaphore_mem>>)
      %mul3A_814 = arith.constant 16 : i32
      %mul3A_815 = arith.muli %sub3A_574, %mul3A_814 : i32
      %add3A_816 = arith.constant 1536 : i32
      %add3A_817 = arith.addi %add3A_816, %mul3A_815 : i32
      %add3A_818 = arith.constant 15 : i32
      %add3A_819 = arith.addi %add3A_817, %add3A_818 : i32
      %get3A_820 = arith.index_cast %add3A_819 : i32 to index
      %get3A_821 = memref.load %arg1[%get3A_820] : memref<2560xi32, #tpu.memory_space<smem>>
      %dma_start3A_822 = arith.constant 3 : i32
      %dma_start3A_823 = arith.constant 15 : i32
      %dma_start3A_824 = arith.constant 0 : i32
      %dma_start3A_825 = tpu.memref_slice %arg6[%dma_start3A_822, %dma_start3A_823, %dma_start3A_824] : memref<4x16x10000xf32, #tpu.memory_space<vmem>> -> memref<1x1x10000xf32, #tpu.memory_space<vmem>>
      %dma_start3A_826 = tpu.memref_squeeze %dma_start3A_825 : memref<1x1x10000xf32, #tpu.memory_space<vmem>> -> memref<10000xf32, #tpu.memory_space<vmem>>
      %dma_start3A_827 = arith.constant 0 : i32
      %dma_start3A_828 = tpu.memref_slice %arg3[%get3A_821, %dma_start3A_827] : memref<10000x10000xf32, #tpu.memory_space<hbm>> -> memref<1x10000xf32, #tpu.memory_space<hbm>>
      %dma_start3A_829 = tpu.memref_squeeze %dma_start3A_828 : memref<1x10000xf32, #tpu.memory_space<hbm>> -> memref<10000xf32, #tpu.memory_space<hbm>>
      tpu.enqueue_dma source(%dma_start3A_829 : memref<10000xf32, #tpu.memory_space<hbm>>) target(%dma_start3A_826 : memref<10000xf32, #tpu.memory_space<vmem>>) target_semaphore(%arg10 : memref<!tpu.dma_semaphore, #tpu.memory_space<semaphore_mem>>)
    } else {
    }
    %add3A_22 = arith.constant 4 : i32
    %add3A_23 = arith.addi %arg0, %add3A_22 : i32
    %sub3A_24 = arith.constant 1 : i32
    %sub3A_25 = arith.subi %add3A_23, %sub3A_24 : i32
    %lt3A_26 = arith.constant 64 : i32
    %lt3A_27 = arith.cmpi slt, %sub3A_25, %lt3A_26 : i32
    %jit3A_28 = arith.constant 4 : i32
    %eq3A_29 = arith.constant 0 : i32
    %eq3A_30 = arith.cmpi eq, %jit3A_28, %eq3A_29 : i32
    %jit3A_31 = arith.constant 1 : i32
    %select_n3A_32 = arith.select %eq3A_30, %jit3A_31, %jit3A_28 : i32
    %rem3A_33 = arith.remsi %arg0, %select_n3A_32 : i32
    %ne3A_34 = arith.constant 0 : i32
    %ne3A_35 = arith.cmpi ne, %rem3A_33, %ne3A_34 : i32
    %lt3A_36 = arith.constant 0 : i32
    %lt3A_37 = arith.cmpi slt, %rem3A_33, %lt3A_36 : i32
    %lt3A_38 = arith.constant 0 : i32
    %lt3A_39 = arith.cmpi slt, %select_n3A_32, %lt3A_38 : i32
    %ne3A_40 = arith.xori %lt3A_37, %lt3A_39 : i1
    %and3A_41 = arith.andi %ne3A_40, %ne3A_35 : i1
    %add3A_42 = arith.addi %rem3A_33, %select_n3A_32 : i32
    %select_n3A_43 = arith.select %and3A_41, %add3A_42, %rem3A_33 : i32
    %eq3A_44 = arith.constant 1 : i32
    %eq3A_45 = arith.cmpi eq, %select_n3A_43, %eq3A_44 : i32
    %and3A_46 = arith.andi %lt3A_27, %eq3A_45 : i1
    %convert_element_type3A_47 = arith.extui %and3A_46 : i1 to i32
    %cond3A_48 = arith.constant 0 : i32
    %cond3A_49 = arith.cmpi ne, %convert_element_type3A_47, %cond3A_48 : i32
    scf.if %cond3A_49 {
      %add3A_571 = arith.constant 4 : i32
      %add3A_572 = arith.addi %arg0, %add3A_571 : i32
      %sub3A_573 = arith.constant 1 : i32
      %sub3A_574 = arith.subi %add3A_572, %sub3A_573 : i32
      %mul3A_575 = arith.constant 16 : i32
      %mul3A_576 = arith.muli %sub3A_574, %mul3A_575 : i32
      %add3A_577 = arith.constant 1536 : i32
      %add3A_578 = arith.addi %add3A_577, %mul3A_576 : i32
      %add3A_579 = arith.constant 0 : i32
      %add3A_580 = arith.addi %add3A_578, %add3A_579 : i32
      %get3A_581 = arith.index_cast %add3A_580 : i32 to index
      %get3A_582 = memref.load %arg1[%get3A_581] : memref<2560xi32, #tpu.memory_space<smem>>
      %dma_start3A = arith.constant 0 : i32
      %dma_start3A_583 = arith.constant 0 : i32
      %dma_start3A_584 = arith.constant 0 : i32
      %dma_start3A_585 = tpu.memref_slice %arg6[%dma_start3A, %dma_start3A_583, %dma_start3A_584] : memref<4x16x10000xf32, #tpu.memory_space<vmem>> -> memref<1x1x10000xf32, #tpu.memory_space<vmem>>
      %dma_start3A_586 = tpu.memref_squeeze %dma_start3A_585 : memref<1x1x10000xf32, #tpu.memory_space<vmem>> -> memref<10000xf32, #tpu.memory_space<vmem>>
      %dma_start3A_587 = arith.constant 0 : i32
      %dma_start3A_588 = tpu.memref_slice %arg3[%get3A_582, %dma_start3A_587] : memref<10000x10000xf32, #tpu.memory_space<hbm>> -> memref<1x10000xf32, #tpu.memory_space<hbm>>
      %dma_start3A_589 = tpu.memref_squeeze %dma_start3A_588 : memref<1x10000xf32, #tpu.memory_space<hbm>> -> memref<10000xf32, #tpu.memory_space<hbm>>
      tpu.enqueue_dma source(%dma_start3A_589 : memref<10000xf32, #tpu.memory_space<hbm>>) target(%dma_start3A_586 : memref<10000xf32, #tpu.memory_space<vmem>>) target_semaphore(%arg7 : memref<!tpu.dma_semaphore, #tpu.memory_space<semaphore_mem>>)
      %mul3A_590 = arith.constant 16 : i32
      %mul3A_591 = arith.muli %sub3A_574, %mul3A_590 : i32
      %add3A_592 = arith.constant 1536 : i32
      %add3A_593 = arith.addi %add3A_592, %mul3A_591 : i32
      %add3A_594 = arith.constant 1 : i32
      %add3A_595 = arith.addi %add3A_593, %add3A_594 : i32
      %get3A_596 = arith.index_cast %add3A_595 : i32 to index
      %get3A_597 = memref.load %arg1[%get3A_596] : memref<2560xi32, #tpu.memory_space<smem>>
      %dma_start3A_598 = arith.constant 0 : i32
      %dma_start3A_599 = arith.constant 1 : i32
      %dma_start3A_600 = arith.constant 0 : i32
      %dma_start3A_601 = tpu.memref_slice %arg6[%dma_start3A_598, %dma_start3A_599, %dma_start3A_600] : memref<4x16x10000xf32, #tpu.memory_space<vmem>> -> memref<1x1x10000xf32, #tpu.memory_space<vmem>>
      %dma_start3A_602 = tpu.memref_squeeze %dma_start3A_601 : memref<1x1x10000xf32, #tpu.memory_space<vmem>> -> memref<10000xf32, #tpu.memory_space<vmem>>
      %dma_start3A_603 = arith.constant 0 : i32
      %dma_start3A_604 = tpu.memref_slice %arg3[%get3A_597, %dma_start3A_603] : memref<10000x10000xf32, #tpu.memory_space<hbm>> -> memref<1x10000xf32, #tpu.memory_space<hbm>>
      %dma_start3A_605 = tpu.memref_squeeze %dma_start3A_604 : memref<1x10000xf32, #tpu.memory_space<hbm>> -> memref<10000xf32, #tpu.memory_space<hbm>>
      tpu.enqueue_dma source(%dma_start3A_605 : memref<10000xf32, #tpu.memory_space<hbm>>) target(%dma_start3A_602 : memref<10000xf32, #tpu.memory_space<vmem>>) target_semaphore(%arg7 : memref<!tpu.dma_semaphore, #tpu.memory_space<semaphore_mem>>)
      %mul3A_606 = arith.constant 16 : i32
      %mul3A_607 = arith.muli %sub3A_574, %mul3A_606 : i32
      %add3A_608 = arith.constant 1536 : i32
      %add3A_609 = arith.addi %add3A_608, %mul3A_607 : i32
      %add3A_610 = arith.constant 2 : i32
      %add3A_611 = arith.addi %add3A_609, %add3A_610 : i32
      %get3A_612 = arith.index_cast %add3A_611 : i32 to index
      %get3A_613 = memref.load %arg1[%get3A_612] : memref<2560xi32, #tpu.memory_space<smem>>
      %dma_start3A_614 = arith.constant 0 : i32
      %dma_start3A_615 = arith.constant 2 : i32
      %dma_start3A_616 = arith.constant 0 : i32
      %dma_start3A_617 = tpu.memref_slice %arg6[%dma_start3A_614, %dma_start3A_615, %dma_start3A_616] : memref<4x16x10000xf32, #tpu.memory_space<vmem>> -> memref<1x1x10000xf32, #tpu.memory_space<vmem>>
      %dma_start3A_618 = tpu.memref_squeeze %dma_start3A_617 : memref<1x1x10000xf32, #tpu.memory_space<vmem>> -> memref<10000xf32, #tpu.memory_space<vmem>>
      %dma_start3A_619 = arith.constant 0 : i32
      %dma_start3A_620 = tpu.memref_slice %arg3[%get3A_613, %dma_start3A_619] : memref<10000x10000xf32, #tpu.memory_space<hbm>> -> memref<1x10000xf32, #tpu.memory_space<hbm>>
      %dma_start3A_621 = tpu.memref_squeeze %dma_start3A_620 : memref<1x10000xf32, #tpu.memory_space<hbm>> -> memref<10000xf32, #tpu.memory_space<hbm>>
      tpu.enqueue_dma source(%dma_start3A_621 : memref<10000xf32, #tpu.memory_space<hbm>>) target(%dma_start3A_618 : memref<10000xf32, #tpu.memory_space<vmem>>) target_semaphore(%arg7 : memref<!tpu.dma_semaphore, #tpu.memory_space<semaphore_mem>>)
      %mul3A_622 = arith.constant 16 : i32
      %mul3A_623 = arith.muli %sub3A_574, %mul3A_622 : i32
      %add3A_624 = arith.constant 1536 : i32
      %add3A_625 = arith.addi %add3A_624, %mul3A_623 : i32
      %add3A_626 = arith.constant 3 : i32
      %add3A_627 = arith.addi %add3A_625, %add3A_626 : i32
      %get3A_628 = arith.index_cast %add3A_627 : i32 to index
      %get3A_629 = memref.load %arg1[%get3A_628] : memref<2560xi32, #tpu.memory_space<smem>>
      %dma_start3A_630 = arith.constant 0 : i32
      %dma_start3A_631 = arith.constant 3 : i32
      %dma_start3A_632 = arith.constant 0 : i32
      %dma_start3A_633 = tpu.memref_slice %arg6[%dma_start3A_630, %dma_start3A_631, %dma_start3A_632] : memref<4x16x10000xf32, #tpu.memory_space<vmem>> -> memref<1x1x10000xf32, #tpu.memory_space<vmem>>
      %dma_start3A_634 = tpu.memref_squeeze %dma_start3A_633 : memref<1x1x10000xf32, #tpu.memory_space<vmem>> -> memref<10000xf32, #tpu.memory_space<vmem>>
      %dma_start3A_635 = arith.constant 0 : i32
      %dma_start3A_636 = tpu.memref_slice %arg3[%get3A_629, %dma_start3A_635] : memref<10000x10000xf32, #tpu.memory_space<hbm>> -> memref<1x10000xf32, #tpu.memory_space<hbm>>
      %dma_start3A_637 = tpu.memref_squeeze %dma_start3A_636 : memref<1x10000xf32, #tpu.memory_space<hbm>> -> memref<10000xf32, #tpu.memory_space<hbm>>
      tpu.enqueue_dma source(%dma_start3A_637 : memref<10000xf32, #tpu.memory_space<hbm>>) target(%dma_start3A_634 : memref<10000xf32, #tpu.memory_space<vmem>>) target_semaphore(%arg7 : memref<!tpu.dma_semaphore, #tpu.memory_space<semaphore_mem>>)
      %mul3A_638 = arith.constant 16 : i32
      %mul3A_639 = arith.muli %sub3A_574, %mul3A_638 : i32
      %add3A_640 = arith.constant 1536 : i32
      %add3A_641 = arith.addi %add3A_640, %mul3A_639 : i32
      %add3A_642 = arith.constant 4 : i32
      %add3A_643 = arith.addi %add3A_641, %add3A_642 : i32
      %get3A_644 = arith.index_cast %add3A_643 : i32 to index
      %get3A_645 = memref.load %arg1[%get3A_644] : memref<2560xi32, #tpu.memory_space<smem>>
      %dma_start3A_646 = arith.constant 0 : i32
      %dma_start3A_647 = arith.constant 4 : i32
      %dma_start3A_648 = arith.constant 0 : i32
      %dma_start3A_649 = tpu.memref_slice %arg6[%dma_start3A_646, %dma_start3A_647, %dma_start3A_648] : memref<4x16x10000xf32, #tpu.memory_space<vmem>> -> memref<1x1x10000xf32, #tpu.memory_space<vmem>>
      %dma_start3A_650 = tpu.memref_squeeze %dma_start3A_649 : memref<1x1x10000xf32, #tpu.memory_space<vmem>> -> memref<10000xf32, #tpu.memory_space<vmem>>
      %dma_start3A_651 = arith.constant 0 : i32
      %dma_start3A_652 = tpu.memref_slice %arg3[%get3A_645, %dma_start3A_651] : memref<10000x10000xf32, #tpu.memory_space<hbm>> -> memref<1x10000xf32, #tpu.memory_space<hbm>>
      %dma_start3A_653 = tpu.memref_squeeze %dma_start3A_652 : memref<1x10000xf32, #tpu.memory_space<hbm>> -> memref<10000xf32, #tpu.memory_space<hbm>>
      tpu.enqueue_dma source(%dma_start3A_653 : memref<10000xf32, #tpu.memory_space<hbm>>) target(%dma_start3A_650 : memref<10000xf32, #tpu.memory_space<vmem>>) target_semaphore(%arg7 : memref<!tpu.dma_semaphore, #tpu.memory_space<semaphore_mem>>)
      %mul3A_654 = arith.constant 16 : i32
      %mul3A_655 = arith.muli %sub3A_574, %mul3A_654 : i32
      %add3A_656 = arith.constant 1536 : i32
      %add3A_657 = arith.addi %add3A_656, %mul3A_655 : i32
      %add3A_658 = arith.constant 5 : i32
      %add3A_659 = arith.addi %add3A_657, %add3A_658 : i32
      %get3A_660 = arith.index_cast %add3A_659 : i32 to index
      %get3A_661 = memref.load %arg1[%get3A_660] : memref<2560xi32, #tpu.memory_space<smem>>
      %dma_start3A_662 = arith.constant 0 : i32
      %dma_start3A_663 = arith.constant 5 : i32
      %dma_start3A_664 = arith.constant 0 : i32
      %dma_start3A_665 = tpu.memref_slice %arg6[%dma_start3A_662, %dma_start3A_663, %dma_start3A_664] : memref<4x16x10000xf32, #tpu.memory_space<vmem>> -> memref<1x1x10000xf32, #tpu.memory_space<vmem>>
      %dma_start3A_666 = tpu.memref_squeeze %dma_start3A_665 : memref<1x1x10000xf32, #tpu.memory_space<vmem>> -> memref<10000xf32, #tpu.memory_space<vmem>>
      %dma_start3A_667 = arith.constant 0 : i32
      %dma_start3A_668 = tpu.memref_slice %arg3[%get3A_661, %dma_start3A_667] : memref<10000x10000xf32, #tpu.memory_space<hbm>> -> memref<1x10000xf32, #tpu.memory_space<hbm>>
      %dma_start3A_669 = tpu.memref_squeeze %dma_start3A_668 : memref<1x10000xf32, #tpu.memory_space<hbm>> -> memref<10000xf32, #tpu.memory_space<hbm>>
      tpu.enqueue_dma source(%dma_start3A_669 : memref<10000xf32, #tpu.memory_space<hbm>>) target(%dma_start3A_666 : memref<10000xf32, #tpu.memory_space<vmem>>) target_semaphore(%arg7 : memref<!tpu.dma_semaphore, #tpu.memory_space<semaphore_mem>>)
      %mul3A_670 = arith.constant 16 : i32
      %mul3A_671 = arith.muli %sub3A_574, %mul3A_670 : i32
      %add3A_672 = arith.constant 1536 : i32
      %add3A_673 = arith.addi %add3A_672, %mul3A_671 : i32
      %add3A_674 = arith.constant 6 : i32
      %add3A_675 = arith.addi %add3A_673, %add3A_674 : i32
      %get3A_676 = arith.index_cast %add3A_675 : i32 to index
      %get3A_677 = memref.load %arg1[%get3A_676] : memref<2560xi32, #tpu.memory_space<smem>>
      %dma_start3A_678 = arith.constant 0 : i32
      %dma_start3A_679 = arith.constant 6 : i32
      %dma_start3A_680 = arith.constant 0 : i32
      %dma_start3A_681 = tpu.memref_slice %arg6[%dma_start3A_678, %dma_start3A_679, %dma_start3A_680] : memref<4x16x10000xf32, #tpu.memory_space<vmem>> -> memref<1x1x10000xf32, #tpu.memory_space<vmem>>
      %dma_start3A_682 = tpu.memref_squeeze %dma_start3A_681 : memref<1x1x10000xf32, #tpu.memory_space<vmem>> -> memref<10000xf32, #tpu.memory_space<vmem>>
      %dma_start3A_683 = arith.constant 0 : i32
      %dma_start3A_684 = tpu.memref_slice %arg3[%get3A_677, %dma_start3A_683] : memref<10000x10000xf32, #tpu.memory_space<hbm>> -> memref<1x10000xf32, #tpu.memory_space<hbm>>
      %dma_start3A_685 = tpu.memref_squeeze %dma_start3A_684 : memref<1x10000xf32, #tpu.memory_space<hbm>> -> memref<10000xf32, #tpu.memory_space<hbm>>
      tpu.enqueue_dma source(%dma_start3A_685 : memref<10000xf32, #tpu.memory_space<hbm>>) target(%dma_start3A_682 : memref<10000xf32, #tpu.memory_space<vmem>>) target_semaphore(%arg7 : memref<!tpu.dma_semaphore, #tpu.memory_space<semaphore_mem>>)
      %mul3A_686 = arith.constant 16 : i32
      %mul3A_687 = arith.muli %sub3A_574, %mul3A_686 : i32
      %add3A_688 = arith.constant 1536 : i32
      %add3A_689 = arith.addi %add3A_688, %mul3A_687 : i32
      %add3A_690 = arith.constant 7 : i32
      %add3A_691 = arith.addi %add3A_689, %add3A_690 : i32
      %get3A_692 = arith.index_cast %add3A_691 : i32 to index
      %get3A_693 = memref.load %arg1[%get3A_692] : memref<2560xi32, #tpu.memory_space<smem>>
      %dma_start3A_694 = arith.constant 0 : i32
      %dma_start3A_695 = arith.constant 7 : i32
      %dma_start3A_696 = arith.constant 0 : i32
      %dma_start3A_697 = tpu.memref_slice %arg6[%dma_start3A_694, %dma_start3A_695, %dma_start3A_696] : memref<4x16x10000xf32, #tpu.memory_space<vmem>> -> memref<1x1x10000xf32, #tpu.memory_space<vmem>>
      %dma_start3A_698 = tpu.memref_squeeze %dma_start3A_697 : memref<1x1x10000xf32, #tpu.memory_space<vmem>> -> memref<10000xf32, #tpu.memory_space<vmem>>
      %dma_start3A_699 = arith.constant 0 : i32
      %dma_start3A_700 = tpu.memref_slice %arg3[%get3A_693, %dma_start3A_699] : memref<10000x10000xf32, #tpu.memory_space<hbm>> -> memref<1x10000xf32, #tpu.memory_space<hbm>>
      %dma_start3A_701 = tpu.memref_squeeze %dma_start3A_700 : memref<1x10000xf32, #tpu.memory_space<hbm>> -> memref<10000xf32, #tpu.memory_space<hbm>>
      tpu.enqueue_dma source(%dma_start3A_701 : memref<10000xf32, #tpu.memory_space<hbm>>) target(%dma_start3A_698 : memref<10000xf32, #tpu.memory_space<vmem>>) target_semaphore(%arg7 : memref<!tpu.dma_semaphore, #tpu.memory_space<semaphore_mem>>)
      %mul3A_702 = arith.constant 16 : i32
      %mul3A_703 = arith.muli %sub3A_574, %mul3A_702 : i32
      %add3A_704 = arith.constant 1536 : i32
      %add3A_705 = arith.addi %add3A_704, %mul3A_703 : i32
      %add3A_706 = arith.constant 8 : i32
      %add3A_707 = arith.addi %add3A_705, %add3A_706 : i32
      %get3A_708 = arith.index_cast %add3A_707 : i32 to index
      %get3A_709 = memref.load %arg1[%get3A_708] : memref<2560xi32, #tpu.memory_space<smem>>
      %dma_start3A_710 = arith.constant 0 : i32
      %dma_start3A_711 = arith.constant 8 : i32
      %dma_start3A_712 = arith.constant 0 : i32
      %dma_start3A_713 = tpu.memref_slice %arg6[%dma_start3A_710, %dma_start3A_711, %dma_start3A_712] : memref<4x16x10000xf32, #tpu.memory_space<vmem>> -> memref<1x1x10000xf32, #tpu.memory_space<vmem>>
      %dma_start3A_714 = tpu.memref_squeeze %dma_start3A_713 : memref<1x1x10000xf32, #tpu.memory_space<vmem>> -> memref<10000xf32, #tpu.memory_space<vmem>>
      %dma_start3A_715 = arith.constant 0 : i32
      %dma_start3A_716 = tpu.memref_slice %arg3[%get3A_709, %dma_start3A_715] : memref<10000x10000xf32, #tpu.memory_space<hbm>> -> memref<1x10000xf32, #tpu.memory_space<hbm>>
      %dma_start3A_717 = tpu.memref_squeeze %dma_start3A_716 : memref<1x10000xf32, #tpu.memory_space<hbm>> -> memref<10000xf32, #tpu.memory_space<hbm>>
      tpu.enqueue_dma source(%dma_start3A_717 : memref<10000xf32, #tpu.memory_space<hbm>>) target(%dma_start3A_714 : memref<10000xf32, #tpu.memory_space<vmem>>) target_semaphore(%arg7 : memref<!tpu.dma_semaphore, #tpu.memory_space<semaphore_mem>>)
      %mul3A_718 = arith.constant 16 : i32
      %mul3A_719 = arith.muli %sub3A_574, %mul3A_718 : i32
      %add3A_720 = arith.constant 1536 : i32
      %add3A_721 = arith.addi %add3A_720, %mul3A_719 : i32
      %add3A_722 = arith.constant 9 : i32
      %add3A_723 = arith.addi %add3A_721, %add3A_722 : i32
      %get3A_724 = arith.index_cast %add3A_723 : i32 to index
      %get3A_725 = memref.load %arg1[%get3A_724] : memref<2560xi32, #tpu.memory_space<smem>>
      %dma_start3A_726 = arith.constant 0 : i32
      %dma_start3A_727 = arith.constant 9 : i32
      %dma_start3A_728 = arith.constant 0 : i32
      %dma_start3A_729 = tpu.memref_slice %arg6[%dma_start3A_726, %dma_start3A_727, %dma_start3A_728] : memref<4x16x10000xf32, #tpu.memory_space<vmem>> -> memref<1x1x10000xf32, #tpu.memory_space<vmem>>
      %dma_start3A_730 = tpu.memref_squeeze %dma_start3A_729 : memref<1x1x10000xf32, #tpu.memory_space<vmem>> -> memref<10000xf32, #tpu.memory_space<vmem>>
      %dma_start3A_731 = arith.constant 0 : i32
      %dma_start3A_732 = tpu.memref_slice %arg3[%get3A_725, %dma_start3A_731] : memref<10000x10000xf32, #tpu.memory_space<hbm>> -> memref<1x10000xf32, #tpu.memory_space<hbm>>
      %dma_start3A_733 = tpu.memref_squeeze %dma_start3A_732 : memref<1x10000xf32, #tpu.memory_space<hbm>> -> memref<10000xf32, #tpu.memory_space<hbm>>
      tpu.enqueue_dma source(%dma_start3A_733 : memref<10000xf32, #tpu.memory_space<hbm>>) target(%dma_start3A_730 : memref<10000xf32, #tpu.memory_space<vmem>>) target_semaphore(%arg7 : memref<!tpu.dma_semaphore, #tpu.memory_space<semaphore_mem>>)
      %mul3A_734 = arith.constant 16 : i32
      %mul3A_735 = arith.muli %sub3A_574, %mul3A_734 : i32
      %add3A_736 = arith.constant 1536 : i32
      %add3A_737 = arith.addi %add3A_736, %mul3A_735 : i32
      %add3A_738 = arith.constant 10 : i32
      %add3A_739 = arith.addi %add3A_737, %add3A_738 : i32
      %get3A_740 = arith.index_cast %add3A_739 : i32 to index
      %get3A_741 = memref.load %arg1[%get3A_740] : memref<2560xi32, #tpu.memory_space<smem>>
      %dma_start3A_742 = arith.constant 0 : i32
      %dma_start3A_743 = arith.constant 10 : i32
      %dma_start3A_744 = arith.constant 0 : i32
      %dma_start3A_745 = tpu.memref_slice %arg6[%dma_start3A_742, %dma_start3A_743, %dma_start3A_744] : memref<4x16x10000xf32, #tpu.memory_space<vmem>> -> memref<1x1x10000xf32, #tpu.memory_space<vmem>>
      %dma_start3A_746 = tpu.memref_squeeze %dma_start3A_745 : memref<1x1x10000xf32, #tpu.memory_space<vmem>> -> memref<10000xf32, #tpu.memory_space<vmem>>
      %dma_start3A_747 = arith.constant 0 : i32
      %dma_start3A_748 = tpu.memref_slice %arg3[%get3A_741, %dma_start3A_747] : memref<10000x10000xf32, #tpu.memory_space<hbm>> -> memref<1x10000xf32, #tpu.memory_space<hbm>>
      %dma_start3A_749 = tpu.memref_squeeze %dma_start3A_748 : memref<1x10000xf32, #tpu.memory_space<hbm>> -> memref<10000xf32, #tpu.memory_space<hbm>>
      tpu.enqueue_dma source(%dma_start3A_749 : memref<10000xf32, #tpu.memory_space<hbm>>) target(%dma_start3A_746 : memref<10000xf32, #tpu.memory_space<vmem>>) target_semaphore(%arg7 : memref<!tpu.dma_semaphore, #tpu.memory_space<semaphore_mem>>)
      %mul3A_750 = arith.constant 16 : i32
      %mul3A_751 = arith.muli %sub3A_574, %mul3A_750 : i32
      %add3A_752 = arith.constant 1536 : i32
      %add3A_753 = arith.addi %add3A_752, %mul3A_751 : i32
      %add3A_754 = arith.constant 11 : i32
      %add3A_755 = arith.addi %add3A_753, %add3A_754 : i32
      %get3A_756 = arith.index_cast %add3A_755 : i32 to index
      %get3A_757 = memref.load %arg1[%get3A_756] : memref<2560xi32, #tpu.memory_space<smem>>
      %dma_start3A_758 = arith.constant 0 : i32
      %dma_start3A_759 = arith.constant 11 : i32
      %dma_start3A_760 = arith.constant 0 : i32
      %dma_start3A_761 = tpu.memref_slice %arg6[%dma_start3A_758, %dma_start3A_759, %dma_start3A_760] : memref<4x16x10000xf32, #tpu.memory_space<vmem>> -> memref<1x1x10000xf32, #tpu.memory_space<vmem>>
      %dma_start3A_762 = tpu.memref_squeeze %dma_start3A_761 : memref<1x1x10000xf32, #tpu.memory_space<vmem>> -> memref<10000xf32, #tpu.memory_space<vmem>>
      %dma_start3A_763 = arith.constant 0 : i32
      %dma_start3A_764 = tpu.memref_slice %arg3[%get3A_757, %dma_start3A_763] : memref<10000x10000xf32, #tpu.memory_space<hbm>> -> memref<1x10000xf32, #tpu.memory_space<hbm>>
      %dma_start3A_765 = tpu.memref_squeeze %dma_start3A_764 : memref<1x10000xf32, #tpu.memory_space<hbm>> -> memref<10000xf32, #tpu.memory_space<hbm>>
      tpu.enqueue_dma source(%dma_start3A_765 : memref<10000xf32, #tpu.memory_space<hbm>>) target(%dma_start3A_762 : memref<10000xf32, #tpu.memory_space<vmem>>) target_semaphore(%arg7 : memref<!tpu.dma_semaphore, #tpu.memory_space<semaphore_mem>>)
      %mul3A_766 = arith.constant 16 : i32
      %mul3A_767 = arith.muli %sub3A_574, %mul3A_766 : i32
      %add3A_768 = arith.constant 1536 : i32
      %add3A_769 = arith.addi %add3A_768, %mul3A_767 : i32
      %add3A_770 = arith.constant 12 : i32
      %add3A_771 = arith.addi %add3A_769, %add3A_770 : i32
      %get3A_772 = arith.index_cast %add3A_771 : i32 to index
      %get3A_773 = memref.load %arg1[%get3A_772] : memref<2560xi32, #tpu.memory_space<smem>>
      %dma_start3A_774 = arith.constant 0 : i32
      %dma_start3A_775 = arith.constant 12 : i32
      %dma_start3A_776 = arith.constant 0 : i32
      %dma_start3A_777 = tpu.memref_slice %arg6[%dma_start3A_774, %dma_start3A_775, %dma_start3A_776] : memref<4x16x10000xf32, #tpu.memory_space<vmem>> -> memref<1x1x10000xf32, #tpu.memory_space<vmem>>
      %dma_start3A_778 = tpu.memref_squeeze %dma_start3A_777 : memref<1x1x10000xf32, #tpu.memory_space<vmem>> -> memref<10000xf32, #tpu.memory_space<vmem>>
      %dma_start3A_779 = arith.constant 0 : i32
      %dma_start3A_780 = tpu.memref_slice %arg3[%get3A_773, %dma_start3A_779] : memref<10000x10000xf32, #tpu.memory_space<hbm>> -> memref<1x10000xf32, #tpu.memory_space<hbm>>
      %dma_start3A_781 = tpu.memref_squeeze %dma_start3A_780 : memref<1x10000xf32, #tpu.memory_space<hbm>> -> memref<10000xf32, #tpu.memory_space<hbm>>
      tpu.enqueue_dma source(%dma_start3A_781 : memref<10000xf32, #tpu.memory_space<hbm>>) target(%dma_start3A_778 : memref<10000xf32, #tpu.memory_space<vmem>>) target_semaphore(%arg7 : memref<!tpu.dma_semaphore, #tpu.memory_space<semaphore_mem>>)
      %mul3A_782 = arith.constant 16 : i32
      %mul3A_783 = arith.muli %sub3A_574, %mul3A_782 : i32
      %add3A_784 = arith.constant 1536 : i32
      %add3A_785 = arith.addi %add3A_784, %mul3A_783 : i32
      %add3A_786 = arith.constant 13 : i32
      %add3A_787 = arith.addi %add3A_785, %add3A_786 : i32
      %get3A_788 = arith.index_cast %add3A_787 : i32 to index
      %get3A_789 = memref.load %arg1[%get3A_788] : memref<2560xi32, #tpu.memory_space<smem>>
      %dma_start3A_790 = arith.constant 0 : i32
      %dma_start3A_791 = arith.constant 13 : i32
      %dma_start3A_792 = arith.constant 0 : i32
      %dma_start3A_793 = tpu.memref_slice %arg6[%dma_start3A_790, %dma_start3A_791, %dma_start3A_792] : memref<4x16x10000xf32, #tpu.memory_space<vmem>> -> memref<1x1x10000xf32, #tpu.memory_space<vmem>>
      %dma_start3A_794 = tpu.memref_squeeze %dma_start3A_793 : memref<1x1x10000xf32, #tpu.memory_space<vmem>> -> memref<10000xf32, #tpu.memory_space<vmem>>
      %dma_start3A_795 = arith.constant 0 : i32
      %dma_start3A_796 = tpu.memref_slice %arg3[%get3A_789, %dma_start3A_795] : memref<10000x10000xf32, #tpu.memory_space<hbm>> -> memref<1x10000xf32, #tpu.memory_space<hbm>>
      %dma_start3A_797 = tpu.memref_squeeze %dma_start3A_796 : memref<1x10000xf32, #tpu.memory_space<hbm>> -> memref<10000xf32, #tpu.memory_space<hbm>>
      tpu.enqueue_dma source(%dma_start3A_797 : memref<10000xf32, #tpu.memory_space<hbm>>) target(%dma_start3A_794 : memref<10000xf32, #tpu.memory_space<vmem>>) target_semaphore(%arg7 : memref<!tpu.dma_semaphore, #tpu.memory_space<semaphore_mem>>)
      %mul3A_798 = arith.constant 16 : i32
      %mul3A_799 = arith.muli %sub3A_574, %mul3A_798 : i32
      %add3A_800 = arith.constant 1536 : i32
      %add3A_801 = arith.addi %add3A_800, %mul3A_799 : i32
      %add3A_802 = arith.constant 14 : i32
      %add3A_803 = arith.addi %add3A_801, %add3A_802 : i32
      %get3A_804 = arith.index_cast %add3A_803 : i32 to index
      %get3A_805 = memref.load %arg1[%get3A_804] : memref<2560xi32, #tpu.memory_space<smem>>
      %dma_start3A_806 = arith.constant 0 : i32
      %dma_start3A_807 = arith.constant 14 : i32
      %dma_start3A_808 = arith.constant 0 : i32
      %dma_start3A_809 = tpu.memref_slice %arg6[%dma_start3A_806, %dma_start3A_807, %dma_start3A_808] : memref<4x16x10000xf32, #tpu.memory_space<vmem>> -> memref<1x1x10000xf32, #tpu.memory_space<vmem>>
      %dma_start3A_810 = tpu.memref_squeeze %dma_start3A_809 : memref<1x1x10000xf32, #tpu.memory_space<vmem>> -> memref<10000xf32, #tpu.memory_space<vmem>>
      %dma_start3A_811 = arith.constant 0 : i32
      %dma_start3A_812 = tpu.memref_slice %arg3[%get3A_805, %dma_start3A_811] : memref<10000x10000xf32, #tpu.memory_space<hbm>> -> memref<1x10000xf32, #tpu.memory_space<hbm>>
      %dma_start3A_813 = tpu.memref_squeeze %dma_start3A_812 : memref<1x10000xf32, #tpu.memory_space<hbm>> -> memref<10000xf32, #tpu.memory_space<hbm>>
      tpu.enqueue_dma source(%dma_start3A_813 : memref<10000xf32, #tpu.memory_space<hbm>>) target(%dma_start3A_810 : memref<10000xf32, #tpu.memory_space<vmem>>) target_semaphore(%arg7 : memref<!tpu.dma_semaphore, #tpu.memory_space<semaphore_mem>>)
      %mul3A_814 = arith.constant 16 : i32
      %mul3A_815 = arith.muli %sub3A_574, %mul3A_814 : i32
      %add3A_816 = arith.constant 1536 : i32
      %add3A_817 = arith.addi %add3A_816, %mul3A_815 : i32
      %add3A_818 = arith.constant 15 : i32
      %add3A_819 = arith.addi %add3A_817, %add3A_818 : i32
      %get3A_820 = arith.index_cast %add3A_819 : i32 to index
      %get3A_821 = memref.load %arg1[%get3A_820] : memref<2560xi32, #tpu.memory_space<smem>>
      %dma_start3A_822 = arith.constant 0 : i32
      %dma_start3A_823 = arith.constant 15 : i32
      %dma_start3A_824 = arith.constant 0 : i32
      %dma_start3A_825 = tpu.memref_slice %arg6[%dma_start3A_822, %dma_start3A_823, %dma_start3A_824] : memref<4x16x10000xf32, #tpu.memory_space<vmem>> -> memref<1x1x10000xf32, #tpu.memory_space<vmem>>
      %dma_start3A_826 = tpu.memref_squeeze %dma_start3A_825 : memref<1x1x10000xf32, #tpu.memory_space<vmem>> -> memref<10000xf32, #tpu.memory_space<vmem>>
      %dma_start3A_827 = arith.constant 0 : i32
      %dma_start3A_828 = tpu.memref_slice %arg3[%get3A_821, %dma_start3A_827] : memref<10000x10000xf32, #tpu.memory_space<hbm>> -> memref<1x10000xf32, #tpu.memory_space<hbm>>
      %dma_start3A_829 = tpu.memref_squeeze %dma_start3A_828 : memref<1x10000xf32, #tpu.memory_space<hbm>> -> memref<10000xf32, #tpu.memory_space<hbm>>
      tpu.enqueue_dma source(%dma_start3A_829 : memref<10000xf32, #tpu.memory_space<hbm>>) target(%dma_start3A_826 : memref<10000xf32, #tpu.memory_space<vmem>>) target_semaphore(%arg7 : memref<!tpu.dma_semaphore, #tpu.memory_space<semaphore_mem>>)
    } else {
    }
    %add3A_50 = arith.constant 4 : i32
    %add3A_51 = arith.addi %arg0, %add3A_50 : i32
    %sub3A_52 = arith.constant 1 : i32
    %sub3A_53 = arith.subi %add3A_51, %sub3A_52 : i32
    %lt3A_54 = arith.constant 64 : i32
    %lt3A_55 = arith.cmpi slt, %sub3A_53, %lt3A_54 : i32
    %jit3A_56 = arith.constant 4 : i32
    %eq3A_57 = arith.constant 0 : i32
    %eq3A_58 = arith.cmpi eq, %jit3A_56, %eq3A_57 : i32
    %jit3A_59 = arith.constant 1 : i32
    %select_n3A_60 = arith.select %eq3A_58, %jit3A_59, %jit3A_56 : i32
    %rem3A_61 = arith.remsi %arg0, %select_n3A_60 : i32
    %ne3A_62 = arith.constant 0 : i32
    %ne3A_63 = arith.cmpi ne, %rem3A_61, %ne3A_62 : i32
    %lt3A_64 = arith.constant 0 : i32
    %lt3A_65 = arith.cmpi slt, %rem3A_61, %lt3A_64 : i32
    %lt3A_66 = arith.constant 0 : i32
    %lt3A_67 = arith.cmpi slt, %select_n3A_60, %lt3A_66 : i32
    %ne3A_68 = arith.xori %lt3A_65, %lt3A_67 : i1
    %and3A_69 = arith.andi %ne3A_68, %ne3A_63 : i1
    %add3A_70 = arith.addi %rem3A_61, %select_n3A_60 : i32
    %select_n3A_71 = arith.select %and3A_69, %add3A_70, %rem3A_61 : i32
    %eq3A_72 = arith.constant 2 : i32
    %eq3A_73 = arith.cmpi eq, %select_n3A_71, %eq3A_72 : i32
    %and3A_74 = arith.andi %lt3A_55, %eq3A_73 : i1
    %convert_element_type3A_75 = arith.extui %and3A_74 : i1 to i32
    %cond3A_76 = arith.constant 0 : i32
    %cond3A_77 = arith.cmpi ne, %convert_element_type3A_75, %cond3A_76 : i32
    scf.if %cond3A_77 {
      %add3A_571 = arith.constant 4 : i32
      %add3A_572 = arith.addi %arg0, %add3A_571 : i32
      %sub3A_573 = arith.constant 1 : i32
      %sub3A_574 = arith.subi %add3A_572, %sub3A_573 : i32
      %mul3A_575 = arith.constant 16 : i32
      %mul3A_576 = arith.muli %sub3A_574, %mul3A_575 : i32
      %add3A_577 = arith.constant 1536 : i32
      %add3A_578 = arith.addi %add3A_577, %mul3A_576 : i32
      %add3A_579 = arith.constant 0 : i32
      %add3A_580 = arith.addi %add3A_578, %add3A_579 : i32
      %get3A_581 = arith.index_cast %add3A_580 : i32 to index
      %get3A_582 = memref.load %arg1[%get3A_581] : memref<2560xi32, #tpu.memory_space<smem>>
      %dma_start3A = arith.constant 1 : i32
      %dma_start3A_583 = arith.constant 0 : i32
      %dma_start3A_584 = arith.constant 0 : i32
      %dma_start3A_585 = tpu.memref_slice %arg6[%dma_start3A, %dma_start3A_583, %dma_start3A_584] : memref<4x16x10000xf32, #tpu.memory_space<vmem>> -> memref<1x1x10000xf32, #tpu.memory_space<vmem>>
      %dma_start3A_586 = tpu.memref_squeeze %dma_start3A_585 : memref<1x1x10000xf32, #tpu.memory_space<vmem>> -> memref<10000xf32, #tpu.memory_space<vmem>>
      %dma_start3A_587 = arith.constant 0 : i32
      %dma_start3A_588 = tpu.memref_slice %arg3[%get3A_582, %dma_start3A_587] : memref<10000x10000xf32, #tpu.memory_space<hbm>> -> memref<1x10000xf32, #tpu.memory_space<hbm>>
      %dma_start3A_589 = tpu.memref_squeeze %dma_start3A_588 : memref<1x10000xf32, #tpu.memory_space<hbm>> -> memref<10000xf32, #tpu.memory_space<hbm>>
      tpu.enqueue_dma source(%dma_start3A_589 : memref<10000xf32, #tpu.memory_space<hbm>>) target(%dma_start3A_586 : memref<10000xf32, #tpu.memory_space<vmem>>) target_semaphore(%arg8 : memref<!tpu.dma_semaphore, #tpu.memory_space<semaphore_mem>>)
      %mul3A_590 = arith.constant 16 : i32
      %mul3A_591 = arith.muli %sub3A_574, %mul3A_590 : i32
      %add3A_592 = arith.constant 1536 : i32
      %add3A_593 = arith.addi %add3A_592, %mul3A_591 : i32
      %add3A_594 = arith.constant 1 : i32
      %add3A_595 = arith.addi %add3A_593, %add3A_594 : i32
      %get3A_596 = arith.index_cast %add3A_595 : i32 to index
      %get3A_597 = memref.load %arg1[%get3A_596] : memref<2560xi32, #tpu.memory_space<smem>>
      %dma_start3A_598 = arith.constant 1 : i32
      %dma_start3A_599 = arith.constant 1 : i32
      %dma_start3A_600 = arith.constant 0 : i32
      %dma_start3A_601 = tpu.memref_slice %arg6[%dma_start3A_598, %dma_start3A_599, %dma_start3A_600] : memref<4x16x10000xf32, #tpu.memory_space<vmem>> -> memref<1x1x10000xf32, #tpu.memory_space<vmem>>
      %dma_start3A_602 = tpu.memref_squeeze %dma_start3A_601 : memref<1x1x10000xf32, #tpu.memory_space<vmem>> -> memref<10000xf32, #tpu.memory_space<vmem>>
      %dma_start3A_603 = arith.constant 0 : i32
      %dma_start3A_604 = tpu.memref_slice %arg3[%get3A_597, %dma_start3A_603] : memref<10000x10000xf32, #tpu.memory_space<hbm>> -> memref<1x10000xf32, #tpu.memory_space<hbm>>
      %dma_start3A_605 = tpu.memref_squeeze %dma_start3A_604 : memref<1x10000xf32, #tpu.memory_space<hbm>> -> memref<10000xf32, #tpu.memory_space<hbm>>
      tpu.enqueue_dma source(%dma_start3A_605 : memref<10000xf32, #tpu.memory_space<hbm>>) target(%dma_start3A_602 : memref<10000xf32, #tpu.memory_space<vmem>>) target_semaphore(%arg8 : memref<!tpu.dma_semaphore, #tpu.memory_space<semaphore_mem>>)
      %mul3A_606 = arith.constant 16 : i32
      %mul3A_607 = arith.muli %sub3A_574, %mul3A_606 : i32
      %add3A_608 = arith.constant 1536 : i32
      %add3A_609 = arith.addi %add3A_608, %mul3A_607 : i32
      %add3A_610 = arith.constant 2 : i32
      %add3A_611 = arith.addi %add3A_609, %add3A_610 : i32
      %get3A_612 = arith.index_cast %add3A_611 : i32 to index
      %get3A_613 = memref.load %arg1[%get3A_612] : memref<2560xi32, #tpu.memory_space<smem>>
      %dma_start3A_614 = arith.constant 1 : i32
      %dma_start3A_615 = arith.constant 2 : i32
      %dma_start3A_616 = arith.constant 0 : i32
      %dma_start3A_617 = tpu.memref_slice %arg6[%dma_start3A_614, %dma_start3A_615, %dma_start3A_616] : memref<4x16x10000xf32, #tpu.memory_space<vmem>> -> memref<1x1x10000xf32, #tpu.memory_space<vmem>>
      %dma_start3A_618 = tpu.memref_squeeze %dma_start3A_617 : memref<1x1x10000xf32, #tpu.memory_space<vmem>> -> memref<10000xf32, #tpu.memory_space<vmem>>
      %dma_start3A_619 = arith.constant 0 : i32
      %dma_start3A_620 = tpu.memref_slice %arg3[%get3A_613, %dma_start3A_619] : memref<10000x10000xf32, #tpu.memory_space<hbm>> -> memref<1x10000xf32, #tpu.memory_space<hbm>>
      %dma_start3A_621 = tpu.memref_squeeze %dma_start3A_620 : memref<1x10000xf32, #tpu.memory_space<hbm>> -> memref<10000xf32, #tpu.memory_space<hbm>>
      tpu.enqueue_dma source(%dma_start3A_621 : memref<10000xf32, #tpu.memory_space<hbm>>) target(%dma_start3A_618 : memref<10000xf32, #tpu.memory_space<vmem>>) target_semaphore(%arg8 : memref<!tpu.dma_semaphore, #tpu.memory_space<semaphore_mem>>)
      %mul3A_622 = arith.constant 16 : i32
      %mul3A_623 = arith.muli %sub3A_574, %mul3A_622 : i32
      %add3A_624 = arith.constant 1536 : i32
      %add3A_625 = arith.addi %add3A_624, %mul3A_623 : i32
      %add3A_626 = arith.constant 3 : i32
      %add3A_627 = arith.addi %add3A_625, %add3A_626 : i32
      %get3A_628 = arith.index_cast %add3A_627 : i32 to index
      %get3A_629 = memref.load %arg1[%get3A_628] : memref<2560xi32, #tpu.memory_space<smem>>
      %dma_start3A_630 = arith.constant 1 : i32
      %dma_start3A_631 = arith.constant 3 : i32
      %dma_start3A_632 = arith.constant 0 : i32
      %dma_start3A_633 = tpu.memref_slice %arg6[%dma_start3A_630, %dma_start3A_631, %dma_start3A_632] : memref<4x16x10000xf32, #tpu.memory_space<vmem>> -> memref<1x1x10000xf32, #tpu.memory_space<vmem>>
      %dma_start3A_634 = tpu.memref_squeeze %dma_start3A_633 : memref<1x1x10000xf32, #tpu.memory_space<vmem>> -> memref<10000xf32, #tpu.memory_space<vmem>>
      %dma_start3A_635 = arith.constant 0 : i32
      %dma_start3A_636 = tpu.memref_slice %arg3[%get3A_629, %dma_start3A_635] : memref<10000x10000xf32, #tpu.memory_space<hbm>> -> memref<1x10000xf32, #tpu.memory_space<hbm>>
      %dma_start3A_637 = tpu.memref_squeeze %dma_start3A_636 : memref<1x10000xf32, #tpu.memory_space<hbm>> -> memref<10000xf32, #tpu.memory_space<hbm>>
      tpu.enqueue_dma source(%dma_start3A_637 : memref<10000xf32, #tpu.memory_space<hbm>>) target(%dma_start3A_634 : memref<10000xf32, #tpu.memory_space<vmem>>) target_semaphore(%arg8 : memref<!tpu.dma_semaphore, #tpu.memory_space<semaphore_mem>>)
      %mul3A_638 = arith.constant 16 : i32
      %mul3A_639 = arith.muli %sub3A_574, %mul3A_638 : i32
      %add3A_640 = arith.constant 1536 : i32
      %add3A_641 = arith.addi %add3A_640, %mul3A_639 : i32
      %add3A_642 = arith.constant 4 : i32
      %add3A_643 = arith.addi %add3A_641, %add3A_642 : i32
      %get3A_644 = arith.index_cast %add3A_643 : i32 to index
      %get3A_645 = memref.load %arg1[%get3A_644] : memref<2560xi32, #tpu.memory_space<smem>>
      %dma_start3A_646 = arith.constant 1 : i32
      %dma_start3A_647 = arith.constant 4 : i32
      %dma_start3A_648 = arith.constant 0 : i32
      %dma_start3A_649 = tpu.memref_slice %arg6[%dma_start3A_646, %dma_start3A_647, %dma_start3A_648] : memref<4x16x10000xf32, #tpu.memory_space<vmem>> -> memref<1x1x10000xf32, #tpu.memory_space<vmem>>
      %dma_start3A_650 = tpu.memref_squeeze %dma_start3A_649 : memref<1x1x10000xf32, #tpu.memory_space<vmem>> -> memref<10000xf32, #tpu.memory_space<vmem>>
      %dma_start3A_651 = arith.constant 0 : i32
      %dma_start3A_652 = tpu.memref_slice %arg3[%get3A_645, %dma_start3A_651] : memref<10000x10000xf32, #tpu.memory_space<hbm>> -> memref<1x10000xf32, #tpu.memory_space<hbm>>
      %dma_start3A_653 = tpu.memref_squeeze %dma_start3A_652 : memref<1x10000xf32, #tpu.memory_space<hbm>> -> memref<10000xf32, #tpu.memory_space<hbm>>
      tpu.enqueue_dma source(%dma_start3A_653 : memref<10000xf32, #tpu.memory_space<hbm>>) target(%dma_start3A_650 : memref<10000xf32, #tpu.memory_space<vmem>>) target_semaphore(%arg8 : memref<!tpu.dma_semaphore, #tpu.memory_space<semaphore_mem>>)
      %mul3A_654 = arith.constant 16 : i32
      %mul3A_655 = arith.muli %sub3A_574, %mul3A_654 : i32
      %add3A_656 = arith.constant 1536 : i32
      %add3A_657 = arith.addi %add3A_656, %mul3A_655 : i32
      %add3A_658 = arith.constant 5 : i32
      %add3A_659 = arith.addi %add3A_657, %add3A_658 : i32
      %get3A_660 = arith.index_cast %add3A_659 : i32 to index
      %get3A_661 = memref.load %arg1[%get3A_660] : memref<2560xi32, #tpu.memory_space<smem>>
      %dma_start3A_662 = arith.constant 1 : i32
      %dma_start3A_663 = arith.constant 5 : i32
      %dma_start3A_664 = arith.constant 0 : i32
      %dma_start3A_665 = tpu.memref_slice %arg6[%dma_start3A_662, %dma_start3A_663, %dma_start3A_664] : memref<4x16x10000xf32, #tpu.memory_space<vmem>> -> memref<1x1x10000xf32, #tpu.memory_space<vmem>>
      %dma_start3A_666 = tpu.memref_squeeze %dma_start3A_665 : memref<1x1x10000xf32, #tpu.memory_space<vmem>> -> memref<10000xf32, #tpu.memory_space<vmem>>
      %dma_start3A_667 = arith.constant 0 : i32
      %dma_start3A_668 = tpu.memref_slice %arg3[%get3A_661, %dma_start3A_667] : memref<10000x10000xf32, #tpu.memory_space<hbm>> -> memref<1x10000xf32, #tpu.memory_space<hbm>>
      %dma_start3A_669 = tpu.memref_squeeze %dma_start3A_668 : memref<1x10000xf32, #tpu.memory_space<hbm>> -> memref<10000xf32, #tpu.memory_space<hbm>>
      tpu.enqueue_dma source(%dma_start3A_669 : memref<10000xf32, #tpu.memory_space<hbm>>) target(%dma_start3A_666 : memref<10000xf32, #tpu.memory_space<vmem>>) target_semaphore(%arg8 : memref<!tpu.dma_semaphore, #tpu.memory_space<semaphore_mem>>)
      %mul3A_670 = arith.constant 16 : i32
      %mul3A_671 = arith.muli %sub3A_574, %mul3A_670 : i32
      %add3A_672 = arith.constant 1536 : i32
      %add3A_673 = arith.addi %add3A_672, %mul3A_671 : i32
      %add3A_674 = arith.constant 6 : i32
      %add3A_675 = arith.addi %add3A_673, %add3A_674 : i32
      %get3A_676 = arith.index_cast %add3A_675 : i32 to index
      %get3A_677 = memref.load %arg1[%get3A_676] : memref<2560xi32, #tpu.memory_space<smem>>
      %dma_start3A_678 = arith.constant 1 : i32
      %dma_start3A_679 = arith.constant 6 : i32
      %dma_start3A_680 = arith.constant 0 : i32
      %dma_start3A_681 = tpu.memref_slice %arg6[%dma_start3A_678, %dma_start3A_679, %dma_start3A_680] : memref<4x16x10000xf32, #tpu.memory_space<vmem>> -> memref<1x1x10000xf32, #tpu.memory_space<vmem>>
      %dma_start3A_682 = tpu.memref_squeeze %dma_start3A_681 : memref<1x1x10000xf32, #tpu.memory_space<vmem>> -> memref<10000xf32, #tpu.memory_space<vmem>>
      %dma_start3A_683 = arith.constant 0 : i32
      %dma_start3A_684 = tpu.memref_slice %arg3[%get3A_677, %dma_start3A_683] : memref<10000x10000xf32, #tpu.memory_space<hbm>> -> memref<1x10000xf32, #tpu.memory_space<hbm>>
      %dma_start3A_685 = tpu.memref_squeeze %dma_start3A_684 : memref<1x10000xf32, #tpu.memory_space<hbm>> -> memref<10000xf32, #tpu.memory_space<hbm>>
      tpu.enqueue_dma source(%dma_start3A_685 : memref<10000xf32, #tpu.memory_space<hbm>>) target(%dma_start3A_682 : memref<10000xf32, #tpu.memory_space<vmem>>) target_semaphore(%arg8 : memref<!tpu.dma_semaphore, #tpu.memory_space<semaphore_mem>>)
      %mul3A_686 = arith.constant 16 : i32
      %mul3A_687 = arith.muli %sub3A_574, %mul3A_686 : i32
      %add3A_688 = arith.constant 1536 : i32
      %add3A_689 = arith.addi %add3A_688, %mul3A_687 : i32
      %add3A_690 = arith.constant 7 : i32
      %add3A_691 = arith.addi %add3A_689, %add3A_690 : i32
      %get3A_692 = arith.index_cast %add3A_691 : i32 to index
      %get3A_693 = memref.load %arg1[%get3A_692] : memref<2560xi32, #tpu.memory_space<smem>>
      %dma_start3A_694 = arith.constant 1 : i32
      %dma_start3A_695 = arith.constant 7 : i32
      %dma_start3A_696 = arith.constant 0 : i32
      %dma_start3A_697 = tpu.memref_slice %arg6[%dma_start3A_694, %dma_start3A_695, %dma_start3A_696] : memref<4x16x10000xf32, #tpu.memory_space<vmem>> -> memref<1x1x10000xf32, #tpu.memory_space<vmem>>
      %dma_start3A_698 = tpu.memref_squeeze %dma_start3A_697 : memref<1x1x10000xf32, #tpu.memory_space<vmem>> -> memref<10000xf32, #tpu.memory_space<vmem>>
      %dma_start3A_699 = arith.constant 0 : i32
      %dma_start3A_700 = tpu.memref_slice %arg3[%get3A_693, %dma_start3A_699] : memref<10000x10000xf32, #tpu.memory_space<hbm>> -> memref<1x10000xf32, #tpu.memory_space<hbm>>
      %dma_start3A_701 = tpu.memref_squeeze %dma_start3A_700 : memref<1x10000xf32, #tpu.memory_space<hbm>> -> memref<10000xf32, #tpu.memory_space<hbm>>
      tpu.enqueue_dma source(%dma_start3A_701 : memref<10000xf32, #tpu.memory_space<hbm>>) target(%dma_start3A_698 : memref<10000xf32, #tpu.memory_space<vmem>>) target_semaphore(%arg8 : memref<!tpu.dma_semaphore, #tpu.memory_space<semaphore_mem>>)
      %mul3A_702 = arith.constant 16 : i32
      %mul3A_703 = arith.muli %sub3A_574, %mul3A_702 : i32
      %add3A_704 = arith.constant 1536 : i32
      %add3A_705 = arith.addi %add3A_704, %mul3A_703 : i32
      %add3A_706 = arith.constant 8 : i32
      %add3A_707 = arith.addi %add3A_705, %add3A_706 : i32
      %get3A_708 = arith.index_cast %add3A_707 : i32 to index
      %get3A_709 = memref.load %arg1[%get3A_708] : memref<2560xi32, #tpu.memory_space<smem>>
      %dma_start3A_710 = arith.constant 1 : i32
      %dma_start3A_711 = arith.constant 8 : i32
      %dma_start3A_712 = arith.constant 0 : i32
      %dma_start3A_713 = tpu.memref_slice %arg6[%dma_start3A_710, %dma_start3A_711, %dma_start3A_712] : memref<4x16x10000xf32, #tpu.memory_space<vmem>> -> memref<1x1x10000xf32, #tpu.memory_space<vmem>>
      %dma_start3A_714 = tpu.memref_squeeze %dma_start3A_713 : memref<1x1x10000xf32, #tpu.memory_space<vmem>> -> memref<10000xf32, #tpu.memory_space<vmem>>
      %dma_start3A_715 = arith.constant 0 : i32
      %dma_start3A_716 = tpu.memref_slice %arg3[%get3A_709, %dma_start3A_715] : memref<10000x10000xf32, #tpu.memory_space<hbm>> -> memref<1x10000xf32, #tpu.memory_space<hbm>>
      %dma_start3A_717 = tpu.memref_squeeze %dma_start3A_716 : memref<1x10000xf32, #tpu.memory_space<hbm>> -> memref<10000xf32, #tpu.memory_space<hbm>>
      tpu.enqueue_dma source(%dma_start3A_717 : memref<10000xf32, #tpu.memory_space<hbm>>) target(%dma_start3A_714 : memref<10000xf32, #tpu.memory_space<vmem>>) target_semaphore(%arg8 : memref<!tpu.dma_semaphore, #tpu.memory_space<semaphore_mem>>)
      %mul3A_718 = arith.constant 16 : i32
      %mul3A_719 = arith.muli %sub3A_574, %mul3A_718 : i32
      %add3A_720 = arith.constant 1536 : i32
      %add3A_721 = arith.addi %add3A_720, %mul3A_719 : i32
      %add3A_722 = arith.constant 9 : i32
      %add3A_723 = arith.addi %add3A_721, %add3A_722 : i32
      %get3A_724 = arith.index_cast %add3A_723 : i32 to index
      %get3A_725 = memref.load %arg1[%get3A_724] : memref<2560xi32, #tpu.memory_space<smem>>
      %dma_start3A_726 = arith.constant 1 : i32
      %dma_start3A_727 = arith.constant 9 : i32
      %dma_start3A_728 = arith.constant 0 : i32
      %dma_start3A_729 = tpu.memref_slice %arg6[%dma_start3A_726, %dma_start3A_727, %dma_start3A_728] : memref<4x16x10000xf32, #tpu.memory_space<vmem>> -> memref<1x1x10000xf32, #tpu.memory_space<vmem>>
      %dma_start3A_730 = tpu.memref_squeeze %dma_start3A_729 : memref<1x1x10000xf32, #tpu.memory_space<vmem>> -> memref<10000xf32, #tpu.memory_space<vmem>>
      %dma_start3A_731 = arith.constant 0 : i32
      %dma_start3A_732 = tpu.memref_slice %arg3[%get3A_725, %dma_start3A_731] : memref<10000x10000xf32, #tpu.memory_space<hbm>> -> memref<1x10000xf32, #tpu.memory_space<hbm>>
      %dma_start3A_733 = tpu.memref_squeeze %dma_start3A_732 : memref<1x10000xf32, #tpu.memory_space<hbm>> -> memref<10000xf32, #tpu.memory_space<hbm>>
      tpu.enqueue_dma source(%dma_start3A_733 : memref<10000xf32, #tpu.memory_space<hbm>>) target(%dma_start3A_730 : memref<10000xf32, #tpu.memory_space<vmem>>) target_semaphore(%arg8 : memref<!tpu.dma_semaphore, #tpu.memory_space<semaphore_mem>>)
      %mul3A_734 = arith.constant 16 : i32
      %mul3A_735 = arith.muli %sub3A_574, %mul3A_734 : i32
      %add3A_736 = arith.constant 1536 : i32
      %add3A_737 = arith.addi %add3A_736, %mul3A_735 : i32
      %add3A_738 = arith.constant 10 : i32
      %add3A_739 = arith.addi %add3A_737, %add3A_738 : i32
      %get3A_740 = arith.index_cast %add3A_739 : i32 to index
      %get3A_741 = memref.load %arg1[%get3A_740] : memref<2560xi32, #tpu.memory_space<smem>>
      %dma_start3A_742 = arith.constant 1 : i32
      %dma_start3A_743 = arith.constant 10 : i32
      %dma_start3A_744 = arith.constant 0 : i32
      %dma_start3A_745 = tpu.memref_slice %arg6[%dma_start3A_742, %dma_start3A_743, %dma_start3A_744] : memref<4x16x10000xf32, #tpu.memory_space<vmem>> -> memref<1x1x10000xf32, #tpu.memory_space<vmem>>
      %dma_start3A_746 = tpu.memref_squeeze %dma_start3A_745 : memref<1x1x10000xf32, #tpu.memory_space<vmem>> -> memref<10000xf32, #tpu.memory_space<vmem>>
      %dma_start3A_747 = arith.constant 0 : i32
      %dma_start3A_748 = tpu.memref_slice %arg3[%get3A_741, %dma_start3A_747] : memref<10000x10000xf32, #tpu.memory_space<hbm>> -> memref<1x10000xf32, #tpu.memory_space<hbm>>
      %dma_start3A_749 = tpu.memref_squeeze %dma_start3A_748 : memref<1x10000xf32, #tpu.memory_space<hbm>> -> memref<10000xf32, #tpu.memory_space<hbm>>
      tpu.enqueue_dma source(%dma_start3A_749 : memref<10000xf32, #tpu.memory_space<hbm>>) target(%dma_start3A_746 : memref<10000xf32, #tpu.memory_space<vmem>>) target_semaphore(%arg8 : memref<!tpu.dma_semaphore, #tpu.memory_space<semaphore_mem>>)
      %mul3A_750 = arith.constant 16 : i32
      %mul3A_751 = arith.muli %sub3A_574, %mul3A_750 : i32
      %add3A_752 = arith.constant 1536 : i32
      %add3A_753 = arith.addi %add3A_752, %mul3A_751 : i32
      %add3A_754 = arith.constant 11 : i32
      %add3A_755 = arith.addi %add3A_753, %add3A_754 : i32
      %get3A_756 = arith.index_cast %add3A_755 : i32 to index
      %get3A_757 = memref.load %arg1[%get3A_756] : memref<2560xi32, #tpu.memory_space<smem>>
      %dma_start3A_758 = arith.constant 1 : i32
      %dma_start3A_759 = arith.constant 11 : i32
      %dma_start3A_760 = arith.constant 0 : i32
      %dma_start3A_761 = tpu.memref_slice %arg6[%dma_start3A_758, %dma_start3A_759, %dma_start3A_760] : memref<4x16x10000xf32, #tpu.memory_space<vmem>> -> memref<1x1x10000xf32, #tpu.memory_space<vmem>>
      %dma_start3A_762 = tpu.memref_squeeze %dma_start3A_761 : memref<1x1x10000xf32, #tpu.memory_space<vmem>> -> memref<10000xf32, #tpu.memory_space<vmem>>
      %dma_start3A_763 = arith.constant 0 : i32
      %dma_start3A_764 = tpu.memref_slice %arg3[%get3A_757, %dma_start3A_763] : memref<10000x10000xf32, #tpu.memory_space<hbm>> -> memref<1x10000xf32, #tpu.memory_space<hbm>>
      %dma_start3A_765 = tpu.memref_squeeze %dma_start3A_764 : memref<1x10000xf32, #tpu.memory_space<hbm>> -> memref<10000xf32, #tpu.memory_space<hbm>>
      tpu.enqueue_dma source(%dma_start3A_765 : memref<10000xf32, #tpu.memory_space<hbm>>) target(%dma_start3A_762 : memref<10000xf32, #tpu.memory_space<vmem>>) target_semaphore(%arg8 : memref<!tpu.dma_semaphore, #tpu.memory_space<semaphore_mem>>)
      %mul3A_766 = arith.constant 16 : i32
      %mul3A_767 = arith.muli %sub3A_574, %mul3A_766 : i32
      %add3A_768 = arith.constant 1536 : i32
      %add3A_769 = arith.addi %add3A_768, %mul3A_767 : i32
      %add3A_770 = arith.constant 12 : i32
      %add3A_771 = arith.addi %add3A_769, %add3A_770 : i32
      %get3A_772 = arith.index_cast %add3A_771 : i32 to index
      %get3A_773 = memref.load %arg1[%get3A_772] : memref<2560xi32, #tpu.memory_space<smem>>
      %dma_start3A_774 = arith.constant 1 : i32
      %dma_start3A_775 = arith.constant 12 : i32
      %dma_start3A_776 = arith.constant 0 : i32
      %dma_start3A_777 = tpu.memref_slice %arg6[%dma_start3A_774, %dma_start3A_775, %dma_start3A_776] : memref<4x16x10000xf32, #tpu.memory_space<vmem>> -> memref<1x1x10000xf32, #tpu.memory_space<vmem>>
      %dma_start3A_778 = tpu.memref_squeeze %dma_start3A_777 : memref<1x1x10000xf32, #tpu.memory_space<vmem>> -> memref<10000xf32, #tpu.memory_space<vmem>>
      %dma_start3A_779 = arith.constant 0 : i32
      %dma_start3A_780 = tpu.memref_slice %arg3[%get3A_773, %dma_start3A_779] : memref<10000x10000xf32, #tpu.memory_space<hbm>> -> memref<1x10000xf32, #tpu.memory_space<hbm>>
      %dma_start3A_781 = tpu.memref_squeeze %dma_start3A_780 : memref<1x10000xf32, #tpu.memory_space<hbm>> -> memref<10000xf32, #tpu.memory_space<hbm>>
      tpu.enqueue_dma source(%dma_start3A_781 : memref<10000xf32, #tpu.memory_space<hbm>>) target(%dma_start3A_778 : memref<10000xf32, #tpu.memory_space<vmem>>) target_semaphore(%arg8 : memref<!tpu.dma_semaphore, #tpu.memory_space<semaphore_mem>>)
      %mul3A_782 = arith.constant 16 : i32
      %mul3A_783 = arith.muli %sub3A_574, %mul3A_782 : i32
      %add3A_784 = arith.constant 1536 : i32
      %add3A_785 = arith.addi %add3A_784, %mul3A_783 : i32
      %add3A_786 = arith.constant 13 : i32
      %add3A_787 = arith.addi %add3A_785, %add3A_786 : i32
      %get3A_788 = arith.index_cast %add3A_787 : i32 to index
      %get3A_789 = memref.load %arg1[%get3A_788] : memref<2560xi32, #tpu.memory_space<smem>>
      %dma_start3A_790 = arith.constant 1 : i32
      %dma_start3A_791 = arith.constant 13 : i32
      %dma_start3A_792 = arith.constant 0 : i32
      %dma_start3A_793 = tpu.memref_slice %arg6[%dma_start3A_790, %dma_start3A_791, %dma_start3A_792] : memref<4x16x10000xf32, #tpu.memory_space<vmem>> -> memref<1x1x10000xf32, #tpu.memory_space<vmem>>
      %dma_start3A_794 = tpu.memref_squeeze %dma_start3A_793 : memref<1x1x10000xf32, #tpu.memory_space<vmem>> -> memref<10000xf32, #tpu.memory_space<vmem>>
      %dma_start3A_795 = arith.constant 0 : i32
      %dma_start3A_796 = tpu.memref_slice %arg3[%get3A_789, %dma_start3A_795] : memref<10000x10000xf32, #tpu.memory_space<hbm>> -> memref<1x10000xf32, #tpu.memory_space<hbm>>
      %dma_start3A_797 = tpu.memref_squeeze %dma_start3A_796 : memref<1x10000xf32, #tpu.memory_space<hbm>> -> memref<10000xf32, #tpu.memory_space<hbm>>
      tpu.enqueue_dma source(%dma_start3A_797 : memref<10000xf32, #tpu.memory_space<hbm>>) target(%dma_start3A_794 : memref<10000xf32, #tpu.memory_space<vmem>>) target_semaphore(%arg8 : memref<!tpu.dma_semaphore, #tpu.memory_space<semaphore_mem>>)
      %mul3A_798 = arith.constant 16 : i32
      %mul3A_799 = arith.muli %sub3A_574, %mul3A_798 : i32
      %add3A_800 = arith.constant 1536 : i32
      %add3A_801 = arith.addi %add3A_800, %mul3A_799 : i32
      %add3A_802 = arith.constant 14 : i32
      %add3A_803 = arith.addi %add3A_801, %add3A_802 : i32
      %get3A_804 = arith.index_cast %add3A_803 : i32 to index
      %get3A_805 = memref.load %arg1[%get3A_804] : memref<2560xi32, #tpu.memory_space<smem>>
      %dma_start3A_806 = arith.constant 1 : i32
      %dma_start3A_807 = arith.constant 14 : i32
      %dma_start3A_808 = arith.constant 0 : i32
      %dma_start3A_809 = tpu.memref_slice %arg6[%dma_start3A_806, %dma_start3A_807, %dma_start3A_808] : memref<4x16x10000xf32, #tpu.memory_space<vmem>> -> memref<1x1x10000xf32, #tpu.memory_space<vmem>>
      %dma_start3A_810 = tpu.memref_squeeze %dma_start3A_809 : memref<1x1x10000xf32, #tpu.memory_space<vmem>> -> memref<10000xf32, #tpu.memory_space<vmem>>
      %dma_start3A_811 = arith.constant 0 : i32
      %dma_start3A_812 = tpu.memref_slice %arg3[%get3A_805, %dma_start3A_811] : memref<10000x10000xf32, #tpu.memory_space<hbm>> -> memref<1x10000xf32, #tpu.memory_space<hbm>>
      %dma_start3A_813 = tpu.memref_squeeze %dma_start3A_812 : memref<1x10000xf32, #tpu.memory_space<hbm>> -> memref<10000xf32, #tpu.memory_space<hbm>>
      tpu.enqueue_dma source(%dma_start3A_813 : memref<10000xf32, #tpu.memory_space<hbm>>) target(%dma_start3A_810 : memref<10000xf32, #tpu.memory_space<vmem>>) target_semaphore(%arg8 : memref<!tpu.dma_semaphore, #tpu.memory_space<semaphore_mem>>)
      %mul3A_814 = arith.constant 16 : i32
      %mul3A_815 = arith.muli %sub3A_574, %mul3A_814 : i32
      %add3A_816 = arith.constant 1536 : i32
      %add3A_817 = arith.addi %add3A_816, %mul3A_815 : i32
      %add3A_818 = arith.constant 15 : i32
      %add3A_819 = arith.addi %add3A_817, %add3A_818 : i32
      %get3A_820 = arith.index_cast %add3A_819 : i32 to index
      %get3A_821 = memref.load %arg1[%get3A_820] : memref<2560xi32, #tpu.memory_space<smem>>
      %dma_start3A_822 = arith.constant 1 : i32
      %dma_start3A_823 = arith.constant 15 : i32
      %dma_start3A_824 = arith.constant 0 : i32
      %dma_start3A_825 = tpu.memref_slice %arg6[%dma_start3A_822, %dma_start3A_823, %dma_start3A_824] : memref<4x16x10000xf32, #tpu.memory_space<vmem>> -> memref<1x1x10000xf32, #tpu.memory_space<vmem>>
      %dma_start3A_826 = tpu.memref_squeeze %dma_start3A_825 : memref<1x1x10000xf32, #tpu.memory_space<vmem>> -> memref<10000xf32, #tpu.memory_space<vmem>>
      %dma_start3A_827 = arith.constant 0 : i32
      %dma_start3A_828 = tpu.memref_slice %arg3[%get3A_821, %dma_start3A_827] : memref<10000x10000xf32, #tpu.memory_space<hbm>> -> memref<1x10000xf32, #tpu.memory_space<hbm>>
      %dma_start3A_829 = tpu.memref_squeeze %dma_start3A_828 : memref<1x10000xf32, #tpu.memory_space<hbm>> -> memref<10000xf32, #tpu.memory_space<hbm>>
      tpu.enqueue_dma source(%dma_start3A_829 : memref<10000xf32, #tpu.memory_space<hbm>>) target(%dma_start3A_826 : memref<10000xf32, #tpu.memory_space<vmem>>) target_semaphore(%arg8 : memref<!tpu.dma_semaphore, #tpu.memory_space<semaphore_mem>>)
    } else {
    }
    %add3A_78 = arith.constant 4 : i32
    %add3A_79 = arith.addi %arg0, %add3A_78 : i32
    %sub3A_80 = arith.constant 1 : i32
    %sub3A_81 = arith.subi %add3A_79, %sub3A_80 : i32
    %lt3A_82 = arith.constant 64 : i32
    %lt3A_83 = arith.cmpi slt, %sub3A_81, %lt3A_82 : i32
    %jit3A_84 = arith.constant 4 : i32
    %eq3A_85 = arith.constant 0 : i32
    %eq3A_86 = arith.cmpi eq, %jit3A_84, %eq3A_85 : i32
    %jit3A_87 = arith.constant 1 : i32
    %select_n3A_88 = arith.select %eq3A_86, %jit3A_87, %jit3A_84 : i32
    %rem3A_89 = arith.remsi %arg0, %select_n3A_88 : i32
    %ne3A_90 = arith.constant 0 : i32
    %ne3A_91 = arith.cmpi ne, %rem3A_89, %ne3A_90 : i32
    %lt3A_92 = arith.constant 0 : i32
    %lt3A_93 = arith.cmpi slt, %rem3A_89, %lt3A_92 : i32
    %lt3A_94 = arith.constant 0 : i32
    %lt3A_95 = arith.cmpi slt, %select_n3A_88, %lt3A_94 : i32
    %ne3A_96 = arith.xori %lt3A_93, %lt3A_95 : i1
    %and3A_97 = arith.andi %ne3A_96, %ne3A_91 : i1
    %add3A_98 = arith.addi %rem3A_89, %select_n3A_88 : i32
    %select_n3A_99 = arith.select %and3A_97, %add3A_98, %rem3A_89 : i32
    %eq3A_100 = arith.constant 3 : i32
    %eq3A_101 = arith.cmpi eq, %select_n3A_99, %eq3A_100 : i32
    %and3A_102 = arith.andi %lt3A_83, %eq3A_101 : i1
    %convert_element_type3A_103 = arith.extui %and3A_102 : i1 to i32
    %cond3A_104 = arith.constant 0 : i32
    %cond3A_105 = arith.cmpi ne, %convert_element_type3A_103, %cond3A_104 : i32
    scf.if %cond3A_105 {
      %add3A_571 = arith.constant 4 : i32
      %add3A_572 = arith.addi %arg0, %add3A_571 : i32
      %sub3A_573 = arith.constant 1 : i32
      %sub3A_574 = arith.subi %add3A_572, %sub3A_573 : i32
      %mul3A_575 = arith.constant 16 : i32
      %mul3A_576 = arith.muli %sub3A_574, %mul3A_575 : i32
      %add3A_577 = arith.constant 1536 : i32
      %add3A_578 = arith.addi %add3A_577, %mul3A_576 : i32
      %add3A_579 = arith.constant 0 : i32
      %add3A_580 = arith.addi %add3A_578, %add3A_579 : i32
      %get3A_581 = arith.index_cast %add3A_580 : i32 to index
      %get3A_582 = memref.load %arg1[%get3A_581] : memref<2560xi32, #tpu.memory_space<smem>>
      %dma_start3A = arith.constant 2 : i32
      %dma_start3A_583 = arith.constant 0 : i32
      %dma_start3A_584 = arith.constant 0 : i32
      %dma_start3A_585 = tpu.memref_slice %arg6[%dma_start3A, %dma_start3A_583, %dma_start3A_584] : memref<4x16x10000xf32, #tpu.memory_space<vmem>> -> memref<1x1x10000xf32, #tpu.memory_space<vmem>>
      %dma_start3A_586 = tpu.memref_squeeze %dma_start3A_585 : memref<1x1x10000xf32, #tpu.memory_space<vmem>> -> memref<10000xf32, #tpu.memory_space<vmem>>
      %dma_start3A_587 = arith.constant 0 : i32
      %dma_start3A_588 = tpu.memref_slice %arg3[%get3A_582, %dma_start3A_587] : memref<10000x10000xf32, #tpu.memory_space<hbm>> -> memref<1x10000xf32, #tpu.memory_space<hbm>>
      %dma_start3A_589 = tpu.memref_squeeze %dma_start3A_588 : memref<1x10000xf32, #tpu.memory_space<hbm>> -> memref<10000xf32, #tpu.memory_space<hbm>>
      tpu.enqueue_dma source(%dma_start3A_589 : memref<10000xf32, #tpu.memory_space<hbm>>) target(%dma_start3A_586 : memref<10000xf32, #tpu.memory_space<vmem>>) target_semaphore(%arg9 : memref<!tpu.dma_semaphore, #tpu.memory_space<semaphore_mem>>)
      %mul3A_590 = arith.constant 16 : i32
      %mul3A_591 = arith.muli %sub3A_574, %mul3A_590 : i32
      %add3A_592 = arith.constant 1536 : i32
      %add3A_593 = arith.addi %add3A_592, %mul3A_591 : i32
      %add3A_594 = arith.constant 1 : i32
      %add3A_595 = arith.addi %add3A_593, %add3A_594 : i32
      %get3A_596 = arith.index_cast %add3A_595 : i32 to index
      %get3A_597 = memref.load %arg1[%get3A_596] : memref<2560xi32, #tpu.memory_space<smem>>
      %dma_start3A_598 = arith.constant 2 : i32
      %dma_start3A_599 = arith.constant 1 : i32
      %dma_start3A_600 = arith.constant 0 : i32
      %dma_start3A_601 = tpu.memref_slice %arg6[%dma_start3A_598, %dma_start3A_599, %dma_start3A_600] : memref<4x16x10000xf32, #tpu.memory_space<vmem>> -> memref<1x1x10000xf32, #tpu.memory_space<vmem>>
      %dma_start3A_602 = tpu.memref_squeeze %dma_start3A_601 : memref<1x1x10000xf32, #tpu.memory_space<vmem>> -> memref<10000xf32, #tpu.memory_space<vmem>>
      %dma_start3A_603 = arith.constant 0 : i32
      %dma_start3A_604 = tpu.memref_slice %arg3[%get3A_597, %dma_start3A_603] : memref<10000x10000xf32, #tpu.memory_space<hbm>> -> memref<1x10000xf32, #tpu.memory_space<hbm>>
      %dma_start3A_605 = tpu.memref_squeeze %dma_start3A_604 : memref<1x10000xf32, #tpu.memory_space<hbm>> -> memref<10000xf32, #tpu.memory_space<hbm>>
      tpu.enqueue_dma source(%dma_start3A_605 : memref<10000xf32, #tpu.memory_space<hbm>>) target(%dma_start3A_602 : memref<10000xf32, #tpu.memory_space<vmem>>) target_semaphore(%arg9 : memref<!tpu.dma_semaphore, #tpu.memory_space<semaphore_mem>>)
      %mul3A_606 = arith.constant 16 : i32
      %mul3A_607 = arith.muli %sub3A_574, %mul3A_606 : i32
      %add3A_608 = arith.constant 1536 : i32
      %add3A_609 = arith.addi %add3A_608, %mul3A_607 : i32
      %add3A_610 = arith.constant 2 : i32
      %add3A_611 = arith.addi %add3A_609, %add3A_610 : i32
      %get3A_612 = arith.index_cast %add3A_611 : i32 to index
      %get3A_613 = memref.load %arg1[%get3A_612] : memref<2560xi32, #tpu.memory_space<smem>>
      %dma_start3A_614 = arith.constant 2 : i32
      %dma_start3A_615 = arith.constant 2 : i32
      %dma_start3A_616 = arith.constant 0 : i32
      %dma_start3A_617 = tpu.memref_slice %arg6[%dma_start3A_614, %dma_start3A_615, %dma_start3A_616] : memref<4x16x10000xf32, #tpu.memory_space<vmem>> -> memref<1x1x10000xf32, #tpu.memory_space<vmem>>
      %dma_start3A_618 = tpu.memref_squeeze %dma_start3A_617 : memref<1x1x10000xf32, #tpu.memory_space<vmem>> -> memref<10000xf32, #tpu.memory_space<vmem>>
      %dma_start3A_619 = arith.constant 0 : i32
      %dma_start3A_620 = tpu.memref_slice %arg3[%get3A_613, %dma_start3A_619] : memref<10000x10000xf32, #tpu.memory_space<hbm>> -> memref<1x10000xf32, #tpu.memory_space<hbm>>
      %dma_start3A_621 = tpu.memref_squeeze %dma_start3A_620 : memref<1x10000xf32, #tpu.memory_space<hbm>> -> memref<10000xf32, #tpu.memory_space<hbm>>
      tpu.enqueue_dma source(%dma_start3A_621 : memref<10000xf32, #tpu.memory_space<hbm>>) target(%dma_start3A_618 : memref<10000xf32, #tpu.memory_space<vmem>>) target_semaphore(%arg9 : memref<!tpu.dma_semaphore, #tpu.memory_space<semaphore_mem>>)
      %mul3A_622 = arith.constant 16 : i32
      %mul3A_623 = arith.muli %sub3A_574, %mul3A_622 : i32
      %add3A_624 = arith.constant 1536 : i32
      %add3A_625 = arith.addi %add3A_624, %mul3A_623 : i32
      %add3A_626 = arith.constant 3 : i32
      %add3A_627 = arith.addi %add3A_625, %add3A_626 : i32
      %get3A_628 = arith.index_cast %add3A_627 : i32 to index
      %get3A_629 = memref.load %arg1[%get3A_628] : memref<2560xi32, #tpu.memory_space<smem>>
      %dma_start3A_630 = arith.constant 2 : i32
      %dma_start3A_631 = arith.constant 3 : i32
      %dma_start3A_632 = arith.constant 0 : i32
      %dma_start3A_633 = tpu.memref_slice %arg6[%dma_start3A_630, %dma_start3A_631, %dma_start3A_632] : memref<4x16x10000xf32, #tpu.memory_space<vmem>> -> memref<1x1x10000xf32, #tpu.memory_space<vmem>>
      %dma_start3A_634 = tpu.memref_squeeze %dma_start3A_633 : memref<1x1x10000xf32, #tpu.memory_space<vmem>> -> memref<10000xf32, #tpu.memory_space<vmem>>
      %dma_start3A_635 = arith.constant 0 : i32
      %dma_start3A_636 = tpu.memref_slice %arg3[%get3A_629, %dma_start3A_635] : memref<10000x10000xf32, #tpu.memory_space<hbm>> -> memref<1x10000xf32, #tpu.memory_space<hbm>>
      %dma_start3A_637 = tpu.memref_squeeze %dma_start3A_636 : memref<1x10000xf32, #tpu.memory_space<hbm>> -> memref<10000xf32, #tpu.memory_space<hbm>>
      tpu.enqueue_dma source(%dma_start3A_637 : memref<10000xf32, #tpu.memory_space<hbm>>) target(%dma_start3A_634 : memref<10000xf32, #tpu.memory_space<vmem>>) target_semaphore(%arg9 : memref<!tpu.dma_semaphore, #tpu.memory_space<semaphore_mem>>)
      %mul3A_638 = arith.constant 16 : i32
      %mul3A_639 = arith.muli %sub3A_574, %mul3A_638 : i32
      %add3A_640 = arith.constant 1536 : i32
      %add3A_641 = arith.addi %add3A_640, %mul3A_639 : i32
      %add3A_642 = arith.constant 4 : i32
      %add3A_643 = arith.addi %add3A_641, %add3A_642 : i32
      %get3A_644 = arith.index_cast %add3A_643 : i32 to index
      %get3A_645 = memref.load %arg1[%get3A_644] : memref<2560xi32, #tpu.memory_space<smem>>
      %dma_start3A_646 = arith.constant 2 : i32
      %dma_start3A_647 = arith.constant 4 : i32
      %dma_start3A_648 = arith.constant 0 : i32
      %dma_start3A_649 = tpu.memref_slice %arg6[%dma_start3A_646, %dma_start3A_647, %dma_start3A_648] : memref<4x16x10000xf32, #tpu.memory_space<vmem>> -> memref<1x1x10000xf32, #tpu.memory_space<vmem>>
      %dma_start3A_650 = tpu.memref_squeeze %dma_start3A_649 : memref<1x1x10000xf32, #tpu.memory_space<vmem>> -> memref<10000xf32, #tpu.memory_space<vmem>>
      %dma_start3A_651 = arith.constant 0 : i32
      %dma_start3A_652 = tpu.memref_slice %arg3[%get3A_645, %dma_start3A_651] : memref<10000x10000xf32, #tpu.memory_space<hbm>> -> memref<1x10000xf32, #tpu.memory_space<hbm>>
      %dma_start3A_653 = tpu.memref_squeeze %dma_start3A_652 : memref<1x10000xf32, #tpu.memory_space<hbm>> -> memref<10000xf32, #tpu.memory_space<hbm>>
      tpu.enqueue_dma source(%dma_start3A_653 : memref<10000xf32, #tpu.memory_space<hbm>>) target(%dma_start3A_650 : memref<10000xf32, #tpu.memory_space<vmem>>) target_semaphore(%arg9 : memref<!tpu.dma_semaphore, #tpu.memory_space<semaphore_mem>>)
      %mul3A_654 = arith.constant 16 : i32
      %mul3A_655 = arith.muli %sub3A_574, %mul3A_654 : i32
      %add3A_656 = arith.constant 1536 : i32
      %add3A_657 = arith.addi %add3A_656, %mul3A_655 : i32
      %add3A_658 = arith.constant 5 : i32
      %add3A_659 = arith.addi %add3A_657, %add3A_658 : i32
      %get3A_660 = arith.index_cast %add3A_659 : i32 to index
      %get3A_661 = memref.load %arg1[%get3A_660] : memref<2560xi32, #tpu.memory_space<smem>>
      %dma_start3A_662 = arith.constant 2 : i32
      %dma_start3A_663 = arith.constant 5 : i32
      %dma_start3A_664 = arith.constant 0 : i32
      %dma_start3A_665 = tpu.memref_slice %arg6[%dma_start3A_662, %dma_start3A_663, %dma_start3A_664] : memref<4x16x10000xf32, #tpu.memory_space<vmem>> -> memref<1x1x10000xf32, #tpu.memory_space<vmem>>
      %dma_start3A_666 = tpu.memref_squeeze %dma_start3A_665 : memref<1x1x10000xf32, #tpu.memory_space<vmem>> -> memref<10000xf32, #tpu.memory_space<vmem>>
      %dma_start3A_667 = arith.constant 0 : i32
      %dma_start3A_668 = tpu.memref_slice %arg3[%get3A_661, %dma_start3A_667] : memref<10000x10000xf32, #tpu.memory_space<hbm>> -> memref<1x10000xf32, #tpu.memory_space<hbm>>
      %dma_start3A_669 = tpu.memref_squeeze %dma_start3A_668 : memref<1x10000xf32, #tpu.memory_space<hbm>> -> memref<10000xf32, #tpu.memory_space<hbm>>
      tpu.enqueue_dma source(%dma_start3A_669 : memref<10000xf32, #tpu.memory_space<hbm>>) target(%dma_start3A_666 : memref<10000xf32, #tpu.memory_space<vmem>>) target_semaphore(%arg9 : memref<!tpu.dma_semaphore, #tpu.memory_space<semaphore_mem>>)
      %mul3A_670 = arith.constant 16 : i32
      %mul3A_671 = arith.muli %sub3A_574, %mul3A_670 : i32
      %add3A_672 = arith.constant 1536 : i32
      %add3A_673 = arith.addi %add3A_672, %mul3A_671 : i32
      %add3A_674 = arith.constant 6 : i32
      %add3A_675 = arith.addi %add3A_673, %add3A_674 : i32
      %get3A_676 = arith.index_cast %add3A_675 : i32 to index
      %get3A_677 = memref.load %arg1[%get3A_676] : memref<2560xi32, #tpu.memory_space<smem>>
      %dma_start3A_678 = arith.constant 2 : i32
      %dma_start3A_679 = arith.constant 6 : i32
      %dma_start3A_680 = arith.constant 0 : i32
      %dma_start3A_681 = tpu.memref_slice %arg6[%dma_start3A_678, %dma_start3A_679, %dma_start3A_680] : memref<4x16x10000xf32, #tpu.memory_space<vmem>> -> memref<1x1x10000xf32, #tpu.memory_space<vmem>>
      %dma_start3A_682 = tpu.memref_squeeze %dma_start3A_681 : memref<1x1x10000xf32, #tpu.memory_space<vmem>> -> memref<10000xf32, #tpu.memory_space<vmem>>
      %dma_start3A_683 = arith.constant 0 : i32
      %dma_start3A_684 = tpu.memref_slice %arg3[%get3A_677, %dma_start3A_683] : memref<10000x10000xf32, #tpu.memory_space<hbm>> -> memref<1x10000xf32, #tpu.memory_space<hbm>>
      %dma_start3A_685 = tpu.memref_squeeze %dma_start3A_684 : memref<1x10000xf32, #tpu.memory_space<hbm>> -> memref<10000xf32, #tpu.memory_space<hbm>>
      tpu.enqueue_dma source(%dma_start3A_685 : memref<10000xf32, #tpu.memory_space<hbm>>) target(%dma_start3A_682 : memref<10000xf32, #tpu.memory_space<vmem>>) target_semaphore(%arg9 : memref<!tpu.dma_semaphore, #tpu.memory_space<semaphore_mem>>)
      %mul3A_686 = arith.constant 16 : i32
      %mul3A_687 = arith.muli %sub3A_574, %mul3A_686 : i32
      %add3A_688 = arith.constant 1536 : i32
      %add3A_689 = arith.addi %add3A_688, %mul3A_687 : i32
      %add3A_690 = arith.constant 7 : i32
      %add3A_691 = arith.addi %add3A_689, %add3A_690 : i32
      %get3A_692 = arith.index_cast %add3A_691 : i32 to index
      %get3A_693 = memref.load %arg1[%get3A_692] : memref<2560xi32, #tpu.memory_space<smem>>
      %dma_start3A_694 = arith.constant 2 : i32
      %dma_start3A_695 = arith.constant 7 : i32
      %dma_start3A_696 = arith.constant 0 : i32
      %dma_start3A_697 = tpu.memref_slice %arg6[%dma_start3A_694, %dma_start3A_695, %dma_start3A_696] : memref<4x16x10000xf32, #tpu.memory_space<vmem>> -> memref<1x1x10000xf32, #tpu.memory_space<vmem>>
      %dma_start3A_698 = tpu.memref_squeeze %dma_start3A_697 : memref<1x1x10000xf32, #tpu.memory_space<vmem>> -> memref<10000xf32, #tpu.memory_space<vmem>>
      %dma_start3A_699 = arith.constant 0 : i32
      %dma_start3A_700 = tpu.memref_slice %arg3[%get3A_693, %dma_start3A_699] : memref<10000x10000xf32, #tpu.memory_space<hbm>> -> memref<1x10000xf32, #tpu.memory_space<hbm>>
      %dma_start3A_701 = tpu.memref_squeeze %dma_start3A_700 : memref<1x10000xf32, #tpu.memory_space<hbm>> -> memref<10000xf32, #tpu.memory_space<hbm>>
      tpu.enqueue_dma source(%dma_start3A_701 : memref<10000xf32, #tpu.memory_space<hbm>>) target(%dma_start3A_698 : memref<10000xf32, #tpu.memory_space<vmem>>) target_semaphore(%arg9 : memref<!tpu.dma_semaphore, #tpu.memory_space<semaphore_mem>>)
      %mul3A_702 = arith.constant 16 : i32
      %mul3A_703 = arith.muli %sub3A_574, %mul3A_702 : i32
      %add3A_704 = arith.constant 1536 : i32
      %add3A_705 = arith.addi %add3A_704, %mul3A_703 : i32
      %add3A_706 = arith.constant 8 : i32
      %add3A_707 = arith.addi %add3A_705, %add3A_706 : i32
      %get3A_708 = arith.index_cast %add3A_707 : i32 to index
      %get3A_709 = memref.load %arg1[%get3A_708] : memref<2560xi32, #tpu.memory_space<smem>>
      %dma_start3A_710 = arith.constant 2 : i32
      %dma_start3A_711 = arith.constant 8 : i32
      %dma_start3A_712 = arith.constant 0 : i32
      %dma_start3A_713 = tpu.memref_slice %arg6[%dma_start3A_710, %dma_start3A_711, %dma_start3A_712] : memref<4x16x10000xf32, #tpu.memory_space<vmem>> -> memref<1x1x10000xf32, #tpu.memory_space<vmem>>
      %dma_start3A_714 = tpu.memref_squeeze %dma_start3A_713 : memref<1x1x10000xf32, #tpu.memory_space<vmem>> -> memref<10000xf32, #tpu.memory_space<vmem>>
      %dma_start3A_715 = arith.constant 0 : i32
      %dma_start3A_716 = tpu.memref_slice %arg3[%get3A_709, %dma_start3A_715] : memref<10000x10000xf32, #tpu.memory_space<hbm>> -> memref<1x10000xf32, #tpu.memory_space<hbm>>
      %dma_start3A_717 = tpu.memref_squeeze %dma_start3A_716 : memref<1x10000xf32, #tpu.memory_space<hbm>> -> memref<10000xf32, #tpu.memory_space<hbm>>
      tpu.enqueue_dma source(%dma_start3A_717 : memref<10000xf32, #tpu.memory_space<hbm>>) target(%dma_start3A_714 : memref<10000xf32, #tpu.memory_space<vmem>>) target_semaphore(%arg9 : memref<!tpu.dma_semaphore, #tpu.memory_space<semaphore_mem>>)
      %mul3A_718 = arith.constant 16 : i32
      %mul3A_719 = arith.muli %sub3A_574, %mul3A_718 : i32
      %add3A_720 = arith.constant 1536 : i32
      %add3A_721 = arith.addi %add3A_720, %mul3A_719 : i32
      %add3A_722 = arith.constant 9 : i32
      %add3A_723 = arith.addi %add3A_721, %add3A_722 : i32
      %get3A_724 = arith.index_cast %add3A_723 : i32 to index
      %get3A_725 = memref.load %arg1[%get3A_724] : memref<2560xi32, #tpu.memory_space<smem>>
      %dma_start3A_726 = arith.constant 2 : i32
      %dma_start3A_727 = arith.constant 9 : i32
      %dma_start3A_728 = arith.constant 0 : i32
      %dma_start3A_729 = tpu.memref_slice %arg6[%dma_start3A_726, %dma_start3A_727, %dma_start3A_728] : memref<4x16x10000xf32, #tpu.memory_space<vmem>> -> memref<1x1x10000xf32, #tpu.memory_space<vmem>>
      %dma_start3A_730 = tpu.memref_squeeze %dma_start3A_729 : memref<1x1x10000xf32, #tpu.memory_space<vmem>> -> memref<10000xf32, #tpu.memory_space<vmem>>
      %dma_start3A_731 = arith.constant 0 : i32
      %dma_start3A_732 = tpu.memref_slice %arg3[%get3A_725, %dma_start3A_731] : memref<10000x10000xf32, #tpu.memory_space<hbm>> -> memref<1x10000xf32, #tpu.memory_space<hbm>>
      %dma_start3A_733 = tpu.memref_squeeze %dma_start3A_732 : memref<1x10000xf32, #tpu.memory_space<hbm>> -> memref<10000xf32, #tpu.memory_space<hbm>>
      tpu.enqueue_dma source(%dma_start3A_733 : memref<10000xf32, #tpu.memory_space<hbm>>) target(%dma_start3A_730 : memref<10000xf32, #tpu.memory_space<vmem>>) target_semaphore(%arg9 : memref<!tpu.dma_semaphore, #tpu.memory_space<semaphore_mem>>)
      %mul3A_734 = arith.constant 16 : i32
      %mul3A_735 = arith.muli %sub3A_574, %mul3A_734 : i32
      %add3A_736 = arith.constant 1536 : i32
      %add3A_737 = arith.addi %add3A_736, %mul3A_735 : i32
      %add3A_738 = arith.constant 10 : i32
      %add3A_739 = arith.addi %add3A_737, %add3A_738 : i32
      %get3A_740 = arith.index_cast %add3A_739 : i32 to index
      %get3A_741 = memref.load %arg1[%get3A_740] : memref<2560xi32, #tpu.memory_space<smem>>
      %dma_start3A_742 = arith.constant 2 : i32
      %dma_start3A_743 = arith.constant 10 : i32
      %dma_start3A_744 = arith.constant 0 : i32
      %dma_start3A_745 = tpu.memref_slice %arg6[%dma_start3A_742, %dma_start3A_743, %dma_start3A_744] : memref<4x16x10000xf32, #tpu.memory_space<vmem>> -> memref<1x1x10000xf32, #tpu.memory_space<vmem>>
      %dma_start3A_746 = tpu.memref_squeeze %dma_start3A_745 : memref<1x1x10000xf32, #tpu.memory_space<vmem>> -> memref<10000xf32, #tpu.memory_space<vmem>>
      %dma_start3A_747 = arith.constant 0 : i32
      %dma_start3A_748 = tpu.memref_slice %arg3[%get3A_741, %dma_start3A_747] : memref<10000x10000xf32, #tpu.memory_space<hbm>> -> memref<1x10000xf32, #tpu.memory_space<hbm>>
      %dma_start3A_749 = tpu.memref_squeeze %dma_start3A_748 : memref<1x10000xf32, #tpu.memory_space<hbm>> -> memref<10000xf32, #tpu.memory_space<hbm>>
      tpu.enqueue_dma source(%dma_start3A_749 : memref<10000xf32, #tpu.memory_space<hbm>>) target(%dma_start3A_746 : memref<10000xf32, #tpu.memory_space<vmem>>) target_semaphore(%arg9 : memref<!tpu.dma_semaphore, #tpu.memory_space<semaphore_mem>>)
      %mul3A_750 = arith.constant 16 : i32
      %mul3A_751 = arith.muli %sub3A_574, %mul3A_750 : i32
      %add3A_752 = arith.constant 1536 : i32
      %add3A_753 = arith.addi %add3A_752, %mul3A_751 : i32
      %add3A_754 = arith.constant 11 : i32
      %add3A_755 = arith.addi %add3A_753, %add3A_754 : i32
      %get3A_756 = arith.index_cast %add3A_755 : i32 to index
      %get3A_757 = memref.load %arg1[%get3A_756] : memref<2560xi32, #tpu.memory_space<smem>>
      %dma_start3A_758 = arith.constant 2 : i32
      %dma_start3A_759 = arith.constant 11 : i32
      %dma_start3A_760 = arith.constant 0 : i32
      %dma_start3A_761 = tpu.memref_slice %arg6[%dma_start3A_758, %dma_start3A_759, %dma_start3A_760] : memref<4x16x10000xf32, #tpu.memory_space<vmem>> -> memref<1x1x10000xf32, #tpu.memory_space<vmem>>
      %dma_start3A_762 = tpu.memref_squeeze %dma_start3A_761 : memref<1x1x10000xf32, #tpu.memory_space<vmem>> -> memref<10000xf32, #tpu.memory_space<vmem>>
      %dma_start3A_763 = arith.constant 0 : i32
      %dma_start3A_764 = tpu.memref_slice %arg3[%get3A_757, %dma_start3A_763] : memref<10000x10000xf32, #tpu.memory_space<hbm>> -> memref<1x10000xf32, #tpu.memory_space<hbm>>
      %dma_start3A_765 = tpu.memref_squeeze %dma_start3A_764 : memref<1x10000xf32, #tpu.memory_space<hbm>> -> memref<10000xf32, #tpu.memory_space<hbm>>
      tpu.enqueue_dma source(%dma_start3A_765 : memref<10000xf32, #tpu.memory_space<hbm>>) target(%dma_start3A_762 : memref<10000xf32, #tpu.memory_space<vmem>>) target_semaphore(%arg9 : memref<!tpu.dma_semaphore, #tpu.memory_space<semaphore_mem>>)
      %mul3A_766 = arith.constant 16 : i32
      %mul3A_767 = arith.muli %sub3A_574, %mul3A_766 : i32
      %add3A_768 = arith.constant 1536 : i32
      %add3A_769 = arith.addi %add3A_768, %mul3A_767 : i32
      %add3A_770 = arith.constant 12 : i32
      %add3A_771 = arith.addi %add3A_769, %add3A_770 : i32
      %get3A_772 = arith.index_cast %add3A_771 : i32 to index
      %get3A_773 = memref.load %arg1[%get3A_772] : memref<2560xi32, #tpu.memory_space<smem>>
      %dma_start3A_774 = arith.constant 2 : i32
      %dma_start3A_775 = arith.constant 12 : i32
      %dma_start3A_776 = arith.constant 0 : i32
      %dma_start3A_777 = tpu.memref_slice %arg6[%dma_start3A_774, %dma_start3A_775, %dma_start3A_776] : memref<4x16x10000xf32, #tpu.memory_space<vmem>> -> memref<1x1x10000xf32, #tpu.memory_space<vmem>>
      %dma_start3A_778 = tpu.memref_squeeze %dma_start3A_777 : memref<1x1x10000xf32, #tpu.memory_space<vmem>> -> memref<10000xf32, #tpu.memory_space<vmem>>
      %dma_start3A_779 = arith.constant 0 : i32
      %dma_start3A_780 = tpu.memref_slice %arg3[%get3A_773, %dma_start3A_779] : memref<10000x10000xf32, #tpu.memory_space<hbm>> -> memref<1x10000xf32, #tpu.memory_space<hbm>>
      %dma_start3A_781 = tpu.memref_squeeze %dma_start3A_780 : memref<1x10000xf32, #tpu.memory_space<hbm>> -> memref<10000xf32, #tpu.memory_space<hbm>>
      tpu.enqueue_dma source(%dma_start3A_781 : memref<10000xf32, #tpu.memory_space<hbm>>) target(%dma_start3A_778 : memref<10000xf32, #tpu.memory_space<vmem>>) target_semaphore(%arg9 : memref<!tpu.dma_semaphore, #tpu.memory_space<semaphore_mem>>)
      %mul3A_782 = arith.constant 16 : i32
      %mul3A_783 = arith.muli %sub3A_574, %mul3A_782 : i32
      %add3A_784 = arith.constant 1536 : i32
      %add3A_785 = arith.addi %add3A_784, %mul3A_783 : i32
      %add3A_786 = arith.constant 13 : i32
      %add3A_787 = arith.addi %add3A_785, %add3A_786 : i32
      %get3A_788 = arith.index_cast %add3A_787 : i32 to index
      %get3A_789 = memref.load %arg1[%get3A_788] : memref<2560xi32, #tpu.memory_space<smem>>
      %dma_start3A_790 = arith.constant 2 : i32
      %dma_start3A_791 = arith.constant 13 : i32
      %dma_start3A_792 = arith.constant 0 : i32
      %dma_start3A_793 = tpu.memref_slice %arg6[%dma_start3A_790, %dma_start3A_791, %dma_start3A_792] : memref<4x16x10000xf32, #tpu.memory_space<vmem>> -> memref<1x1x10000xf32, #tpu.memory_space<vmem>>
      %dma_start3A_794 = tpu.memref_squeeze %dma_start3A_793 : memref<1x1x10000xf32, #tpu.memory_space<vmem>> -> memref<10000xf32, #tpu.memory_space<vmem>>
      %dma_start3A_795 = arith.constant 0 : i32
      %dma_start3A_796 = tpu.memref_slice %arg3[%get3A_789, %dma_start3A_795] : memref<10000x10000xf32, #tpu.memory_space<hbm>> -> memref<1x10000xf32, #tpu.memory_space<hbm>>
      %dma_start3A_797 = tpu.memref_squeeze %dma_start3A_796 : memref<1x10000xf32, #tpu.memory_space<hbm>> -> memref<10000xf32, #tpu.memory_space<hbm>>
      tpu.enqueue_dma source(%dma_start3A_797 : memref<10000xf32, #tpu.memory_space<hbm>>) target(%dma_start3A_794 : memref<10000xf32, #tpu.memory_space<vmem>>) target_semaphore(%arg9 : memref<!tpu.dma_semaphore, #tpu.memory_space<semaphore_mem>>)
      %mul3A_798 = arith.constant 16 : i32
      %mul3A_799 = arith.muli %sub3A_574, %mul3A_798 : i32
      %add3A_800 = arith.constant 1536 : i32
      %add3A_801 = arith.addi %add3A_800, %mul3A_799 : i32
      %add3A_802 = arith.constant 14 : i32
      %add3A_803 = arith.addi %add3A_801, %add3A_802 : i32
      %get3A_804 = arith.index_cast %add3A_803 : i32 to index
      %get3A_805 = memref.load %arg1[%get3A_804] : memref<2560xi32, #tpu.memory_space<smem>>
      %dma_start3A_806 = arith.constant 2 : i32
      %dma_start3A_807 = arith.constant 14 : i32
      %dma_start3A_808 = arith.constant 0 : i32
      %dma_start3A_809 = tpu.memref_slice %arg6[%dma_start3A_806, %dma_start3A_807, %dma_start3A_808] : memref<4x16x10000xf32, #tpu.memory_space<vmem>> -> memref<1x1x10000xf32, #tpu.memory_space<vmem>>
      %dma_start3A_810 = tpu.memref_squeeze %dma_start3A_809 : memref<1x1x10000xf32, #tpu.memory_space<vmem>> -> memref<10000xf32, #tpu.memory_space<vmem>>
      %dma_start3A_811 = arith.constant 0 : i32
      %dma_start3A_812 = tpu.memref_slice %arg3[%get3A_805, %dma_start3A_811] : memref<10000x10000xf32, #tpu.memory_space<hbm>> -> memref<1x10000xf32, #tpu.memory_space<hbm>>
      %dma_start3A_813 = tpu.memref_squeeze %dma_start3A_812 : memref<1x10000xf32, #tpu.memory_space<hbm>> -> memref<10000xf32, #tpu.memory_space<hbm>>
      tpu.enqueue_dma source(%dma_start3A_813 : memref<10000xf32, #tpu.memory_space<hbm>>) target(%dma_start3A_810 : memref<10000xf32, #tpu.memory_space<vmem>>) target_semaphore(%arg9 : memref<!tpu.dma_semaphore, #tpu.memory_space<semaphore_mem>>)
      %mul3A_814 = arith.constant 16 : i32
      %mul3A_815 = arith.muli %sub3A_574, %mul3A_814 : i32
      %add3A_816 = arith.constant 1536 : i32
      %add3A_817 = arith.addi %add3A_816, %mul3A_815 : i32
      %add3A_818 = arith.constant 15 : i32
      %add3A_819 = arith.addi %add3A_817, %add3A_818 : i32
      %get3A_820 = arith.index_cast %add3A_819 : i32 to index
      %get3A_821 = memref.load %arg1[%get3A_820] : memref<2560xi32, #tpu.memory_space<smem>>
      %dma_start3A_822 = arith.constant 2 : i32
      %dma_start3A_823 = arith.constant 15 : i32
      %dma_start3A_824 = arith.constant 0 : i32
      %dma_start3A_825 = tpu.memref_slice %arg6[%dma_start3A_822, %dma_start3A_823, %dma_start3A_824] : memref<4x16x10000xf32, #tpu.memory_space<vmem>> -> memref<1x1x10000xf32, #tpu.memory_space<vmem>>
      %dma_start3A_826 = tpu.memref_squeeze %dma_start3A_825 : memref<1x1x10000xf32, #tpu.memory_space<vmem>> -> memref<10000xf32, #tpu.memory_space<vmem>>
      %dma_start3A_827 = arith.constant 0 : i32
      %dma_start3A_828 = tpu.memref_slice %arg3[%get3A_821, %dma_start3A_827] : memref<10000x10000xf32, #tpu.memory_space<hbm>> -> memref<1x10000xf32, #tpu.memory_space<hbm>>
      %dma_start3A_829 = tpu.memref_squeeze %dma_start3A_828 : memref<1x10000xf32, #tpu.memory_space<hbm>> -> memref<10000xf32, #tpu.memory_space<hbm>>
      tpu.enqueue_dma source(%dma_start3A_829 : memref<10000xf32, #tpu.memory_space<hbm>>) target(%dma_start3A_826 : memref<10000xf32, #tpu.memory_space<vmem>>) target_semaphore(%arg9 : memref<!tpu.dma_semaphore, #tpu.memory_space<semaphore_mem>>)
    } else {
    }
    %jit3A_106 = arith.constant 4 : i32
    %eq3A_107 = arith.constant 0 : i32
    %eq3A_108 = arith.cmpi eq, %jit3A_106, %eq3A_107 : i32
    %jit3A_109 = arith.constant 1 : i32
    %select_n3A_110 = arith.select %eq3A_108, %jit3A_109, %jit3A_106 : i32
    %rem3A_111 = arith.remsi %arg0, %select_n3A_110 : i32
    %ne3A_112 = arith.constant 0 : i32
    %ne3A_113 = arith.cmpi ne, %rem3A_111, %ne3A_112 : i32
    %lt3A_114 = arith.constant 0 : i32
    %lt3A_115 = arith.cmpi slt, %rem3A_111, %lt3A_114 : i32
    %lt3A_116 = arith.constant 0 : i32
    %lt3A_117 = arith.cmpi slt, %select_n3A_110, %lt3A_116 : i32
    %ne3A_118 = arith.xori %lt3A_115, %lt3A_117 : i1
    %and3A_119 = arith.andi %ne3A_118, %ne3A_113 : i1
    %add3A_120 = arith.addi %rem3A_111, %select_n3A_110 : i32
    %select_n3A_121 = arith.select %and3A_119, %add3A_120, %rem3A_111 : i32
    %eq3A_122 = arith.constant 0 : i32
    %eq3A_123 = arith.cmpi eq, %select_n3A_121, %eq3A_122 : i32
    %convert_element_type3A_124 = arith.extui %eq3A_123 : i1 to i32
    %cond3A_125 = arith.constant 0 : i32
    %cond3A_126 = arith.cmpi ne, %convert_element_type3A_124, %cond3A_125 : i32
    scf.if %cond3A_126 {
      %dma_wait3A = arith.constant 0 : i32
      %dma_wait3A_571 = arith.constant 0 : i32
      %dma_wait3A_572 = arith.constant 0 : i32
      %dma_wait3A_573 = tpu.memref_slice %arg6[%dma_wait3A, %dma_wait3A_571, %dma_wait3A_572] : memref<4x16x10000xf32, #tpu.memory_space<vmem>> -> memref<1x16x10000xf32, #tpu.memory_space<vmem>>
      %dma_wait3A_574 = tpu.memref_squeeze %dma_wait3A_573 : memref<1x16x10000xf32, #tpu.memory_space<vmem>> -> memref<16x10000xf32, #tpu.memory_space<vmem>>
      %dma_wait3A_575 = arith.constant 0 : i32
      %dma_wait3A_576 = arith.constant 0 : i32
      %dma_wait3A_577 = tpu.memref_slice %arg3[%dma_wait3A_575, %dma_wait3A_576] : memref<10000x10000xf32, #tpu.memory_space<hbm>> -> memref<16x10000xf32, #tpu.memory_space<hbm>>
      tpu.wait_dma2 semaphore(%arg7 : memref<!tpu.dma_semaphore, #tpu.memory_space<semaphore_mem>>) src(%dma_wait3A_577 : memref<16x10000xf32, #tpu.memory_space<hbm>>) dst(%dma_wait3A_574 : memref<16x10000xf32, #tpu.memory_space<vmem>>)
    } else {
    }
    %jit3A_127 = arith.constant 4 : i32
    %eq3A_128 = arith.constant 0 : i32
    %eq3A_129 = arith.cmpi eq, %jit3A_127, %eq3A_128 : i32
    %jit3A_130 = arith.constant 1 : i32
    %select_n3A_131 = arith.select %eq3A_129, %jit3A_130, %jit3A_127 : i32
    %rem3A_132 = arith.remsi %arg0, %select_n3A_131 : i32
    %ne3A_133 = arith.constant 0 : i32
    %ne3A_134 = arith.cmpi ne, %rem3A_132, %ne3A_133 : i32
    %lt3A_135 = arith.constant 0 : i32
    %lt3A_136 = arith.cmpi slt, %rem3A_132, %lt3A_135 : i32
    %lt3A_137 = arith.constant 0 : i32
    %lt3A_138 = arith.cmpi slt, %select_n3A_131, %lt3A_137 : i32
    %ne3A_139 = arith.xori %lt3A_136, %lt3A_138 : i1
    %and3A_140 = arith.andi %ne3A_139, %ne3A_134 : i1
    %add3A_141 = arith.addi %rem3A_132, %select_n3A_131 : i32
    %select_n3A_142 = arith.select %and3A_140, %add3A_141, %rem3A_132 : i32
    %eq3A_143 = arith.constant 1 : i32
    %eq3A_144 = arith.cmpi eq, %select_n3A_142, %eq3A_143 : i32
    %convert_element_type3A_145 = arith.extui %eq3A_144 : i1 to i32
    %cond3A_146 = arith.constant 0 : i32
    %cond3A_147 = arith.cmpi ne, %convert_element_type3A_145, %cond3A_146 : i32
    scf.if %cond3A_147 {
      %dma_wait3A = arith.constant 1 : i32
      %dma_wait3A_571 = arith.constant 0 : i32
      %dma_wait3A_572 = arith.constant 0 : i32
      %dma_wait3A_573 = tpu.memref_slice %arg6[%dma_wait3A, %dma_wait3A_571, %dma_wait3A_572] : memref<4x16x10000xf32, #tpu.memory_space<vmem>> -> memref<1x16x10000xf32, #tpu.memory_space<vmem>>
      %dma_wait3A_574 = tpu.memref_squeeze %dma_wait3A_573 : memref<1x16x10000xf32, #tpu.memory_space<vmem>> -> memref<16x10000xf32, #tpu.memory_space<vmem>>
      %dma_wait3A_575 = arith.constant 0 : i32
      %dma_wait3A_576 = arith.constant 0 : i32
      %dma_wait3A_577 = tpu.memref_slice %arg3[%dma_wait3A_575, %dma_wait3A_576] : memref<10000x10000xf32, #tpu.memory_space<hbm>> -> memref<16x10000xf32, #tpu.memory_space<hbm>>
      tpu.wait_dma2 semaphore(%arg8 : memref<!tpu.dma_semaphore, #tpu.memory_space<semaphore_mem>>) src(%dma_wait3A_577 : memref<16x10000xf32, #tpu.memory_space<hbm>>) dst(%dma_wait3A_574 : memref<16x10000xf32, #tpu.memory_space<vmem>>)
    } else {
    }
    %jit3A_148 = arith.constant 4 : i32
    %eq3A_149 = arith.constant 0 : i32
    %eq3A_150 = arith.cmpi eq, %jit3A_148, %eq3A_149 : i32
    %jit3A_151 = arith.constant 1 : i32
    %select_n3A_152 = arith.select %eq3A_150, %jit3A_151, %jit3A_148 : i32
    %rem3A_153 = arith.remsi %arg0, %select_n3A_152 : i32
    %ne3A_154 = arith.constant 0 : i32
    %ne3A_155 = arith.cmpi ne, %rem3A_153, %ne3A_154 : i32
    %lt3A_156 = arith.constant 0 : i32
    %lt3A_157 = arith.cmpi slt, %rem3A_153, %lt3A_156 : i32
    %lt3A_158 = arith.constant 0 : i32
    %lt3A_159 = arith.cmpi slt, %select_n3A_152, %lt3A_158 : i32
    %ne3A_160 = arith.xori %lt3A_157, %lt3A_159 : i1
    %and3A_161 = arith.andi %ne3A_160, %ne3A_155 : i1
    %add3A_162 = arith.addi %rem3A_153, %select_n3A_152 : i32
    %select_n3A_163 = arith.select %and3A_161, %add3A_162, %rem3A_153 : i32
    %eq3A_164 = arith.constant 2 : i32
    %eq3A_165 = arith.cmpi eq, %select_n3A_163, %eq3A_164 : i32
    %convert_element_type3A_166 = arith.extui %eq3A_165 : i1 to i32
    %cond3A_167 = arith.constant 0 : i32
    %cond3A_168 = arith.cmpi ne, %convert_element_type3A_166, %cond3A_167 : i32
    scf.if %cond3A_168 {
      %dma_wait3A = arith.constant 2 : i32
      %dma_wait3A_571 = arith.constant 0 : i32
      %dma_wait3A_572 = arith.constant 0 : i32
      %dma_wait3A_573 = tpu.memref_slice %arg6[%dma_wait3A, %dma_wait3A_571, %dma_wait3A_572] : memref<4x16x10000xf32, #tpu.memory_space<vmem>> -> memref<1x16x10000xf32, #tpu.memory_space<vmem>>
      %dma_wait3A_574 = tpu.memref_squeeze %dma_wait3A_573 : memref<1x16x10000xf32, #tpu.memory_space<vmem>> -> memref<16x10000xf32, #tpu.memory_space<vmem>>
      %dma_wait3A_575 = arith.constant 0 : i32
      %dma_wait3A_576 = arith.constant 0 : i32
      %dma_wait3A_577 = tpu.memref_slice %arg3[%dma_wait3A_575, %dma_wait3A_576] : memref<10000x10000xf32, #tpu.memory_space<hbm>> -> memref<16x10000xf32, #tpu.memory_space<hbm>>
      tpu.wait_dma2 semaphore(%arg9 : memref<!tpu.dma_semaphore, #tpu.memory_space<semaphore_mem>>) src(%dma_wait3A_577 : memref<16x10000xf32, #tpu.memory_space<hbm>>) dst(%dma_wait3A_574 : memref<16x10000xf32, #tpu.memory_space<vmem>>)
    } else {
    }
    %jit3A_169 = arith.constant 4 : i32
    %eq3A_170 = arith.constant 0 : i32
    %eq3A_171 = arith.cmpi eq, %jit3A_169, %eq3A_170 : i32
    %jit3A_172 = arith.constant 1 : i32
    %select_n3A_173 = arith.select %eq3A_171, %jit3A_172, %jit3A_169 : i32
    %rem3A_174 = arith.remsi %arg0, %select_n3A_173 : i32
    %ne3A_175 = arith.constant 0 : i32
    %ne3A_176 = arith.cmpi ne, %rem3A_174, %ne3A_175 : i32
    %lt3A_177 = arith.constant 0 : i32
    %lt3A_178 = arith.cmpi slt, %rem3A_174, %lt3A_177 : i32
    %lt3A_179 = arith.constant 0 : i32
    %lt3A_180 = arith.cmpi slt, %select_n3A_173, %lt3A_179 : i32
    %ne3A_181 = arith.xori %lt3A_178, %lt3A_180 : i1
    %and3A_182 = arith.andi %ne3A_181, %ne3A_176 : i1
    %add3A_183 = arith.addi %rem3A_174, %select_n3A_173 : i32
    %select_n3A_184 = arith.select %and3A_182, %add3A_183, %rem3A_174 : i32
    %eq3A_185 = arith.constant 3 : i32
    %eq3A_186 = arith.cmpi eq, %select_n3A_184, %eq3A_185 : i32
    %convert_element_type3A_187 = arith.extui %eq3A_186 : i1 to i32
    %cond3A_188 = arith.constant 0 : i32
    %cond3A_189 = arith.cmpi ne, %convert_element_type3A_187, %cond3A_188 : i32
    scf.if %cond3A_189 {
      %dma_wait3A = arith.constant 3 : i32
      %dma_wait3A_571 = arith.constant 0 : i32
      %dma_wait3A_572 = arith.constant 0 : i32
      %dma_wait3A_573 = tpu.memref_slice %arg6[%dma_wait3A, %dma_wait3A_571, %dma_wait3A_572] : memref<4x16x10000xf32, #tpu.memory_space<vmem>> -> memref<1x16x10000xf32, #tpu.memory_space<vmem>>
      %dma_wait3A_574 = tpu.memref_squeeze %dma_wait3A_573 : memref<1x16x10000xf32, #tpu.memory_space<vmem>> -> memref<16x10000xf32, #tpu.memory_space<vmem>>
      %dma_wait3A_575 = arith.constant 0 : i32
      %dma_wait3A_576 = arith.constant 0 : i32
      %dma_wait3A_577 = tpu.memref_slice %arg3[%dma_wait3A_575, %dma_wait3A_576] : memref<10000x10000xf32, #tpu.memory_space<hbm>> -> memref<16x10000xf32, #tpu.memory_space<hbm>>
      tpu.wait_dma2 semaphore(%arg10 : memref<!tpu.dma_semaphore, #tpu.memory_space<semaphore_mem>>) src(%dma_wait3A_577 : memref<16x10000xf32, #tpu.memory_space<hbm>>) dst(%dma_wait3A_574 : memref<16x10000xf32, #tpu.memory_space<vmem>>)
    } else {
    }
    %jit3A_190 = arith.constant 4 : i32
    %eq3A_191 = arith.constant 0 : i32
    %eq3A_192 = arith.cmpi eq, %jit3A_190, %eq3A_191 : i32
    %jit3A_193 = arith.constant 1 : i32
    %select_n3A_194 = arith.select %eq3A_192, %jit3A_193, %jit3A_190 : i32
    %rem3A_195 = arith.remsi %arg0, %select_n3A_194 : i32
    %ne3A_196 = arith.constant 0 : i32
    %ne3A_197 = arith.cmpi ne, %rem3A_195, %ne3A_196 : i32
    %lt3A_198 = arith.constant 0 : i32
    %lt3A_199 = arith.cmpi slt, %rem3A_195, %lt3A_198 : i32
    %lt3A_200 = arith.constant 0 : i32
    %lt3A_201 = arith.cmpi slt, %select_n3A_194, %lt3A_200 : i32
    %ne3A_202 = arith.xori %lt3A_199, %lt3A_201 : i1
    %and3A_203 = arith.andi %ne3A_202, %ne3A_197 : i1
    %add3A_204 = arith.addi %rem3A_195, %select_n3A_194 : i32
    %select_n3A_205 = arith.select %and3A_203, %add3A_204, %rem3A_195 : i32
    %get3A = arith.index_cast %select_n3A_205 : i32 to index
    %get3A_206 = arith.constant 0 : index
    %get3A_207 = arith.constant 0 : index
    %get3A_208 = vector.load %arg6[%get3A, %get3A_206, %get3A_207] : memref<4x16x10000xf32, #tpu.memory_space<vmem>>, vector<1x16x10000xf32>
    %squeeze3A = vector.shape_cast %get3A_208 : vector<1x16x10000xf32> to vector<16x10000xf32>
    %get3A_209 = arith.constant 0 : index
    %get3A_210 = arith.constant 0 : index
    %get3A_211 = vector.load %arg4[%get3A_209, %get3A_210] : memref<16x10000xf32, #tpu.memory_space<vmem>>, vector<16x10000xf32>
    %mul3A = arith.constant 11.0976543 : f32
    %mul3A_212 = vector.broadcast %mul3A : f32 to vector<16x10000xf32>
    %mul3A_213 = arith.mulf %squeeze3A, %mul3A_212 : vector<16x10000xf32>
    %exp23A = math.exp2 %mul3A_213 : vector<16x10000xf32>
    %reduce_sum3A = arith.constant dense<0.000000e+00> : vector<16xf32>
    %reduce_sum3A_214 = vector.multi_reduction <add>, %exp23A, %reduce_sum3A [1] : vector<16x10000xf32> to vector<16xf32>
    %mul3A_215 = arith.mulf %get3A_211, %exp23A : vector<16x10000xf32>
    %reduce_sum3A_216 = arith.constant dense<0.000000e+00> : vector<16xf32>
    %reduce_sum3A_217 = vector.multi_reduction <add>, %mul3A_215, %reduce_sum3A_216 [1] : vector<16x10000xf32> to vector<16xf32>
    %mul3A_218 = arith.constant 16 : i32
    %mul3A_219 = arith.muli %arg0, %mul3A_218 : i32
    %add3A_220 = arith.constant 1536 : i32
    %add3A_221 = arith.addi %add3A_220, %mul3A_219 : i32
    %add3A_222 = arith.constant 0 : i32
    %add3A_223 = arith.addi %add3A_221, %add3A_222 : i32
    %get3A_224 = arith.index_cast %add3A_223 : i32 to index
    %get3A_225 = memref.load %arg2[%get3A_224] : memref<2560xf32, #tpu.memory_space<smem>>
    %mul3A_226 = arith.constant 16 : i32
    %mul3A_227 = arith.muli %arg0, %mul3A_226 : i32
    %add3A_228 = arith.constant 1536 : i32
    %add3A_229 = arith.addi %add3A_228, %mul3A_227 : i32
    %add3A_230 = arith.constant 1 : i32
    %add3A_231 = arith.addi %add3A_229, %add3A_230 : i32
    %get3A_232 = arith.index_cast %add3A_231 : i32 to index
    %get3A_233 = memref.load %arg2[%get3A_232] : memref<2560xf32, #tpu.memory_space<smem>>
    %mul3A_234 = arith.constant 16 : i32
    %mul3A_235 = arith.muli %arg0, %mul3A_234 : i32
    %add3A_236 = arith.constant 1536 : i32
    %add3A_237 = arith.addi %add3A_236, %mul3A_235 : i32
    %add3A_238 = arith.constant 2 : i32
    %add3A_239 = arith.addi %add3A_237, %add3A_238 : i32
    %get3A_240 = arith.index_cast %add3A_239 : i32 to index
    %get3A_241 = memref.load %arg2[%get3A_240] : memref<2560xf32, #tpu.memory_space<smem>>
    %mul3A_242 = arith.constant 16 : i32
    %mul3A_243 = arith.muli %arg0, %mul3A_242 : i32
    %add3A_244 = arith.constant 1536 : i32
    %add3A_245 = arith.addi %add3A_244, %mul3A_243 : i32
    %add3A_246 = arith.constant 3 : i32
    %add3A_247 = arith.addi %add3A_245, %add3A_246 : i32
    %get3A_248 = arith.index_cast %add3A_247 : i32 to index
    %get3A_249 = memref.load %arg2[%get3A_248] : memref<2560xf32, #tpu.memory_space<smem>>
    %mul3A_250 = arith.constant 16 : i32
    %mul3A_251 = arith.muli %arg0, %mul3A_250 : i32
    %add3A_252 = arith.constant 1536 : i32
    %add3A_253 = arith.addi %add3A_252, %mul3A_251 : i32
    %add3A_254 = arith.constant 4 : i32
    %add3A_255 = arith.addi %add3A_253, %add3A_254 : i32
    %get3A_256 = arith.index_cast %add3A_255 : i32 to index
    %get3A_257 = memref.load %arg2[%get3A_256] : memref<2560xf32, #tpu.memory_space<smem>>
    %mul3A_258 = arith.constant 16 : i32
    %mul3A_259 = arith.muli %arg0, %mul3A_258 : i32
    %add3A_260 = arith.constant 1536 : i32
    %add3A_261 = arith.addi %add3A_260, %mul3A_259 : i32
    %add3A_262 = arith.constant 5 : i32
    %add3A_263 = arith.addi %add3A_261, %add3A_262 : i32
    %get3A_264 = arith.index_cast %add3A_263 : i32 to index
    %get3A_265 = memref.load %arg2[%get3A_264] : memref<2560xf32, #tpu.memory_space<smem>>
    %mul3A_266 = arith.constant 16 : i32
    %mul3A_267 = arith.muli %arg0, %mul3A_266 : i32
    %add3A_268 = arith.constant 1536 : i32
    %add3A_269 = arith.addi %add3A_268, %mul3A_267 : i32
    %add3A_270 = arith.constant 6 : i32
    %add3A_271 = arith.addi %add3A_269, %add3A_270 : i32
    %get3A_272 = arith.index_cast %add3A_271 : i32 to index
    %get3A_273 = memref.load %arg2[%get3A_272] : memref<2560xf32, #tpu.memory_space<smem>>
    %mul3A_274 = arith.constant 16 : i32
    %mul3A_275 = arith.muli %arg0, %mul3A_274 : i32
    %add3A_276 = arith.constant 1536 : i32
    %add3A_277 = arith.addi %add3A_276, %mul3A_275 : i32
    %add3A_278 = arith.constant 7 : i32
    %add3A_279 = arith.addi %add3A_277, %add3A_278 : i32
    %get3A_280 = arith.index_cast %add3A_279 : i32 to index
    %get3A_281 = memref.load %arg2[%get3A_280] : memref<2560xf32, #tpu.memory_space<smem>>
    %mul3A_282 = arith.constant 16 : i32
    %mul3A_283 = arith.muli %arg0, %mul3A_282 : i32
    %add3A_284 = arith.constant 1536 : i32
    %add3A_285 = arith.addi %add3A_284, %mul3A_283 : i32
    %add3A_286 = arith.constant 8 : i32
    %add3A_287 = arith.addi %add3A_285, %add3A_286 : i32
    %get3A_288 = arith.index_cast %add3A_287 : i32 to index
    %get3A_289 = memref.load %arg2[%get3A_288] : memref<2560xf32, #tpu.memory_space<smem>>
    %mul3A_290 = arith.constant 16 : i32
    %mul3A_291 = arith.muli %arg0, %mul3A_290 : i32
    %add3A_292 = arith.constant 1536 : i32
    %add3A_293 = arith.addi %add3A_292, %mul3A_291 : i32
    %add3A_294 = arith.constant 9 : i32
    %add3A_295 = arith.addi %add3A_293, %add3A_294 : i32
    %get3A_296 = arith.index_cast %add3A_295 : i32 to index
    %get3A_297 = memref.load %arg2[%get3A_296] : memref<2560xf32, #tpu.memory_space<smem>>
    %mul3A_298 = arith.constant 16 : i32
    %mul3A_299 = arith.muli %arg0, %mul3A_298 : i32
    %add3A_300 = arith.constant 1536 : i32
    %add3A_301 = arith.addi %add3A_300, %mul3A_299 : i32
    %add3A_302 = arith.constant 10 : i32
    %add3A_303 = arith.addi %add3A_301, %add3A_302 : i32
    %get3A_304 = arith.index_cast %add3A_303 : i32 to index
    %get3A_305 = memref.load %arg2[%get3A_304] : memref<2560xf32, #tpu.memory_space<smem>>
    %mul3A_306 = arith.constant 16 : i32
    %mul3A_307 = arith.muli %arg0, %mul3A_306 : i32
    %add3A_308 = arith.constant 1536 : i32
    %add3A_309 = arith.addi %add3A_308, %mul3A_307 : i32
    %add3A_310 = arith.constant 11 : i32
    %add3A_311 = arith.addi %add3A_309, %add3A_310 : i32
    %get3A_312 = arith.index_cast %add3A_311 : i32 to index
    %get3A_313 = memref.load %arg2[%get3A_312] : memref<2560xf32, #tpu.memory_space<smem>>
    %mul3A_314 = arith.constant 16 : i32
    %mul3A_315 = arith.muli %arg0, %mul3A_314 : i32
    %add3A_316 = arith.constant 1536 : i32
    %add3A_317 = arith.addi %add3A_316, %mul3A_315 : i32
    %add3A_318 = arith.constant 12 : i32
    %add3A_319 = arith.addi %add3A_317, %add3A_318 : i32
    %get3A_320 = arith.index_cast %add3A_319 : i32 to index
    %get3A_321 = memref.load %arg2[%get3A_320] : memref<2560xf32, #tpu.memory_space<smem>>
    %mul3A_322 = arith.constant 16 : i32
    %mul3A_323 = arith.muli %arg0, %mul3A_322 : i32
    %add3A_324 = arith.constant 1536 : i32
    %add3A_325 = arith.addi %add3A_324, %mul3A_323 : i32
    %add3A_326 = arith.constant 13 : i32
    %add3A_327 = arith.addi %add3A_325, %add3A_326 : i32
    %get3A_328 = arith.index_cast %add3A_327 : i32 to index
    %get3A_329 = memref.load %arg2[%get3A_328] : memref<2560xf32, #tpu.memory_space<smem>>
    %mul3A_330 = arith.constant 16 : i32
    %mul3A_331 = arith.muli %arg0, %mul3A_330 : i32
    %add3A_332 = arith.constant 1536 : i32
    %add3A_333 = arith.addi %add3A_332, %mul3A_331 : i32
    %add3A_334 = arith.constant 14 : i32
    %add3A_335 = arith.addi %add3A_333, %add3A_334 : i32
    %get3A_336 = arith.index_cast %add3A_335 : i32 to index
    %get3A_337 = memref.load %arg2[%get3A_336] : memref<2560xf32, #tpu.memory_space<smem>>
    %mul3A_338 = arith.constant 16 : i32
    %mul3A_339 = arith.muli %arg0, %mul3A_338 : i32
    %add3A_340 = arith.constant 1536 : i32
    %add3A_341 = arith.addi %add3A_340, %mul3A_339 : i32
    %add3A_342 = arith.constant 15 : i32
    %add3A_343 = arith.addi %add3A_341, %add3A_342 : i32
    %get3A_344 = arith.index_cast %add3A_343 : i32 to index
    %get3A_345 = memref.load %arg2[%get3A_344] : memref<2560xf32, #tpu.memory_space<smem>>
    %stack3A = vector.broadcast %get3A_225 : f32 to vector<1xf32>
    %stack3A_346 = vector.broadcast %get3A_233 : f32 to vector<1xf32>
    %stack3A_347 = vector.broadcast %get3A_241 : f32 to vector<1xf32>
    %stack3A_348 = vector.broadcast %get3A_249 : f32 to vector<1xf32>
    %stack3A_349 = vector.broadcast %get3A_257 : f32 to vector<1xf32>
    %stack3A_350 = vector.broadcast %get3A_265 : f32 to vector<1xf32>
    %stack3A_351 = vector.broadcast %get3A_273 : f32 to vector<1xf32>
    %stack3A_352 = vector.broadcast %get3A_281 : f32 to vector<1xf32>
    %stack3A_353 = vector.broadcast %get3A_289 : f32 to vector<1xf32>
    %stack3A_354 = vector.broadcast %get3A_297 : f32 to vector<1xf32>
    %stack3A_355 = vector.broadcast %get3A_305 : f32 to vector<1xf32>
    %stack3A_356 = vector.broadcast %get3A_313 : f32 to vector<1xf32>
    %stack3A_357 = vector.broadcast %get3A_321 : f32 to vector<1xf32>
    %stack3A_358 = vector.broadcast %get3A_329 : f32 to vector<1xf32>
    %stack3A_359 = vector.broadcast %get3A_337 : f32 to vector<1xf32>
    %stack3A_360 = vector.broadcast %get3A_345 : f32 to vector<1xf32>
    %stack3A_361 = tpu.concatenate %stack3A, %stack3A_346, %stack3A_347, %stack3A_348, %stack3A_349, %stack3A_350, %stack3A_351, %stack3A_352, %stack3A_353, %stack3A_354, %stack3A_355, %stack3A_356, %stack3A_357, %stack3A_358, %stack3A_359, %stack3A_360 in 0 : vector<1xf32>, vector<1xf32>, vector<1xf32>, vector<1xf32>, vector<1xf32>, vector<1xf32>, vector<1xf32>, vector<1xf32>, vector<1xf32>, vector<1xf32>, vector<1xf32>, vector<1xf32>, vector<1xf32>, vector<1xf32>, vector<1xf32>, vector<1xf32> -> vector<16xf32>
    %mul3A_362 = arith.constant 16 : i32
    %mul3A_363 = arith.muli %arg0, %mul3A_362 : i32
    %add3A_364 = arith.constant 1536 : i32
    %add3A_365 = arith.addi %add3A_364, %mul3A_363 : i32
    %add3A_366 = arith.constant 0 : i32
    %add3A_367 = arith.addi %add3A_365, %add3A_366 : i32
    %get3A_368 = arith.index_cast %add3A_367 : i32 to index
    %get3A_369 = memref.load %arg1[%get3A_368] : memref<2560xi32, #tpu.memory_space<smem>>
    %mul3A_370 = arith.constant 16 : i32
    %mul3A_371 = arith.muli %arg0, %mul3A_370 : i32
    %add3A_372 = arith.constant 1536 : i32
    %add3A_373 = arith.addi %add3A_372, %mul3A_371 : i32
    %add3A_374 = arith.constant 1 : i32
    %add3A_375 = arith.addi %add3A_373, %add3A_374 : i32
    %get3A_376 = arith.index_cast %add3A_375 : i32 to index
    %get3A_377 = memref.load %arg1[%get3A_376] : memref<2560xi32, #tpu.memory_space<smem>>
    %mul3A_378 = arith.constant 16 : i32
    %mul3A_379 = arith.muli %arg0, %mul3A_378 : i32
    %add3A_380 = arith.constant 1536 : i32
    %add3A_381 = arith.addi %add3A_380, %mul3A_379 : i32
    %add3A_382 = arith.constant 2 : i32
    %add3A_383 = arith.addi %add3A_381, %add3A_382 : i32
    %get3A_384 = arith.index_cast %add3A_383 : i32 to index
    %get3A_385 = memref.load %arg1[%get3A_384] : memref<2560xi32, #tpu.memory_space<smem>>
    %mul3A_386 = arith.constant 16 : i32
    %mul3A_387 = arith.muli %arg0, %mul3A_386 : i32
    %add3A_388 = arith.constant 1536 : i32
    %add3A_389 = arith.addi %add3A_388, %mul3A_387 : i32
    %add3A_390 = arith.constant 3 : i32
    %add3A_391 = arith.addi %add3A_389, %add3A_390 : i32
    %get3A_392 = arith.index_cast %add3A_391 : i32 to index
    %get3A_393 = memref.load %arg1[%get3A_392] : memref<2560xi32, #tpu.memory_space<smem>>
    %mul3A_394 = arith.constant 16 : i32
    %mul3A_395 = arith.muli %arg0, %mul3A_394 : i32
    %add3A_396 = arith.constant 1536 : i32
    %add3A_397 = arith.addi %add3A_396, %mul3A_395 : i32
    %add3A_398 = arith.constant 4 : i32
    %add3A_399 = arith.addi %add3A_397, %add3A_398 : i32
    %get3A_400 = arith.index_cast %add3A_399 : i32 to index
    %get3A_401 = memref.load %arg1[%get3A_400] : memref<2560xi32, #tpu.memory_space<smem>>
    %mul3A_402 = arith.constant 16 : i32
    %mul3A_403 = arith.muli %arg0, %mul3A_402 : i32
    %add3A_404 = arith.constant 1536 : i32
    %add3A_405 = arith.addi %add3A_404, %mul3A_403 : i32
    %add3A_406 = arith.constant 5 : i32
    %add3A_407 = arith.addi %add3A_405, %add3A_406 : i32
    %get3A_408 = arith.index_cast %add3A_407 : i32 to index
    %get3A_409 = memref.load %arg1[%get3A_408] : memref<2560xi32, #tpu.memory_space<smem>>
    %mul3A_410 = arith.constant 16 : i32
    %mul3A_411 = arith.muli %arg0, %mul3A_410 : i32
    %add3A_412 = arith.constant 1536 : i32
    %add3A_413 = arith.addi %add3A_412, %mul3A_411 : i32
    %add3A_414 = arith.constant 6 : i32
    %add3A_415 = arith.addi %add3A_413, %add3A_414 : i32
    %get3A_416 = arith.index_cast %add3A_415 : i32 to index
    %get3A_417 = memref.load %arg1[%get3A_416] : memref<2560xi32, #tpu.memory_space<smem>>
    %mul3A_418 = arith.constant 16 : i32
    %mul3A_419 = arith.muli %arg0, %mul3A_418 : i32
    %add3A_420 = arith.constant 1536 : i32
    %add3A_421 = arith.addi %add3A_420, %mul3A_419 : i32
    %add3A_422 = arith.constant 7 : i32
    %add3A_423 = arith.addi %add3A_421, %add3A_422 : i32
    %get3A_424 = arith.index_cast %add3A_423 : i32 to index
    %get3A_425 = memref.load %arg1[%get3A_424] : memref<2560xi32, #tpu.memory_space<smem>>
    %mul3A_426 = arith.constant 16 : i32
    %mul3A_427 = arith.muli %arg0, %mul3A_426 : i32
    %add3A_428 = arith.constant 1536 : i32
    %add3A_429 = arith.addi %add3A_428, %mul3A_427 : i32
    %add3A_430 = arith.constant 8 : i32
    %add3A_431 = arith.addi %add3A_429, %add3A_430 : i32
    %get3A_432 = arith.index_cast %add3A_431 : i32 to index
    %get3A_433 = memref.load %arg1[%get3A_432] : memref<2560xi32, #tpu.memory_space<smem>>
    %mul3A_434 = arith.constant 16 : i32
    %mul3A_435 = arith.muli %arg0, %mul3A_434 : i32
    %add3A_436 = arith.constant 1536 : i32
    %add3A_437 = arith.addi %add3A_436, %mul3A_435 : i32
    %add3A_438 = arith.constant 9 : i32
    %add3A_439 = arith.addi %add3A_437, %add3A_438 : i32
    %get3A_440 = arith.index_cast %add3A_439 : i32 to index
    %get3A_441 = memref.load %arg1[%get3A_440] : memref<2560xi32, #tpu.memory_space<smem>>
    %mul3A_442 = arith.constant 16 : i32
    %mul3A_443 = arith.muli %arg0, %mul3A_442 : i32
    %add3A_444 = arith.constant 1536 : i32
    %add3A_445 = arith.addi %add3A_444, %mul3A_443 : i32
    %add3A_446 = arith.constant 10 : i32
    %add3A_447 = arith.addi %add3A_445, %add3A_446 : i32
    %get3A_448 = arith.index_cast %add3A_447 : i32 to index
    %get3A_449 = memref.load %arg1[%get3A_448] : memref<2560xi32, #tpu.memory_space<smem>>
    %mul3A_450 = arith.constant 16 : i32
    %mul3A_451 = arith.muli %arg0, %mul3A_450 : i32
    %add3A_452 = arith.constant 1536 : i32
    %add3A_453 = arith.addi %add3A_452, %mul3A_451 : i32
    %add3A_454 = arith.constant 11 : i32
    %add3A_455 = arith.addi %add3A_453, %add3A_454 : i32
    %get3A_456 = arith.index_cast %add3A_455 : i32 to index
    %get3A_457 = memref.load %arg1[%get3A_456] : memref<2560xi32, #tpu.memory_space<smem>>
    %mul3A_458 = arith.constant 16 : i32
    %mul3A_459 = arith.muli %arg0, %mul3A_458 : i32
    %add3A_460 = arith.constant 1536 : i32
    %add3A_461 = arith.addi %add3A_460, %mul3A_459 : i32
    %add3A_462 = arith.constant 12 : i32
    %add3A_463 = arith.addi %add3A_461, %add3A_462 : i32
    %get3A_464 = arith.index_cast %add3A_463 : i32 to index
    %get3A_465 = memref.load %arg1[%get3A_464] : memref<2560xi32, #tpu.memory_space<smem>>
    %mul3A_466 = arith.constant 16 : i32
    %mul3A_467 = arith.muli %arg0, %mul3A_466 : i32
    %add3A_468 = arith.constant 1536 : i32
    %add3A_469 = arith.addi %add3A_468, %mul3A_467 : i32
    %add3A_470 = arith.constant 13 : i32
    %add3A_471 = arith.addi %add3A_469, %add3A_470 : i32
    %get3A_472 = arith.index_cast %add3A_471 : i32 to index
    %get3A_473 = memref.load %arg1[%get3A_472] : memref<2560xi32, #tpu.memory_space<smem>>
    %mul3A_474 = arith.constant 16 : i32
    %mul3A_475 = arith.muli %arg0, %mul3A_474 : i32
    %add3A_476 = arith.constant 1536 : i32
    %add3A_477 = arith.addi %add3A_476, %mul3A_475 : i32
    %add3A_478 = arith.constant 14 : i32
    %add3A_479 = arith.addi %add3A_477, %add3A_478 : i32
    %get3A_480 = arith.index_cast %add3A_479 : i32 to index
    %get3A_481 = memref.load %arg1[%get3A_480] : memref<2560xi32, #tpu.memory_space<smem>>
    %mul3A_482 = arith.constant 16 : i32
    %mul3A_483 = arith.muli %arg0, %mul3A_482 : i32
    %add3A_484 = arith.constant 1536 : i32
    %add3A_485 = arith.addi %add3A_484, %mul3A_483 : i32
    %add3A_486 = arith.constant 15 : i32
    %add3A_487 = arith.addi %add3A_485, %add3A_486 : i32
    %get3A_488 = arith.index_cast %add3A_487 : i32 to index
    %get3A_489 = memref.load %arg1[%get3A_488] : memref<2560xi32, #tpu.memory_space<smem>>
    %stack3A_490 = vector.broadcast %get3A_369 : i32 to vector<1xi32>
    %stack3A_491 = vector.broadcast %get3A_377 : i32 to vector<1xi32>
    %stack3A_492 = vector.broadcast %get3A_385 : i32 to vector<1xi32>
    %stack3A_493 = vector.broadcast %get3A_393 : i32 to vector<1xi32>
    %stack3A_494 = vector.broadcast %get3A_401 : i32 to vector<1xi32>
    %stack3A_495 = vector.broadcast %get3A_409 : i32 to vector<1xi32>
    %stack3A_496 = vector.broadcast %get3A_417 : i32 to vector<1xi32>
    %stack3A_497 = vector.broadcast %get3A_425 : i32 to vector<1xi32>
    %stack3A_498 = vector.broadcast %get3A_433 : i32 to vector<1xi32>
    %stack3A_499 = vector.broadcast %get3A_441 : i32 to vector<1xi32>
    %stack3A_500 = vector.broadcast %get3A_449 : i32 to vector<1xi32>
    %stack3A_501 = vector.broadcast %get3A_457 : i32 to vector<1xi32>
    %stack3A_502 = vector.broadcast %get3A_465 : i32 to vector<1xi32>
    %stack3A_503 = vector.broadcast %get3A_473 : i32 to vector<1xi32>
    %stack3A_504 = vector.broadcast %get3A_481 : i32 to vector<1xi32>
    %stack3A_505 = vector.broadcast %get3A_489 : i32 to vector<1xi32>
    %stack3A_506 = tpu.concatenate %stack3A_490, %stack3A_491, %stack3A_492, %stack3A_493, %stack3A_494, %stack3A_495, %stack3A_496, %stack3A_497, %stack3A_498, %stack3A_499, %stack3A_500, %stack3A_501, %stack3A_502, %stack3A_503, %stack3A_504, %stack3A_505 in 0 : vector<1xi32>, vector<1xi32>, vector<1xi32>, vector<1xi32>, vector<1xi32>, vector<1xi32>, vector<1xi32>, vector<1xi32>, vector<1xi32>, vector<1xi32>, vector<1xi32>, vector<1xi32>, vector<1xi32>, vector<1xi32>, vector<1xi32>, vector<1xi32> -> vector<16xi32>
    %broadcast_in_dim3A = vector.shape_cast %stack3A_506 : vector<16xi32> to vector<16x1xi32>
    %iota3A = tpu.iota {dimensions = array<i32: 1>} : vector<16x10000xi32>
    %eq3A_507 = vector.broadcast %broadcast_in_dim3A : vector<16x1xi32> to vector<16x10000xi32>
    %eq3A_508 = arith.cmpi eq, %iota3A, %eq3A_507 : vector<16x10000xi32>
    %jit3A_509 = arith.constant 0.000000e+00 : f32
    %broadcast_in_dim3A_510 = vector.broadcast %jit3A_509 : f32 to vector<16x10000xf32>
    %select_n3A_511 = arith.select %eq3A_508, %get3A_211, %broadcast_in_dim3A_510 : vector<16x10000xi1>, vector<16x10000xf32>
    %reduce_sum3A_512 = arith.constant dense<0.000000e+00> : vector<16xf32>
    %reduce_sum3A_513 = vector.multi_reduction <add>, %select_n3A_511, %reduce_sum3A_512 [1] : vector<16x10000xf32> to vector<16xf32>
    %mul3A_514 = arith.mulf %stack3A_361, %reduce_sum3A_513 : vector<16xf32>
    %reduce_sum3A_515 = vector.shape_cast %mul3A_514 : vector<16xf32> to vector<1x16xf32>
    %reduce_sum3A_516 = arith.constant dense<0.000000e+00> : vector<1xf32>
    %reduce_sum3A_517 = vector.multi_reduction <add>, %reduce_sum3A_515, %reduce_sum3A_516 [1] : vector<1x16xf32> to vector<1xf32>
    %reduce_sum3A_518 = vector.shape_cast %reduce_sum3A_517 : vector<1xf32> to vector<1x1xf32>
    %reduce_sum3A_519 = vector.extract %reduce_sum3A_518[0, 0] : f32 from vector<1x1xf32>
    %neg3A = arith.constant 0.000000e+00 : f32
    %neg3A_520 = arith.subf %neg3A, %reduce_sum3A_519 : f32
    %mul3A_521 = arith.mulf %stack3A_361, %reduce_sum3A_217 : vector<16xf32>
    %div3A = arith.divf %mul3A_521, %reduce_sum3A_214 : vector<16xf32>
    %reduce_sum3A_522 = vector.shape_cast %div3A : vector<16xf32> to vector<1x16xf32>
    %reduce_sum3A_523 = arith.constant dense<0.000000e+00> : vector<1xf32>
    %reduce_sum3A_524 = vector.multi_reduction <add>, %reduce_sum3A_522, %reduce_sum3A_523 [1] : vector<1x16xf32> to vector<1xf32>
    %reduce_sum3A_525 = vector.shape_cast %reduce_sum3A_524 : vector<1xf32> to vector<1x1xf32>
    %reduce_sum3A_526 = vector.extract %reduce_sum3A_525[0, 0] : f32 from vector<1x1xf32>
    %neg3A_527 = arith.constant 0.000000e+00 : f32
    %neg3A_528 = arith.subf %neg3A_527, %reduce_sum3A_526 : f32
    %reduce_sum3A_529 = vector.shape_cast %stack3A_361 : vector<16xf32> to vector<1x16xf32>
    %reduce_sum3A_530 = arith.constant dense<0.000000e+00> : vector<1xf32>
    %reduce_sum3A_531 = vector.multi_reduction <add>, %reduce_sum3A_529, %reduce_sum3A_530 [1] : vector<1x16xf32> to vector<1xf32>
    %reduce_sum3A_532 = vector.shape_cast %reduce_sum3A_531 : vector<1xf32> to vector<1x1xf32>
    %reduce_sum3A_533 = vector.extract %reduce_sum3A_532[0, 0] : f32 from vector<1x1xf32>
    %iota3A_534 = tpu.iota {dimensions = array<i32: 1>} : vector<8x128xi32>
    %iota3A_535 = tpu.iota {dimensions = array<i32: 0>} : vector<8x128xi32>
    %eq3A_536 = arith.constant 0 : i32
    %eq3A_537 = vector.broadcast %eq3A_536 : i32 to vector<8x128xi32>
    %eq3A_538 = arith.cmpi eq, %iota3A_535, %eq3A_537 : vector<8x128xi32>
    %eq3A_539 = arith.constant 0 : i32
    %eq3A_540 = vector.broadcast %eq3A_539 : i32 to vector<8x128xi32>
    %eq3A_541 = arith.cmpi eq, %iota3A_534, %eq3A_540 : vector<8x128xi32>
    %and3A_542 = arith.andi %eq3A_538, %eq3A_541 : vector<8x128xi1>
    %eq3A_543 = arith.constant 0 : i32
    %eq3A_544 = vector.broadcast %eq3A_543 : i32 to vector<8x128xi32>
    %eq3A_545 = arith.cmpi eq, %iota3A_535, %eq3A_544 : vector<8x128xi32>
    %eq3A_546 = arith.constant 1 : i32
    %eq3A_547 = vector.broadcast %eq3A_546 : i32 to vector<8x128xi32>
    %eq3A_548 = arith.cmpi eq, %iota3A_534, %eq3A_547 : vector<8x128xi32>
    %and3A_549 = arith.andi %eq3A_545, %eq3A_548 : vector<8x128xi1>
    %eq3A_550 = arith.constant 0 : i32
    %eq3A_551 = vector.broadcast %eq3A_550 : i32 to vector<8x128xi32>
    %eq3A_552 = arith.cmpi eq, %iota3A_535, %eq3A_551 : vector<8x128xi32>
    %eq3A_553 = arith.constant 2 : i32
    %eq3A_554 = vector.broadcast %eq3A_553 : i32 to vector<8x128xi32>
    %eq3A_555 = arith.cmpi eq, %iota3A_534, %eq3A_554 : vector<8x128xi32>
    %and3A_556 = arith.andi %eq3A_552, %eq3A_555 : vector<8x128xi1>
    %jit3A_557 = arith.constant 0.000000e+00 : f32
    %broadcast_in_dim3A_558 = vector.broadcast %reduce_sum3A_533 : f32 to vector<8x128xf32>
    %broadcast_in_dim3A_559 = vector.broadcast %jit3A_557 : f32 to vector<8x128xf32>
    %select_n3A_560 = arith.select %and3A_556, %broadcast_in_dim3A_558, %broadcast_in_dim3A_559 : vector<8x128xi1>, vector<8x128xf32>
    %broadcast_in_dim3A_561 = vector.broadcast %neg3A_528 : f32 to vector<8x128xf32>
    %select_n3A_562 = arith.select %and3A_549, %broadcast_in_dim3A_561, %select_n3A_560 : vector<8x128xi1>, vector<8x128xf32>
    %broadcast_in_dim3A_563 = vector.broadcast %neg3A_520 : f32 to vector<8x128xf32>
    %select_n3A_564 = arith.select %and3A_542, %broadcast_in_dim3A_563, %select_n3A_562 : vector<8x128xi1>, vector<8x128xf32>
    %get3A_565 = arith.constant 0 : index
    %get3A_566 = arith.constant 0 : index
    %get3A_567 = vector.load %arg5[%get3A_565, %get3A_566] : memref<8x128xf32, #tpu.memory_space<vmem>>, vector<8x128xf32>
    %add3A_568 = arith.addf %get3A_567, %select_n3A_564 : vector<8x128xf32>
    %swap3A = arith.constant 0 : index
    %swap3A_569 = arith.constant 0 : index
    %swap3A_570 = vector.load %arg5[%swap3A, %swap3A_569] : memref<8x128xf32, #tpu.memory_space<vmem>>, vector<8x128xf32>
    tpu.vector_store %arg5[%swap3A, %swap3A_569], %add3A_568 {strides = array<i32>} : memref<8x128xf32, #tpu.memory_space<vmem>>, vector<8x128xf32>,
    return
  }
  func.func @transform_1(%arg0: i32, %arg1: memref<2560xi32, #tpu.memory_space<smem>>, %arg2: memref<2560xf32, #tpu.memory_space<smem>>) -> (i32, i32) {
    %add3A = arith.constant 96 : i32
    %add3A_0 = arith.addi %add3A, %arg0 : i32
    %c0_i32 = arith.constant 0 : i32
    %c0_i32_1 = arith.constant 0 : i32
    return %add3A_0, %c0_i32 : i32, i32
  }
  func.func @transform_2(%arg0: i32, %arg1: memref<2560xi32, #tpu.memory_space<smem>>, %arg2: memref<2560xf32, #tpu.memory_space<smem>>) -> (i32, i32) {
    %c0_i32 = arith.constant 0 : i32
    %c0_i32_0 = arith.constant 0 : i32
    %c0_i32_1 = arith.constant 0 : i32
    return %c0_i32, %c0_i32_0 : i32, i32
  }
}

</mosaic_0001>

<sc_bundles>
// kernel: kernel.4.cloned.1.call-start
scs
__scs_entry_jumppad:
0x0: {  	(pc) =	sbr.rel $0x88, $3  }
0x1: {  	(tag) =	ssettag $0x0;
	lr =	simm.s32 $0x1  }
0x2: {  	[smem:$0x3F9D] =	sst lr;
	_ =	strace $0xD0000000  }
0x3: {  	_ = 	snop  }
0x4: {  	_ = 	snop  }
0x5: {  	_ = 	snop  }
0x6: {  	_ = 	snop  }
0x7: {  	_ = 	snop  }
__scs_overlays_trampoline_lowered:
0x8: {  	[smem:$0x3FAC] =	sst s0  }
0x9: {  	[smem:$0x3FAD] =	sst s1  }
0xa: {  	[smem:$0x3FAE] =	sst s2  }
0xb: {  	[smem:$0x3FAF] =	sst s3  }
0xc: {  	[smem:$0x3FB0] =	sst s4  }
0xd: {  	[smem:$0x3FB1] =	sst s5  }
0xe: {  	[smem:$0x3FB2] =	sst s6  }
0xf: {  	[smem:$0x3FB3] =	sst s7  }
0x10: {  	[smem:$0x3FB4] =	sst s8  }
0x11: {  	[smem:$0x3FB5] =	sst s9;
	s0 =	simm.s32 @!p0 $0x0  }
0x12: {  	s1 =	sld [smem:$0x3F9B];
	s0 =	simm.s32 @p0 $0x1  }
0x13: {  	[smem:$0x3FB6] =	sst s0;
	s0 =	simm.s32 @!p1 $0x0  }
0x14: {  	s2 =	sld [smem:$0x3F9A];
	s0 =	simm.s32 @p1 $0x1  }
0x15: {  	[smem:$0x3FB7] =	sst s0;
	s0 =	simm.s32 @!p2 $0x0  }
0x16: {  	s3 =	sld [smem:$0x3FDB];
	s0 =	simm.s32 @p2 $0x1  }
0x17: {  	s4 =	simm.s32 $0x1BF5;
	[smem:$0x3FB9] =	sst s0  }
0x18: {  	s0 =	sld [smem:$0x3F9C];
	_ =	swait.ge [sflag:s4], $0x0  }
0x19: {  	s7 =	sld [smem:$0x3F9D]  }
0x1a: {  	s8 =	sadd.s32 $0xFFFFE003, lr  }
0x1b: {  	s9 =	sadd.s32 $0xFFFFFEF7, lr;
	s5 =	simm.s32 $0xFFFFFFFF;
	p2 =	slt.u32 s8, $0xFFFFF086  }
0x1c: {  	p1 =	slt.u32 s9, $0xF7A;
	s5 =	simm.s32 @!p2 $0x0  }
0x1d: {  	s5 =	simm.s32 @p1 $0x1;
	p0 =	seq.s32 s7, s2  }
0x1e: {  	s7 =	smul.u32 @!p0 $0xF7A, s2;
	p2 =	seq.s32 @!p0 s5, $0x0  }
0x1f: {  	s9 =	smul.u32 $0xF7A, s1;
	s8 =	simm.s32 @!p0 $0x1BF5;
	p2 =	por !p2, p0  }
0x20: {  	[sflag:s8] =	ssyncset.s32 @!p0 $0xFFFFF086;
	s6 =	sadd.s32 @!p0 s3, s7;
	s7 =	simm.s32 @!p0 $0x108  }
0x21: {  	s3 =	sadd.s32 s3, s9;
	s6 =	sadd.s32 @!p0 $0x88, s6;
	s7 =	simm.s32 @p2 $0x1082  }
0x22: {  	[simem:s7], [sflag:s8] =	dma.local @!p0 [hbm:s6], $0xF7A  }
0x23: {  	s9 =	sor.u32 $0xD0000000, s2;
	s6 =	simm.s32 $0x108;
	_ =	swait.ge @!p0 [sflag:s8], $0x0  }
0x24: {  	s3 =	sadd.s32 $0x88, s3;
	s6 =	simm.s32 @!p1 $0x1082;
	[sflag:s4] =	ssyncset.s32 $0xFFFFF086  }
0x25: {  	[simem:s6], [sflag:s4] =	dma.local [hbm:s3], $0xF7A  }
0x26: {  	[smem:$0x3F9D] =	sst s1;
	(tag) =	ssettag s2;
	_ =	strace s9  }
0x27: {  	s1 =	sld [smem:$0x3FAD]  }
0x28: {  	s2 =	sld [smem:$0x3FAE]  }
0x29: {  	s4 =	sld [smem:$0x3FB0]  }
0x2a: {  	p0 =	seq.s32 s5, $0x0;
	s5 =	sld [smem:$0x3FB1]  }
0x2b: {  	s6 =	sld [smem:$0x3FB2]  }
0x2c: {  	s7 =	sld [smem:$0x3FB3]  }
0x2d: {  	s3 =	simm.s32 $0x108;
	s8 =	sld [smem:$0x3FB4]  }
0x2e: {  	s3 =	simm.s32 @!p0 $0x1082;
	s9 =	sld [smem:$0x3FB5]  }
0x2f: {  	lr =	sadd.s32 s0, s3;
	s0 =	sld [smem:$0x3FAC]  }
0x30: {  	s3 =	sld [smem:$0x3FAF]  }
0x31: {  	[smem:$0x3FB8] =	sst s10  }
0x32: {  	s10 =	sld [smem:$0x3FB6];
	_ =	sdelay $0x3  }
0x33: {  	p0 =	seq.s32 s10, $0x1;
	s10 =	sld [smem:$0x3FB8];
	_ =	sdelay $0x3  }
0x34: {  	[smem:$0x3FB8] =	sst s10  }
0x35: {  	s10 =	sld [smem:$0x3FB7];
	_ =	sdelay $0x3  }
0x36: {  	p1 =	seq.s32 s10, $0x1;
	s10 =	sld [smem:$0x3FB8];
	_ =	sdelay $0x3  }
0x37: {  	[smem:$0x3FB8] =	sst s10  }
0x38: {  	s10 =	sld [smem:$0x3FB9]  }
0x39: {  	_ = 	snop;
	(pc) =	sbr.ind lr, $3  }
0x3a: {  	_ = 	snop  }
0x3b: {  	_ = 	snop  }
0x3c: {  	p2 =	seq.s32 s10, $0x1;
	s10 =	sld [smem:$0x3FB8]  }
0x3d: {  	_ =	shalt  }
0x3e: {  	_ =	shalt  }
0x3f: {  	_ =	shalt  }
0x40: {  	_ =	shalt  }
0x41: {  	_ =	shalt  }
0x42: {  	_ =	shalt  }
0x43: {  	_ =	shalt  }
0x44: {  	_ =	shalt  }
0x45: {  	_ =	shalt  }
0x46: {  	_ =	shalt  }
0x47: {  	_ =	shalt  }
0x48: {  	_ =	shalt  }
0x49: {  	_ =	shalt  }
0x4a: {  	_ =	shalt  }
0x4b: {  	_ =	shalt  }
0x4c: {  	_ =	shalt  }
0x4d: {  	_ =	shalt  }
0x4e: {  	_ =	shalt  }
0x4f: {  	_ =	shalt  }
0x50: {  	_ =	shalt  }
0x51: {  	_ =	shalt  }
0x52: {  	_ =	shalt  }
0x53: {  	_ =	shalt  }
0x54: {  	_ =	shalt  }
0x55: {  	_ =	shalt  }
0x56: {  	_ =	shalt  }
0x57: {  	_ =	shalt  }
0x58: {  	_ =	shalt  }
0x59: {  	_ =	shalt  }
0x5a: {  	_ =	shalt  }
0x5b: {  	_ =	shalt  }
0x5c: {  	_ =	shalt  }
0x5d: {  	_ =	shalt  }
0x5e: {  	_ =	shalt  }
0x5f: {  	_ =	shalt  }
0x60: {  	_ =	shalt  }
0x61: {  	_ =	shalt  }
0x62: {  	_ =	shalt  }
0x63: {  	_ =	shalt  }
0x64: {  	_ =	shalt  }
0x65: {  	_ =	shalt  }
0x66: {  	_ =	shalt  }
0x67: {  	_ =	shalt  }
0x68: {  	_ =	shalt  }
0x69: {  	_ =	shalt  }
0x6a: {  	_ =	shalt  }
0x6b: {  	_ =	shalt  }
0x6c: {  	_ =	shalt  }
0x6d: {  	_ =	shalt  }
0x6e: {  	_ =	shalt  }
0x6f: {  	_ =	shalt  }
0x70: {  	_ =	shalt  }
0x71: {  	_ =	shalt  }
0x72: {  	_ =	shalt  }
0x73: {  	_ =	shalt  }
0x74: {  	_ =	shalt  }
0x75: {  	_ =	shalt  }
0x76: {  	_ =	shalt  }
0x77: {  	_ =	shalt  }
0x78: {  	_ =	shalt  }
0x79: {  	_ =	shalt  }
0x7a: {  	_ =	shalt  }
0x7b: {  	_ =	shalt  }
0x7c: {  	_ =	shalt  }
0x7d: {  	_ =	shalt  }
0x7e: {  	_ =	shalt  }
0x7f: {  	_ =	shalt  }
0x80: {  	_ =	shalt  }
0x81: {  	_ =	shalt  }
0x82: {  	_ =	shalt  }
0x83: {  	_ =	shalt  }
0x84: {  	_ =	shalt  }
0x85: {  	_ =	shalt  }
0x86: {  	_ =	shalt  }
0x87: {  	_ =	shalt  }
.Lfunc_end0:
.L_simem_size_0:
called_computation_lowered:
.L_overlay_start_0:
0x88: {  	s2 =	sld [smem:$0x3FD9]  }
0x89: {  	s3 =	sld [smem:$0x3FFE];
	_ =	sdelay $0x1  }
0x8a: {  	s1 =	srdreg.scid  }
0x8b: {  	s0 =	sand.u32 $0x1, s1  }
0x8c: {  	s17 =	sshll.u32 s0, $0xA;
	s2 =	sadd.s32 s3, s2  }
0x8d: {  	s2 =	sadd.s32 s2, s17  }
0x8e: {  	[smem:$0x3FC4] =	sst s2  }
0x8f: {  	_ = 	snop  }
0x90: {  	s2 =	sld [smem:$0x3FC9]  }
0x91: {  	s18 =	sld [smem:$0x3FC6];
	(tm) =	ssettm $0x1  }
0x92: {  	s4 =	sld [smem:$0x3FFB];
	_ =	sdelay $0x3  }
0x93: {  	_ =	strace s4  }
0x94: {  	s4 =	sld [smem:$0x3FFC];
	_ =	sdelay $0x3  }
0x95: {  	_ =	strace s4  }
0x96: {  	s4 =	sld [smem:$0x3FFD];
	_ =	sdelay $0x3  }
0x97: {  	_ =	strace s4  }
0x98: {  	_ =	strace $0x8FFFFFFF  }
0x99: {  	s19 =	sld [smem:$0x3FDB];
	_ =	sdelay $0x1  }
0x9a: {  	s5 =	simm.s32 $_scs_section_size  }
0x9b: {  	s6 =	simm.s32 $_size__tile_overlayer_lowered;
	s7 =	simm.s32 $_tile_overlayer_lowered  }
0x9c: {  	s22 =	simm.s32 $0x1BFF;
	s21 =	sshll.u32 s7, $0x1;
	s4 =	sadd.s32 s5, s19  }
0x9d: {  	s8 =	simm.s32 $0x0;
	s20 =	sshll.u32 s6, $0x1;
	s6 =	sadd.s32 s21, s4  }
0x9e: {  	[timem:s8], [sflag:s22] =	dma.local [hbm:s6], s20  }
0x9f: {  	_ =	swait.ge [sflag:s22], s20  }
0xa0: {  	s5 =	ssub.s32 $0x0, s20;
	[sflag:s22] =	ssyncset.done $0x0  }
0xa1: {  	[sflag:s22] =	ssyncadd.s32 s5;
	_ =	sdelay $0x1  }
0xa2: {  	s23 =	simm.s32 $0x1B8B  }
0xa3: {  	_ =	swait.ge [sflag:s23], $0x1  }
0xa4: {  	[sflag:s23] =	ssyncset.done $0x0  }
0xa5: {  	s25 =	simm.s32 $0x1B8E;
	s24 =	sld [smem:$0x3FFE];
	[sflag:s23] =	ssyncadd.s32 $0xFFFFFFFF  }
0xa6: {  	s26 =	simm.s32 $execute0_lowered;
	[smem:$0x3FD2] =	sst s25  }
0xa7: {  	s6 =	sshll.u32 s26, $0x1;
	_ =	strace $0x80000046;
	[dreg:$0x1] =	wrdreg $0xFFFFFFFF  }
0xa8: {  	s28 =	simm.s32 $_size_execute0_lowered;
	s4 =	sadd.s32 s4, s6;
	[dreg:$0x0] =	wrdreg $0x0  }
0xa9: {  	s6 =	sshll.u32 s28, $0x1;
	[dreg:$0x2] =	wrdreg s4  }
0xaa: {  	[dreg:$0x3] =	wrdreg s6  }
0xab: {  	[dreg:$0x4] =	wrdreg $0xC0  }
0xac: {  	_ =	task [dreg:s8], $0x5FFFF  }
0xad: {  	[dreg:$0x1] =	wrdreg $0xFFFFFFFF  }
0xae: {  	[dreg:$0x0] =	wrdreg $0x60  }
0xaf: {  	[dreg:$0x2] =	wrdreg s2  }
0xb0: {  	[dreg:$0x3] =	wrdreg s24  }
0xb1: {  	[dreg:$0x4] =	wrdreg s18  }
0xb2: {  	[dreg:$0x5] =	wrdreg $0x9  }
0xb3: {  	_ =	task.clear_ibuf [dreg:s8], $0x6FFFF;
	_ =	strace $0x90000046  }
0xb4: {  	s29 =	simm.s32 $0x9;
	_ =	strace $0x80000048  }
0xb5: {  	_ =	swait.ge [sflag:s29], $0x1  }
0xb6: {  	[sflag:s29] =	ssyncadd.s32 $0xFFFFFFFF  }
0xb7: {  	_ =	strace $0x90000048  }
0xb8: {  	_ =	sfence  }
0xb9: {  	s30 =	sld [smem:$0x0];
	_ =	sdelay $0x2  }
0xba: {  	s31 =	sshll.u32 s1, $0xD;
	s1 =	sshrl.u32 s1, $0x2  }
0xbb: {  	s3 =	sand.u32 $0x4000, s31;
	s1 =	sadd.s32 s1, s30  }
0xbc: {  	s0 =	sor.u32 s3, s0;
	s1 =	sshll.u32 s1, $0x11  }
0xbd: {  	s0 =	sor.u32 s1, s0  }
0xbe: {  	s0 =	sadd.s32 $0x8F2B, s0  }
0xbf: {  	[sflag:s0] =	ssyncadd.remote.s32 $0x1  }
0xc0: {  	_ =	sfence.sel $0xFFFF  }
0xc1: {  	[dreg:$0x0] =	wrdreg $0xFFFFFFFF;
	(pc) =	sbr.abs _section_cstart, $3  }
0xc2: {  	[dreg:$0x1] =	wrdreg $0xFFFFFFFF  }
0xc3: {  	_ =	task.clear_ibuf [dreg:s8], $0x2FFFF;
	_ =	strace $0x9FFFFFFF  }
0xc4: {  	(tm) =	ssettm $0x7FFFFFFF  }
0xc5: {  	_ =	shalt  }
tec
execute0_lowered:
.L_overlay_start_1:
0x0: {  	(tag) =	ssettag $0x1  }
0x1: {  	s0 =	srdreg.scid;
	s29 =	rddreg [dreg:$0x0]  }
0x2: {  	s1 =	stileid.u32;
	s6 =	rddreg [dreg:$0x1];
	s4 =	simm.s32 $0x0  }
0x3: {  	v0 =	vimm.s32 $0xFEDCBA98;
	v1 =	vimm.s32 $0x76543210;
	s16 =	simm.s32 $0x1;
	s17 =	simm.s32 $0x5;
	s18 =	simm.s32 $0x2  }
0x4: {  	v2 =	vimm.s32 $0xBA98FEDC;
	v3 =	vimm.s32 $0x32107654;
	v4 =	vimm.s32 $0xDCFE98BA;
	s19 =	simm.s32 $0x6;
	s20 =	simm.s32 $0x3;
	s21 =	simm.s32 $0x7  }
0x5: {  	v5 =	vimm.s32 $0x54761032;
	v6 =	vimm.s32 $0xEFCDAB89;
	v7 =	vimm.s32 $0x67452301;
	s22 =	simm.s32 $0x4;
	s0 =	sand.u32 $0x1, s0;
	s1 =	sshll.u32 s1, $0x1  }
0x6: {  	s23 =	simm.s32 $0x8;
	v0 =	vunpack.c.l.s4.s8 v0;
	v1 =	vunpack.c.l.s4.s8 v1;
	[smem:$0x7FF] =	sst s4;
	v2 =	vunpack.c.l.s4.s8 v2;
	s5 =	sor.u32 s0, s1  }
0x7: {  	v3 =	vunpack.c.l.s4.s8 v3;
	v4 =	vunpack.c.l.s4.s8 v4;
	v5 =	vunpack.c.l.s4.s8 v5;
	s0 =	ssub.s32 $0x2, s0;
	s2 =	smul.u32 $0x30, s5;
	s5 =	sshll.u32 s5, $0x4  }
0x8: {  	v6 =	vunpack.c.l.s4.s8 v6;
	v7 =	vunpack.c.l.s4.s8 v7;
	_ =	strace $0x80000047;
	v0 =	vunpack.c.0.s8.s32 v0;
	s9 =	sshrl.u32 s0, $0x1;
	s5 =	sadd.s32 s5, s6  }
0x9: {  	v2 =	vunpack.c.0.s8.s32 v2;
	v3 =	vunpack.c.0.s8.s32 v3;
	v4 =	vunpack.c.0.s8.s32 v4;
	s0 =	ssub.s32 s0, s9;
	s7 =	sshrl.u32 s2, $0x3;
	s31 =	sadd.s32 $0x400, s5  }
.Ltmp0:
0xa: {  	v5 =	vunpack.c.0.s8.s32 v5;
	v6 =	vunpack.c.0.s8.s32 v6;
	v7 =	vunpack.c.0.s8.s32 v7;
	s0 =	smax.u32 s0, $0x1;
	[dreg:$0x6] =	wrdreg s31;
	(pc) =	sbr.rel .LBB2_1-.Ltmp0, $4  }
0xb: {  	vm0 =	vcmask $0x3F0C;
	v1 =	vunpack.c.0.s8.s32 v1;
	v2 =	vcombine.low v3, v2;
	s8 =	smul.u32 $0x2780, s7;
	s3 =	sadd.s32 s6, s7;
	[dreg:$0x7] =	wrdreg s0  }
0xc: {  	s1 =	simm.s32 $0x9;
	v3 =	vcombine.low v5, v4;
	v4 =	vcombine.low v7, v6;
	v0 =	vand.u32 $0xF, v0;
	[dreg:$0x4] =	wrdreg s3;
	s30 =	sadd.s32 $0x200, s3  }
0xd: {  	vm1 =	vcmask $0x3F08;
	v0 =	vcombine.low v0, v1;
	v1 =	vand.u32 $0xF, v2;
	s3 =	simm.s32 $0x0;
	s7 =	sadd.s32 s29, s8;
	[dreg:$0x5] =	wrdreg s30  }
0xe: {  	v2 =	vand.u32 $0xF, v3;
	v3 =	vand.u32 $0xF, v4;
	v4 =	vlaneseq.u32;
	s9 =	sadd.s32 $0x10, s7;
	s10 =	sadd.s32 $0x20, s7;
	s11 =	sadd.s32 $0x30, s7  }
.LBB2_50:
0xf: {  	v5 =	vsub.f32 $0.0e+00, v8  }
0x10: {  	v7 =	vsub.f32 $0.0e+00, v7;
	v6 =	vsel vm0, $0x0, v6  }
0x11: {  	vm2 =	vmmov $0x1;
	v5 =	vsel vm1, v6, v5  }
0x12: {  	v5 =	vsel vm2, v7, v5  }
0x13: {  	s0 =	rddreg [dreg:$0x6];
	s1 =	simm.s32 $0x13D00;
	[tilespmem:$0x13D00] =	vst v5  }
0x14: {  	[hbm4b:s0+s4] =	stream.linear.scatter [tilespmem:s1], [sflag:$0x9], $0x80, $0x38;
	[tilespmem:$0x13D80] =	vst v63  }
0x15: {  	s1 =	simm.s32 $0x9  }
0x16: {  	_ =	swait.ge [sflag:s1], $0x80  }
0x17: {  	s3 =	rddreg [dreg:$0x8]  }
0x18: {  	s31 =	rddreg [dreg:$0x7];
	s3 =	sadd.s32 $0x1, s3  }
0x19: {  	p0 =	sne.s32 s3, s31  }
.Ltmp1:
0x1a: {  	_ = 	snop;
	(pc) =	sbr.rel @!p0 .LBB2_51-.Ltmp1, $3  }
0x1b: {  	_ =	sdelay $0x1  }
0x1c: {  	[sflag:s1] =	ssyncset.done $0x0  }
0x1d: {  	[sflag:s1] =	ssyncadd.s32 $0xFFFFFF80  }
.LBB2_1:
0x1e: {  	[dreg:$0x8] =	wrdreg s3  }
0x1f: {  	s0 =	rddreg [dreg:$0x4]  }
0x20: {  	[tilespmem:s4], [sflag:$0x9] =	stream.linear.gather [hbm4b:s0+s4], $0x30, $0x38;
	[tilespmem:$0x13D80] =	vst v63  }
0x21: {  	_ =	swait.ge [sflag:s1], $0x30  }
0x22: {  	[sflag:s1] =	ssyncset.done $0x0  }
0x23: {  	s30 =	simm.s32 $0x80;
	s29 =	rddreg [dreg:$0x5];
	[sflag:s1] =	ssyncadd.s32 $0xFFFFFFD0  }
0x24: {  	[tilespmem:s30], [sflag:$0x9] =	stream.linear.gather [hbm4b:s29+s4], $0x30, $0x38;
	[tilespmem:$0x13D80] =	vst v63  }
0x25: {  	_ =	swait.ge [sflag:s1], $0x30  }
0x26: {  	[sflag:s1] =	ssyncset.done $0x0  }
0x27: {  	[sflag:s1] =	ssyncadd.s32 $0xFFFFFFD0  }
0x28: {  	v5 =	vld [tilespmem:$0x0];
	_ =	sdelay $0x4  }
0x29: {  	(v2sf) =	vpush v5, $0x0;
	_ =	sdelay $0xe  }
0x2a: {  	s31 =	spop (v2sf)  }
0x2b: {  	s5 =	sshrl.u32 s31, $0x3  }
0x2c: {  	s0 =	sshll.u32 s31, $0x7;
	s5 =	smul.u32 $0x13C00, s5  }
0x2d: {  	s0 =	sand.u32 $0x380, s0  }
0x2e: {  	s0 =	sor.u32 s0, s5  }
0x2f: {  	s1 =	rddreg [dreg:$0x2];
	s0 =	sshrl.u32 s0, $0x3  }
0x30: {  	s6 =	simm.s32 $0x80;
	s0 =	sadd.s32 s1, s0  }
0x31: {  	s8 =	simm.s32 $0x300;
	s5 =	simm.s32 $0x100;
	s12 =	sadd.s32 $0x0, s0  }
.LBB2_2:
0x32: {  	[tilespmem:s5], [sflag:$0x1] =	stream.linear.gather [hbm4b:s12+s4], $0x80, $0x38;
	[tilespmem:$0x13D80] =	vst v63  }
0x33: {  	s12 =	smov.u32 s6;
	s5 =	smov.u32 s8;
	p0 =	sne.s32 s6, $0x2700  }
.Ltmp2:
0x34: {  	s6 =	sadd.s32 $0x80, s6;
	(pc) =	sbr.rel @p0 .LBB2_2-.Ltmp2, $2  }
0x35: {  	_ =	sdelay $0x2  }
0x36: {  	s8 =	sadd.s32 $0x200, s8;
	s12 =	sadd.s32 s12, s0  }
0x37: {  	[tilespmem:s5], [sflag:$0x1] =	stream.linear.gather [hbm4b:s12+s4], $0x80, $0x38;
	[tilespmem:$0x13D80] =	vst v63  }
0x38: {  	s0 =	simm.s32 $0x9F00  }
0x39: {  	s5 =	simm.s32 $0x80;
	s8 =	sadd.s32 $0x0, s7;
	s6 =	simm.s32 $0xA100  }
.LBB2_4:
0x3a: {  	[tilespmem:s0], [sflag:$0x5] =	stream.linear.gather [hbm4b:s8+s4], $0x80, $0x38;
	[tilespmem:$0x13D80] =	vst v63  }
0x3b: {  	s8 =	smov.u32 s5;
	s0 =	smov.u32 s6;
	p0 =	sne.s32 s5, $0x2700  }
.Ltmp3:
0x3c: {  	s5 =	sadd.s32 $0x80, s5;
	(pc) =	sbr.rel @p0 .LBB2_4-.Ltmp3, $2  }
0x3d: {  	_ =	sdelay $0x2  }
0x3e: {  	s6 =	sadd.s32 $0x200, s6;
	s8 =	sadd.s32 s8, s7  }
0x3f: {  	[tilespmem:s0], [sflag:$0x5] =	stream.linear.gather [hbm4b:s8+s4], $0x80, $0x38;
	[tilespmem:$0x13D80] =	vst v63  }
0x40: {  	v5 =	vld [tilespmem:$0x1];
	_ =	sdelay $0x4  }
0x41: {  	(v2sf) =	vpush v5, $0x0;
	_ =	sdelay $0xe  }
0x42: {  	s31 =	spop (v2sf)  }
0x43: {  	s5 =	sshrl.u32 s31, $0x3  }
0x44: {  	s0 =	sshll.u32 s31, $0x7;
	s5 =	smul.u32 $0x13C00, s5  }
0x45: {  	s0 =	sand.u32 $0x380, s0  }
0x46: {  	s0 =	sor.u32 s0, s5  }
0x47: {  	s1 =	rddreg [dreg:$0x2];
	s0 =	sshrl.u32 s0, $0x3  }
0x48: {  	s6 =	simm.s32 $0x80;
	s0 =	sadd.s32 s1, s0  }
0x49: {  	s8 =	simm.s32 $0x380;
	s5 =	simm.s32 $0x180;
	s12 =	sadd.s32 $0x0, s0  }
.LBB2_6:
0x4a: {  	[tilespmem:s5], [sflag:$0x2] =	stream.linear.gather [hbm4b:s12+s4], $0x80, $0x38;
	[tilespmem:$0x13D80] =	vst v63  }
0x4b: {  	s12 =	smov.u32 s6;
	s5 =	smov.u32 s8;
	p0 =	sne.s32 s6, $0x2700  }
.Ltmp4:
0x4c: {  	s6 =	sadd.s32 $0x80, s6;
	(pc) =	sbr.rel @p0 .LBB2_6-.Ltmp4, $2  }
0x4d: {  	_ =	sdelay $0x2  }
0x4e: {  	s8 =	sadd.s32 $0x200, s8;
	s12 =	sadd.s32 s12, s0  }
0x4f: {  	[tilespmem:s5], [sflag:$0x2] =	stream.linear.gather [hbm4b:s12+s4], $0x80, $0x38;
	[tilespmem:$0x13D80] =	vst v63  }
0x50: {  	s0 =	simm.s32 $0x9F80  }
0x51: {  	s5 =	simm.s32 $0x80;
	s8 =	sadd.s32 $0x0, s9;
	s6 =	simm.s32 $0xA180  }
.LBB2_8:
0x52: {  	[tilespmem:s0], [sflag:$0x6] =	stream.linear.gather [hbm4b:s8+s4], $0x80, $0x38;
	[tilespmem:$0x13D80] =	vst v63  }
0x53: {  	s8 =	smov.u32 s5;
	s0 =	smov.u32 s6;
	p0 =	sne.s32 s5, $0x2700  }
.Ltmp5:
0x54: {  	s5 =	sadd.s32 $0x80, s5;
	(pc) =	sbr.rel @p0 .LBB2_8-.Ltmp5, $2  }
0x55: {  	_ =	sdelay $0x2  }
0x56: {  	s6 =	sadd.s32 $0x200, s6;
	s8 =	sadd.s32 s8, s9  }
0x57: {  	[tilespmem:s0], [sflag:$0x6] =	stream.linear.gather [hbm4b:s8+s4], $0x80, $0x38;
	[tilespmem:$0x13D80] =	vst v63  }
0x58: {  	v5 =	vld [tilespmem:$0x2];
	_ =	sdelay $0x4  }
0x59: {  	(v2sf) =	vpush v5, $0x0;
	_ =	sdelay $0xe  }
0x5a: {  	s31 =	spop (v2sf)  }
0x5b: {  	s5 =	sshrl.u32 s31, $0x3  }
0x5c: {  	s0 =	sshll.u32 s31, $0x7;
	s5 =	smul.u32 $0x13C00, s5  }
0x5d: {  	s0 =	sand.u32 $0x380, s0  }
0x5e: {  	s0 =	sor.u32 s0, s5  }
0x5f: {  	s1 =	rddreg [dreg:$0x2];
	s0 =	sshrl.u32 s0, $0x3  }
0x60: {  	s6 =	simm.s32 $0x80;
	s0 =	sadd.s32 s1, s0  }
0x61: {  	s8 =	simm.s32 $0x400;
	s5 =	simm.s32 $0x200;
	s12 =	sadd.s32 $0x0, s0  }
.LBB2_10:
0x62: {  	[tilespmem:s5], [sflag:$0x3] =	stream.linear.gather [hbm4b:s12+s4], $0x80, $0x38;
	[tilespmem:$0x13D80] =	vst v63  }
0x63: {  	s12 =	smov.u32 s6;
	s5 =	smov.u32 s8;
	p0 =	sne.s32 s6, $0x2700  }
.Ltmp6:
0x64: {  	s6 =	sadd.s32 $0x80, s6;
	(pc) =	sbr.rel @p0 .LBB2_10-.Ltmp6, $2  }
0x65: {  	_ =	sdelay $0x2  }
0x66: {  	s8 =	sadd.s32 $0x200, s8;
	s12 =	sadd.s32 s12, s0  }
0x67: {  	[tilespmem:s5], [sflag:$0x3] =	stream.linear.gather [hbm4b:s12+s4], $0x80, $0x38;
	[tilespmem:$0x13D80] =	vst v63  }
0x68: {  	s0 =	simm.s32 $0xA000  }
0x69: {  	s5 =	simm.s32 $0x80;
	s8 =	sadd.s32 $0x0, s10;
	s6 =	simm.s32 $0xA200  }
.LBB2_12:
0x6a: {  	[tilespmem:s0], [sflag:$0x7] =	stream.linear.gather [hbm4b:s8+s4], $0x80, $0x38;
	[tilespmem:$0x13D80] =	vst v63  }
0x6b: {  	s8 =	smov.u32 s5;
	s0 =	smov.u32 s6;
	p0 =	sne.s32 s5, $0x2700  }
.Ltmp7:
0x6c: {  	s5 =	sadd.s32 $0x80, s5;
	(pc) =	sbr.rel @p0 .LBB2_12-.Ltmp7, $2  }
0x6d: {  	_ =	sdelay $0x2  }
0x6e: {  	s6 =	sadd.s32 $0x200, s6;
	s8 =	sadd.s32 s8, s10  }
0x6f: {  	[tilespmem:s0], [sflag:$0x7] =	stream.linear.gather [hbm4b:s8+s4], $0x80, $0x38;
	[tilespmem:$0x13D80] =	vst v63  }
0x70: {  	v5 =	vld [tilespmem:$0x3];
	_ =	sdelay $0x4  }
0x71: {  	(v2sf) =	vpush v5, $0x0;
	_ =	sdelay $0xe  }
0x72: {  	s31 =	spop (v2sf)  }
0x73: {  	s5 =	sshrl.u32 s31, $0x3  }
0x74: {  	s0 =	sshll.u32 s31, $0x7;
	s5 =	smul.u32 $0x13C00, s5  }
0x75: {  	s0 =	sand.u32 $0x380, s0  }
0x76: {  	s0 =	sor.u32 s0, s5  }
0x77: {  	s1 =	rddreg [dreg:$0x2];
	s0 =	sshrl.u32 s0, $0x3  }
0x78: {  	s6 =	simm.s32 $0x80;
	s0 =	sadd.s32 s1, s0  }
0x79: {  	s8 =	simm.s32 $0x480;
	s5 =	simm.s32 $0x280;
	s12 =	sadd.s32 $0x0, s0  }
.LBB2_14:
0x7a: {  	[tilespmem:s5], [sflag:$0x4] =	stream.linear.gather [hbm4b:s12+s4], $0x80, $0x38;
	[tilespmem:$0x13D80] =	vst v63  }
0x7b: {  	s12 =	smov.u32 s6;
	s5 =	smov.u32 s8;
	p0 =	sne.s32 s6, $0x2700  }
.Ltmp8:
0x7c: {  	s6 =	sadd.s32 $0x80, s6;
	(pc) =	sbr.rel @p0 .LBB2_14-.Ltmp8, $2  }
0x7d: {  	_ =	sdelay $0x2  }
0x7e: {  	s8 =	sadd.s32 $0x200, s8;
	s12 =	sadd.s32 s12, s0  }
0x7f: {  	[tilespmem:s5], [sflag:$0x4] =	stream.linear.gather [hbm4b:s12+s4], $0x80, $0x38;
	[tilespmem:$0x13D80] =	vst v63  }
0x80: {  	s26 =	simm.s32 $0x0;
	s5 =	simm.s32 $0xA080  }
0x81: {  	s0 =	simm.s32 $0x80;
	s8 =	sadd.s32 $0x0, s11;
	s6 =	simm.s32 $0xA280  }
.LBB2_16:
0x82: {  	[tilespmem:s5], [sflag:$0x8] =	stream.linear.gather [hbm4b:s8+s26], $0x80, $0x38;
	[tilespmem:$0x13D80] =	vst v63  }
0x83: {  	v5 =	vimm.f32 $0.0e+00;
	s8 =	smov.u32 s0;
	s5 =	smov.u32 s6;
	p0 =	sne.s32 s0, $0x2700  }
.Ltmp9:
0x84: {  	s0 =	sadd.s32 $0x80, s0;
	(pc) =	sbr.rel @p0 .LBB2_16-.Ltmp9, $2  }
0x85: {  	_ =	sdelay $0x2  }
0x86: {  	s6 =	sadd.s32 $0x200, s6;
	s8 =	sadd.s32 s8, s11  }
0x87: {  	[tilespmem:s5], [sflag:$0x8] =	stream.linear.gather [hbm4b:s8+s26], $0x80, $0x38;
	v6 =	vimm.f32 $0.0e+00;
	v7 =	vimm.f32 $0.0e+00;
	v8 =	vimm.f32 $0.0e+00;
	[tilespmem:$0x13D80] =	vst v63  }
.LBB2_18:
0x88: {  	_ =	swait.ge [sflag:s16], $0x2780;
	s0 =	simm.s32 $0x40;
	s5 =	simm.s32 $0x100  }
0x89: {  	s8 =	simm.s32 $0x0;
	s15 =	simm.s32 $0x80;
	s12 =	simm.s32 $0xC0  }
0x8a: {  	s13 =	simm.s32 $0x10;
	s14 =	simm.s32 $0x20;
	s1 =	simm.s32 $0x180  }
0x8b: {  	s3 =	simm.s32 $0x90;
	s28 =	simm.s32 $0x1C0;
	s29 =	simm.s32 $0x380  }
0x8c: {  	[sflag:s16] =	ssyncset.done $0x0;
	s6 =	sand.u32 $0x70, s0;
	s5 =	sand.u32 $0x1FE00, s5  }
0x8d: {  	s0 =	sand.u32 $0x1FE00, s0;
	s13 =	sand.u32 $0x70, s13;
	[sflag:s16] =	ssyncadd.s32 $0xFFFFD880  }
0x8e: {  	s14 =	sand.u32 $0x70, s14;
	s12 =	sand.u32 $0x1FE00, s12;
	_ =	swait.ge [sflag:s17], $0x2780  }
0x8f: {  	s25 =	sand.u32 $0xFE00, s8;
	s8 =	sand.u32 $0x70, s8;
	[sflag:s17] =	ssyncset.done $0x0  }
0x90: {  	s5 =	sor.u32 s6, s5;
	s6 =	sand.u32 $0x1FE00, s15;
	[sflag:s17] =	ssyncadd.s32 $0xFFFFD880  }
0x91: {  	s15 =	simm.s32 $0x30;
	s0 =	sor.u32 s13, s0;
	s8 =	sor.u32 s8, s25;
	v9 =	vld [tilespmem:s5+$0x100]  }
0x92: {  	s25 =	simm.s32 $0x200;
	s24 =	sand.u32 $0x70, s15;
	s6 =	sor.u32 s14, s6;
	v10 =	vld [tilespmem:s0+$0x100]  }
0x93: {  	s14 =	sand.u32 $0x1FE00, s1;
	s12 =	sor.u32 s24, s12;
	s24 =	simm.s32 $0x240;
	v11 =	vld [tilespmem:s6+$0x100]  }
0x94: {  	s15 =	sand.u32 $0x70, s3;
	s1 =	simm.s32 $0x60;
	s24 =	sand.u32 $0x1FE00, s24;
	v12 =	vld [tilespmem:s12+$0x100]  }
0x95: {  	s25 =	sand.u32 $0x1FE00, s25;
	v16 =	vld [tilespmem:s0+$0x9F00];
	s0 =	sor.u32 s15, s24;
	s15 =	sand.u32 $0x1FE00, s28  }
0x96: {  	v18 =	vld [tilespmem:s6+$0x9F00];
	s28 =	simm.s32 $0x70;
	s6 =	sand.u32 $0x70, s1;
	s1 =	simm.s32 $0x80  }
0x97: {  	v13 =	vld [tilespmem:s8+$0x100];
	s3 =	sand.u32 $0x70, s28;
	s6 =	sor.u32 s6, s14;
	s24 =	sand.u32 $0x70, s1;
	v9 =	vmul.f32 $7.692307470e+00, v9  }
0x98: {  	s1 =	simm.s32 $0x2C0;
	s28 =	simm.s32 $0xE0;
	s14 =	sor.u32 s24, s25  }
0x99: {  	v19 =	vld [tilespmem:s5+$0x9F00];
	s5 =	sand.u32 $0x1FE00, s1;
	s1 =	sand.u32 $0x70, s28;
	s28 =	sand.u32 $0x1FE00, s29;
	v9 =	vmul.f32 $1.442695020e+00, v9  }
0x9a: {  	v20 =	vld [tilespmem:s14+$0x100];
	s29 =	sor.u32 s1, s28;
	v10 =	vmul.f32 $7.692307470e+00, v10;
	v11 =	vmul.f32 $7.692307470e+00, v11  }
0x9b: {  	v24 =	vld [tilespmem:s29+$0x100];
	v12 =	vmul.f32 $7.692307470e+00, v12;
	(erf) = vpow2.f32 v9  }
0x9c: {  	v14 =	vld [tilespmem:s0+$0x100];
	v13 =	vmul.f32 $7.692307470e+00, v13;
	v10 =	vmul.f32 $1.442695020e+00, v10  }
0x9d: {  	v15 =	vld [tilespmem:s6+$0x100];
	v11 =	vmul.f32 $1.442695020e+00, v11;
	v12 =	vmul.f32 $1.442695020e+00, v12  }
0x9e: {  	s13 =	simm.s32 $0x140;
	v13 =	vmul.f32 $1.442695020e+00, v13;
	v9 =	vld [tilespmem:s12+$0x9F00];
	s12 =	sor.u32 s3, s15;
	s3 =	simm.s32 $0x50;
	(erf) = vpow2.f32 v10  }
0x9f: {  	s13 =	sand.u32 $0xFE00, s13;
	v20 =	vmul.f32 $7.692307470e+00, v20;
	v17 =	vld [tilespmem:s12+$0x100];
	s15 =	sand.u32 $0x70, s3;
	(erf) = vpow2.f32 v11  }
0xa0: {  	s25 =	simm.s32 $0x280;
	v34 =	vmul.f32 $7.692307470e+00, v24;
	s13 =	sor.u32 s15, s13;
	(erf) = vpow2.f32 v12  }
0xa1: {  	v20 =	vmul.f32 $1.442695020e+00, v20;
	v11 =	vmul.f32 $7.692307470e+00, v14;
	v21 =	vld [tilespmem:s13+$0x100]  }
0xa2: {  	s3 =	simm.s32 $0x300;
	v10 =	vld [tilespmem:s8+$0x9F00];
	s15 =	sand.u32 $0xFE00, s25;
	s25 =	simm.s32 $0x340;
	(erf) = vpow2.f32 v13;
	v13 =	vmul.f32 $7.692307470e+00, v15  }
0xa3: {  	v14 =	vld [tilespmem:s6+$0x9F00];
	s24 =	sand.u32 $0x1FE00, s3;
	s3 =	simm.s32 $0xB0;
	v34 =	vmul.f32 $1.442695020e+00, v34;
	s6 =	sand.u32 $0x1FE00, s25;
	v12 =	vmul.f32 $1.442695020e+00, v11  }
0xa4: {  	s25 =	simm.s32 $0xA0;
	v11 =	vld [tilespmem:s12+$0x9F00];
	v22 =	vmul.f32 $7.692307470e+00, v17;
	v23 =	vmul.f32 $1.442695020e+00, v13;
	v15 =	vpop (erf)  }
0xa5: {  	s28 =	simm.s32 $0xC0;
	s12 =	sand.u32 $0x70, s3;
	s8 =	sand.u32 $0x70, s25;
	v13 =	vld [tilespmem:s13+$0x9F00];
	(erf) = vpow2.f32 v12;
	v19 =	vmul.f32 v15, v19  }
0xa6: {  	v21 =	vmul.f32 $7.692307470e+00, v21;
	v25 =	vmul.f32 $1.442695020e+00, v22;
	v12 =	vld [tilespmem:s14+$0x9F00];
	s14 =	sor.u32 s12, s5  }
0xa7: {  	s1 =	simm.s32 $0x3C0;
	s3 =	sand.u32 $0x70, s28;
	s30 =	sor.u32 s8, s15;
	v17 =	vadd.f32 v15, v5;
	v26 =	vpop (erf);
	(erf) = vpow2.f32 v23;
	v15 =	vadd.f32 v19, v5;
	v19 =	vld [tilespmem:s14+$0x100]  }
0xa8: {  	s28 =	simm.s32 $0xD0;
	s25 =	simm.s32 $0x480;
	v32 =	vld [tilespmem:s30+$0x100];
	s5 =	sor.u32 s3, s24;
	v21 =	vmul.f32 $1.442695020e+00, v21;
	v22 =	vadd.f32 v26, v5;
	v28 =	vpop (erf);
	(erf) = vpow2.f32 v25  }
0xa9: {  	s28 =	sand.u32 $0x70, s28;
	s15 =	simm.s32 $0x400;
	s8 =	simm.s32 $0x500;
	v30 =	vld [tilespmem:s5+$0x100];
	v16 =	vmul.f32 v26, v16;
	v23 =	vadd.f32 v28, v5;
	v27 =	vpop (erf);
	(erf) = vpow2.f32 v20  }
0xaa: {  	s31 =	sor.u32 s28, s6;
	s28 =	sand.u32 $0xFE00, s1;
	s13 =	sand.u32 $0x1FE00, s15;
	v25 =	vld [tilespmem:s0+$0x9F00];
	v29 =	vmul.f32 v28, v18;
	v20 =	vimm.f32 $0.0e+00;
	v24 =	vadd.f32 v27, v5  }
0xab: {  	s15 =	simm.s32 $0x130;
	s6 =	simm.s32 $0x4C0;
	v31 =	vld [tilespmem:s31+$0x100];
	s24 =	simm.s32 $0x440;
	v26 =	vpop (erf);
	(erf) = vpow2.f32 v21;
	v16 =	vadd.f32 v16, v5;
	v21 =	vimm.f32 $0.0e+00  }
0xac: {  	s12 =	sand.u32 $0x1FE00, s24;
	s24 =	sand.u32 $0x1FE00, s25;
	s0 =	simm.s32 $0xF0;
	v18 =	vld [tilespmem:s14+$0x9F00];
	v28 =	vadd.f32 v26, v5;
	v33 =	vmul.f32 $7.692307470e+00, v19;
	v19 =	vimm.f32 $0.0e+00  }
.LBB2_19:
0xad: {  	p0 =	sne.s32 s8, $0x9B00  }
0xae: {  	s14 =	sand.u32 $0x70, s15;
	s6 =	sand.u32 $0x1FE00, s6;
	v30 =	vmul.f32 $7.692307470e+00, v30;
	v35 =	vld [tilespmem:s5+$0x9F00];
	v36 =	vpop (erf);
	v21 =	vadd.f32 v29, v21;
	v27 =	vmul.f32 v27, v9  }
0xaf: {  	s5 =	sadd.s32 $0x10, s0;
	s15 =	sadd.s32 $0x20, s0;
	v9 =	vmovc v12;
	s6 =	sor.u32 s14, s6;
	(erf) = vpow2.f32 v34;
	v17 =	vadd.f32 v36, v17;
	v25 =	vmul.f32 v36, v25;
	v12 =	vld [tilespmem:s31+$0x9F00]  }
0xb0: {  	v26 =	vmul.f32 v26, v10;
	v10 =	vmovc v13;
	s5 =	sand.u32 $0x70, s5;
	s14 =	sand.u32 $0x70, s15;
	s15 =	sadd.s32 $0x30, s0;
	v29 =	vld [tilespmem:s6+$0x100];
	v37 =	vmul.f32 $7.692307470e+00, v31;
	v20 =	vadd.f32 v27, v20  }
0xb1: {  	s31 =	sand.u32 $0x70, s0;
	s25 =	sor.u32 s5, s13;
	s13 =	sand.u32 $0x70, s15;
	v39 =	vmul.f32 $7.692307470e+00, v32;
	v13 =	vld [tilespmem:s30+$0x9F00];
	v32 =	vmul.f32 $1.442695020e+00, v33;
	v15 =	vadd.f32 v25, v15  }
0xb2: {  	s5 =	sor.u32 s14, s12;
	v34 =	vmul.f32 $1.442695020e+00, v30;
	v19 =	vadd.f32 v26, v19;
	s30 =	sor.u32 s31, s28;
	s31 =	sor.u32 s13, s24;
	v33 =	vld [tilespmem:s25+$0x100];
	v36 =	vmul.f32 $1.442695020e+00, v37;
	v31 =	vpop (erf)  }
.Ltmp10:
0xb3: {  	v30 =	vld [tilespmem:s5+$0x100];
	v37 =	vmul.f32 $1.442695020e+00, v39;
	(erf) = vpow2.f32 v32;
	v22 =	vadd.f32 v31, v22;
	v38 =	vpop (erf);
	(pc) =	sbr.rel @p0 .LBB2_19-.Ltmp10, $4  }
0xb4: {  	s12 =	sadd.s32 $0x40, s8;
	s28 =	sand.u32 $0xFE00, s8;
	v39 =	vmul.f32 v31, v14;
	v25 =	vld [tilespmem:s29+$0x9F00];
	(erf) = vpow2.f32 v34;
	v23 =	vadd.f32 v38, v23;
	v27 =	vpop (erf);
	s29 =	smov.u32 s6  }
0xb5: {  	s14 =	sadd.s32 $0xC0, s8;
	s13 =	sand.u32 $0x1FE00, s12;
	s6 =	sadd.s32 $0x80, s8;
	v31 =	vld [tilespmem:s31+$0x100];
	v34 =	vmul.f32 $7.692307470e+00, v29;
	(erf) = vpow2.f32 v36;
	v24 =	vadd.f32 v27, v24;
	v26 =	vpop (erf)  }
0xb6: {  	s0 =	sadd.s32 $0x50, s0;
	s24 =	sand.u32 $0x1FE00, s14;
	v14 =	vmovc v18;
	s12 =	sand.u32 $0x1FE00, s6;
	v16 =	vadd.f32 v39, v16;
	v29 =	vmul.f32 v38, v11;
	v11 =	vmovc v35;
	v32 =	vld [tilespmem:s30+$0x100];
	(erf) = vpow2.f32 v37  }
0xb7: {  	s15 =	sadd.s32 $0x40, s0;
	s6 =	sadd.s32 $0x100, s8;
	s8 =	sadd.s32 $0x140, s8;
	v28 =	vadd.f32 v26, v28;
	v33 =	vmul.f32 $7.692307470e+00, v33;
	v18 =	vld [tilespmem:s25+$0x9F00];
	v34 =	vmul.f32 $1.442695020e+00, v34  }
0xb8: {  	s8 =	sand.u32 $0x70, s15;
	s6 =	sand.u32 $0x1FE00, s6;
	s1 =	sadd.s32 $0x10, s0  }
0xb9: {  	v30 =	vmul.f32 $7.692307470e+00, v30;
	s3 =	sadd.s32 $0x20, s0;
	s15 =	sor.u32 s8, s6;
	s6 =	sand.u32 $0x70, s1  }
0xba: {  	s14 =	sadd.s32 $0x30, s0;
	s8 =	sand.u32 $0x70, s3;
	v33 =	vmul.f32 $1.442695020e+00, v33;
	v35 =	vld [tilespmem:s15+$0x100];
	s13 =	sor.u32 s6, s13  }
0xbb: {  	(erf) = vpow2.f32 v34;
	s14 =	sand.u32 $0x70, s14;
	v31 =	vmul.f32 $7.692307470e+00, v31;
	s8 =	sor.u32 s8, s12;
	s12 =	sand.u32 $0x70, s0;
	v42 =	vld [tilespmem:s13+$0x100]  }
0xbc: {  	s24 =	sor.u32 s14, s24;
	v30 =	vmul.f32 $1.442695020e+00, v30;
	v32 =	vmul.f32 $7.692307470e+00, v32;
	v36 =	vld [tilespmem:s8+$0x100]  }
0xbd: {  	s0 =	sor.u32 s12, s28;
	(erf) = vpow2.f32 v33;
	v43 =	vld [tilespmem:s24+$0x100];
	v31 =	vmul.f32 $1.442695020e+00, v31  }
0xbe: {  	(erf) = vpow2.f32 v30;
	v44 =	vld [tilespmem:s0+$0x100];
	v32 =	vmul.f32 $1.442695020e+00, v32  }
0xbf: {  	(erf) = vpow2.f32 v31  }
0xc0: {  	v35 =	vmul.f32 $7.692307470e+00, v35;
	(erf) = vpow2.f32 v32  }
0xc1: {  	v46 =	vmul.f32 $7.692307470e+00, v42;
	v47 =	vmul.f32 $7.692307470e+00, v36  }
0xc2: {  	v33 =	vmul.f32 $7.692307470e+00, v43;
	v45 =	vmul.f32 $1.442695020e+00, v35  }
0xc3: {  	v48 =	vpop (erf);
	v30 =	vmul.f32 $7.692307470e+00, v44;
	v32 =	vmul.f32 $1.442695020e+00, v46  }
0xc4: {  	v49 =	vpop (erf);
	v34 =	vmul.f32 $1.442695020e+00, v47;
	(erf) = vpow2.f32 v45  }
0xc5: {  	v50 =	vpop (erf);
	v33 =	vmul.f32 $1.442695020e+00, v33;
	(erf) = vpow2.f32 v32  }
0xc6: {  	v51 =	vpop (erf);
	v30 =	vmul.f32 $1.442695020e+00, v30;
	(erf) = vpow2.f32 v34  }
0xc7: {  	v52 =	vpop (erf);
	(erf) = vpow2.f32 v33  }
0xc8: {  	v53 =	vpop (erf);
	(erf) = vpow2.f32 v30  }
0xc9: {  	v54 =	vpop (erf)  }
0xca: {  	v37 =	vpop (erf)  }
0xcb: {  	v38 =	vpop (erf)  }
0xcc: {  	v39 =	vpop (erf)  }
0xcd: {  	v40 =	vpop (erf)  }
0xce: {  	v22 =	vadd.f32 v49, v22;
	v28 =	vadd.f32 v52, v28;
	v41 =	vpop (erf)  }
0xcf: {  	v23 =	vadd.f32 v50, v23;
	v42 =	vpop (erf)  }
0xd0: {  	v22 =	vadd.f32 v54, v22;
	v28 =	vadd.f32 v39, v28;
	v43 =	vpop (erf)  }
0xd1: {  	v24 =	vadd.f32 v51, v24;
	v23 =	vadd.f32 v37, v23;
	v44 =	vpop (erf)  }
0xd2: {  	v22 =	vadd.f32 v41, v22;
	v28 =	vadd.f32 v44, v28  }
0xd3: {  	v17 =	vadd.f32 v48, v17;
	v24 =	vadd.f32 v38, v24  }
0xd4: {  	v23 =	vadd.f32 v42, v23;
	v22 =	vadd.f32 v22, v28  }
0xd5: {  	v17 =	vadd.f32 v53, v17  }
0xd6: {  	s28 =	sshll.u32 s26, $0x2;
	v24 =	vadd.f32 v43, v24;
	v22 =	vadd.f32 v23, v22  }
0xd7: {  	v55 =	vld [tilespmem:s28+$0x0]  }
0xd8: {  	v17 =	vadd.f32 v40, v17;
	v22 =	vadd.f32 v24, v22;
	_ =	sdelay $0x1  }
0xd9: {  	v17 =	vadd.f32 v17, v22;
	_ =	sdelay $0x1  }
0xda: {  	(v2sf) =	vpush v55, $0x0;
	v22 =	vperm.xlane v17, v0;
	_ =	sdelay $0x1  }
0xdb: {  	v17 =	vadd.f32 v22, v17;
	_ =	sdelay $0x1  }
0xdc: {  	v22 =	vperm.xlane v17, v1;
	_ =	sdelay $0x1  }
0xdd: {  	v17 =	vadd.f32 v22, v17;
	_ =	sdelay $0x1  }
0xde: {  	v22 =	vperm.xlane v17, v2;
	_ =	sdelay $0x1  }
0xdf: {  	v56 =	vld [tilespmem:s5+$0x9F00];
	v17 =	vadd.f32 v22, v17  }
0xe0: {  	v57 =	vld [tilespmem:s31+$0x9F00]  }
0xe1: {  	v9 =	vmul.f32 v27, v9;
	v58 =	vld [tilespmem:s29+$0x9F00];
	v59 =	vperm.xlane v17, v3  }
0xe2: {  	v21 =	vadd.f32 v29, v21;
	v60 =	vld [tilespmem:s30+$0x9F00];
	v10 =	vmul.f32 v26, v10;
	v25 =	vmul.f32 v48, v25  }
0xe3: {  	v9 =	vadd.f32 v9, v20;
	v62 =	vld [tilespmem:s15+$0x9F00];
	v14 =	vmul.f32 v49, v14;
	v17 =	vadd.f32 v59, v17  }
0xe4: {  	v10 =	vadd.f32 v10, v19;
	v61 =	vld [tilespmem:s13+$0x9F00];
	v11 =	vmul.f32 v50, v11;
	v12 =	vmul.f32 v51, v12;
	s5 =	spop (v2sf)  }
0xe5: {  	v14 =	vadd.f32 v14, v16;
	v16 =	vld [tilespmem:s24+$0x9F00];
	v13 =	vmul.f32 v52, v13;
	s15 =	sand.u32 $0xF, s5;
	(erf) = vrcp.f32 v17  }
0xe6: {  	v15 =	vadd.f32 v25, v15;
	v9 =	vadd.f32 v12, v9;
	v12 =	vld [tilespmem:s0+$0x9F00];
	v19 =	vmul.f32 v53, v58;
	s25 =	sshra.s32 s5, $0x1F;
	p0 =	slt.s32 s5, $0x1;
	p1 =	sne.s32 s15, $0x0  }
0xe7: {  	v11 =	vadd.f32 v11, v21;
	v13 =	vadd.f32 v13, v10;
	v18 =	vmul.f32 v54, v18;
	s29 =	sshrl.u32 s25, $0x1C;
	p0 =	por !p0, !p1;
	v17 =	vld [tilespmem:s8+$0x9F00]  }
0xe8: {  	s6 =	simm.s32 $0x1;
	v15 =	vadd.f32 v19, v15;
	v63 =	vmul.f32 v38, v57;
	v10 =	vmul.f32 v40, v62;
	s30 =	sadd.s32 s29, s5;
	p0 =	por !p0, !p0  }
0xe9: {  	v19 =	vmul.f32 v37, v56;
	v14 =	vadd.f32 v18, v14;
	v18 =	vmul.f32 v39, v60;
	s0 =	sshra.s32 s30, $0x4;
	s6 =	simm.s32 @!p0 $0x0;
	p0 =	seq.s32 s26, $0xB  }
.Ltmp11:
0xea: {  	v9 =	vadd.f32 v63, v9;
	v10 =	vadd.f32 v10, v15;
	v15 =	vmul.f32 v41, v61;
	s6 =	ssub.s32 s0, s6;
	(pc) =	sbr.rel @p0 .LBB2_26-.Ltmp11, $4  }
0xeb: {  	v18 =	vadd.f32 v18, v13;
	v16 =	vmul.f32 v43, v16;
	v12 =	vmul.f32 v44, v12;
	s0 =	sshll.u32 s6, $0x4;
	s6 =	sshll.u32 s6, $0x6  }
0xec: {  	v11 =	vadd.f32 v19, v11;
	v14 =	vadd.f32 v15, v14;
	s31 =	sand.u32 $0x70, s0;
	s6 =	sand.u32 $0xFFFFFE00, s6;
	v17 =	vmul.f32 v42, v17  }
0xed: {  	v15 =	vadd.f32 v16, v9;
	v16 =	vadd.f32 v12, v18;
	v12 =	vld.msk [tilespmem:s28+$0x80 ss:$0x0], $0xffff;
	s6 =	sor.u32 s31, s6  }
0xee: {  	v13 =	vadd.f32 v17, v11;
	v11 =	vld [tilespmem:s6+$0x9F00];
	v9 =	vpop (erf)  }
0xef: {  	v17 =	vld [tilespmem:s28+$0x4];
	_ =	sdelay $0x4  }
0xf0: {  	(v2sf) =	vpush v17, $0x0;
	_ =	sdelay $0xe  }
0xf1: {  	s6 =	spop (v2sf)  }
0xf2: {  	s8 =	sshrl.u32 s6, $0x3  }
0xf3: {  	s6 =	sshll.u32 s6, $0x7;
	s8 =	smul.u32 $0x13C00, s8  }
0xf4: {  	s6 =	sand.u32 $0x380, s6  }
0xf5: {  	s6 =	sor.u32 s6, s8  }
0xf6: {  	s1 =	rddreg [dreg:$0x2];
	s6 =	sshrl.u32 s6, $0x3  }
0xf7: {  	s13 =	simm.s32 $0x80;
	s14 =	simm.s32 $0x300;
	s12 =	sadd.s32 s1, s6  }
0xf8: {  	s8 =	sadd.s32 $0x4, s28;
	s6 =	simm.s32 $0x100;
	s15 =	sadd.s32 $0x0, s12  }
.LBB2_22:
0xf9: {  	[tilespmem:s6], [sflag:$0x1] =	stream.linear.gather [hbm4b:s15+s4], $0x80, $0x38;
	[tilespmem:$0x13D80] =	vst v63  }
0xfa: {  	s15 =	smov.u32 s13;
	s6 =	smov.u32 s14;
	p1 =	sne.s32 s13, $0x2700  }
.Ltmp12:
0xfb: {  	s13 =	sadd.s32 $0x80, s13;
	(pc) =	sbr.rel @p1 .LBB2_22-.Ltmp12, $2  }
0xfc: {  	_ =	sdelay $0x2  }
0xfd: {  	s14 =	sadd.s32 $0x200, s14;
	s15 =	sadd.s32 s15, s12  }
0xfe: {  	[tilespmem:s6], [sflag:$0x1] =	stream.linear.gather [hbm4b:s15+s4], $0x80, $0x38;
	[tilespmem:$0x13D80] =	vst v63  }
0xff: {  	s30 =	sadd.s32 s2, s8  }
0x100: {  	s6 =	sshrl.u32 s30, $0x3  }
0x101: {  	s31 =	sshll.u32 s8, $0x7;
	s6 =	smul.u32 $0x13C00, s6  }
0x102: {  	s8 =	sand.u32 $0x200, s31  }
0x103: {  	s6 =	sor.u32 s8, s6  }
0x104: {  	s1 =	rddreg [dreg:$0x0];
	s6 =	sshrl.u32 s6, $0x3  }
0x105: {  	s12 =	simm.s32 $0x80;
	s8 =	sadd.s32 s1, s6  }
0x106: {  	s13 =	simm.s32 $0xA100;
	s6 =	simm.s32 $0x9F00;
	s14 =	sadd.s32 $0x0, s8  }
.LBB2_24:
0x107: {  	[tilespmem:s6], [sflag:$0x5] =	stream.linear.gather [hbm4b:s14+s4], $0x80, $0x38;
	[tilespmem:$0x13D80] =	vst v63  }
0x108: {  	s14 =	smov.u32 s12;
	s6 =	smov.u32 s13;
	p1 =	sne.s32 s12, $0x2700  }
.Ltmp13:
0x109: {  	s12 =	sadd.s32 $0x80, s12;
	(pc) =	sbr.rel @p1 .LBB2_24-.Ltmp13, $2  }
0x10a: {  	_ =	sdelay $0x2  }
0x10b: {  	s13 =	sadd.s32 $0x200, s13;
	s14 =	sadd.s32 s14, s8  }
0x10c: {  	[tilespmem:s6], [sflag:$0x5] =	stream.linear.gather [hbm4b:s14+s4], $0x80, $0x38;
	[tilespmem:$0x13D80] =	vst v63  }
.LBB2_26:
0x10d: {  	v14 =	vadd.f32 v14, v16;
	_ =	sdelay $0x1  }
0x10e: {  	v13 =	vadd.f32 v13, v14;
	_ =	sdelay $0x1  }
0x10f: {  	v13 =	vadd.f32 v15, v13  }
0x110: {  	s0 =	ssub.s32 s5, s0  }
0x111: {  	v14 =	vmov s0;
	v10 =	vadd.f32 v10, v13  }
0x112: {  	vm2 =	veq.s32 v14, v4  }
0x113: {  	_ =	swait.ge [sflag:s18], $0x2780;
	s24 =	simm.s32 $0x40;
	s25 =	simm.s32 $0x100;
	v11 =	vnsel vm2, $0x0, v11;
	v13 =	vperm.xlane v10, v0  }
0x114: {  	s8 =	simm.s32 $0x0;
	s1 =	simm.s32 $0x80;
	[sflag:s18] =	ssyncset.done $0x0;
	v14 =	vperm.xlane v11, v0  }
0x115: {  	s3 =	simm.s32 $0xC0;
	s13 =	simm.s32 $0x10;
	[sflag:s18] =	ssyncadd.s32 $0xFFFFD880;
	v10 =	vadd.f32 v13, v10  }
0x116: {  	s14 =	simm.s32 $0x20;
	s15 =	simm.s32 $0x30;
	_ =	swait.ge [sflag:s19], $0x2780;
	v11 =	vadd.f32 v11, v14  }
0x117: {  	s6 =	sand.u32 $0x70, s24;
	s5 =	sand.u32 $0x1FE00, s25;
	[sflag:s19] =	ssyncset.done $0x0;
	v13 =	vperm.xlane v10, v1  }
0x118: {  	s12 =	sand.u32 $0x1FE00, s24;
	s0 =	sor.u32 s5, s6;
	[sflag:s19] =	ssyncadd.s32 $0xFFFFD880;
	v14 =	vperm.xlane v11, v1  }
0x119: {  	s13 =	sand.u32 $0x70, s13;
	s14 =	sand.u32 $0x70, s14;
	s24 =	sand.u32 $0x70, s15;
	v15 =	vld [tilespmem:s0+$0x180];
	v10 =	vadd.f32 v13, v10  }
0x11a: {  	s25 =	sand.u32 $0xFE00, s8;
	s8 =	sand.u32 $0x70, s8;
	s5 =	sand.u32 $0x1FE00, s1;
	v11 =	vadd.f32 v11, v14  }
0x11b: {  	s12 =	sor.u32 s12, s13;
	s6 =	sand.u32 $0x1FE00, s3;
	s5 =	sor.u32 s5, s14;
	v13 =	vperm.xlane v10, v2  }
0x11c: {  	s8 =	sor.u32 s25, s8;
	s1 =	simm.s32 $0x180;
	s6 =	sor.u32 s6, s24;
	v17 =	vld [tilespmem:s5+$0x180];
	v16 =	vperm.xlane v11, v2  }
0x11d: {  	s3 =	simm.s32 $0x90;
	s14 =	sand.u32 $0x1FE00, s1;
	s24 =	simm.s32 $0x240;
	v18 =	vld [tilespmem:s6+$0x180];
	v10 =	vadd.f32 v13, v10  }
0x11e: {  	s15 =	sand.u32 $0x70, s3;
	s1 =	simm.s32 $0x60;
	s3 =	sand.u32 $0x1FE00, s24;
	v15 =	vmul.f32 $7.692307470e+00, v15;
	v11 =	vadd.f32 v11, v16;
	v13 =	vld [tilespmem:s12+$0x180]  }
0x11f: {  	s24 =	simm.s32 $0x200;
	v20 =	vld [tilespmem:s5+$0x9F80];
	s5 =	sand.u32 $0x70, s1;
	s1 =	simm.s32 $0x80;
	v14 =	vperm.xlane v10, v3  }
0x120: {  	s24 =	sand.u32 $0x1FE00, s24;
	v19 =	vld [tilespmem:s12+$0x9F80];
	s5 =	sor.u32 s14, s5;
	s14 =	sand.u32 $0x70, s1;
	v15 =	vmul.f32 $1.442695020e+00, v15;
	v16 =	vperm.xlane v11, v3  }
0x121: {  	s14 =	sor.u32 s24, s14;
	v17 =	vmul.f32 $7.692307470e+00, v17;
	v10 =	vadd.f32 v14, v10;
	v14 =	vld [tilespmem:s8+$0x180]  }
0x122: {  	v18 =	vmul.f32 $7.692307470e+00, v18;
	(erf) = vpow2.f32 v15;
	v11 =	vadd.f32 v11, v16;
	v16 =	vld [tilespmem:s14+$0x180]  }
0x123: {  	s25 =	simm.s32 $0x1C0;
	s15 =	sor.u32 s3, s15;
	s3 =	simm.s32 $0x70;
	v21 =	vld [tilespmem:s5+$0x180];
	v13 =	vmul.f32 $7.692307470e+00, v13  }
0x124: {  	v17 =	vmul.f32 $1.442695020e+00, v17;
	v18 =	vmul.f32 $1.442695020e+00, v18;
	v15 =	vld [tilespmem:s15+$0x180];
	s12 =	sand.u32 $0x1FE00, s25;
	s25 =	sand.u32 $0x70, s3  }
0x125: {  	s13 =	simm.s32 $0x140;
	v10 =	vmul.f32 v9, v10;
	v9 =	vld [tilespmem:s6+$0x9F80];
	s6 =	sor.u32 s12, s25;
	v13 =	vmul.f32 $1.442695020e+00, v13  }
0x126: {  	s13 =	sand.u32 $0xFE00, s13;
	s1 =	simm.s32 $0x300;
	s24 =	simm.s32 $0x280;
	v11 =	vmul.f32 v11, v12;
	v22 =	vld [tilespmem:s6+$0x180];
	v14 =	vmul.f32 $7.692307470e+00, v14  }
0x127: {  	v23 =	vld [tilespmem:s0+$0x9F80];
	s0 =	sand.u32 $0xFE00, s24;
	s24 =	sand.u32 $0x1FE00, s1;
	s3 =	simm.s32 $0x50;
	v16 =	vmul.f32 $7.692307470e+00, v16;
	(erf) = vpow2.f32 v13  }
0x128: {  	s1 =	simm.s32 $0xB0;
	s12 =	sand.u32 $0x70, s3;
	s25 =	simm.s32 $0x2C0;
	(erf) = vpow2.f32 v17;
	v14 =	vmul.f32 $1.442695020e+00, v14  }
0x129: {  	v7 =	vadd.f32 v11, v7;
	s12 =	sor.u32 s13, s12;
	s13 =	sand.u32 $0x1FE00, s25;
	v11 =	vld [tilespmem:s6+$0x9F80];
	s6 =	sand.u32 $0x70, s1;
	v13 =	vmul.f32 $7.692307470e+00, v15;
	(erf) = vpow2.f32 v18  }
0x12a: {  	s29 =	simm.s32 $0x380;
	s3 =	simm.s32 $0xE0;
	s1 =	sor.u32 s13, s6;
	v15 =	vmul.f32 v12, v10;
	v17 =	vld [tilespmem:s12+$0x180];
	(erf) = vpow2.f32 v14  }
0x12b: {  	s25 =	sand.u32 $0x70, s3;
	s3 =	sand.u32 $0x1FE00, s29;
	v28 =	vld [tilespmem:s1+$0x180];
	v14 =	vmul.f32 $7.692307470e+00, v21;
	v21 =	vmul.f32 $7.692307470e+00, v22;
	v22 =	vpop (erf)  }
0x12c: {  	s29 =	sor.u32 s3, s25;
	s3 =	simm.s32 $0xC0;
	v10 =	vld [tilespmem:s8+$0x9F80];
	v18 =	vmul.f32 $1.442695020e+00, v13;
	v23 =	vmul.f32 v22, v23  }
0x12d: {  	v6 =	vadd.f32 v12, v6;
	s25 =	simm.s32 $0xD0;
	v27 =	vmul.f32 $1.442695020e+00, v16;
	s8 =	simm.s32 $0x340;
	v24 =	vld [tilespmem:s29+$0x180];
	v8 =	vadd.f32 v15, v8  }
0x12e: {  	v12 =	vld [tilespmem:s14+$0x9F80];
	s13 =	sand.u32 $0x70, s3;
	s14 =	sand.u32 $0x70, s25;
	s8 =	sand.u32 $0x1FE00, s8;
	v15 =	vimm.f32 $0.0e+00;
	(erf) = vpow2.f32 v18;
	v25 =	vmul.f32 $1.442695020e+00, v14  }
0x12f: {  	v13 =	vld [tilespmem:s5+$0x9F80];
	s5 =	simm.s32 $0xA0;
	s31 =	sor.u32 s8, s14;
	v18 =	vadd.f32 v22, v15;
	v17 =	vmul.f32 $7.692307470e+00, v17;
	v21 =	vmul.f32 $1.442695020e+00, v21  }
0x130: {  	s3 =	sand.u32 $0x70, s5;
	s5 =	sor.u32 s24, s13;
	v31 =	vld [tilespmem:s31+$0x180];
	v33 =	vmul.f32 $7.692307470e+00, v28;
	v16 =	vadd.f32 v23, v15;
	v23 =	vpop (erf);
	(erf) = vpow2.f32 v25  }
0x131: {  	s25 =	simm.s32 $0x480;
	s30 =	sor.u32 s0, s3;
	v30 =	vld [tilespmem:s5+$0x180];
	v17 =	vmul.f32 $1.442695020e+00, v17;
	v22 =	vadd.f32 v23, v15;
	v29 =	vpop (erf);
	(erf) = vpow2.f32 v21  }
0x132: {  	s6 =	simm.s32 $0x3C0;
	s14 =	simm.s32 $0x400;
	s8 =	sand.u32 $0x1FE00, s25;
	v32 =	vld [tilespmem:s30+$0x180];
	v19 =	vmul.f32 v23, v19;
	v21 =	vmul.f32 $7.692307470e+00, v24;
	v23 =	vadd.f32 v29, v15  }
0x133: {  	s24 =	simm.s32 $0x440;
	s13 =	sand.u32 $0x1FE00, s14;
	s14 =	simm.s32 $0x4C0;
	v25 =	vld [tilespmem:s15+$0x9F80];
	v26 =	vpop (erf);
	(erf) = vpow2.f32 v27;
	v29 =	vmul.f32 v29, v20;
	v20 =	vimm.f32 $0.0e+00  }
0x134: {  	s0 =	sand.u32 $0xFE00, s6;
	s6 =	simm.s32 $0x130;
	v14 =	vld [tilespmem:s12+$0x9F80];
	s12 =	sand.u32 $0x1FE00, s24;
	v24 =	vadd.f32 v26, v15;
	(erf) = vpow2.f32 v17;
	v17 =	vadd.f32 v19, v15;
	v27 =	vpop (erf)  }
0x135: {  	s24 =	simm.s32 $0x500;
	s15 =	simm.s32 $0xF0;
	v34 =	vmul.f32 $1.442695020e+00, v21;
	v19 =	vld [tilespmem:s1+$0x9F80];
	v21 =	vimm.f32 $0.0e+00;
	v28 =	vadd.f32 v27, v15  }
.LBB2_27:
0x136: {  	p1 =	sne.s32 s24, $0x9B00  }
0x137: {  	s1 =	sand.u32 $0x70, s6;
	s6 =	sand.u32 $0x1FE00, s14;
	v30 =	vmul.f32 $7.692307470e+00, v30;
	v35 =	vld [tilespmem:s5+$0x9F80];
	v36 =	vpop (erf);
	v15 =	vadd.f32 v29, v15;
	v26 =	vmul.f32 v26, v9  }
0x138: {  	s5 =	sadd.s32 $0x10, s15;
	s14 =	sadd.s32 $0x20, s15;
	v9 =	vmovc v12;
	s1 =	sor.u32 s6, s1;
	(erf) = vpow2.f32 v34;
	v18 =	vadd.f32 v36, v18;
	v25 =	vmul.f32 v36, v25;
	v12 =	vld [tilespmem:s31+$0x9F80]  }
0x139: {  	v27 =	vmul.f32 v27, v10;
	v10 =	vmovc v14;
	s5 =	sand.u32 $0x70, s5;
	s6 =	sand.u32 $0x70, s14;
	s14 =	sadd.s32 $0x30, s15;
	v29 =	vld [tilespmem:s1+$0x180];
	v37 =	vmul.f32 $7.692307470e+00, v31;
	v21 =	vadd.f32 v26, v21  }
0x13a: {  	s25 =	sand.u32 $0x70, s15;
	s3 =	sor.u32 s13, s5;
	s13 =	sand.u32 $0x70, s14;
	v39 =	vmul.f32 $7.692307470e+00, v32;
	v14 =	vld [tilespmem:s30+$0x9F80];
	v32 =	vmul.f32 $1.442695020e+00, v33;
	v16 =	vadd.f32 v25, v16  }
0x13b: {  	s5 =	sor.u32 s12, s6;
	v34 =	vmul.f32 $1.442695020e+00, v30;
	v20 =	vadd.f32 v27, v20;
	s30 =	sor.u32 s0, s25;
	s31 =	sor.u32 s8, s13;
	v33 =	vld [tilespmem:s3+$0x180];
	v36 =	vmul.f32 $1.442695020e+00, v37;
	v31 =	vpop (erf)  }
.Ltmp14:
0x13c: {  	v30 =	vld [tilespmem:s5+$0x180];
	v37 =	vmul.f32 $1.442695020e+00, v39;
	(erf) = vpow2.f32 v32;
	v22 =	vadd.f32 v31, v22;
	v38 =	vpop (erf);
	(pc) =	sbr.rel @p1 .LBB2_27-.Ltmp14, $4  }
0x13d: {  	s6 =	sadd.s32 $0x40, s24;
	s0 =	sand.u32 $0xFE00, s24;
	v39 =	vmul.f32 v31, v13;
	v25 =	vld [tilespmem:s29+$0x9F80];
	(erf) = vpow2.f32 v34;
	v23 =	vadd.f32 v38, v23;
	v26 =	vpop (erf);
	s29 =	smov.u32 s1  }
0x13e: {  	s13 =	sand.u32 $0x1FE00, s6;
	s6 =	sadd.s32 $0xC0, s24;
	s1 =	sadd.s32 $0x80, s24;
	v31 =	vld [tilespmem:s31+$0x180];
	v34 =	vmul.f32 $7.692307470e+00, v29;
	(erf) = vpow2.f32 v36;
	v24 =	vadd.f32 v26, v24;
	v27 =	vpop (erf)  }
0x13f: {  	s15 =	sadd.s32 $0x50, s15;
	s8 =	sand.u32 $0x1FE00, s6;
	v13 =	vmovc v19;
	s12 =	sand.u32 $0x1FE00, s1;
	v17 =	vadd.f32 v39, v17;
	v29 =	vmul.f32 v38, v11;
	v11 =	vmovc v35;
	v32 =	vld [tilespmem:s30+$0x180];
	(erf) = vpow2.f32 v37  }
0x140: {  	s14 =	sadd.s32 $0x100, s24;
	s6 =	sadd.s32 $0x40, s15;
	s24 =	sadd.s32 $0x140, s24;
	v28 =	vadd.f32 v27, v28;
	v33 =	vmul.f32 $7.692307470e+00, v33;
	v19 =	vld [tilespmem:s3+$0x9F80];
	v34 =	vmul.f32 $1.442695020e+00, v34  }
0x141: {  	s1 =	sand.u32 $0x70, s6;
	s3 =	sand.u32 $0x1FE00, s14;
	s6 =	sadd.s32 $0x10, s15  }
0x142: {  	v30 =	vmul.f32 $7.692307470e+00, v30;
	s14 =	sadd.s32 $0x20, s15;
	s24 =	sor.u32 s3, s1;
	s1 =	sand.u32 $0x70, s6  }
0x143: {  	s25 =	sadd.s32 $0x30, s15;
	s14 =	sand.u32 $0x70, s14;
	v33 =	vmul.f32 $1.442695020e+00, v33;
	v35 =	vld [tilespmem:s24+$0x180];
	s13 =	sor.u32 s13, s1  }
0x144: {  	(erf) = vpow2.f32 v34;
	s25 =	sand.u32 $0x70, s25;
	s6 =	sand.u32 $0x70, s15;
	v31 =	vmul.f32 $7.692307470e+00, v31;
	s12 =	sor.u32 s12, s14;
	v42 =	vld [tilespmem:s13+$0x180]  }
0x145: {  	s8 =	sor.u32 s8, s25;
	v30 =	vmul.f32 $1.442695020e+00, v30;
	v32 =	vmul.f32 $7.692307470e+00, v32;
	v36 =	vld [tilespmem:s12+$0x180]  }
0x146: {  	s0 =	sor.u32 s0, s6;
	(erf) = vpow2.f32 v33;
	v43 =	vld [tilespmem:s8+$0x180];
	v31 =	vmul.f32 $1.442695020e+00, v31  }
0x147: {  	v44 =	vld [tilespmem:s0+$0x180];
	(erf) = vpow2.f32 v30;
	v32 =	vmul.f32 $1.442695020e+00, v32  }
0x148: {  	(erf) = vpow2.f32 v31  }
0x149: {  	v35 =	vmul.f32 $7.692307470e+00, v35;
	(erf) = vpow2.f32 v32  }
0x14a: {  	v46 =	vmul.f32 $7.692307470e+00, v42;
	v47 =	vmul.f32 $7.692307470e+00, v36  }
0x14b: {  	v33 =	vmul.f32 $7.692307470e+00, v43;
	v45 =	vmul.f32 $1.442695020e+00, v35  }
0x14c: {  	v48 =	vpop (erf);
	v30 =	vmul.f32 $7.692307470e+00, v44;
	v32 =	vmul.f32 $1.442695020e+00, v46  }
0x14d: {  	v49 =	vpop (erf);
	v34 =	vmul.f32 $1.442695020e+00, v47;
	(erf) = vpow2.f32 v45  }
0x14e: {  	v50 =	vpop (erf);
	v33 =	vmul.f32 $1.442695020e+00, v33;
	(erf) = vpow2.f32 v32  }
0x14f: {  	v51 =	vpop (erf);
	v30 =	vmul.f32 $1.442695020e+00, v30;
	(erf) = vpow2.f32 v34  }
0x150: {  	v52 =	vpop (erf);
	(erf) = vpow2.f32 v33  }
0x151: {  	v53 =	vpop (erf);
	(erf) = vpow2.f32 v30  }
0x152: {  	v54 =	vpop (erf)  }
0x153: {  	v37 =	vpop (erf)  }
0x154: {  	v38 =	vpop (erf)  }
0x155: {  	v39 =	vpop (erf)  }
0x156: {  	v40 =	vpop (erf)  }
0x157: {  	v22 =	vadd.f32 v49, v22;
	v28 =	vadd.f32 v52, v28;
	v41 =	vpop (erf)  }
0x158: {  	v23 =	vadd.f32 v50, v23;
	v42 =	vpop (erf)  }
0x159: {  	v22 =	vadd.f32 v54, v22;
	v28 =	vadd.f32 v39, v28;
	v43 =	vpop (erf)  }
0x15a: {  	v24 =	vadd.f32 v51, v24;
	v23 =	vadd.f32 v37, v23;
	v44 =	vpop (erf)  }
0x15b: {  	v22 =	vadd.f32 v41, v22;
	v28 =	vadd.f32 v44, v28  }
0x15c: {  	v18 =	vadd.f32 v48, v18;
	v24 =	vadd.f32 v38, v24  }
0x15d: {  	v23 =	vadd.f32 v42, v23;
	v22 =	vadd.f32 v22, v28  }
0x15e: {  	v18 =	vadd.f32 v53, v18  }
0x15f: {  	s14 =	sor.u32 $0x1, s28;
	v24 =	vadd.f32 v43, v24;
	v22 =	vadd.f32 v23, v22  }
0x160: {  	v55 =	vld [tilespmem:s14+$0x0]  }
0x161: {  	v18 =	vadd.f32 v40, v18;
	v22 =	vadd.f32 v24, v22;
	_ =	sdelay $0x1  }
0x162: {  	v18 =	vadd.f32 v18, v22;
	_ =	sdelay $0x1  }
0x163: {  	(v2sf) =	vpush v55, $0x0;
	v22 =	vperm.xlane v18, v0;
	_ =	sdelay $0x1  }
0x164: {  	v18 =	vadd.f32 v22, v18;
	_ =	sdelay $0x1  }
0x165: {  	v22 =	vperm.xlane v18, v1;
	_ =	sdelay $0x1  }
0x166: {  	v18 =	vadd.f32 v22, v18;
	_ =	sdelay $0x1  }
0x167: {  	v22 =	vperm.xlane v18, v2;
	_ =	sdelay $0x1  }
0x168: {  	v58 =	vld [tilespmem:s29+$0x9F80];
	v18 =	vadd.f32 v22, v18  }
0x169: {  	v56 =	vld [tilespmem:s5+$0x9F80];
	v9 =	vmul.f32 v26, v9;
	v10 =	vmul.f32 v27, v10  }
0x16a: {  	v57 =	vld [tilespmem:s31+$0x9F80];
	v15 =	vadd.f32 v29, v15;
	v25 =	vmul.f32 v48, v25;
	v59 =	vperm.xlane v18, v3  }
0x16b: {  	v60 =	vld [tilespmem:s30+$0x9F80];
	v9 =	vadd.f32 v9, v21;
	v10 =	vadd.f32 v10, v20;
	v13 =	vmul.f32 v49, v13  }
0x16c: {  	v62 =	vld [tilespmem:s24+$0x9F80];
	v16 =	vadd.f32 v25, v16;
	v11 =	vmul.f32 v50, v11;
	v18 =	vadd.f32 v59, v18  }
0x16d: {  	v61 =	vld [tilespmem:s13+$0x9F80];
	v12 =	vmul.f32 v51, v12;
	v13 =	vadd.f32 v13, v17;
	v17 =	vmul.f32 v53, v58;
	s5 =	spop (v2sf)  }
0x16e: {  	v11 =	vadd.f32 v11, v15;
	v15 =	vld [tilespmem:s8+$0x9F80];
	v14 =	vmul.f32 v52, v14;
	s24 =	sand.u32 $0xF, s5;
	(erf) = vrcp.f32 v18  }
0x16f: {  	v9 =	vadd.f32 v12, v9;
	v12 =	vld [tilespmem:s0+$0x9F80];
	v16 =	vadd.f32 v17, v16;
	v17 =	vmul.f32 v37, v56;
	s25 =	sshra.s32 s5, $0x1F;
	p1 =	slt.s32 s5, $0x1;
	p2 =	sne.s32 s24, $0x0  }
0x170: {  	v14 =	vadd.f32 v14, v10;
	v19 =	vmul.f32 v54, v19;
	s29 =	sshrl.u32 s25, $0x1C;
	p1 =	por !p1, !p2;
	v18 =	vld [tilespmem:s12+$0x9F80]  }
0x171: {  	s1 =	simm.s32 $0x1;
	v63 =	vmul.f32 v38, v57;
	v11 =	vadd.f32 v17, v11;
	v17 =	vmul.f32 v39, v60;
	s30 =	sadd.s32 s29, s5;
	p1 =	por !p1, !p1  }
0x172: {  	v13 =	vadd.f32 v19, v13;
	v10 =	vmul.f32 v40, v62;
	s0 =	sshra.s32 s30, $0x4;
	s1 =	simm.s32 @!p1 $0x0  }
.Ltmp15:
0x173: {  	v9 =	vadd.f32 v63, v9;
	v17 =	vadd.f32 v17, v14;
	s1 =	ssub.s32 s0, s1;
	(pc) =	sbr.rel @p0 .LBB2_34-.Ltmp15, $4  }
0x174: {  	v10 =	vadd.f32 v10, v16;
	v16 =	vmul.f32 v41, v61;
	v12 =	vmul.f32 v44, v12;
	s0 =	sshll.u32 s1, $0x4;
	s1 =	sshll.u32 s1, $0x6  }
0x175: {  	v15 =	vmul.f32 v43, v15;
	s31 =	sand.u32 $0x70, s0;
	s1 =	sand.u32 $0xFFFFFE00, s1;
	v18 =	vmul.f32 v42, v18  }
0x176: {  	v14 =	vadd.f32 v16, v13;
	v16 =	vadd.f32 v12, v17;
	v12 =	vld.msk [tilespmem:s28+$0x81 ss:$0x0], $0xffff;
	s1 =	sor.u32 s31, s1  }
0x177: {  	v15 =	vadd.f32 v15, v9;
	v13 =	vadd.f32 v18, v11;
	v11 =	vld [tilespmem:s1+$0x9F80];
	v9 =	vpop (erf)  }
0x178: {  	v17 =	vld [tilespmem:s28+$0x5];
	_ =	sdelay $0x4  }
0x179: {  	(v2sf) =	vpush v17, $0x0;
	_ =	sdelay $0xe  }
0x17a: {  	s1 =	spop (v2sf)  }
0x17b: {  	s3 =	sshrl.u32 s1, $0x3  }
0x17c: {  	s1 =	sshll.u32 s1, $0x7;
	s3 =	smul.u32 $0x13C00, s3  }
0x17d: {  	s1 =	sand.u32 $0x380, s1  }
0x17e: {  	s1 =	sor.u32 s1, s3  }
0x17f: {  	s31 =	rddreg [dreg:$0x2];
	s1 =	sshrl.u32 s1, $0x3  }
0x180: {  	s8 =	sadd.s32 $0x5, s28;
	s6 =	simm.s32 $0x180;
	s12 =	sadd.s32 s31, s1  }
0x181: {  	s13 =	simm.s32 $0x80;
	s14 =	simm.s32 $0x380;
	s15 =	sadd.s32 $0x0, s12  }
.LBB2_30:
0x182: {  	[tilespmem:s6], [sflag:$0x2] =	stream.linear.gather [hbm4b:s15+s4], $0x80, $0x38;
	[tilespmem:$0x13D80] =	vst v63  }
0x183: {  	s1 =	smov.u32 s13;
	s6 =	smov.u32 s14;
	p1 =	sne.s32 s13, $0x2700  }
.Ltmp16:
0x184: {  	s13 =	sadd.s32 $0x80, s13;
	(pc) =	sbr.rel @p1 .LBB2_30-.Ltmp16, $2  }
0x185: {  	_ =	sdelay $0x2  }
0x186: {  	s14 =	sadd.s32 $0x200, s14;
	s15 =	sadd.s32 s1, s12  }
0x187: {  	[tilespmem:s6], [sflag:$0x2] =	stream.linear.gather [hbm4b:s15+s4], $0x80, $0x38;
	[tilespmem:$0x13D80] =	vst v63  }
0x188: {  	s1 =	sadd.s32 s2, s8  }
0x189: {  	s1 =	sshrl.u32 s1, $0x3  }
0x18a: {  	s3 =	sshll.u32 s8, $0x7;
	s1 =	smul.u32 $0x13C00, s1  }
0x18b: {  	s3 =	sand.u32 $0x280, s3  }
0x18c: {  	s1 =	sor.u32 s3, s1  }
0x18d: {  	s31 =	rddreg [dreg:$0x0];
	s1 =	sshrl.u32 s1, $0x3  }
0x18e: {  	s6 =	simm.s32 $0x9F80;
	s8 =	sadd.s32 s31, s1  }
0x18f: {  	s12 =	simm.s32 $0x80;
	s13 =	simm.s32 $0xA180;
	s14 =	sadd.s32 $0x0, s8  }
.LBB2_32:
0x190: {  	[tilespmem:s6], [sflag:$0x6] =	stream.linear.gather [hbm4b:s14+s4], $0x80, $0x38;
	[tilespmem:$0x13D80] =	vst v63  }
0x191: {  	s1 =	smov.u32 s12;
	s6 =	smov.u32 s13;
	p1 =	sne.s32 s12, $0x2700  }
.Ltmp17:
0x192: {  	s12 =	sadd.s32 $0x80, s12;
	(pc) =	sbr.rel @p1 .LBB2_32-.Ltmp17, $2  }
0x193: {  	_ =	sdelay $0x2  }
0x194: {  	s13 =	sadd.s32 $0x200, s13;
	s14 =	sadd.s32 s1, s8  }
0x195: {  	[tilespmem:s6], [sflag:$0x6] =	stream.linear.gather [hbm4b:s14+s4], $0x80, $0x38;
	[tilespmem:$0x13D80] =	vst v63  }
.LBB2_34:
0x196: {  	v14 =	vadd.f32 v14, v16;
	_ =	sdelay $0x1  }
0x197: {  	v13 =	vadd.f32 v13, v14;
	_ =	sdelay $0x1  }
0x198: {  	v13 =	vadd.f32 v15, v13;
	_ =	sdelay $0x1  }
0x199: {  	v10 =	vadd.f32 v10, v13  }
0x19a: {  	s0 =	ssub.s32 s5, s0  }
0x19b: {  	_ =	swait.ge [sflag:s20], $0x2780;
	v14 =	vmov s0;
	v13 =	vperm.xlane v10, v0  }
0x19c: {  	s15 =	simm.s32 $0x40;
	[sflag:s20] =	ssyncset.done $0x0;
	vm2 =	veq.s32 v14, v4  }
0x19d: {  	s1 =	simm.s32 $0x100;
	s5 =	simm.s32 $0x0;
	[sflag:s20] =	ssyncadd.s32 $0xFFFFD880;
	v11 =	vnsel vm2, $0x0, v11;
	v10 =	vadd.f32 v13, v10  }
0x19e: {  	s24 =	simm.s32 $0x80;
	s25 =	simm.s32 $0xC0;
	_ =	swait.ge [sflag:s21], $0x2780;
	v14 =	vperm.xlane v11, v0  }
0x19f: {  	s3 =	sand.u32 $0x70, s15;
	s1 =	sand.u32 $0x1FE00, s1;
	[sflag:s21] =	ssyncset.done $0x0;
	v13 =	vperm.xlane v10, v1  }
0x1a0: {  	s12 =	simm.s32 $0x20;
	s0 =	sor.u32 s1, s3;
	[sflag:s21] =	ssyncadd.s32 $0xFFFFD880;
	v11 =	vadd.f32 v11, v14  }
0x1a1: {  	s13 =	simm.s32 $0x30;
	s12 =	sand.u32 $0x70, s12;
	s1 =	sand.u32 $0x1FE00, s24;
	v15 =	vld [tilespmem:s0+$0x200];
	v10 =	vadd.f32 v13, v10  }
0x1a2: {  	s14 =	sand.u32 $0x70, s13;
	s3 =	sand.u32 $0x1FE00, s25;
	s1 =	sor.u32 s1, s12;
	v14 =	vperm.xlane v11, v1  }
0x1a3: {  	s8 =	simm.s32 $0x10;
	s6 =	sand.u32 $0x1FE00, s15;
	s3 =	sor.u32 s3, s14;
	v17 =	vld [tilespmem:s1+$0x200];
	v13 =	vperm.xlane v10, v2  }
0x1a4: {  	s8 =	sand.u32 $0x70, s8;
	s15 =	sand.u32 $0xFE00, s5;
	s5 =	sand.u32 $0x70, s5;
	v18 =	vld [tilespmem:s3+$0x200];
	v11 =	vadd.f32 v11, v14  }
0x1a5: {  	s6 =	sor.u32 s6, s8;
	s24 =	simm.s32 $0x180;
	s25 =	simm.s32 $0x90;
	v10 =	vadd.f32 v13, v10  }
0x1a6: {  	s5 =	sor.u32 s15, s5;
	s12 =	sand.u32 $0x1FE00, s24;
	s14 =	simm.s32 $0x240;
	v15 =	vmul.f32 $7.692307470e+00, v15;
	v16 =	vperm.xlane v11, v2;
	v13 =	vld [tilespmem:s6+$0x200]  }
0x1a7: {  	s24 =	simm.s32 $0x1C0;
	s13 =	sand.u32 $0x70, s25;
	s15 =	sand.u32 $0x1FE00, s14;
	v19 =	vld [tilespmem:s6+$0xA000];
	v14 =	vperm.xlane v10, v3  }
0x1a8: {  	s14 =	simm.s32 $0x200;
	s15 =	sor.u32 s15, s13;
	v20 =	vld [tilespmem:s1+$0xA000];
	s1 =	simm.s32 $0x60;
	v15 =	vmul.f32 $1.442695020e+00, v15;
	v11 =	vadd.f32 v11, v16  }
0x1a9: {  	s1 =	sand.u32 $0x70, s1;
	v17 =	vmul.f32 $7.692307470e+00, v17;
	v18 =	vmul.f32 $7.692307470e+00, v18;
	s6 =	sand.u32 $0x1FE00, s24;
	s24 =	simm.s32 $0x80;
	v10 =	vadd.f32 v14, v10;
	v14 =	vld [tilespmem:s5+$0x200]  }
0x1aa: {  	s14 =	sand.u32 $0x1FE00, s14;
	s1 =	sor.u32 s12, s1;
	(erf) = vpow2.f32 v15;
	v15 =	vld [tilespmem:s15+$0x200];
	v16 =	vperm.xlane v11, v3;
	s12 =	sand.u32 $0x70, s24  }
0x1ab: {  	s25 =	simm.s32 $0x70;
	v21 =	vld [tilespmem:s1+$0x200];
	s12 =	sor.u32 s14, s12;
	v13 =	vmul.f32 $7.692307470e+00, v13  }
0x1ac: {  	s13 =	sand.u32 $0x70, s25;
	v17 =	vmul.f32 $1.442695020e+00, v17;
	v18 =	vmul.f32 $1.442695020e+00, v18;
	v11 =	vadd.f32 v11, v16;
	v16 =	vld [tilespmem:s12+$0x200]  }
0x1ad: {  	s8 =	simm.s32 $0x140;
	s25 =	simm.s32 $0x50;
	v10 =	vmul.f32 v9, v10;
	v9 =	vld [tilespmem:s3+$0xA000];
	s3 =	sor.u32 s6, s13;
	v13 =	vmul.f32 $1.442695020e+00, v13  }
0x1ae: {  	s8 =	sand.u32 $0xFE00, s8;
	v11 =	vmul.f32 v11, v12;
	s6 =	sand.u32 $0x70, s25;
	v22 =	vld [tilespmem:s3+$0x200];
	v14 =	vmul.f32 $7.692307470e+00, v14  }
0x1af: {  	v23 =	vld [tilespmem:s0+$0xA000];
	s24 =	simm.s32 $0xE0;
	s14 =	simm.s32 $0x2C0;
	s6 =	sor.u32 s8, s6;
	(erf) = vpow2.f32 v13;
	v13 =	vmul.f32 $7.692307470e+00, v15  }
0x1b0: {  	v7 =	vadd.f32 v11, v7;
	s8 =	sand.u32 $0x1FE00, s14;
	s14 =	sand.u32 $0x70, s24;
	v11 =	vld [tilespmem:s3+$0xA000];
	s24 =	simm.s32 $0xB0;
	(erf) = vpow2.f32 v17;
	v14 =	vmul.f32 $1.442695020e+00, v14  }
0x1b1: {  	s25 =	simm.s32 $0x380;
	s3 =	sand.u32 $0x70, s24;
	v15 =	vmul.f32 v12, v10;
	v10 =	vld [tilespmem:s5+$0xA000];
	(erf) = vpow2.f32 v18  }
0x1b2: {  	s13 =	simm.s32 $0x280;
	s25 =	sand.u32 $0x1FE00, s25;
	v16 =	vmul.f32 $7.692307470e+00, v16;
	s3 =	sor.u32 s8, s3;
	v17 =	vld [tilespmem:s6+$0x200];
	(erf) = vpow2.f32 v14  }
0x1b3: {  	s0 =	sand.u32 $0xFE00, s13;
	s13 =	simm.s32 $0x300;
	s29 =	sor.u32 s25, s14;
	v28 =	vld [tilespmem:s3+$0x200];
	v14 =	vmul.f32 $7.692307470e+00, v21;
	v21 =	vmul.f32 $7.692307470e+00, v22;
	v22 =	vpop (erf)  }
0x1b4: {  	s13 =	sand.u32 $0x1FE00, s13;
	v24 =	vld [tilespmem:s29+$0x200];
	v18 =	vmul.f32 $1.442695020e+00, v13;
	v23 =	vmul.f32 v22, v23  }
0x1b5: {  	v6 =	vadd.f32 v12, v6;
	s25 =	simm.s32 $0xC0;
	s24 =	simm.s32 $0xD0;
	s5 =	simm.s32 $0x340;
	v12 =	vld [tilespmem:s12+$0xA000];
	v27 =	vmul.f32 $1.442695020e+00, v16;
	v8 =	vadd.f32 v15, v8  }
0x1b6: {  	s12 =	sand.u32 $0x70, s25;
	v13 =	vld [tilespmem:s1+$0xA000];
	s1 =	sand.u32 $0x1FE00, s5;
	s5 =	simm.s32 $0xA0;
	v15 =	vimm.f32 $0.0e+00;
	(erf) = vpow2.f32 v18;
	v25 =	vmul.f32 $1.442695020e+00, v14  }
0x1b7: {  	s14 =	sand.u32 $0x70, s24;
	s25 =	sand.u32 $0x70, s5;
	s5 =	sor.u32 s13, s12;
	v18 =	vadd.f32 v22, v15;
	v17 =	vmul.f32 $7.692307470e+00, v17;
	v21 =	vmul.f32 $1.442695020e+00, v21  }
0x1b8: {  	s31 =	sor.u32 s1, s14;
	v30 =	vld [tilespmem:s5+$0x200];
	v33 =	vmul.f32 $7.692307470e+00, v28;
	v16 =	vadd.f32 v23, v15;
	v23 =	vpop (erf);
	(erf) = vpow2.f32 v25  }
0x1b9: {  	s24 =	simm.s32 $0x440;
	s30 =	sor.u32 s0, s25;
	v31 =	vld [tilespmem:s31+$0x200];
	v17 =	vmul.f32 $1.442695020e+00, v17;
	v22 =	vadd.f32 v23, v15;
	v29 =	vpop (erf);
	(erf) = vpow2.f32 v21  }
0x1ba: {  	s8 =	simm.s32 $0x3C0;
	s14 =	simm.s32 $0x400;
	s12 =	sand.u32 $0x1FE00, s24;
	v32 =	vld [tilespmem:s30+$0x200];
	v19 =	vmul.f32 v23, v19;
	v21 =	vmul.f32 $7.692307470e+00, v24;
	v23 =	vadd.f32 v29, v15  }
0x1bb: {  	s24 =	simm.s32 $0x500;
	s0 =	sand.u32 $0xFE00, s8;
	s25 =	simm.s32 $0x480;
	v25 =	vld [tilespmem:s15+$0xA000];
	v26 =	vpop (erf);
	(erf) = vpow2.f32 v27;
	v29 =	vmul.f32 v29, v20;
	v20 =	vimm.f32 $0.0e+00  }
0x1bc: {  	s13 =	sand.u32 $0x1FE00, s14;
	s14 =	simm.s32 $0x4C0;
	s8 =	sand.u32 $0x1FE00, s25;
	v14 =	vld [tilespmem:s6+$0xA000];
	v24 =	vadd.f32 v26, v15;
	(erf) = vpow2.f32 v17;
	v17 =	vadd.f32 v19, v15;
	v27 =	vpop (erf)  }
0x1bd: {  	s6 =	simm.s32 $0x130;
	s15 =	simm.s32 $0xF0;
	v34 =	vmul.f32 $1.442695020e+00, v21;
	v19 =	vld [tilespmem:s3+$0xA000];
	v21 =	vimm.f32 $0.0e+00;
	v28 =	vadd.f32 v27, v15  }
.LBB2_35:
0x1be: {  	p1 =	sne.s32 s24, $0x9B00  }
0x1bf: {  	s1 =	sand.u32 $0x70, s6;
	s3 =	sand.u32 $0x1FE00, s14;
	v30 =	vmul.f32 $7.692307470e+00, v30;
	v35 =	vld [tilespmem:s5+$0xA000];
	v36 =	vpop (erf);
	v15 =	vadd.f32 v29, v15;
	v26 =	vmul.f32 v26, v9  }
0x1c0: {  	s5 =	sadd.s32 $0x10, s15;
	s6 =	sadd.s32 $0x20, s15;
	v9 =	vmovc v12;
	s1 =	sor.u32 s3, s1;
	(erf) = vpow2.f32 v34;
	v18 =	vadd.f32 v36, v18;
	v25 =	vmul.f32 v36, v25;
	v12 =	vld [tilespmem:s31+$0xA000]  }
0x1c1: {  	v27 =	vmul.f32 v27, v10;
	v10 =	vmovc v14;
	s3 =	sand.u32 $0x70, s5;
	s5 =	sand.u32 $0x70, s6;
	s6 =	sadd.s32 $0x30, s15;
	v29 =	vld [tilespmem:s1+$0x200];
	v37 =	vmul.f32 $7.692307470e+00, v31;
	v21 =	vadd.f32 v26, v21  }
0x1c2: {  	s14 =	sand.u32 $0x70, s15;
	s3 =	sor.u32 s13, s3;
	s6 =	sand.u32 $0x70, s6;
	v39 =	vmul.f32 $7.692307470e+00, v32;
	v14 =	vld [tilespmem:s30+$0xA000];
	v32 =	vmul.f32 $1.442695020e+00, v33;
	v16 =	vadd.f32 v25, v16  }
0x1c3: {  	s5 =	sor.u32 s12, s5;
	v34 =	vmul.f32 $1.442695020e+00, v30;
	v20 =	vadd.f32 v27, v20;
	s30 =	sor.u32 s0, s14;
	s31 =	sor.u32 s8, s6;
	v33 =	vld [tilespmem:s3+$0x200];
	v36 =	vmul.f32 $1.442695020e+00, v37;
	v31 =	vpop (erf)  }
.Ltmp18:
0x1c4: {  	v30 =	vld [tilespmem:s5+$0x200];
	v37 =	vmul.f32 $1.442695020e+00, v39;
	(erf) = vpow2.f32 v32;
	v22 =	vadd.f32 v31, v22;
	v38 =	vpop (erf);
	(pc) =	sbr.rel @p1 .LBB2_35-.Ltmp18, $4  }
0x1c5: {  	s0 =	sand.u32 $0xFE00, s24;
	s6 =	sadd.s32 $0x40, s24;
	v39 =	vmul.f32 v31, v13;
	v25 =	vld [tilespmem:s29+$0xA000];
	(erf) = vpow2.f32 v34;
	v23 =	vadd.f32 v38, v23;
	v26 =	vpop (erf);
	s29 =	smov.u32 s1  }
0x1c6: {  	s13 =	sand.u32 $0x1FE00, s6;
	s6 =	sadd.s32 $0xC0, s24;
	s1 =	sadd.s32 $0x80, s24;
	v31 =	vld [tilespmem:s31+$0x200];
	v34 =	vmul.f32 $7.692307470e+00, v29;
	(erf) = vpow2.f32 v36;
	v24 =	vadd.f32 v26, v24;
	v27 =	vpop (erf)  }
0x1c7: {  	s15 =	sadd.s32 $0x50, s15;
	s8 =	sand.u32 $0x1FE00, s6;
	v13 =	vmovc v19;
	s12 =	sand.u32 $0x1FE00, s1;
	v17 =	vadd.f32 v39, v17;
	v29 =	vmul.f32 v38, v11;
	v11 =	vmovc v35;
	v32 =	vld [tilespmem:s30+$0x200];
	(erf) = vpow2.f32 v37  }
0x1c8: {  	s14 =	sadd.s32 $0x100, s24;
	s6 =	sadd.s32 $0x40, s15;
	s24 =	sadd.s32 $0x140, s24;
	v28 =	vadd.f32 v27, v28;
	v33 =	vmul.f32 $7.692307470e+00, v33;
	v19 =	vld [tilespmem:s3+$0xA000];
	v34 =	vmul.f32 $1.442695020e+00, v34  }
0x1c9: {  	s1 =	sand.u32 $0x70, s6;
	s3 =	sand.u32 $0x1FE00, s14;
	s6 =	sadd.s32 $0x10, s15  }
0x1ca: {  	v30 =	vmul.f32 $7.692307470e+00, v30;
	s14 =	sadd.s32 $0x20, s15;
	s24 =	sor.u32 s3, s1;
	s1 =	sand.u32 $0x70, s6  }
0x1cb: {  	s25 =	sadd.s32 $0x30, s15;
	s14 =	sand.u32 $0x70, s14;
	v33 =	vmul.f32 $1.442695020e+00, v33;
	v35 =	vld [tilespmem:s24+$0x200];
	s13 =	sor.u32 s13, s1  }
0x1cc: {  	(erf) = vpow2.f32 v34;
	s25 =	sand.u32 $0x70, s25;
	s6 =	sand.u32 $0x70, s15;
	v31 =	vmul.f32 $7.692307470e+00, v31;
	s12 =	sor.u32 s12, s14;
	v42 =	vld [tilespmem:s13+$0x200]  }
0x1cd: {  	s8 =	sor.u32 s8, s25;
	v30 =	vmul.f32 $1.442695020e+00, v30;
	v32 =	vmul.f32 $7.692307470e+00, v32;
	v36 =	vld [tilespmem:s12+$0x200]  }
0x1ce: {  	s0 =	sor.u32 s0, s6;
	(erf) = vpow2.f32 v33;
	v43 =	vld [tilespmem:s8+$0x200];
	v31 =	vmul.f32 $1.442695020e+00, v31  }
0x1cf: {  	v44 =	vld [tilespmem:s0+$0x200];
	(erf) = vpow2.f32 v30;
	v32 =	vmul.f32 $1.442695020e+00, v32  }
0x1d0: {  	(erf) = vpow2.f32 v31  }
0x1d1: {  	v35 =	vmul.f32 $7.692307470e+00, v35;
	(erf) = vpow2.f32 v32  }
0x1d2: {  	v46 =	vmul.f32 $7.692307470e+00, v42;
	v47 =	vmul.f32 $7.692307470e+00, v36  }
0x1d3: {  	v33 =	vmul.f32 $7.692307470e+00, v43;
	v45 =	vmul.f32 $1.442695020e+00, v35  }
0x1d4: {  	v48 =	vpop (erf);
	v30 =	vmul.f32 $7.692307470e+00, v44;
	v32 =	vmul.f32 $1.442695020e+00, v46  }
0x1d5: {  	v49 =	vpop (erf);
	v34 =	vmul.f32 $1.442695020e+00, v47;
	(erf) = vpow2.f32 v45  }
0x1d6: {  	v50 =	vpop (erf);
	v33 =	vmul.f32 $1.442695020e+00, v33;
	(erf) = vpow2.f32 v32  }
0x1d7: {  	v51 =	vpop (erf);
	v30 =	vmul.f32 $1.442695020e+00, v30;
	(erf) = vpow2.f32 v34  }
0x1d8: {  	v52 =	vpop (erf);
	(erf) = vpow2.f32 v33  }
0x1d9: {  	v53 =	vpop (erf);
	(erf) = vpow2.f32 v30  }
0x1da: {  	v54 =	vpop (erf)  }
0x1db: {  	v37 =	vpop (erf)  }
0x1dc: {  	v38 =	vpop (erf)  }
0x1dd: {  	v39 =	vpop (erf)  }
0x1de: {  	v40 =	vpop (erf)  }
0x1df: {  	v22 =	vadd.f32 v49, v22;
	v28 =	vadd.f32 v52, v28;
	v41 =	vpop (erf)  }
0x1e0: {  	v23 =	vadd.f32 v50, v23;
	v42 =	vpop (erf)  }
0x1e1: {  	v22 =	vadd.f32 v54, v22;
	v28 =	vadd.f32 v39, v28;
	v43 =	vpop (erf)  }
0x1e2: {  	v24 =	vadd.f32 v51, v24;
	v23 =	vadd.f32 v37, v23;
	v44 =	vpop (erf)  }
0x1e3: {  	v22 =	vadd.f32 v41, v22;
	v28 =	vadd.f32 v44, v28  }
0x1e4: {  	v18 =	vadd.f32 v48, v18;
	v24 =	vadd.f32 v38, v24  }
0x1e5: {  	v23 =	vadd.f32 v42, v23;
	v22 =	vadd.f32 v22, v28  }
0x1e6: {  	v18 =	vadd.f32 v53, v18  }
0x1e7: {  	s14 =	sor.u32 $0x2, s28;
	v24 =	vadd.f32 v43, v24;
	v22 =	vadd.f32 v23, v22  }
0x1e8: {  	v55 =	vld [tilespmem:s14+$0x0]  }
0x1e9: {  	v18 =	vadd.f32 v40, v18;
	v22 =	vadd.f32 v24, v22;
	_ =	sdelay $0x1  }
0x1ea: {  	v18 =	vadd.f32 v18, v22;
	_ =	sdelay $0x1  }
0x1eb: {  	(v2sf) =	vpush v55, $0x0;
	v22 =	vperm.xlane v18, v0;
	_ =	sdelay $0x1  }
0x1ec: {  	v18 =	vadd.f32 v22, v18;
	_ =	sdelay $0x1  }
0x1ed: {  	v22 =	vperm.xlane v18, v1;
	_ =	sdelay $0x1  }
0x1ee: {  	v18 =	vadd.f32 v22, v18;
	_ =	sdelay $0x1  }
0x1ef: {  	v22 =	vperm.xlane v18, v2;
	_ =	sdelay $0x1  }
0x1f0: {  	v58 =	vld [tilespmem:s29+$0xA000];
	v18 =	vadd.f32 v22, v18  }
0x1f1: {  	v56 =	vld [tilespmem:s5+$0xA000];
	v9 =	vmul.f32 v26, v9;
	v10 =	vmul.f32 v27, v10  }
0x1f2: {  	v57 =	vld [tilespmem:s31+$0xA000];
	v15 =	vadd.f32 v29, v15;
	v25 =	vmul.f32 v48, v25;
	v59 =	vperm.xlane v18, v3  }
0x1f3: {  	v60 =	vld [tilespmem:s30+$0xA000];
	v9 =	vadd.f32 v9, v21;
	v10 =	vadd.f32 v10, v20;
	v13 =	vmul.f32 v49, v13  }
0x1f4: {  	v62 =	vld [tilespmem:s24+$0xA000];
	v16 =	vadd.f32 v25, v16;
	v11 =	vmul.f32 v50, v11;
	v18 =	vadd.f32 v59, v18  }
0x1f5: {  	v61 =	vld [tilespmem:s13+$0xA000];
	v12 =	vmul.f32 v51, v12;
	v13 =	vadd.f32 v13, v17;
	v17 =	vmul.f32 v53, v58;
	s5 =	spop (v2sf)  }
0x1f6: {  	v11 =	vadd.f32 v11, v15;
	v15 =	vld [tilespmem:s8+$0xA000];
	v14 =	vmul.f32 v52, v14;
	s24 =	sand.u32 $0xF, s5;
	(erf) = vrcp.f32 v18  }
0x1f7: {  	v9 =	vadd.f32 v12, v9;
	v12 =	vld [tilespmem:s0+$0xA000];
	v16 =	vadd.f32 v17, v16;
	v17 =	vmul.f32 v37, v56;
	s25 =	sshra.s32 s5, $0x1F;
	p1 =	slt.s32 s5, $0x1;
	p2 =	sne.s32 s24, $0x0  }
0x1f8: {  	v14 =	vadd.f32 v14, v10;
	v19 =	vmul.f32 v54, v19;
	s29 =	sshrl.u32 s25, $0x1C;
	p1 =	por !p1, !p2;
	v18 =	vld [tilespmem:s12+$0xA000]  }
0x1f9: {  	s1 =	simm.s32 $0x1;
	v63 =	vmul.f32 v38, v57;
	v11 =	vadd.f32 v17, v11;
	v17 =	vmul.f32 v39, v60;
	s30 =	sadd.s32 s29, s5;
	p1 =	por !p1, !p1  }
0x1fa: {  	v13 =	vadd.f32 v19, v13;
	v10 =	vmul.f32 v40, v62;
	s0 =	sshra.s32 s30, $0x4;
	s1 =	simm.s32 @!p1 $0x0  }
.Ltmp19:
0x1fb: {  	v9 =	vadd.f32 v63, v9;
	v17 =	vadd.f32 v17, v14;
	s1 =	ssub.s32 s0, s1;
	(pc) =	sbr.rel @p0 .LBB2_42-.Ltmp19, $4  }
0x1fc: {  	v10 =	vadd.f32 v10, v16;
	v16 =	vmul.f32 v41, v61;
	v12 =	vmul.f32 v44, v12;
	s0 =	sshll.u32 s1, $0x4;
	s1 =	sshll.u32 s1, $0x6  }
0x1fd: {  	v15 =	vmul.f32 v43, v15;
	s31 =	sand.u32 $0x70, s0;
	s1 =	sand.u32 $0xFFFFFE00, s1;
	v18 =	vmul.f32 v42, v18  }
0x1fe: {  	v14 =	vadd.f32 v16, v13;
	v16 =	vadd.f32 v12, v17;
	v12 =	vld.msk [tilespmem:s28+$0x82 ss:$0x0], $0xffff;
	s1 =	sor.u32 s31, s1  }
0x1ff: {  	v15 =	vadd.f32 v15, v9;
	v13 =	vadd.f32 v18, v11;
	v11 =	vld [tilespmem:s1+$0xA000];
	v9 =	vpop (erf)  }
0x200: {  	v17 =	vld [tilespmem:s28+$0x6];
	_ =	sdelay $0x4  }
0x201: {  	(v2sf) =	vpush v17, $0x0;
	_ =	sdelay $0xe  }
0x202: {  	s1 =	spop (v2sf)  }
0x203: {  	s3 =	sshrl.u32 s1, $0x3  }
0x204: {  	s1 =	sshll.u32 s1, $0x7;
	s3 =	smul.u32 $0x13C00, s3  }
0x205: {  	s1 =	sand.u32 $0x380, s1  }
0x206: {  	s1 =	sor.u32 s1, s3  }
0x207: {  	s31 =	rddreg [dreg:$0x2];
	s1 =	sshrl.u32 s1, $0x3  }
0x208: {  	s8 =	sadd.s32 $0x6, s28;
	s6 =	simm.s32 $0x200;
	s12 =	sadd.s32 s31, s1  }
0x209: {  	s13 =	simm.s32 $0x80;
	s14 =	simm.s32 $0x400;
	s15 =	sadd.s32 $0x0, s12  }
.LBB2_38:
0x20a: {  	[tilespmem:s6], [sflag:$0x3] =	stream.linear.gather [hbm4b:s15+s4], $0x80, $0x38;
	[tilespmem:$0x13D80] =	vst v63  }
0x20b: {  	s1 =	smov.u32 s13;
	s6 =	smov.u32 s14;
	p1 =	sne.s32 s13, $0x2700  }
.Ltmp20:
0x20c: {  	s13 =	sadd.s32 $0x80, s13;
	(pc) =	sbr.rel @p1 .LBB2_38-.Ltmp20, $2  }
0x20d: {  	_ =	sdelay $0x2  }
0x20e: {  	s14 =	sadd.s32 $0x200, s14;
	s15 =	sadd.s32 s1, s12  }
0x20f: {  	[tilespmem:s6], [sflag:$0x3] =	stream.linear.gather [hbm4b:s15+s4], $0x80, $0x38;
	[tilespmem:$0x13D80] =	vst v63  }
0x210: {  	s1 =	sadd.s32 s2, s8  }
0x211: {  	s1 =	sshrl.u32 s1, $0x3  }
0x212: {  	s3 =	sshll.u32 s8, $0x7;
	s1 =	smul.u32 $0x13C00, s1  }
0x213: {  	s3 =	sand.u32 $0x300, s3  }
0x214: {  	s1 =	sor.u32 s3, s1  }
0x215: {  	s31 =	rddreg [dreg:$0x0];
	s1 =	sshrl.u32 s1, $0x3  }
0x216: {  	s6 =	simm.s32 $0xA000;
	s8 =	sadd.s32 s31, s1  }
0x217: {  	s12 =	simm.s32 $0x80;
	s13 =	simm.s32 $0xA200;
	s14 =	sadd.s32 $0x0, s8  }
.LBB2_40:
0x218: {  	[tilespmem:s6], [sflag:$0x7] =	stream.linear.gather [hbm4b:s14+s4], $0x80, $0x38;
	[tilespmem:$0x13D80] =	vst v63  }
0x219: {  	s1 =	smov.u32 s12;
	s6 =	smov.u32 s13;
	p1 =	sne.s32 s12, $0x2700  }
.Ltmp21:
0x21a: {  	s12 =	sadd.s32 $0x80, s12;
	(pc) =	sbr.rel @p1 .LBB2_40-.Ltmp21, $2  }
0x21b: {  	_ =	sdelay $0x2  }
0x21c: {  	s13 =	sadd.s32 $0x200, s13;
	s14 =	sadd.s32 s1, s8  }
0x21d: {  	[tilespmem:s6], [sflag:$0x7] =	stream.linear.gather [hbm4b:s14+s4], $0x80, $0x38;
	[tilespmem:$0x13D80] =	vst v63  }
.LBB2_42:
0x21e: {  	v14 =	vadd.f32 v14, v16;
	_ =	sdelay $0x1  }
0x21f: {  	v13 =	vadd.f32 v13, v14;
	_ =	sdelay $0x1  }
0x220: {  	v13 =	vadd.f32 v15, v13;
	_ =	sdelay $0x1  }
0x221: {  	v10 =	vadd.f32 v10, v13  }
0x222: {  	_ =	swait.ge [sflag:s22], $0x2780  }
0x223: {  	s0 =	ssub.s32 s5, s0;
	s15 =	simm.s32 $0x40;
	[sflag:s22] =	ssyncset.done $0x0;
	v13 =	vperm.xlane v10, v0  }
0x224: {  	s1 =	simm.s32 $0x100;
	s24 =	simm.s32 $0x80;
	[sflag:s22] =	ssyncadd.s32 $0xFFFFD880  }
0x225: {  	s12 =	simm.s32 $0x20;
	s3 =	sand.u32 $0x70, s15;
	v14 =	vmov s0;
	_ =	swait.ge [sflag:s23], $0x2780;
	v10 =	vadd.f32 v13, v10  }
0x226: {  	s1 =	sand.u32 $0x1FE00, s1;
	s12 =	sand.u32 $0x70, s12;
	vm2 =	veq.s32 v14, v4;
	[sflag:s23] =	ssyncset.done $0x0  }
0x227: {  	s0 =	sor.u32 s1, s3;
	s1 =	sand.u32 $0x1FE00, s24;
	v11 =	vnsel vm2, $0x0, v11;
	[sflag:s23] =	ssyncadd.s32 $0xFFFFD880;
	v13 =	vperm.xlane v10, v1  }
0x228: {  	s13 =	simm.s32 $0x30;
	s1 =	sor.u32 s1, s12;
	v14 =	vperm.xlane v11, v0;
	v15 =	vld [tilespmem:s0+$0x280]  }
0x229: {  	s25 =	simm.s32 $0xC0;
	s8 =	simm.s32 $0x10;
	s14 =	sand.u32 $0x70, s13;
	v17 =	vld [tilespmem:s1+$0x280];
	v10 =	vadd.f32 v13, v10  }
0x22a: {  	s3 =	sand.u32 $0x1FE00, s25;
	s24 =	simm.s32 $0x180;
	v22 =	vld [tilespmem:s1+$0xA080];
	s1 =	simm.s32 $0x60;
	v11 =	vadd.f32 v11, v14  }
0x22b: {  	s3 =	sor.u32 s3, s14;
	s12 =	sand.u32 $0x1FE00, s24;
	s1 =	sand.u32 $0x70, s1;
	v13 =	vperm.xlane v10, v2  }
0x22c: {  	s6 =	sand.u32 $0x1FE00, s15;
	s8 =	sand.u32 $0x70, s8;
	v18 =	vld [tilespmem:s3+$0x280];
	s1 =	sor.u32 s12, s1;
	v14 =	vperm.xlane v11, v1  }
0x22d: {  	s5 =	simm.s32 $0x0;
	s6 =	sor.u32 s6, s8;
	v20 =	vld [tilespmem:s1+$0x280];
	v10 =	vadd.f32 v13, v10  }
0x22e: {  	s15 =	sand.u32 $0xFE00, s5;
	s5 =	sand.u32 $0x70, s5;
	v11 =	vadd.f32 v11, v14;
	v15 =	vmul.f32 $7.692307470e+00, v15;
	v13 =	vld [tilespmem:s6+$0x280]  }
0x22f: {  	s8 =	simm.s32 $0x140;
	s5 =	sor.u32 s15, s5;
	v17 =	vmul.f32 $7.692307470e+00, v17;
	v14 =	vperm.xlane v10, v3  }
0x230: {  	s25 =	simm.s32 $0x90;
	s14 =	simm.s32 $0x240;
	s24 =	simm.s32 $0x1C0;
	v16 =	vperm.xlane v11, v2;
	v15 =	vmul.f32 $1.442695020e+00, v15  }
0x231: {  	v18 =	vmul.f32 $7.692307470e+00, v18;
	v17 =	vmul.f32 $1.442695020e+00, v17;
	v10 =	vadd.f32 v14, v10;
	v14 =	vld [tilespmem:s5+$0x280]  }
0x232: {  	s13 =	sand.u32 $0x70, s25;
	s25 =	simm.s32 $0x70;
	s15 =	sand.u32 $0x1FE00, s14;
	v20 =	vmul.f32 $7.692307470e+00, v20;
	v11 =	vadd.f32 v11, v16;
	(erf) = vpow2.f32 v15  }
0x233: {  	s8 =	sand.u32 $0xFE00, s8;
	s15 =	sor.u32 s15, s13;
	v19 =	vld [tilespmem:s6+$0xA080];
	v18 =	vmul.f32 $1.442695020e+00, v18;
	v13 =	vmul.f32 $7.692307470e+00, v13  }
0x234: {  	s14 =	simm.s32 $0x200;
	s13 =	sand.u32 $0x70, s25;
	v15 =	vld [tilespmem:s15+$0x280];
	v20 =	vmul.f32 $1.442695020e+00, v20;
	v16 =	vperm.xlane v11, v3;
	s6 =	sand.u32 $0x1FE00, s24  }
0x235: {  	s14 =	sand.u32 $0x1FE00, s14;
	s24 =	simm.s32 $0x80;
	v10 =	vmul.f32 v9, v10;
	v9 =	vld [tilespmem:s3+$0xA080];
	s3 =	sor.u32 s6, s13;
	v13 =	vmul.f32 $1.442695020e+00, v13  }
0x236: {  	s25 =	simm.s32 $0x50;
	s12 =	sand.u32 $0x70, s24;
	s24 =	simm.s32 $0xE0;
	v21 =	vld [tilespmem:s3+$0x280];
	v14 =	vmul.f32 $7.692307470e+00, v14  }
0x237: {  	v11 =	vadd.f32 v11, v16;
	s12 =	sor.u32 s14, s12;
	s14 =	simm.s32 $0x2C0;
	s6 =	sand.u32 $0x70, s25;
	v10 =	vmul.f32 v12, v10;
	(erf) = vpow2.f32 v13;
	v13 =	vld [tilespmem:s0+$0xA080]  }
0x238: {  	v16 =	vld [tilespmem:s12+$0x280];
	s25 =	simm.s32 $0x380;
	s6 =	sor.u32 s8, s6;
	s8 =	sand.u32 $0x1FE00, s14;
	(erf) = vpow2.f32 v17;
	v14 =	vmul.f32 $1.442695020e+00, v14  }
0x239: {  	s14 =	sand.u32 $0x70, s24;
	s25 =	sand.u32 $0x1FE00, s25;
	s24 =	simm.s32 $0xB0;
	v17 =	vld [tilespmem:s6+$0x280];
	(erf) = vpow2.f32 v18;
	v18 =	vmul.f32 v11, v12  }
0x23a: {  	v15 =	vmul.f32 $7.692307470e+00, v15;
	s29 =	sor.u32 s25, s14;
	v8 =	vadd.f32 v10, v8;
	v10 =	vld [tilespmem:s3+$0xA080];
	s3 =	sand.u32 $0x70, s24  }
0x23b: {  	v24 =	vld [tilespmem:s29+$0x280];
	s3 =	sor.u32 s8, s3;
	(erf) = vpow2.f32 v14;
	v7 =	vadd.f32 v18, v7;
	v18 =	vmul.f32 $7.692307470e+00, v21;
	v21 =	vpop (erf)  }
0x23c: {  	v15 =	vmul.f32 $1.442695020e+00, v15;
	s13 =	simm.s32 $0x280;
	v33 =	vld [tilespmem:s3+$0x280];
	v23 =	vmul.f32 v21, v13  }
0x23d: {  	v6 =	vadd.f32 v12, v6;
	s25 =	simm.s32 $0xC0;
	s0 =	sand.u32 $0xFE00, s13;
	s13 =	simm.s32 $0x300;
	v11 =	vld [tilespmem:s5+$0xA080];
	v13 =	vmul.f32 $7.692307470e+00, v16  }
0x23e: {  	s13 =	sand.u32 $0x1FE00, s13;
	s24 =	simm.s32 $0xD0;
	s5 =	simm.s32 $0x340;
	v12 =	vld [tilespmem:s12+$0xA080];
	(erf) = vpow2.f32 v15;
	v15 =	vimm.f32 $0.0e+00;
	v25 =	vmul.f32 $7.692307470e+00, v17  }
0x23f: {  	s12 =	sand.u32 $0x70, s25;
	v14 =	vld [tilespmem:s1+$0xA080];
	s1 =	sand.u32 $0x1FE00, s5;
	s5 =	simm.s32 $0xA0;
	v16 =	vadd.f32 v21, v15;
	v21 =	vmul.f32 $1.442695020e+00, v18;
	v28 =	vmul.f32 $1.442695020e+00, v13  }
0x240: {  	v26 =	vld [tilespmem:s15+$0xA080];
	s14 =	sand.u32 $0x70, s24;
	s25 =	sand.u32 $0x70, s5;
	s5 =	sor.u32 s13, s12;
	v17 =	vadd.f32 v23, v15;
	v25 =	vmul.f32 $1.442695020e+00, v25;
	v23 =	vpop (erf);
	(erf) = vpow2.f32 v20  }
0x241: {  	s15 =	simm.s32 $0xF0;
	s24 =	simm.s32 $0x440;
	s31 =	sor.u32 s1, s14;
	v30 =	vld [tilespmem:s5+$0x280];
	v33 =	vmul.f32 $7.692307470e+00, v33;
	v18 =	vadd.f32 v23, v15;
	v29 =	vpop (erf);
	(erf) = vpow2.f32 v21  }
0x242: {  	s8 =	simm.s32 $0x3C0;
	s14 =	simm.s32 $0x400;
	s12 =	sand.u32 $0x1FE00, s24;
	v31 =	vld [tilespmem:s31+$0x280];
	v19 =	vmul.f32 v23, v19;
	v23 =	vmul.f32 $7.692307470e+00, v24;
	v24 =	vimm.f32 $0.0e+00  }
0x243: {  	s24 =	simm.s32 $0x500;
	s30 =	sor.u32 s0, s25;
	s0 =	sand.u32 $0xFE00, s8;
	v13 =	vld [tilespmem:s6+$0xA080];
	v20 =	vadd.f32 v29, v15;
	v27 =	vpop (erf);
	(erf) = vpow2.f32 v28;
	v29 =	vmul.f32 v29, v22  }
0x244: {  	s25 =	simm.s32 $0x480;
	s13 =	sand.u32 $0x1FE00, s14;
	s14 =	simm.s32 $0x4C0;
	v32 =	vld [tilespmem:s30+$0x280];
	v21 =	vadd.f32 v27, v15;
	(erf) = vpow2.f32 v25;
	v22 =	vadd.f32 v19, v15;
	v28 =	vpop (erf)  }
0x245: {  	s8 =	sand.u32 $0x1FE00, s25;
	s6 =	simm.s32 $0x130;
	v34 =	vmul.f32 $1.442695020e+00, v23;
	v19 =	vld [tilespmem:s3+$0xA080];
	v25 =	vimm.f32 $0.0e+00;
	v23 =	vadd.f32 v28, v15  }
.LBB2_43:
0x246: {  	p1 =	sne.s32 s24, $0x9B00  }
0x247: {  	s1 =	sand.u32 $0x70, s6;
	s3 =	sand.u32 $0x1FE00, s14;
	v30 =	vmul.f32 $7.692307470e+00, v30;
	v35 =	vld [tilespmem:s5+$0xA080];
	v36 =	vpop (erf);
	v15 =	vadd.f32 v29, v15;
	v27 =	vmul.f32 v27, v9  }
0x248: {  	s5 =	sadd.s32 $0x10, s15;
	s6 =	sadd.s32 $0x20, s15;
	v9 =	vmovc v12;
	s1 =	sor.u32 s3, s1;
	(erf) = vpow2.f32 v34;
	v16 =	vadd.f32 v36, v16;
	v26 =	vmul.f32 v36, v26;
	v12 =	vld [tilespmem:s31+$0xA080]  }
0x249: {  	v28 =	vmul.f32 v28, v11;
	v11 =	vmovc v13;
	s3 =	sand.u32 $0x70, s5;
	s5 =	sand.u32 $0x70, s6;
	s6 =	sadd.s32 $0x30, s15;
	v29 =	vld [tilespmem:s1+$0x280];
	v37 =	vmul.f32 $7.692307470e+00, v31;
	v25 =	vadd.f32 v27, v25  }
0x24a: {  	s14 =	sand.u32 $0x70, s15;
	s3 =	sor.u32 s13, s3;
	s6 =	sand.u32 $0x70, s6;
	v39 =	vmul.f32 $7.692307470e+00, v32;
	v13 =	vld [tilespmem:s30+$0xA080];
	v32 =	vmul.f32 $1.442695020e+00, v33;
	v17 =	vadd.f32 v26, v17  }
0x24b: {  	s5 =	sor.u32 s12, s5;
	v34 =	vmul.f32 $1.442695020e+00, v30;
	v24 =	vadd.f32 v28, v24;
	s30 =	sor.u32 s0, s14;
	s31 =	sor.u32 s8, s6;
	v33 =	vld [tilespmem:s3+$0x280];
	v36 =	vmul.f32 $1.442695020e+00, v37;
	v31 =	vpop (erf)  }
.Ltmp22:
0x24c: {  	v30 =	vld [tilespmem:s5+$0x280];
	v37 =	vmul.f32 $1.442695020e+00, v39;
	(erf) = vpow2.f32 v32;
	v18 =	vadd.f32 v31, v18;
	v38 =	vpop (erf);
	(pc) =	sbr.rel @p1 .LBB2_43-.Ltmp22, $4  }
0x24d: {  	s0 =	sand.u32 $0xFE00, s24;
	s6 =	sadd.s32 $0x40, s24;
	v39 =	vmul.f32 v31, v14;
	v26 =	vld [tilespmem:s29+$0xA080];
	(erf) = vpow2.f32 v34;
	v20 =	vadd.f32 v38, v20;
	v27 =	vpop (erf);
	s29 =	smov.u32 s1  }
0x24e: {  	s13 =	sand.u32 $0x1FE00, s6;
	s6 =	sadd.s32 $0xC0, s24;
	s1 =	sadd.s32 $0x80, s24;
	v31 =	vld [tilespmem:s31+$0x280];
	v34 =	vmul.f32 $7.692307470e+00, v29;
	(erf) = vpow2.f32 v36;
	v21 =	vadd.f32 v27, v21;
	v28 =	vpop (erf)  }
0x24f: {  	s15 =	sadd.s32 $0x50, s15;
	s8 =	sand.u32 $0x1FE00, s6;
	v14 =	vmovc v19;
	s12 =	sand.u32 $0x1FE00, s1;
	v22 =	vadd.f32 v39, v22;
	v29 =	vmul.f32 v38, v10;
	v10 =	vmovc v35;
	v32 =	vld [tilespmem:s30+$0x280];
	(erf) = vpow2.f32 v37  }
0x250: {  	s14 =	sadd.s32 $0x100, s24;
	s6 =	sadd.s32 $0x40, s15;
	s24 =	sadd.s32 $0x140, s24;
	v23 =	vadd.f32 v28, v23;
	v33 =	vmul.f32 $7.692307470e+00, v33;
	v19 =	vld [tilespmem:s3+$0xA080];
	v34 =	vmul.f32 $1.442695020e+00, v34  }
0x251: {  	s1 =	sand.u32 $0x70, s6;
	s3 =	sand.u32 $0x1FE00, s14;
	s6 =	sadd.s32 $0x10, s15  }
0x252: {  	v30 =	vmul.f32 $7.692307470e+00, v30;
	s14 =	sadd.s32 $0x20, s15;
	s24 =	sor.u32 s3, s1;
	s1 =	sand.u32 $0x70, s6  }
0x253: {  	s25 =	sadd.s32 $0x30, s15;
	s14 =	sand.u32 $0x70, s14;
	v33 =	vmul.f32 $1.442695020e+00, v33;
	v35 =	vld [tilespmem:s24+$0x280];
	s13 =	sor.u32 s13, s1  }
0x254: {  	(erf) = vpow2.f32 v34;
	s25 =	sand.u32 $0x70, s25;
	s6 =	sand.u32 $0x70, s15;
	v31 =	vmul.f32 $7.692307470e+00, v31;
	s12 =	sor.u32 s12, s14;
	v44 =	vld [tilespmem:s13+$0x280]  }
0x255: {  	s8 =	sor.u32 s8, s25;
	v30 =	vmul.f32 $1.442695020e+00, v30;
	v32 =	vmul.f32 $7.692307470e+00, v32;
	v36 =	vld [tilespmem:s12+$0x280]  }
0x256: {  	s0 =	sor.u32 s0, s6;
	(erf) = vpow2.f32 v33;
	v45 =	vld [tilespmem:s8+$0x280];
	v31 =	vmul.f32 $1.442695020e+00, v31  }
0x257: {  	v46 =	vld [tilespmem:s0+$0x280];
	(erf) = vpow2.f32 v30;
	v32 =	vmul.f32 $1.442695020e+00, v32  }
0x258: {  	(erf) = vpow2.f32 v31  }
0x259: {  	v35 =	vmul.f32 $7.692307470e+00, v35;
	(erf) = vpow2.f32 v32  }
0x25a: {  	v48 =	vmul.f32 $7.692307470e+00, v44;
	v49 =	vmul.f32 $7.692307470e+00, v36  }
0x25b: {  	v33 =	vmul.f32 $7.692307470e+00, v45;
	v47 =	vmul.f32 $1.442695020e+00, v35  }
0x25c: {  	v50 =	vpop (erf);
	v30 =	vmul.f32 $7.692307470e+00, v46;
	v32 =	vmul.f32 $1.442695020e+00, v48  }
0x25d: {  	s14 =	sor.u32 $0x3, s28;
	v51 =	vpop (erf);
	v34 =	vmul.f32 $1.442695020e+00, v49;
	(erf) = vpow2.f32 v47  }
0x25e: {  	v53 =	vld [tilespmem:s14+$0x0];
	v52 =	vpop (erf);
	v33 =	vmul.f32 $1.442695020e+00, v33;
	(erf) = vpow2.f32 v32  }
0x25f: {  	v37 =	vpop (erf);
	v30 =	vmul.f32 $1.442695020e+00, v30;
	(erf) = vpow2.f32 v34  }
0x260: {  	v54 =	vpop (erf);
	(erf) = vpow2.f32 v33  }
0x261: {  	v55 =	vpop (erf);
	(erf) = vpow2.f32 v30  }
0x262: {  	v56 =	vpop (erf)  }
0x263: {  	v9 =	vmul.f32 v27, v9;
	(v2sf) =	vpush v53, $0x0;
	v38 =	vpop (erf)  }
0x264: {  	v15 =	vadd.f32 v29, v15;
	v11 =	vmul.f32 v28, v11;
	v26 =	vmul.f32 v50, v26;
	v57 =	vpop (erf)  }
0x265: {  	v16 =	vadd.f32 v50, v16;
	v9 =	vadd.f32 v9, v25;
	v58 =	vpop (erf)  }
0x266: {  	v11 =	vadd.f32 v11, v24;
	v17 =	vadd.f32 v26, v17;
	v59 =	vpop (erf)  }
0x267: {  	v18 =	vadd.f32 v51, v18;
	v23 =	vadd.f32 v54, v23;
	v60 =	vpop (erf)  }
0x268: {  	v14 =	vmul.f32 v51, v14;
	v20 =	vadd.f32 v52, v20;
	v21 =	vadd.f32 v37, v21;
	v61 =	vpop (erf)  }
0x269: {  	v18 =	vadd.f32 v56, v18;
	v23 =	vadd.f32 v58, v23;
	v62 =	vpop (erf)  }
0x26a: {  	v63 =	vld [tilespmem:s5+$0xA080];
	v10 =	vmul.f32 v52, v10;
	v14 =	vadd.f32 v14, v22;
	v20 =	vadd.f32 v38, v20;
	v36 =	vpop (erf)  }
0x26b: {  	v39 =	vld [tilespmem:s30+$0xA080];
	v18 =	vadd.f32 v60, v18;
	v23 =	vadd.f32 v36, v23  }
0x26c: {  	v40 =	vld [tilespmem:s31+$0xA080];
	v12 =	vmul.f32 v37, v12;
	v10 =	vadd.f32 v10, v15;
	v21 =	vadd.f32 v57, v21  }
0x26d: {  	v41 =	vld [tilespmem:s13+$0xA080];
	v20 =	vadd.f32 v61, v20;
	v18 =	vadd.f32 v18, v23  }
0x26e: {  	v42 =	vld [tilespmem:s0+$0xA080];
	v13 =	vmul.f32 v54, v13;
	v9 =	vadd.f32 v12, v9;
	v16 =	vadd.f32 v55, v16  }
0x26f: {  	v43 =	vld [tilespmem:s12+$0xA080];
	v21 =	vadd.f32 v62, v21;
	v18 =	vadd.f32 v20, v18  }
0x270: {  	v11 =	vadd.f32 v13, v11;
	v44 =	vmul.f32 v56, v19;
	v45 =	vmul.f32 v58, v39  }
0x271: {  	v46 =	vld [tilespmem:s29+$0xA080];
	v16 =	vadd.f32 v59, v16;
	v18 =	vadd.f32 v21, v18  }
0x272: {  	v47 =	vld [tilespmem:s8+$0xA080];
	v48 =	vmul.f32 v38, v63;
	v13 =	vadd.f32 v44, v14;
	v11 =	vadd.f32 v45, v11;
	s15 =	spop (v2sf)  }
0x273: {  	v49 =	vld [tilespmem:s24+$0xA080];
	v25 =	vmul.f32 v60, v41;
	s25 =	sand.u32 $0xF, s15;
	v12 =	vmul.f32 v36, v42;
	v16 =	vadd.f32 v16, v18  }
0x274: {  	v10 =	vadd.f32 v48, v10;
	v50 =	vmul.f32 v57, v40;
	v51 =	vmul.f32 v61, v43;
	s29 =	sshra.s32 s15, $0x1F;
	p1 =	slt.s32 s15, $0x1;
	p2 =	sne.s32 s25, $0x0  }
0x275: {  	v13 =	vadd.f32 v25, v13;
	s30 =	sshrl.u32 s29, $0x1C;
	p1 =	por !p1, !p2;
	v11 =	vadd.f32 v12, v11;
	v52 =	vperm.xlane v16, v0  }
0x276: {  	s3 =	simm.s32 $0x1;
	v53 =	vmul.f32 v55, v46;
	v9 =	vadd.f32 v50, v9;
	v10 =	vadd.f32 v51, v10;
	s1 =	sadd.s32 s30, s15;
	p1 =	por !p1, !p1  }
0x277: {  	v54 =	vmul.f32 v62, v47;
	s1 =	sshra.s32 s1, $0x4;
	s3 =	simm.s32 @!p1 $0x0;
	v11 =	vadd.f32 v13, v11;
	v12 =	vadd.f32 v52, v16  }
0x278: {  	v55 =	vadd.f32 v53, v17;
	v56 =	vmul.f32 v59, v49;
	s1 =	ssub.s32 s1, s3  }
0x279: {  	v9 =	vadd.f32 v54, v9;
	s3 =	sshll.u32 s1, $0x4;
	s1 =	sshll.u32 s1, $0x6;
	v10 =	vadd.f32 v10, v11;
	v11 =	vperm.xlane v12, v1  }
0x27a: {  	v13 =	vadd.f32 v56, v55;
	s31 =	sand.u32 $0x70, s3;
	s1 =	sand.u32 $0xFFFFFE00, s1  }
0x27b: {  	s1 =	sor.u32 s31, s1;
	v9 =	vadd.f32 v9, v10;
	v10 =	vadd.f32 v11, v12  }
0x27c: {  	v11 =	vld [tilespmem:s1+$0xA080]  }
0x27d: {  	v9 =	vadd.f32 v13, v9;
	v12 =	vperm.xlane v10, v2  }
0x27e: {  	s0 =	ssub.s32 s15, s3  }
0x27f: {  	v57 =	vmov s0;
	v13 =	vperm.xlane v9, v0;
	v10 =	vadd.f32 v12, v10  }
0x280: {  	vm2 =	veq.s32 v57, v4  }
0x281: {  	v9 =	vadd.f32 v13, v9;
	v11 =	vnsel vm2, $0x0, v11;
	v58 =	vperm.xlane v10, v3  }
0x282: {  	v59 =	vperm.xlane v11, v0  }
0x283: {  	v60 =	vperm.xlane v9, v1;
	v10 =	vadd.f32 v58, v10  }
0x284: {  	v11 =	vadd.f32 v11, v59  }
0x285: {  	v9 =	vadd.f32 v60, v9;
	(erf) = vrcp.f32 v10  }
0x286: {  	v10 =	vperm.xlane v11, v1  }
0x287: {  	v61 =	vperm.xlane v9, v2  }
0x288: {  	v10 =	vadd.f32 v11, v10  }
0x289: {  	v9 =	vadd.f32 v61, v9  }
0x28a: {  	v11 =	vperm.xlane v10, v2  }
0x28b: {  	v12 =	vperm.xlane v9, v3  }
0x28c: {  	v10 =	vadd.f32 v10, v11;
	v11 =	vld.msk [tilespmem:s28+$0x83 ss:$0x0], $0xffff  }
0x28d: {  	v9 =	vadd.f32 v12, v9  }
0x28e: {  	v63 =	vperm.xlane v10, v3;
	v62 =	vpop (erf)  }
0x28f: {  	v9 =	vmul.f32 v62, v9  }
.Ltmp23:
0x290: {  	v10 =	vadd.f32 v10, v63;
	(pc) =	sbr.rel @p0 .LBB2_50-.Ltmp23, $4  }
0x291: {  	v9 =	vmul.f32 v11, v9  }
0x292: {  	v10 =	vmul.f32 v10, v11  }
0x293: {  	v8 =	vadd.f32 v9, v8  }
0x294: {  	v6 =	vadd.f32 v11, v6;
	v7 =	vadd.f32 v10, v7  }
0x295: {  	v9 =	vld [tilespmem:s28+$0x7];
	_ =	sdelay $0x4  }
0x296: {  	(v2sf) =	vpush v9, $0x0;
	_ =	sdelay $0xe  }
0x297: {  	s0 =	spop (v2sf)  }
0x298: {  	s1 =	sshrl.u32 s0, $0x3  }
0x299: {  	s0 =	sshll.u32 s0, $0x7;
	s1 =	smul.u32 $0x13C00, s1  }
0x29a: {  	s0 =	sand.u32 $0x380, s0  }
0x29b: {  	s0 =	sor.u32 s0, s1  }
0x29c: {  	s3 =	rddreg [dreg:$0x2];
	s1 =	sshrl.u32 s0, $0x3  }
0x29d: {  	s6 =	simm.s32 $0x280;
	s8 =	simm.s32 $0x80;
	s5 =	sadd.s32 s3, s1  }
0x29e: {  	s12 =	simm.s32 $0x480;
	s0 =	sadd.s32 $0x7, s28;
	s13 =	sadd.s32 $0x0, s5  }
.LBB2_46:
0x29f: {  	[tilespmem:s6], [sflag:$0x4] =	stream.linear.gather [hbm4b:s13+s4], $0x80, $0x38;
	[tilespmem:$0x13D80] =	vst v63  }
0x2a0: {  	s1 =	smov.u32 s8;
	s6 =	smov.u32 s12;
	p0 =	sne.s32 s8, $0x2700  }
.Ltmp24:
0x2a1: {  	s8 =	sadd.s32 $0x80, s8;
	(pc) =	sbr.rel @p0 .LBB2_46-.Ltmp24, $2  }
0x2a2: {  	_ =	sdelay $0x2  }
0x2a3: {  	s12 =	sadd.s32 $0x200, s12;
	s13 =	sadd.s32 s1, s5  }
0x2a4: {  	[tilespmem:s6], [sflag:$0x4] =	stream.linear.gather [hbm4b:s13+s4], $0x80, $0x38;
	[tilespmem:$0x13D80] =	vst v63  }
0x2a5: {  	s1 =	sadd.s32 s2, s0  }
0x2a6: {  	s1 =	sshrl.u32 s1, $0x3  }
0x2a7: {  	s30 =	sshll.u32 s0, $0x7;
	s1 =	smul.u32 $0x13C00, s1  }
0x2a8: {  	s0 =	sand.u32 $0x380, s30  }
0x2a9: {  	s0 =	sor.u32 s0, s1  }
0x2aa: {  	s31 =	rddreg [dreg:$0x0];
	s0 =	sshrl.u32 s0, $0x3  }
0x2ab: {  	s5 =	simm.s32 $0xA080;
	s0 =	sadd.s32 s31, s0  }
0x2ac: {  	s6 =	simm.s32 $0x80;
	s8 =	simm.s32 $0xA280;
	s12 =	sadd.s32 $0x0, s0  }
.LBB2_48:
0x2ad: {  	[tilespmem:s5], [sflag:$0x8] =	stream.linear.gather [hbm4b:s12+s4], $0x80, $0x38;
	[tilespmem:$0x13D80] =	vst v63  }
0x2ae: {  	s1 =	smov.u32 s6;
	s5 =	smov.u32 s8;
	p0 =	sne.s32 s6, $0x2700  }
.Ltmp25:
0x2af: {  	s6 =	sadd.s32 $0x80, s6;
	(pc) =	sbr.rel @p0 .LBB2_48-.Ltmp25, $2  }
0x2b0: {  	_ =	sdelay $0x2  }
0x2b1: {  	s8 =	sadd.s32 $0x200, s8;
	s12 =	sadd.s32 s1, s0  }
.Ltmp26:
0x2b2: {  	(pc) =	sbr.rel .LBB2_18-.Ltmp26, $3  }
0x2b3: {  	_ =	sdelay $0x1  }
0x2b4: {  	[tilespmem:s5], [sflag:$0x8] =	stream.linear.gather [hbm4b:s12+s4], $0x80, $0x38;
	[tilespmem:$0x13D80] =	vst v63  }
0x2b5: {  	s26 =	sadd.s32 $0x1, s26  }
.LBB2_51:
0x2b6: {  	_ =	sfence.sel $0x180000  }
0x2b7: {  	[bflag:$0x0] =	sbarrier.arrive $0xFFFF  }
0x2b8: {  	_ =	strace $0x90000047  }
0x2b9: {  	s0 =	stileid.u32;
	[bflag:$0x2] =	sbarrier.arrive $0xFFFF  }
0x2ba: {  	p0 =	sne.s32 s0, $0x0;
	s0 =	rddreg [dreg:$0x3]  }
0x2bb: {  	s0 =	sadd.s32 @!p0 $0x100000, s0  }
0x2bc: {  	[sflag:s0] =	ssyncadd.tile.s32 @!p0 $0x1;
	_ =	shalt  }
.Lfunc_end2:
_tile_overlayer_lowered:
.L_overlay_start_2:
0x2bd: {  	(tag) =	ssettag $0x2  }
0x2be: {  	s0 =	rddreg [dreg:$0x0];
	s2 =	stileid.u32  }
0x2bf: {  	s1 =	rddreg [dreg:$0x1];
	p0 =	sne.s32 s2, $0x0  }
0x2c0: {  	s3 =	rddreg [dreg:$0x2];
	[bflag:$0x3] =	sbarrier.arrive $0xFFFF;
	s2 =	simm.s32 @!p0 $0x1C09  }
0x2c1: {  	[timem:s3], [sflag:s2] =	dma.local @!p0 [hbm:s0], s1  }
0x2c2: {  	s0 =	simm.s32 @!p0 $0x9  }
0x2c3: {  	_ =	swait.ge @!p0 [sflag:s0], s1  }
0x2c4: {  	s1 =	ssub.s32 @!p0 $0x0, s1;
	[sflag:s0] =	ssyncset.done @!p0 $0x0  }
0x2c5: {  	[sflag:s0] =	ssyncadd.s32 @!p0 s1  }
0x2c6: {  	[bflag:$0x3] =	sbarrier.arrive $0xFFFF  }
0x2c7: {  	_ =	shalt  }

</sc_bundles>
